<compile_context>
chip_gen: v7x
topology: tpu7x:2x2x1
jax: 0.10.2.dev20260603
libtpu: 0.0.44.dev20260713+nightly
codegen_flags: <defaults>
</compile_context>

<pallas_src>
import functools

import jax
import jax.numpy as jnp
from jax import lax
from jax.experimental import pallas as pl
from jax.experimental.pallas import tpu as pltpu
from jax.experimental.pallas import tpu_sc as plsc

D = 256
N_NODES = 100000
N_REG = 10000
B = 50000

NC = 2
NS = 16
NW = NC * NS

CHUNK = 112
N_CHUNKS = 14
B_W = CHUNK * N_CHUNKS
B_LAST = B - (NW - 1) * B_W
PAD = NW * B_W - B

REG_W0 = 624
REG_CHUNKS0 = (112, 112, 112, 112, 112, 64)
REG_TAIL0 = NS * REG_W0

NV = D // 16


def _accum(buf_ref, nrows, acc):
    def body(r, a):
        return tuple(a[i] + buf_ref[r, pl.ds(i * 16, 16)] for i in range(NV))
    zc = tuple(jnp.zeros((16,), jnp.float32) for _ in range(NV))
    cs = lax.fori_loop(0, nrows, body, zc)
    return tuple(acc[i] + cs[i] for i in range(NV))


@functools.partial(
    pl.kernel,
    mesh=plsc.VectorSubcoreMesh(core_axis_name="c", subcore_axis_name="s"),
    out_type=jax.ShapeDtypeStruct((NW, 2 * D), jnp.float32),
    scratch_types=[
        pltpu.VMEM((B_W,), jnp.int32),
        pltpu.VMEM((CHUNK, D), jnp.float32),
        pltpu.VMEM((CHUNK, D), jnp.float32),
        pltpu.VMEM((CHUNK, D), jnp.float32),
        pltpu.VMEM((CHUNK, D), jnp.float32),
        pltpu.VMEM((1, D), jnp.float32),
        pltpu.VMEM((2 * D,), jnp.float32),
        pltpu.SemaphoreType.DMA,
        pltpu.SemaphoreType.DMA,
        pltpu.SemaphoreType.DMA,
        pltpu.SemaphoreType.DMA,
    ],
)
def _sc_sums(node_hbm, region_hbm, idx_hbm, out_hbm,
             idx_v, buf0, buf1, buf2, buf3, row_v, out_v,
             sem0, sem1, sem2, sem3):
    cidx = lax.axis_index("c")
    sidx = lax.axis_index("s")
    wid = sidx * NC + cidx
    zeros = tuple(jnp.zeros((16,), jnp.float32) for _ in range(NV))
    rbase = sidx * REG_W0

    ibase = wid * B_W

    @pl.when(wid != NW - 1)
    def _():
        pltpu.sync_copy(idx_hbm.at[pl.ds(ibase, B_W)], idx_v)

    @pl.when(wid == NW - 1)
    def _():
        pltpu.sync_copy(idx_hbm.at[pl.ds(ibase, B_LAST)],
                        idx_v.at[pl.ds(0, B_LAST)])
        zi = jnp.zeros((16,), jnp.int32)
        for t in range(PAD // 16):
            idx_v[pl.ds(B_LAST + t * 16, 16)] = zi

    bbufs = (buf0, buf1, buf2, buf3)
    bsems = (sem0, sem1, sem2, sem3)

    def gather(c, buf, sem):
        return pltpu.async_copy(
            node_hbm.at[idx_v.at[pl.ds(c * CHUNK, CHUNK)]], buf, sem)

    def gwait(buf, sem):
        pltpu.make_async_copy(
            node_hbm.at[idx_v.at[pl.ds(0, CHUNK)]], buf, sem).wait()

    for j in range(3):
        gather(j, bbufs[j], bsems[j])

    def bbody(p, a):
        c0 = p * 4
        for j in range(4):
            c = c0 + j
            jn = (j + 3) % 4
            gwait(bbufs[j], bsems[j])

            @pl.when(c + 3 < N_CHUNKS)
            def _():
                gather(c + 3, bbufs[jn], bsems[jn])

            a = _accum(bbufs[j], CHUNK, a)
        return a

    acc_b = lax.fori_loop(0, (N_CHUNKS - 2) // 4, bbody, zeros)

    zf = jnp.zeros((16,), jnp.float32)
    for i in range(NV):
        out_v[pl.ds(i * 16, 16)] = zf

    roffs = []
    o = 0
    for n in REG_CHUNKS0:
        roffs.append(o)
        o += n
    rbufs = (buf2, buf3, buf0, buf1, buf2, buf3)
    rsems = (sem2, sem3, sem0, sem1, sem2, sem3)

    def rissue(c):
        n = REG_CHUNKS0[c]
        pltpu.async_copy(
            region_hbm.at[pl.ds(rbase + roffs[c], n)],
            rbufs[c].at[pl.ds(0, n)], rsems[c])

    def rwait(c):
        n = REG_CHUNKS0[c]
        pltpu.make_async_copy(
            region_hbm.at[pl.ds(rbase, n)],
            rbufs[c].at[pl.ds(0, n)], rsems[c]).wait()

    @pl.when(cidx == 0)
    def _():
        rissue(0)
        rissue(1)

    for c in (N_CHUNKS - 2, N_CHUNKS - 1):
        j = c % 4
        gwait(bbufs[j], bsems[j])
        acc_b = _accum(bbufs[j], CHUNK, acc_b)

    pltpu.sync_copy(node_hbm.at[pl.ds(0, 1)], row_v)
    w = jnp.float32(PAD / NW)
    acc_b = tuple(acc_b[i] - w * row_v[0, pl.ds(i * 16, 16)]
                  for i in range(NV))

    @pl.when(cidx == 0)
    def _():
        acc_r = zeros
        for c in range(len(REG_CHUNKS0)):
            if c + 2 < len(REG_CHUNKS0):
                rissue(c + 2)
            rwait(c)
            acc_r = _accum(rbufs[c], REG_CHUNKS0[c], acc_r)
        pltpu.sync_copy(region_hbm.at[pl.ds(REG_TAIL0 + sidx, 1)], row_v)
        acc_r = tuple(acc_r[i] + row_v[0, pl.ds(i * 16, 16)]
                      for i in range(NV))
        for i in range(NV):
            out_v[pl.ds(i * 16, 16)] = acc_r[i]

    for i in range(NV):
        out_v[pl.ds(D + i * 16, 16)] = acc_b[i]
    pltpu.sync_copy(out_v, out_hbm.at[wid])


def _head_body(partials, W1, b1, W2, b2, W3, b3, W4, b4, W5, b5, W6, b6, out):
    p = partials[...]
    s = jnp.zeros((2 * D,), jnp.float32)
    c = jnp.zeros((2 * D,), jnp.float32)
    for i in range(NW):
        y = p[i] - c
        t = s + y
        c = (t - s) - y
        s = t
    gs = jnp.broadcast_to((s[:D] * jnp.float32(1.0 / N_REG)).reshape(1, D), (8, D))
    bm = jnp.broadcast_to((s[D:] * jnp.float32(1.0 / B)).reshape(1, D), (8, D))
    f32 = jnp.float32

    def dotd(a, b):
        return jnp.dot(a, b, preferred_element_type=f32)

    gs = jnp.maximum(dotd(gs, W1[...]) + b1[...], 0.0)
    gs = jnp.maximum(dotd(gs, W2[...]) + b2[...], 0.0)
    bi = jnp.maximum(dotd(bm, W3[...]) + b3[...], 0.0)
    bi = dotd(bi, W4[...]) + b4[...]
    w5 = W5[...]
    h = dotd(gs, w5[:128]) + dotd(bi, w5[128:])
    h = jnp.maximum(h + b5[...], 0.0)
    v = dotd(h, W6[...]) + b6[...]
    out[...] = v[0:1, 0:1]


def kernel(node_embeddings, region_embeddings, boundary_nodes,
           W1, b1, W2, b2, W3, b3, W4, b4, W5, b5, W6, b6):
    idx = boundary_nodes.astype(jnp.int32)

    partials = _sc_sums(node_embeddings, region_embeddings, idx)

    out = pl.pallas_call(
        _head_body,
        out_shape=jax.ShapeDtypeStruct((1, 1), jnp.float32),
    )(partials, W1, b1, W2, b2, W3, b3, W4, b4, W5, b5, W6, b6)
    return out.reshape(1)

# --- scband reference (transcript-rebuilt; emitter-appended) ---
"""Pipeline reference for scband-critic-network-17136919511540 (READ-ONLY COPY).

The authoritative reference and input builder live on the scoring server;
editing this copy changes nothing except your own understanding.
"""

import jax, jax.numpy as jnp
import numpy as np


def _xavier(k, fan_in, fan_out):
    limit = (6.0 / (fan_in + fan_out)) ** 0.5
    W = jax.random.uniform(k, (fan_in, fan_out), minval=-limit, maxval=limit, dtype=jnp.float32)
    b = jnp.zeros((fan_out,), dtype=jnp.float32)
    return W, b


def setup_inputs(seed: int = 0) -> dict:
    key = jax.random.key(seed)
    ks = jax.random.split(key, 10)
    node_embeddings = jax.random.normal(ks[0], (100000, 256), dtype=jnp.float32)
    region_embeddings = jax.random.normal(ks[1], (10000, 256), dtype=jnp.float32)
    boundary_nodes = jax.random.randint(ks[2], (50000,), 0, 100000, dtype=jnp.int64 if jax.config.jax_enable_x64 else jnp.int32)
    # state_encoder: Linear(256,256) -> ReLU -> Linear(256,128) -> ReLU
    W1, b1 = _xavier(ks[3], 256, 256)
    W2, b2 = _xavier(ks[4], 256, 128)
    # boundary_encoder: Linear(256,128) -> ReLU -> Linear(128,64)
    W3, b3 = _xavier(ks[5], 256, 128)
    W4, b4 = _xavier(ks[6], 128, 64)
    # value_head: Linear(192,128) -> ReLU -> Linear(128,1)
    W5, b5 = _xavier(ks[7], 192, 128)
    W6, b6 = _xavier(ks[8], 128, 1)
    return {
        'node_embeddings': node_embeddings,
        'region_embeddings': region_embeddings,
        'boundary_nodes': boundary_nodes,
        'W1': W1, 'b1': b1, 'W2': W2, 'b2': b2,
        'W3': W3, 'b3': b3, 'W4': W4, 'b4': b4,
        'W5': W5, 'b5': b5, 'W6': W6, 'b6': b6,
    }


def reference(node_embeddings, region_embeddings, boundary_nodes,
              W1, b1, W2, b2, W3, b3, W4, b4, W5, b5, W6, b6):
    # state_encoder on mean-pooled region embeddings (dropout is identity in eval)
    gs = jnp.mean(region_embeddings, axis=0, keepdims=True)
    gs = jax.nn.relu(gs @ W1 + b1)
    gs = jax.nn.relu(gs @ W2 + b2)
    # boundary gather (SparseCore-style gather) + mean reduce + encoder
    boundary_embeddings = jnp.take(node_embeddings, boundary_nodes, axis=0)
    bm = jnp.mean(boundary_embeddings, axis=0, keepdims=True)
    bi = jax.nn.relu(bm @ W3 + b3)
    bi = bi @ W4 + b4
    combined = jnp.concatenate([gs, bi], axis=1)
    v = jax.nn.relu(combined @ W5 + b5)
    v = v @ W6 + b6
    return jnp.squeeze(v, axis=-1)

if __name__ == "__main__":
    import jax
    _d = setup_inputs()
    print(jax.jit(kernel)(*tuple(_d.values())))

</pallas_src>

<mosaic_0001>
#map = affine_map<(d0, d1) -> (0, 0)>
#map1 = affine_map<(d0, d1) -> (0)>
module attributes {stable_mosaic.version = 14 : i64} {
  func.func @_sc_sums(%arg0: i32, %arg1: i32, %arg2: memref<100000x256xf32, #tpu.memory_space<hbm>>, %arg3: memref<10000x256xf32, #tpu.memory_space<hbm>>, %arg4: memref<50000xi32, #tpu.memory_space<hbm>>, %arg5: memref<32x512xf32, #tpu.memory_space<hbm>>, %arg6: memref<1568xi32, #tpu.memory_space<vmem>>, %arg7: memref<112x256xf32, #tpu.memory_space<vmem>>, %arg8: memref<112x256xf32, #tpu.memory_space<vmem>>, %arg9: memref<112x256xf32, #tpu.memory_space<vmem>>, %arg10: memref<112x256xf32, #tpu.memory_space<vmem>>, %arg11: memref<1x256xf32, #tpu.memory_space<vmem>>, %arg12: memref<512xf32, #tpu.memory_space<vmem>>, %arg13: memref<!tpu.dma_semaphore, #tpu.memory_space<semaphore_mem>>, %arg14: memref<!tpu.dma_semaphore, #tpu.memory_space<semaphore_mem>>, %arg15: memref<!tpu.dma_semaphore, #tpu.memory_space<semaphore_mem>>, %arg16: memref<!tpu.dma_semaphore, #tpu.memory_space<semaphore_mem>>) attributes {dimension_semantics = [#tpu.dimension_semantics<core_parallel>, #tpu.dimension_semantics<subcore_parallel>], iteration_bounds = array<i64: 2, 16>, scalar_prefetch = 0 : i64, scratch_operands = 11 : i64, tpu.core_type = #tpu.core_type<sc_vector_subcore>, window_params = [{transform_indices = #map}, {transform_indices = #map}, {transform_indices = #map1}, {transform_indices = #map}]} {
    %mul3A = arith.constant 2 : i32
    %mul3A_0 = arith.muli %arg1, %mul3A : i32
    %add3A = arith.addi %mul3A_0, %arg0 : i32
    %broadcast_in_dim3A = arith.constant 0.000000e+00 : f32
    %broadcast_in_dim3A_1 = vector.broadcast %broadcast_in_dim3A : f32 to vector<16xf32>
    %broadcast_in_dim3A_2 = arith.constant 0.000000e+00 : f32
    %broadcast_in_dim3A_3 = vector.broadcast %broadcast_in_dim3A_2 : f32 to vector<16xf32>
    %broadcast_in_dim3A_4 = arith.constant 0.000000e+00 : f32
    %broadcast_in_dim3A_5 = vector.broadcast %broadcast_in_dim3A_4 : f32 to vector<16xf32>
    %broadcast_in_dim3A_6 = arith.constant 0.000000e+00 : f32
    %broadcast_in_dim3A_7 = vector.broadcast %broadcast_in_dim3A_6 : f32 to vector<16xf32>
    %broadcast_in_dim3A_8 = arith.constant 0.000000e+00 : f32
    %broadcast_in_dim3A_9 = vector.broadcast %broadcast_in_dim3A_8 : f32 to vector<16xf32>
    %broadcast_in_dim3A_10 = arith.constant 0.000000e+00 : f32
    %broadcast_in_dim3A_11 = vector.broadcast %broadcast_in_dim3A_10 : f32 to vector<16xf32>
    %broadcast_in_dim3A_12 = arith.constant 0.000000e+00 : f32
    %broadcast_in_dim3A_13 = vector.broadcast %broadcast_in_dim3A_12 : f32 to vector<16xf32>
    %broadcast_in_dim3A_14 = arith.constant 0.000000e+00 : f32
    %broadcast_in_dim3A_15 = vector.broadcast %broadcast_in_dim3A_14 : f32 to vector<16xf32>
    %broadcast_in_dim3A_16 = arith.constant 0.000000e+00 : f32
    %broadcast_in_dim3A_17 = vector.broadcast %broadcast_in_dim3A_16 : f32 to vector<16xf32>
    %broadcast_in_dim3A_18 = arith.constant 0.000000e+00 : f32
    %broadcast_in_dim3A_19 = vector.broadcast %broadcast_in_dim3A_18 : f32 to vector<16xf32>
    %broadcast_in_dim3A_20 = arith.constant 0.000000e+00 : f32
    %broadcast_in_dim3A_21 = vector.broadcast %broadcast_in_dim3A_20 : f32 to vector<16xf32>
    %broadcast_in_dim3A_22 = arith.constant 0.000000e+00 : f32
    %broadcast_in_dim3A_23 = vector.broadcast %broadcast_in_dim3A_22 : f32 to vector<16xf32>
    %broadcast_in_dim3A_24 = arith.constant 0.000000e+00 : f32
    %broadcast_in_dim3A_25 = vector.broadcast %broadcast_in_dim3A_24 : f32 to vector<16xf32>
    %broadcast_in_dim3A_26 = arith.constant 0.000000e+00 : f32
    %broadcast_in_dim3A_27 = vector.broadcast %broadcast_in_dim3A_26 : f32 to vector<16xf32>
    %broadcast_in_dim3A_28 = arith.constant 0.000000e+00 : f32
    %broadcast_in_dim3A_29 = vector.broadcast %broadcast_in_dim3A_28 : f32 to vector<16xf32>
    %broadcast_in_dim3A_30 = arith.constant 0.000000e+00 : f32
    %broadcast_in_dim3A_31 = vector.broadcast %broadcast_in_dim3A_30 : f32 to vector<16xf32>
    %mul3A_32 = arith.constant 624 : i32
    %mul3A_33 = arith.muli %arg1, %mul3A_32 : i32
    %mul3A_34 = arith.constant 1568 : i32
    %mul3A_35 = arith.muli %add3A, %mul3A_34 : i32
    %ne3A = arith.constant 31 : i32
    %ne3A_36 = arith.cmpi ne, %add3A, %ne3A : i32
    %convert_element_type3A = arith.extui %ne3A_36 : i1 to i32
    %cond3A = arith.constant 0 : i32
    %cond3A_37 = arith.cmpi ne, %convert_element_type3A, %cond3A : i32
    scf.if %cond3A_37 {
      "tpu.region"() ({
        %run_scoped3A = tpu.sem_alloc : memref<!tpu.dma_semaphore, #tpu.memory_space<semaphore_mem>>
        %dma_start3A_459 = tpu.memref_slice %arg4[%mul3A_35] : memref<50000xi32, #tpu.memory_space<hbm>> -> memref<1568xi32, #tpu.memory_space<hbm>>
        %dma_start3A_460 = tpu.memref_slice %arg4[%mul3A_35] : memref<50000xi32, #tpu.memory_space<hbm>> -> memref<1568xi32, #tpu.memory_space<hbm>>
        tpu.enqueue_dma source(%dma_start3A_460 : memref<1568xi32, #tpu.memory_space<hbm>>) target(%arg6 : memref<1568xi32, #tpu.memory_space<vmem>>) target_semaphore(%run_scoped3A : memref<!tpu.dma_semaphore, #tpu.memory_space<semaphore_mem>>)
        %dma_wait3A_461 = tpu.memref_slice %arg4[%mul3A_35] : memref<50000xi32, #tpu.memory_space<hbm>> -> memref<1568xi32, #tpu.memory_space<hbm>>
        %dma_wait3A_462 = tpu.memref_slice %arg4[%mul3A_35] : memref<50000xi32, #tpu.memory_space<hbm>> -> memref<1568xi32, #tpu.memory_space<hbm>>
        tpu.wait_dma2 semaphore(%run_scoped3A : memref<!tpu.dma_semaphore, #tpu.memory_space<semaphore_mem>>) src(%dma_wait3A_462 : memref<1568xi32, #tpu.memory_space<hbm>>) dst(%arg6 : memref<1568xi32, #tpu.memory_space<vmem>>)
        tpu.yield
      }) : () -> ()
    } else {
    }
    %eq3A = arith.constant 31 : i32
    %eq3A_38 = arith.cmpi eq, %add3A, %eq3A : i32
    %convert_element_type3A_39 = arith.extui %eq3A_38 : i1 to i32
    %cond3A_40 = arith.constant 0 : i32
    %cond3A_41 = arith.cmpi ne, %convert_element_type3A_39, %cond3A_40 : i32
    scf.if %cond3A_41 {
      "tpu.region"() ({
        %run_scoped3A = tpu.sem_alloc : memref<!tpu.dma_semaphore, #tpu.memory_space<semaphore_mem>>
        %dma_start3A_505 = arith.constant 0 : i32
        %dma_start3A_506 = tpu.memref_slice %arg6[%dma_start3A_505] : memref<1568xi32, #tpu.memory_space<vmem>> -> memref<1392xi32, #tpu.memory_space<vmem>>
        %dma_start3A_507 = tpu.memref_slice %arg4[%mul3A_35] : memref<50000xi32, #tpu.memory_space<hbm>> -> memref<1392xi32, #tpu.memory_space<hbm>>
        %dma_start3A_508 = arith.constant 0 : i32
        %dma_start3A_509 = tpu.memref_slice %arg6[%dma_start3A_508] : memref<1568xi32, #tpu.memory_space<vmem>> -> memref<1392xi32, #tpu.memory_space<vmem>>
        %dma_start3A_510 = tpu.memref_slice %arg4[%mul3A_35] : memref<50000xi32, #tpu.memory_space<hbm>> -> memref<1392xi32, #tpu.memory_space<hbm>>
        tpu.enqueue_dma source(%dma_start3A_510 : memref<1392xi32, #tpu.memory_space<hbm>>) target(%dma_start3A_509 : memref<1392xi32, #tpu.memory_space<vmem>>) target_semaphore(%run_scoped3A : memref<!tpu.dma_semaphore, #tpu.memory_space<semaphore_mem>>)
        %dma_wait3A_511 = arith.constant 0 : i32
        %dma_wait3A_512 = tpu.memref_slice %arg6[%dma_wait3A_511] : memref<1568xi32, #tpu.memory_space<vmem>> -> memref<1392xi32, #tpu.memory_space<vmem>>
        %dma_wait3A_513 = tpu.memref_slice %arg4[%mul3A_35] : memref<50000xi32, #tpu.memory_space<hbm>> -> memref<1392xi32, #tpu.memory_space<hbm>>
        %dma_wait3A_514 = arith.constant 0 : i32
        %dma_wait3A_515 = tpu.memref_slice %arg6[%dma_wait3A_514] : memref<1568xi32, #tpu.memory_space<vmem>> -> memref<1392xi32, #tpu.memory_space<vmem>>
        %dma_wait3A_516 = tpu.memref_slice %arg4[%mul3A_35] : memref<50000xi32, #tpu.memory_space<hbm>> -> memref<1392xi32, #tpu.memory_space<hbm>>
        tpu.wait_dma2 semaphore(%run_scoped3A : memref<!tpu.dma_semaphore, #tpu.memory_space<semaphore_mem>>) src(%dma_wait3A_516 : memref<1392xi32, #tpu.memory_space<hbm>>) dst(%dma_wait3A_515 : memref<1392xi32, #tpu.memory_space<vmem>>)
        tpu.yield
      }) : () -> ()
      %broadcast_in_dim3A_459 = arith.constant 0 : i32
      %broadcast_in_dim3A_460 = vector.broadcast %broadcast_in_dim3A_459 : i32 to vector<16xi32>
      %swap3A_461 = arith.constant 1392 : index
      %swap3A_462 = tpu.vector_load %arg6[%swap3A_461] {strides = array<i32>} : memref<1568xi32, #tpu.memory_space<vmem>>, vector<16xi32>,
      %swap3A_463 = vector.shape_cast %swap3A_462 : vector<16xi32> to vector<16xi32>
      %swap3A_464 = vector.shape_cast %broadcast_in_dim3A_460 : vector<16xi32> to vector<16xi32>
      tpu.vector_store %arg6[%swap3A_461], %swap3A_464 {strides = array<i32>} : memref<1568xi32, #tpu.memory_space<vmem>>, vector<16xi32>,
      %swap3A_465 = arith.constant 1408 : index
      %swap3A_466 = tpu.vector_load %arg6[%swap3A_465] {strides = array<i32>} : memref<1568xi32, #tpu.memory_space<vmem>>, vector<16xi32>,
      %swap3A_467 = vector.shape_cast %swap3A_466 : vector<16xi32> to vector<16xi32>
      %swap3A_468 = vector.shape_cast %broadcast_in_dim3A_460 : vector<16xi32> to vector<16xi32>
      tpu.vector_store %arg6[%swap3A_465], %swap3A_468 {strides = array<i32>} : memref<1568xi32, #tpu.memory_space<vmem>>, vector<16xi32>,
      %swap3A_469 = arith.constant 1424 : index
      %swap3A_470 = tpu.vector_load %arg6[%swap3A_469] {strides = array<i32>} : memref<1568xi32, #tpu.memory_space<vmem>>, vector<16xi32>,
      %swap3A_471 = vector.shape_cast %swap3A_470 : vector<16xi32> to vector<16xi32>
      %swap3A_472 = vector.shape_cast %broadcast_in_dim3A_460 : vector<16xi32> to vector<16xi32>
      tpu.vector_store %arg6[%swap3A_469], %swap3A_472 {strides = array<i32>} : memref<1568xi32, #tpu.memory_space<vmem>>, vector<16xi32>,
      %swap3A_473 = arith.constant 1440 : index
      %swap3A_474 = tpu.vector_load %arg6[%swap3A_473] {strides = array<i32>} : memref<1568xi32, #tpu.memory_space<vmem>>, vector<16xi32>,
      %swap3A_475 = vector.shape_cast %swap3A_474 : vector<16xi32> to vector<16xi32>
      %swap3A_476 = vector.shape_cast %broadcast_in_dim3A_460 : vector<16xi32> to vector<16xi32>
      tpu.vector_store %arg6[%swap3A_473], %swap3A_476 {strides = array<i32>} : memref<1568xi32, #tpu.memory_space<vmem>>, vector<16xi32>,
      %swap3A_477 = arith.constant 1456 : index
      %swap3A_478 = tpu.vector_load %arg6[%swap3A_477] {strides = array<i32>} : memref<1568xi32, #tpu.memory_space<vmem>>, vector<16xi32>,
      %swap3A_479 = vector.shape_cast %swap3A_478 : vector<16xi32> to vector<16xi32>
      %swap3A_480 = vector.shape_cast %broadcast_in_dim3A_460 : vector<16xi32> to vector<16xi32>
      tpu.vector_store %arg6[%swap3A_477], %swap3A_480 {strides = array<i32>} : memref<1568xi32, #tpu.memory_space<vmem>>, vector<16xi32>,
      %swap3A_481 = arith.constant 1472 : index
      %swap3A_482 = tpu.vector_load %arg6[%swap3A_481] {strides = array<i32>} : memref<1568xi32, #tpu.memory_space<vmem>>, vector<16xi32>,
      %swap3A_483 = vector.shape_cast %swap3A_482 : vector<16xi32> to vector<16xi32>
      %swap3A_484 = vector.shape_cast %broadcast_in_dim3A_460 : vector<16xi32> to vector<16xi32>
      tpu.vector_store %arg6[%swap3A_481], %swap3A_484 {strides = array<i32>} : memref<1568xi32, #tpu.memory_space<vmem>>, vector<16xi32>,
      %swap3A_485 = arith.constant 1488 : index
      %swap3A_486 = tpu.vector_load %arg6[%swap3A_485] {strides = array<i32>} : memref<1568xi32, #tpu.memory_space<vmem>>, vector<16xi32>,
      %swap3A_487 = vector.shape_cast %swap3A_486 : vector<16xi32> to vector<16xi32>
      %swap3A_488 = vector.shape_cast %broadcast_in_dim3A_460 : vector<16xi32> to vector<16xi32>
      tpu.vector_store %arg6[%swap3A_485], %swap3A_488 {strides = array<i32>} : memref<1568xi32, #tpu.memory_space<vmem>>, vector<16xi32>,
      %swap3A_489 = arith.constant 1504 : index
      %swap3A_490 = tpu.vector_load %arg6[%swap3A_489] {strides = array<i32>} : memref<1568xi32, #tpu.memory_space<vmem>>, vector<16xi32>,
      %swap3A_491 = vector.shape_cast %swap3A_490 : vector<16xi32> to vector<16xi32>
      %swap3A_492 = vector.shape_cast %broadcast_in_dim3A_460 : vector<16xi32> to vector<16xi32>
      tpu.vector_store %arg6[%swap3A_489], %swap3A_492 {strides = array<i32>} : memref<1568xi32, #tpu.memory_space<vmem>>, vector<16xi32>,
      %swap3A_493 = arith.constant 1520 : index
      %swap3A_494 = tpu.vector_load %arg6[%swap3A_493] {strides = array<i32>} : memref<1568xi32, #tpu.memory_space<vmem>>, vector<16xi32>,
      %swap3A_495 = vector.shape_cast %swap3A_494 : vector<16xi32> to vector<16xi32>
      %swap3A_496 = vector.shape_cast %broadcast_in_dim3A_460 : vector<16xi32> to vector<16xi32>
      tpu.vector_store %arg6[%swap3A_493], %swap3A_496 {strides = array<i32>} : memref<1568xi32, #tpu.memory_space<vmem>>, vector<16xi32>,
      %swap3A_497 = arith.constant 1536 : index
      %swap3A_498 = tpu.vector_load %arg6[%swap3A_497] {strides = array<i32>} : memref<1568xi32, #tpu.memory_space<vmem>>, vector<16xi32>,
      %swap3A_499 = vector.shape_cast %swap3A_498 : vector<16xi32> to vector<16xi32>
      %swap3A_500 = vector.shape_cast %broadcast_in_dim3A_460 : vector<16xi32> to vector<16xi32>
      tpu.vector_store %arg6[%swap3A_497], %swap3A_500 {strides = array<i32>} : memref<1568xi32, #tpu.memory_space<vmem>>, vector<16xi32>,
      %swap3A_501 = arith.constant 1552 : index
      %swap3A_502 = tpu.vector_load %arg6[%swap3A_501] {strides = array<i32>} : memref<1568xi32, #tpu.memory_space<vmem>>, vector<16xi32>,
      %swap3A_503 = vector.shape_cast %swap3A_502 : vector<16xi32> to vector<16xi32>
      %swap3A_504 = vector.shape_cast %broadcast_in_dim3A_460 : vector<16xi32> to vector<16xi32>
      tpu.vector_store %arg6[%swap3A_501], %swap3A_504 {strides = array<i32>} : memref<1568xi32, #tpu.memory_space<vmem>>, vector<16xi32>,
    } else {
    }
    %dma_start3A = arith.constant 0 : i32
    %dma_start3A_42 = tpu.memref_slice %arg6[%dma_start3A] : memref<1568xi32, #tpu.memory_space<vmem>> -> memref<112xi32, #tpu.memory_space<vmem>>
    %dma_start3A_43 = arith.constant 0 : i32
    %dma_start3A_44 = arith.constant 0 : i32
    %dma_start3A_45 = tpu.memref_slice %arg2[%dma_start3A_43, %dma_start3A_44] : memref<100000x256xf32, #tpu.memory_space<hbm>> -> memref<100000x256xf32, #tpu.memory_space<hbm>>
    tpu.enqueue_indirect_dma source(%dma_start3A_45 : memref<100000x256xf32, #tpu.memory_space<hbm>>) target(%arg7 : memref<112x256xf32, #tpu.memory_space<vmem>>) offsets(%dma_start3A_42 : memref<112xi32, #tpu.memory_space<vmem>>) semaphore(%arg13 : memref<!tpu.dma_semaphore, #tpu.memory_space<semaphore_mem>>)
    %dma_start3A_46 = arith.constant 112 : i32
    %dma_start3A_47 = tpu.memref_slice %arg6[%dma_start3A_46] : memref<1568xi32, #tpu.memory_space<vmem>> -> memref<112xi32, #tpu.memory_space<vmem>>
    %dma_start3A_48 = arith.constant 0 : i32
    %dma_start3A_49 = arith.constant 0 : i32
    %dma_start3A_50 = tpu.memref_slice %arg2[%dma_start3A_48, %dma_start3A_49] : memref<100000x256xf32, #tpu.memory_space<hbm>> -> memref<100000x256xf32, #tpu.memory_space<hbm>>
    tpu.enqueue_indirect_dma source(%dma_start3A_50 : memref<100000x256xf32, #tpu.memory_space<hbm>>) target(%arg8 : memref<112x256xf32, #tpu.memory_space<vmem>>) offsets(%dma_start3A_47 : memref<112xi32, #tpu.memory_space<vmem>>) semaphore(%arg14 : memref<!tpu.dma_semaphore, #tpu.memory_space<semaphore_mem>>)
    %dma_start3A_51 = arith.constant 224 : i32
    %dma_start3A_52 = tpu.memref_slice %arg6[%dma_start3A_51] : memref<1568xi32, #tpu.memory_space<vmem>> -> memref<112xi32, #tpu.memory_space<vmem>>
    %dma_start3A_53 = arith.constant 0 : i32
    %dma_start3A_54 = arith.constant 0 : i32
    %dma_start3A_55 = tpu.memref_slice %arg2[%dma_start3A_53, %dma_start3A_54] : memref<100000x256xf32, #tpu.memory_space<hbm>> -> memref<100000x256xf32, #tpu.memory_space<hbm>>
    tpu.enqueue_indirect_dma source(%dma_start3A_55 : memref<100000x256xf32, #tpu.memory_space<hbm>>) target(%arg9 : memref<112x256xf32, #tpu.memory_space<vmem>>) offsets(%dma_start3A_52 : memref<112xi32, #tpu.memory_space<vmem>>) semaphore(%arg15 : memref<!tpu.dma_semaphore, #tpu.memory_space<semaphore_mem>>)
    %scan3A = arith.constant 0 : i32
    %scan3A_56 = arith.constant 3 : i32
    %scan3A_57 = arith.addi %scan3A, %scan3A_56 : i32
    %scan3A_58 = arith.constant 1 : i32
    %scan3A_59:16 = scf.for %scan3A_459 = %scan3A to %scan3A_57 step %scan3A_58 iter_args(%scan3A_460 = %broadcast_in_dim3A_1, %scan3A_461 = %broadcast_in_dim3A_3, %scan3A_462 = %broadcast_in_dim3A_5, %scan3A_463 = %broadcast_in_dim3A_7, %scan3A_464 = %broadcast_in_dim3A_9, %scan3A_465 = %broadcast_in_dim3A_11, %scan3A_466 = %broadcast_in_dim3A_13, %scan3A_467 = %broadcast_in_dim3A_15, %scan3A_468 = %broadcast_in_dim3A_17, %scan3A_469 = %broadcast_in_dim3A_19, %scan3A_470 = %broadcast_in_dim3A_21, %scan3A_471 = %broadcast_in_dim3A_23, %scan3A_472 = %broadcast_in_dim3A_25, %scan3A_473 = %broadcast_in_dim3A_27, %scan3A_474 = %broadcast_in_dim3A_29, %scan3A_475 = %broadcast_in_dim3A_31) -> (vector<16xf32>, vector<16xf32>, vector<16xf32>, vector<16xf32>, vector<16xf32>, vector<16xf32>, vector<16xf32>, vector<16xf32>, vector<16xf32>, vector<16xf32>, vector<16xf32>, vector<16xf32>, vector<16xf32>, vector<16xf32>, vector<16xf32>, vector<16xf32>)  : i32 {
      %mul3A_476 = arith.constant 4 : i32
      %mul3A_477 = arith.muli %scan3A_459, %mul3A_476 : i32
      %add3A_478 = arith.constant 0 : i32
      %add3A_479 = arith.addi %mul3A_477, %add3A_478 : i32
      %dma_wait3A_480 = arith.constant 0 : i32
      %dma_wait3A_481 = tpu.memref_slice %arg6[%dma_wait3A_480] : memref<1568xi32, #tpu.memory_space<vmem>> -> memref<112xi32, #tpu.memory_space<vmem>>
      %dma_wait3A_482 = arith.constant 0 : i32
      %dma_wait3A_483 = arith.constant 0 : i32
      %dma_wait3A_484 = tpu.memref_slice %arg2[%dma_wait3A_482, %dma_wait3A_483] : memref<100000x256xf32, #tpu.memory_space<hbm>> -> memref<100000x256xf32, #tpu.memory_space<hbm>>
      tpu.wait_indirect_dma semaphore(%arg13 : memref<!tpu.dma_semaphore, #tpu.memory_space<semaphore_mem>>) src(%dma_wait3A_484 : memref<100000x256xf32, #tpu.memory_space<hbm>>) dst(%arg7 : memref<112x256xf32, #tpu.memory_space<vmem>>)
      %add3A_485 = arith.constant 3 : i32
      %add3A_486 = arith.addi %add3A_479, %add3A_485 : i32
      %lt3A = arith.constant 14 : i32
      %lt3A_487 = arith.cmpi slt, %add3A_486, %lt3A : i32
      %convert_element_type3A_488 = arith.extui %lt3A_487 : i1 to i32
      %cond3A_489 = arith.constant 0 : i32
      %cond3A_490 = arith.cmpi ne, %convert_element_type3A_488, %cond3A_489 : i32
      scf.if %cond3A_490 {
        %add3A_749 = arith.constant 3 : i32
        %add3A_750 = arith.addi %add3A_479, %add3A_749 : i32
        %mul3A_751 = arith.constant 112 : i32
        %mul3A_752 = arith.muli %add3A_750, %mul3A_751 : i32
        %dma_start3A_753 = tpu.memref_slice %arg6[%mul3A_752] : memref<1568xi32, #tpu.memory_space<vmem>> -> memref<112xi32, #tpu.memory_space<vmem>>
        %dma_start3A_754 = arith.constant 0 : i32
        %dma_start3A_755 = arith.constant 0 : i32
        %dma_start3A_756 = tpu.memref_slice %arg2[%dma_start3A_754, %dma_start3A_755] : memref<100000x256xf32, #tpu.memory_space<hbm>> -> memref<100000x256xf32, #tpu.memory_space<hbm>>
        tpu.enqueue_indirect_dma source(%dma_start3A_756 : memref<100000x256xf32, #tpu.memory_space<hbm>>) target(%arg10 : memref<112x256xf32, #tpu.memory_space<vmem>>) offsets(%dma_start3A_753 : memref<112xi32, #tpu.memory_space<vmem>>) semaphore(%arg16 : memref<!tpu.dma_semaphore, #tpu.memory_space<semaphore_mem>>)
      } else {
      }
      %broadcast_in_dim3A_491 = arith.constant 0.000000e+00 : f32
      %broadcast_in_dim3A_492 = vector.broadcast %broadcast_in_dim3A_491 : f32 to vector<16xf32>
      %broadcast_in_dim3A_493 = arith.constant 0.000000e+00 : f32
      %broadcast_in_dim3A_494 = vector.broadcast %broadcast_in_dim3A_493 : f32 to vector<16xf32>
      %broadcast_in_dim3A_495 = arith.constant 0.000000e+00 : f32
      %broadcast_in_dim3A_496 = vector.broadcast %broadcast_in_dim3A_495 : f32 to vector<16xf32>
      %broadcast_in_dim3A_497 = arith.constant 0.000000e+00 : f32
      %broadcast_in_dim3A_498 = vector.broadcast %broadcast_in_dim3A_497 : f32 to vector<16xf32>
      %broadcast_in_dim3A_499 = arith.constant 0.000000e+00 : f32
      %broadcast_in_dim3A_500 = vector.broadcast %broadcast_in_dim3A_499 : f32 to vector<16xf32>
      %broadcast_in_dim3A_501 = arith.constant 0.000000e+00 : f32
      %broadcast_in_dim3A_502 = vector.broadcast %broadcast_in_dim3A_501 : f32 to vector<16xf32>
      %broadcast_in_dim3A_503 = arith.constant 0.000000e+00 : f32
      %broadcast_in_dim3A_504 = vector.broadcast %broadcast_in_dim3A_503 : f32 to vector<16xf32>
      %broadcast_in_dim3A_505 = arith.constant 0.000000e+00 : f32
      %broadcast_in_dim3A_506 = vector.broadcast %broadcast_in_dim3A_505 : f32 to vector<16xf32>
      %broadcast_in_dim3A_507 = arith.constant 0.000000e+00 : f32
      %broadcast_in_dim3A_508 = vector.broadcast %broadcast_in_dim3A_507 : f32 to vector<16xf32>
      %broadcast_in_dim3A_509 = arith.constant 0.000000e+00 : f32
      %broadcast_in_dim3A_510 = vector.broadcast %broadcast_in_dim3A_509 : f32 to vector<16xf32>
      %broadcast_in_dim3A_511 = arith.constant 0.000000e+00 : f32
      %broadcast_in_dim3A_512 = vector.broadcast %broadcast_in_dim3A_511 : f32 to vector<16xf32>
      %broadcast_in_dim3A_513 = arith.constant 0.000000e+00 : f32
      %broadcast_in_dim3A_514 = vector.broadcast %broadcast_in_dim3A_513 : f32 to vector<16xf32>
      %broadcast_in_dim3A_515 = arith.constant 0.000000e+00 : f32
      %broadcast_in_dim3A_516 = vector.broadcast %broadcast_in_dim3A_515 : f32 to vector<16xf32>
      %broadcast_in_dim3A_517 = arith.constant 0.000000e+00 : f32
      %broadcast_in_dim3A_518 = vector.broadcast %broadcast_in_dim3A_517 : f32 to vector<16xf32>
      %broadcast_in_dim3A_519 = arith.constant 0.000000e+00 : f32
      %broadcast_in_dim3A_520 = vector.broadcast %broadcast_in_dim3A_519 : f32 to vector<16xf32>
      %broadcast_in_dim3A_521 = arith.constant 0.000000e+00 : f32
      %broadcast_in_dim3A_522 = vector.broadcast %broadcast_in_dim3A_521 : f32 to vector<16xf32>
      %scan3A_523 = arith.constant 0 : i32
      %scan3A_524 = arith.constant 112 : i32
      %scan3A_525 = arith.addi %scan3A_523, %scan3A_524 : i32
      %scan3A_526 = arith.constant 1 : i32
      %scan3A_527:16 = scf.for %scan3A_749 = %scan3A_523 to %scan3A_525 step %scan3A_526 iter_args(%scan3A_750 = %broadcast_in_dim3A_492, %scan3A_751 = %broadcast_in_dim3A_494, %scan3A_752 = %broadcast_in_dim3A_496, %scan3A_753 = %broadcast_in_dim3A_498, %scan3A_754 = %broadcast_in_dim3A_500, %scan3A_755 = %broadcast_in_dim3A_502, %scan3A_756 = %broadcast_in_dim3A_504, %scan3A_757 = %broadcast_in_dim3A_506, %scan3A_758 = %broadcast_in_dim3A_508, %scan3A_759 = %broadcast_in_dim3A_510, %scan3A_760 = %broadcast_in_dim3A_512, %scan3A_761 = %broadcast_in_dim3A_514, %scan3A_762 = %broadcast_in_dim3A_516, %scan3A_763 = %broadcast_in_dim3A_518, %scan3A_764 = %broadcast_in_dim3A_520, %scan3A_765 = %broadcast_in_dim3A_522) -> (vector<16xf32>, vector<16xf32>, vector<16xf32>, vector<16xf32>, vector<16xf32>, vector<16xf32>, vector<16xf32>, vector<16xf32>, vector<16xf32>, vector<16xf32>, vector<16xf32>, vector<16xf32>, vector<16xf32>, vector<16xf32>, vector<16xf32>, vector<16xf32>)  : i32 {
        %get3A_766 = arith.index_cast %scan3A_749 : i32 to index
        %get3A_767 = arith.constant 0 : index
        %get3A_768 = tpu.vector_load %arg7[%get3A_766, %get3A_767] {strides = array<i32>} : memref<112x256xf32, #tpu.memory_space<vmem>>, vector<1x16xf32>,
        %get3A_769 = vector.shape_cast %get3A_768 : vector<1x16xf32> to vector<16xf32>
        %add3A_770 = arith.addf %scan3A_750, %get3A_769 : vector<16xf32>
        %get3A_771 = arith.index_cast %scan3A_749 : i32 to index
        %get3A_772 = arith.constant 16 : index
        %get3A_773 = tpu.vector_load %arg7[%get3A_771, %get3A_772] {strides = array<i32>} : memref<112x256xf32, #tpu.memory_space<vmem>>, vector<1x16xf32>,
        %get3A_774 = vector.shape_cast %get3A_773 : vector<1x16xf32> to vector<16xf32>
        %add3A_775 = arith.addf %scan3A_751, %get3A_774 : vector<16xf32>
        %get3A_776 = arith.index_cast %scan3A_749 : i32 to index
        %get3A_777 = arith.constant 32 : index
        %get3A_778 = tpu.vector_load %arg7[%get3A_776, %get3A_777] {strides = array<i32>} : memref<112x256xf32, #tpu.memory_space<vmem>>, vector<1x16xf32>,
        %get3A_779 = vector.shape_cast %get3A_778 : vector<1x16xf32> to vector<16xf32>
        %add3A_780 = arith.addf %scan3A_752, %get3A_779 : vector<16xf32>
        %get3A_781 = arith.index_cast %scan3A_749 : i32 to index
        %get3A_782 = arith.constant 48 : index
        %get3A_783 = tpu.vector_load %arg7[%get3A_781, %get3A_782] {strides = array<i32>} : memref<112x256xf32, #tpu.memory_space<vmem>>, vector<1x16xf32>,
        %get3A_784 = vector.shape_cast %get3A_783 : vector<1x16xf32> to vector<16xf32>
        %add3A_785 = arith.addf %scan3A_753, %get3A_784 : vector<16xf32>
        %get3A_786 = arith.index_cast %scan3A_749 : i32 to index
        %get3A_787 = arith.constant 64 : index
        %get3A_788 = tpu.vector_load %arg7[%get3A_786, %get3A_787] {strides = array<i32>} : memref<112x256xf32, #tpu.memory_space<vmem>>, vector<1x16xf32>,
        %get3A_789 = vector.shape_cast %get3A_788 : vector<1x16xf32> to vector<16xf32>
        %add3A_790 = arith.addf %scan3A_754, %get3A_789 : vector<16xf32>
        %get3A_791 = arith.index_cast %scan3A_749 : i32 to index
        %get3A_792 = arith.constant 80 : index
        %get3A_793 = tpu.vector_load %arg7[%get3A_791, %get3A_792] {strides = array<i32>} : memref<112x256xf32, #tpu.memory_space<vmem>>, vector<1x16xf32>,
        %get3A_794 = vector.shape_cast %get3A_793 : vector<1x16xf32> to vector<16xf32>
        %add3A_795 = arith.addf %scan3A_755, %get3A_794 : vector<16xf32>
        %get3A_796 = arith.index_cast %scan3A_749 : i32 to index
        %get3A_797 = arith.constant 96 : index
        %get3A_798 = tpu.vector_load %arg7[%get3A_796, %get3A_797] {strides = array<i32>} : memref<112x256xf32, #tpu.memory_space<vmem>>, vector<1x16xf32>,
        %get3A_799 = vector.shape_cast %get3A_798 : vector<1x16xf32> to vector<16xf32>
        %add3A_800 = arith.addf %scan3A_756, %get3A_799 : vector<16xf32>
        %get3A_801 = arith.index_cast %scan3A_749 : i32 to index
        %get3A_802 = arith.constant 112 : index
        %get3A_803 = tpu.vector_load %arg7[%get3A_801, %get3A_802] {strides = array<i32>} : memref<112x256xf32, #tpu.memory_space<vmem>>, vector<1x16xf32>,
        %get3A_804 = vector.shape_cast %get3A_803 : vector<1x16xf32> to vector<16xf32>
        %add3A_805 = arith.addf %scan3A_757, %get3A_804 : vector<16xf32>
        %get3A_806 = arith.index_cast %scan3A_749 : i32 to index
        %get3A_807 = arith.constant 128 : index
        %get3A_808 = tpu.vector_load %arg7[%get3A_806, %get3A_807] {strides = array<i32>} : memref<112x256xf32, #tpu.memory_space<vmem>>, vector<1x16xf32>,
        %get3A_809 = vector.shape_cast %get3A_808 : vector<1x16xf32> to vector<16xf32>
        %add3A_810 = arith.addf %scan3A_758, %get3A_809 : vector<16xf32>
        %get3A_811 = arith.index_cast %scan3A_749 : i32 to index
        %get3A_812 = arith.constant 144 : index
        %get3A_813 = tpu.vector_load %arg7[%get3A_811, %get3A_812] {strides = array<i32>} : memref<112x256xf32, #tpu.memory_space<vmem>>, vector<1x16xf32>,
        %get3A_814 = vector.shape_cast %get3A_813 : vector<1x16xf32> to vector<16xf32>
        %add3A_815 = arith.addf %scan3A_759, %get3A_814 : vector<16xf32>
        %get3A_816 = arith.index_cast %scan3A_749 : i32 to index
        %get3A_817 = arith.constant 160 : index
        %get3A_818 = tpu.vector_load %arg7[%get3A_816, %get3A_817] {strides = array<i32>} : memref<112x256xf32, #tpu.memory_space<vmem>>, vector<1x16xf32>,
        %get3A_819 = vector.shape_cast %get3A_818 : vector<1x16xf32> to vector<16xf32>
        %add3A_820 = arith.addf %scan3A_760, %get3A_819 : vector<16xf32>
        %get3A_821 = arith.index_cast %scan3A_749 : i32 to index
        %get3A_822 = arith.constant 176 : index
        %get3A_823 = tpu.vector_load %arg7[%get3A_821, %get3A_822] {strides = array<i32>} : memref<112x256xf32, #tpu.memory_space<vmem>>, vector<1x16xf32>,
        %get3A_824 = vector.shape_cast %get3A_823 : vector<1x16xf32> to vector<16xf32>
        %add3A_825 = arith.addf %scan3A_761, %get3A_824 : vector<16xf32>
        %get3A_826 = arith.index_cast %scan3A_749 : i32 to index
        %get3A_827 = arith.constant 192 : index
        %get3A_828 = tpu.vector_load %arg7[%get3A_826, %get3A_827] {strides = array<i32>} : memref<112x256xf32, #tpu.memory_space<vmem>>, vector<1x16xf32>,
        %get3A_829 = vector.shape_cast %get3A_828 : vector<1x16xf32> to vector<16xf32>
        %add3A_830 = arith.addf %scan3A_762, %get3A_829 : vector<16xf32>
        %get3A_831 = arith.index_cast %scan3A_749 : i32 to index
        %get3A_832 = arith.constant 208 : index
        %get3A_833 = tpu.vector_load %arg7[%get3A_831, %get3A_832] {strides = array<i32>} : memref<112x256xf32, #tpu.memory_space<vmem>>, vector<1x16xf32>,
        %get3A_834 = vector.shape_cast %get3A_833 : vector<1x16xf32> to vector<16xf32>
        %add3A_835 = arith.addf %scan3A_763, %get3A_834 : vector<16xf32>
        %get3A_836 = arith.index_cast %scan3A_749 : i32 to index
        %get3A_837 = arith.constant 224 : index
        %get3A_838 = tpu.vector_load %arg7[%get3A_836, %get3A_837] {strides = array<i32>} : memref<112x256xf32, #tpu.memory_space<vmem>>, vector<1x16xf32>,
        %get3A_839 = vector.shape_cast %get3A_838 : vector<1x16xf32> to vector<16xf32>
        %add3A_840 = arith.addf %scan3A_764, %get3A_839 : vector<16xf32>
        %get3A_841 = arith.index_cast %scan3A_749 : i32 to index
        %get3A_842 = arith.constant 240 : index
        %get3A_843 = tpu.vector_load %arg7[%get3A_841, %get3A_842] {strides = array<i32>} : memref<112x256xf32, #tpu.memory_space<vmem>>, vector<1x16xf32>,
        %get3A_844 = vector.shape_cast %get3A_843 : vector<1x16xf32> to vector<16xf32>
        %add3A_845 = arith.addf %scan3A_765, %get3A_844 : vector<16xf32>
        scf.yield %add3A_770, %add3A_775, %add3A_780, %add3A_785, %add3A_790, %add3A_795, %add3A_800, %add3A_805, %add3A_810, %add3A_815, %add3A_820, %add3A_825, %add3A_830, %add3A_835, %add3A_840, %add3A_845 : vector<16xf32>, vector<16xf32>, vector<16xf32>, vector<16xf32>, vector<16xf32>, vector<16xf32>, vector<16xf32>, vector<16xf32>, vector<16xf32>, vector<16xf32>, vector<16xf32>, vector<16xf32>, vector<16xf32>, vector<16xf32>, vector<16xf32>, vector<16xf32>
      }
      %scan3A_528 = arith.constant 112 : i32
      %add3A_529 = arith.addf %scan3A_460, %scan3A_527#0 : vector<16xf32>
      %add3A_530 = arith.addf %scan3A_461, %scan3A_527#1 : vector<16xf32>
      %add3A_531 = arith.addf %scan3A_462, %scan3A_527#2 : vector<16xf32>
      %add3A_532 = arith.addf %scan3A_463, %scan3A_527#3 : vector<16xf32>
      %add3A_533 = arith.addf %scan3A_464, %scan3A_527#4 : vector<16xf32>
      %add3A_534 = arith.addf %scan3A_465, %scan3A_527#5 : vector<16xf32>
      %add3A_535 = arith.addf %scan3A_466, %scan3A_527#6 : vector<16xf32>
      %add3A_536 = arith.addf %scan3A_467, %scan3A_527#7 : vector<16xf32>
      %add3A_537 = arith.addf %scan3A_468, %scan3A_527#8 : vector<16xf32>
      %add3A_538 = arith.addf %scan3A_469, %scan3A_527#9 : vector<16xf32>
      %add3A_539 = arith.addf %scan3A_470, %scan3A_527#10 : vector<16xf32>
      %add3A_540 = arith.addf %scan3A_471, %scan3A_527#11 : vector<16xf32>
      %add3A_541 = arith.addf %scan3A_472, %scan3A_527#12 : vector<16xf32>
      %add3A_542 = arith.addf %scan3A_473, %scan3A_527#13 : vector<16xf32>
      %add3A_543 = arith.addf %scan3A_474, %scan3A_527#14 : vector<16xf32>
      %add3A_544 = arith.addf %scan3A_475, %scan3A_527#15 : vector<16xf32>
      %add3A_545 = arith.constant 1 : i32
      %add3A_546 = arith.addi %mul3A_477, %add3A_545 : i32
      %dma_wait3A_547 = arith.constant 0 : i32
      %dma_wait3A_548 = tpu.memref_slice %arg6[%dma_wait3A_547] : memref<1568xi32, #tpu.memory_space<vmem>> -> memref<112xi32, #tpu.memory_space<vmem>>
      %dma_wait3A_549 = arith.constant 0 : i32
      %dma_wait3A_550 = arith.constant 0 : i32
      %dma_wait3A_551 = tpu.memref_slice %arg2[%dma_wait3A_549, %dma_wait3A_550] : memref<100000x256xf32, #tpu.memory_space<hbm>> -> memref<100000x256xf32, #tpu.memory_space<hbm>>
      tpu.wait_indirect_dma semaphore(%arg14 : memref<!tpu.dma_semaphore, #tpu.memory_space<semaphore_mem>>) src(%dma_wait3A_551 : memref<100000x256xf32, #tpu.memory_space<hbm>>) dst(%arg8 : memref<112x256xf32, #tpu.memory_space<vmem>>)
      %add3A_552 = arith.constant 3 : i32
      %add3A_553 = arith.addi %add3A_546, %add3A_552 : i32
      %lt3A_554 = arith.constant 14 : i32
      %lt3A_555 = arith.cmpi slt, %add3A_553, %lt3A_554 : i32
      %convert_element_type3A_556 = arith.extui %lt3A_555 : i1 to i32
      %cond3A_557 = arith.constant 0 : i32
      %cond3A_558 = arith.cmpi ne, %convert_element_type3A_556, %cond3A_557 : i32
      scf.if %cond3A_558 {
        %add3A_749 = arith.constant 3 : i32
        %add3A_750 = arith.addi %add3A_546, %add3A_749 : i32
        %mul3A_751 = arith.constant 112 : i32
        %mul3A_752 = arith.muli %add3A_750, %mul3A_751 : i32
        %dma_start3A_753 = tpu.memref_slice %arg6[%mul3A_752] : memref<1568xi32, #tpu.memory_space<vmem>> -> memref<112xi32, #tpu.memory_space<vmem>>
        %dma_start3A_754 = arith.constant 0 : i32
        %dma_start3A_755 = arith.constant 0 : i32
        %dma_start3A_756 = tpu.memref_slice %arg2[%dma_start3A_754, %dma_start3A_755] : memref<100000x256xf32, #tpu.memory_space<hbm>> -> memref<100000x256xf32, #tpu.memory_space<hbm>>
        tpu.enqueue_indirect_dma source(%dma_start3A_756 : memref<100000x256xf32, #tpu.memory_space<hbm>>) target(%arg7 : memref<112x256xf32, #tpu.memory_space<vmem>>) offsets(%dma_start3A_753 : memref<112xi32, #tpu.memory_space<vmem>>) semaphore(%arg13 : memref<!tpu.dma_semaphore, #tpu.memory_space<semaphore_mem>>)
      } else {
      }
      %broadcast_in_dim3A_559 = arith.constant 0.000000e+00 : f32
      %broadcast_in_dim3A_560 = vector.broadcast %broadcast_in_dim3A_559 : f32 to vector<16xf32>
      %broadcast_in_dim3A_561 = arith.constant 0.000000e+00 : f32
      %broadcast_in_dim3A_562 = vector.broadcast %broadcast_in_dim3A_561 : f32 to vector<16xf32>
      %broadcast_in_dim3A_563 = arith.constant 0.000000e+00 : f32
      %broadcast_in_dim3A_564 = vector.broadcast %broadcast_in_dim3A_563 : f32 to vector<16xf32>
      %broadcast_in_dim3A_565 = arith.constant 0.000000e+00 : f32
      %broadcast_in_dim3A_566 = vector.broadcast %broadcast_in_dim3A_565 : f32 to vector<16xf32>
      %broadcast_in_dim3A_567 = arith.constant 0.000000e+00 : f32
      %broadcast_in_dim3A_568 = vector.broadcast %broadcast_in_dim3A_567 : f32 to vector<16xf32>
      %broadcast_in_dim3A_569 = arith.constant 0.000000e+00 : f32
      %broadcast_in_dim3A_570 = vector.broadcast %broadcast_in_dim3A_569 : f32 to vector<16xf32>
      %broadcast_in_dim3A_571 = arith.constant 0.000000e+00 : f32
      %broadcast_in_dim3A_572 = vector.broadcast %broadcast_in_dim3A_571 : f32 to vector<16xf32>
      %broadcast_in_dim3A_573 = arith.constant 0.000000e+00 : f32
      %broadcast_in_dim3A_574 = vector.broadcast %broadcast_in_dim3A_573 : f32 to vector<16xf32>
      %broadcast_in_dim3A_575 = arith.constant 0.000000e+00 : f32
      %broadcast_in_dim3A_576 = vector.broadcast %broadcast_in_dim3A_575 : f32 to vector<16xf32>
      %broadcast_in_dim3A_577 = arith.constant 0.000000e+00 : f32
      %broadcast_in_dim3A_578 = vector.broadcast %broadcast_in_dim3A_577 : f32 to vector<16xf32>
      %broadcast_in_dim3A_579 = arith.constant 0.000000e+00 : f32
      %broadcast_in_dim3A_580 = vector.broadcast %broadcast_in_dim3A_579 : f32 to vector<16xf32>
      %broadcast_in_dim3A_581 = arith.constant 0.000000e+00 : f32
      %broadcast_in_dim3A_582 = vector.broadcast %broadcast_in_dim3A_581 : f32 to vector<16xf32>
      %broadcast_in_dim3A_583 = arith.constant 0.000000e+00 : f32
      %broadcast_in_dim3A_584 = vector.broadcast %broadcast_in_dim3A_583 : f32 to vector<16xf32>
      %broadcast_in_dim3A_585 = arith.constant 0.000000e+00 : f32
      %broadcast_in_dim3A_586 = vector.broadcast %broadcast_in_dim3A_585 : f32 to vector<16xf32>
      %broadcast_in_dim3A_587 = arith.constant 0.000000e+00 : f32
      %broadcast_in_dim3A_588 = vector.broadcast %broadcast_in_dim3A_587 : f32 to vector<16xf32>
      %broadcast_in_dim3A_589 = arith.constant 0.000000e+00 : f32
      %broadcast_in_dim3A_590 = vector.broadcast %broadcast_in_dim3A_589 : f32 to vector<16xf32>
      %scan3A_591 = arith.constant 0 : i32
      %scan3A_592 = arith.constant 112 : i32
      %scan3A_593 = arith.addi %scan3A_591, %scan3A_592 : i32
      %scan3A_594 = arith.constant 1 : i32
      %scan3A_595:16 = scf.for %scan3A_749 = %scan3A_591 to %scan3A_593 step %scan3A_594 iter_args(%scan3A_750 = %broadcast_in_dim3A_560, %scan3A_751 = %broadcast_in_dim3A_562, %scan3A_752 = %broadcast_in_dim3A_564, %scan3A_753 = %broadcast_in_dim3A_566, %scan3A_754 = %broadcast_in_dim3A_568, %scan3A_755 = %broadcast_in_dim3A_570, %scan3A_756 = %broadcast_in_dim3A_572, %scan3A_757 = %broadcast_in_dim3A_574, %scan3A_758 = %broadcast_in_dim3A_576, %scan3A_759 = %broadcast_in_dim3A_578, %scan3A_760 = %broadcast_in_dim3A_580, %scan3A_761 = %broadcast_in_dim3A_582, %scan3A_762 = %broadcast_in_dim3A_584, %scan3A_763 = %broadcast_in_dim3A_586, %scan3A_764 = %broadcast_in_dim3A_588, %scan3A_765 = %broadcast_in_dim3A_590) -> (vector<16xf32>, vector<16xf32>, vector<16xf32>, vector<16xf32>, vector<16xf32>, vector<16xf32>, vector<16xf32>, vector<16xf32>, vector<16xf32>, vector<16xf32>, vector<16xf32>, vector<16xf32>, vector<16xf32>, vector<16xf32>, vector<16xf32>, vector<16xf32>)  : i32 {
        %get3A_766 = arith.index_cast %scan3A_749 : i32 to index
        %get3A_767 = arith.constant 0 : index
        %get3A_768 = tpu.vector_load %arg8[%get3A_766, %get3A_767] {strides = array<i32>} : memref<112x256xf32, #tpu.memory_space<vmem>>, vector<1x16xf32>,
        %get3A_769 = vector.shape_cast %get3A_768 : vector<1x16xf32> to vector<16xf32>
        %add3A_770 = arith.addf %scan3A_750, %get3A_769 : vector<16xf32>
        %get3A_771 = arith.index_cast %scan3A_749 : i32 to index
        %get3A_772 = arith.constant 16 : index
        %get3A_773 = tpu.vector_load %arg8[%get3A_771, %get3A_772] {strides = array<i32>} : memref<112x256xf32, #tpu.memory_space<vmem>>, vector<1x16xf32>,
        %get3A_774 = vector.shape_cast %get3A_773 : vector<1x16xf32> to vector<16xf32>
        %add3A_775 = arith.addf %scan3A_751, %get3A_774 : vector<16xf32>
        %get3A_776 = arith.index_cast %scan3A_749 : i32 to index
        %get3A_777 = arith.constant 32 : index
        %get3A_778 = tpu.vector_load %arg8[%get3A_776, %get3A_777] {strides = array<i32>} : memref<112x256xf32, #tpu.memory_space<vmem>>, vector<1x16xf32>,
        %get3A_779 = vector.shape_cast %get3A_778 : vector<1x16xf32> to vector<16xf32>
        %add3A_780 = arith.addf %scan3A_752, %get3A_779 : vector<16xf32>
        %get3A_781 = arith.index_cast %scan3A_749 : i32 to index
        %get3A_782 = arith.constant 48 : index
        %get3A_783 = tpu.vector_load %arg8[%get3A_781, %get3A_782] {strides = array<i32>} : memref<112x256xf32, #tpu.memory_space<vmem>>, vector<1x16xf32>,
        %get3A_784 = vector.shape_cast %get3A_783 : vector<1x16xf32> to vector<16xf32>
        %add3A_785 = arith.addf %scan3A_753, %get3A_784 : vector<16xf32>
        %get3A_786 = arith.index_cast %scan3A_749 : i32 to index
        %get3A_787 = arith.constant 64 : index
        %get3A_788 = tpu.vector_load %arg8[%get3A_786, %get3A_787] {strides = array<i32>} : memref<112x256xf32, #tpu.memory_space<vmem>>, vector<1x16xf32>,
        %get3A_789 = vector.shape_cast %get3A_788 : vector<1x16xf32> to vector<16xf32>
        %add3A_790 = arith.addf %scan3A_754, %get3A_789 : vector<16xf32>
        %get3A_791 = arith.index_cast %scan3A_749 : i32 to index
        %get3A_792 = arith.constant 80 : index
        %get3A_793 = tpu.vector_load %arg8[%get3A_791, %get3A_792] {strides = array<i32>} : memref<112x256xf32, #tpu.memory_space<vmem>>, vector<1x16xf32>,
        %get3A_794 = vector.shape_cast %get3A_793 : vector<1x16xf32> to vector<16xf32>
        %add3A_795 = arith.addf %scan3A_755, %get3A_794 : vector<16xf32>
        %get3A_796 = arith.index_cast %scan3A_749 : i32 to index
        %get3A_797 = arith.constant 96 : index
        %get3A_798 = tpu.vector_load %arg8[%get3A_796, %get3A_797] {strides = array<i32>} : memref<112x256xf32, #tpu.memory_space<vmem>>, vector<1x16xf32>,
        %get3A_799 = vector.shape_cast %get3A_798 : vector<1x16xf32> to vector<16xf32>
        %add3A_800 = arith.addf %scan3A_756, %get3A_799 : vector<16xf32>
        %get3A_801 = arith.index_cast %scan3A_749 : i32 to index
        %get3A_802 = arith.constant 112 : index
        %get3A_803 = tpu.vector_load %arg8[%get3A_801, %get3A_802] {strides = array<i32>} : memref<112x256xf32, #tpu.memory_space<vmem>>, vector<1x16xf32>,
        %get3A_804 = vector.shape_cast %get3A_803 : vector<1x16xf32> to vector<16xf32>
        %add3A_805 = arith.addf %scan3A_757, %get3A_804 : vector<16xf32>
        %get3A_806 = arith.index_cast %scan3A_749 : i32 to index
        %get3A_807 = arith.constant 128 : index
        %get3A_808 = tpu.vector_load %arg8[%get3A_806, %get3A_807] {strides = array<i32>} : memref<112x256xf32, #tpu.memory_space<vmem>>, vector<1x16xf32>,
        %get3A_809 = vector.shape_cast %get3A_808 : vector<1x16xf32> to vector<16xf32>
        %add3A_810 = arith.addf %scan3A_758, %get3A_809 : vector<16xf32>
        %get3A_811 = arith.index_cast %scan3A_749 : i32 to index
        %get3A_812 = arith.constant 144 : index
        %get3A_813 = tpu.vector_load %arg8[%get3A_811, %get3A_812] {strides = array<i32>} : memref<112x256xf32, #tpu.memory_space<vmem>>, vector<1x16xf32>,
        %get3A_814 = vector.shape_cast %get3A_813 : vector<1x16xf32> to vector<16xf32>
        %add3A_815 = arith.addf %scan3A_759, %get3A_814 : vector<16xf32>
        %get3A_816 = arith.index_cast %scan3A_749 : i32 to index
        %get3A_817 = arith.constant 160 : index
        %get3A_818 = tpu.vector_load %arg8[%get3A_816, %get3A_817] {strides = array<i32>} : memref<112x256xf32, #tpu.memory_space<vmem>>, vector<1x16xf32>,
        %get3A_819 = vector.shape_cast %get3A_818 : vector<1x16xf32> to vector<16xf32>
        %add3A_820 = arith.addf %scan3A_760, %get3A_819 : vector<16xf32>
        %get3A_821 = arith.index_cast %scan3A_749 : i32 to index
        %get3A_822 = arith.constant 176 : index
        %get3A_823 = tpu.vector_load %arg8[%get3A_821, %get3A_822] {strides = array<i32>} : memref<112x256xf32, #tpu.memory_space<vmem>>, vector<1x16xf32>,
        %get3A_824 = vector.shape_cast %get3A_823 : vector<1x16xf32> to vector<16xf32>
        %add3A_825 = arith.addf %scan3A_761, %get3A_824 : vector<16xf32>
        %get3A_826 = arith.index_cast %scan3A_749 : i32 to index
        %get3A_827 = arith.constant 192 : index
        %get3A_828 = tpu.vector_load %arg8[%get3A_826, %get3A_827] {strides = array<i32>} : memref<112x256xf32, #tpu.memory_space<vmem>>, vector<1x16xf32>,
        %get3A_829 = vector.shape_cast %get3A_828 : vector<1x16xf32> to vector<16xf32>
        %add3A_830 = arith.addf %scan3A_762, %get3A_829 : vector<16xf32>
        %get3A_831 = arith.index_cast %scan3A_749 : i32 to index
        %get3A_832 = arith.constant 208 : index
        %get3A_833 = tpu.vector_load %arg8[%get3A_831, %get3A_832] {strides = array<i32>} : memref<112x256xf32, #tpu.memory_space<vmem>>, vector<1x16xf32>,
        %get3A_834 = vector.shape_cast %get3A_833 : vector<1x16xf32> to vector<16xf32>
        %add3A_835 = arith.addf %scan3A_763, %get3A_834 : vector<16xf32>
        %get3A_836 = arith.index_cast %scan3A_749 : i32 to index
        %get3A_837 = arith.constant 224 : index
        %get3A_838 = tpu.vector_load %arg8[%get3A_836, %get3A_837] {strides = array<i32>} : memref<112x256xf32, #tpu.memory_space<vmem>>, vector<1x16xf32>,
        %get3A_839 = vector.shape_cast %get3A_838 : vector<1x16xf32> to vector<16xf32>
        %add3A_840 = arith.addf %scan3A_764, %get3A_839 : vector<16xf32>
        %get3A_841 = arith.index_cast %scan3A_749 : i32 to index
        %get3A_842 = arith.constant 240 : index
        %get3A_843 = tpu.vector_load %arg8[%get3A_841, %get3A_842] {strides = array<i32>} : memref<112x256xf32, #tpu.memory_space<vmem>>, vector<1x16xf32>,
        %get3A_844 = vector.shape_cast %get3A_843 : vector<1x16xf32> to vector<16xf32>
        %add3A_845 = arith.addf %scan3A_765, %get3A_844 : vector<16xf32>
        scf.yield %add3A_770, %add3A_775, %add3A_780, %add3A_785, %add3A_790, %add3A_795, %add3A_800, %add3A_805, %add3A_810, %add3A_815, %add3A_820, %add3A_825, %add3A_830, %add3A_835, %add3A_840, %add3A_845 : vector<16xf32>, vector<16xf32>, vector<16xf32>, vector<16xf32>, vector<16xf32>, vector<16xf32>, vector<16xf32>, vector<16xf32>, vector<16xf32>, vector<16xf32>, vector<16xf32>, vector<16xf32>, vector<16xf32>, vector<16xf32>, vector<16xf32>, vector<16xf32>
      }
      %scan3A_596 = arith.constant 112 : i32
      %add3A_597 = arith.addf %add3A_529, %scan3A_595#0 : vector<16xf32>
      %add3A_598 = arith.addf %add3A_530, %scan3A_595#1 : vector<16xf32>
      %add3A_599 = arith.addf %add3A_531, %scan3A_595#2 : vector<16xf32>
      %add3A_600 = arith.addf %add3A_532, %scan3A_595#3 : vector<16xf32>
      %add3A_601 = arith.addf %add3A_533, %scan3A_595#4 : vector<16xf32>
      %add3A_602 = arith.addf %add3A_534, %scan3A_595#5 : vector<16xf32>
      %add3A_603 = arith.addf %add3A_535, %scan3A_595#6 : vector<16xf32>
      %add3A_604 = arith.addf %add3A_536, %scan3A_595#7 : vector<16xf32>
      %add3A_605 = arith.addf %add3A_537, %scan3A_595#8 : vector<16xf32>
      %add3A_606 = arith.addf %add3A_538, %scan3A_595#9 : vector<16xf32>
      %add3A_607 = arith.addf %add3A_539, %scan3A_595#10 : vector<16xf32>
      %add3A_608 = arith.addf %add3A_540, %scan3A_595#11 : vector<16xf32>
      %add3A_609 = arith.addf %add3A_541, %scan3A_595#12 : vector<16xf32>
      %add3A_610 = arith.addf %add3A_542, %scan3A_595#13 : vector<16xf32>
      %add3A_611 = arith.addf %add3A_543, %scan3A_595#14 : vector<16xf32>
      %add3A_612 = arith.addf %add3A_544, %scan3A_595#15 : vector<16xf32>
      %add3A_613 = arith.constant 2 : i32
      %add3A_614 = arith.addi %mul3A_477, %add3A_613 : i32
      %dma_wait3A_615 = arith.constant 0 : i32
      %dma_wait3A_616 = tpu.memref_slice %arg6[%dma_wait3A_615] : memref<1568xi32, #tpu.memory_space<vmem>> -> memref<112xi32, #tpu.memory_space<vmem>>
      %dma_wait3A_617 = arith.constant 0 : i32
      %dma_wait3A_618 = arith.constant 0 : i32
      %dma_wait3A_619 = tpu.memref_slice %arg2[%dma_wait3A_617, %dma_wait3A_618] : memref<100000x256xf32, #tpu.memory_space<hbm>> -> memref<100000x256xf32, #tpu.memory_space<hbm>>
      tpu.wait_indirect_dma semaphore(%arg15 : memref<!tpu.dma_semaphore, #tpu.memory_space<semaphore_mem>>) src(%dma_wait3A_619 : memref<100000x256xf32, #tpu.memory_space<hbm>>) dst(%arg9 : memref<112x256xf32, #tpu.memory_space<vmem>>)
      %add3A_620 = arith.constant 3 : i32
      %add3A_621 = arith.addi %add3A_614, %add3A_620 : i32
      %lt3A_622 = arith.constant 14 : i32
      %lt3A_623 = arith.cmpi slt, %add3A_621, %lt3A_622 : i32
      %convert_element_type3A_624 = arith.extui %lt3A_623 : i1 to i32
      %cond3A_625 = arith.constant 0 : i32
      %cond3A_626 = arith.cmpi ne, %convert_element_type3A_624, %cond3A_625 : i32
      scf.if %cond3A_626 {
        %add3A_749 = arith.constant 3 : i32
        %add3A_750 = arith.addi %add3A_614, %add3A_749 : i32
        %mul3A_751 = arith.constant 112 : i32
        %mul3A_752 = arith.muli %add3A_750, %mul3A_751 : i32
        %dma_start3A_753 = tpu.memref_slice %arg6[%mul3A_752] : memref<1568xi32, #tpu.memory_space<vmem>> -> memref<112xi32, #tpu.memory_space<vmem>>
        %dma_start3A_754 = arith.constant 0 : i32
        %dma_start3A_755 = arith.constant 0 : i32
        %dma_start3A_756 = tpu.memref_slice %arg2[%dma_start3A_754, %dma_start3A_755] : memref<100000x256xf32, #tpu.memory_space<hbm>> -> memref<100000x256xf32, #tpu.memory_space<hbm>>
        tpu.enqueue_indirect_dma source(%dma_start3A_756 : memref<100000x256xf32, #tpu.memory_space<hbm>>) target(%arg8 : memref<112x256xf32, #tpu.memory_space<vmem>>) offsets(%dma_start3A_753 : memref<112xi32, #tpu.memory_space<vmem>>) semaphore(%arg14 : memref<!tpu.dma_semaphore, #tpu.memory_space<semaphore_mem>>)
      } else {
      }
      %broadcast_in_dim3A_627 = arith.constant 0.000000e+00 : f32
      %broadcast_in_dim3A_628 = vector.broadcast %broadcast_in_dim3A_627 : f32 to vector<16xf32>
      %broadcast_in_dim3A_629 = arith.constant 0.000000e+00 : f32
      %broadcast_in_dim3A_630 = vector.broadcast %broadcast_in_dim3A_629 : f32 to vector<16xf32>
      %broadcast_in_dim3A_631 = arith.constant 0.000000e+00 : f32
      %broadcast_in_dim3A_632 = vector.broadcast %broadcast_in_dim3A_631 : f32 to vector<16xf32>
      %broadcast_in_dim3A_633 = arith.constant 0.000000e+00 : f32
      %broadcast_in_dim3A_634 = vector.broadcast %broadcast_in_dim3A_633 : f32 to vector<16xf32>
      %broadcast_in_dim3A_635 = arith.constant 0.000000e+00 : f32
      %broadcast_in_dim3A_636 = vector.broadcast %broadcast_in_dim3A_635 : f32 to vector<16xf32>
      %broadcast_in_dim3A_637 = arith.constant 0.000000e+00 : f32
      %broadcast_in_dim3A_638 = vector.broadcast %broadcast_in_dim3A_637 : f32 to vector<16xf32>
      %broadcast_in_dim3A_639 = arith.constant 0.000000e+00 : f32
      %broadcast_in_dim3A_640 = vector.broadcast %broadcast_in_dim3A_639 : f32 to vector<16xf32>
      %broadcast_in_dim3A_641 = arith.constant 0.000000e+00 : f32
      %broadcast_in_dim3A_642 = vector.broadcast %broadcast_in_dim3A_641 : f32 to vector<16xf32>
      %broadcast_in_dim3A_643 = arith.constant 0.000000e+00 : f32
      %broadcast_in_dim3A_644 = vector.broadcast %broadcast_in_dim3A_643 : f32 to vector<16xf32>
      %broadcast_in_dim3A_645 = arith.constant 0.000000e+00 : f32
      %broadcast_in_dim3A_646 = vector.broadcast %broadcast_in_dim3A_645 : f32 to vector<16xf32>
      %broadcast_in_dim3A_647 = arith.constant 0.000000e+00 : f32
      %broadcast_in_dim3A_648 = vector.broadcast %broadcast_in_dim3A_647 : f32 to vector<16xf32>
      %broadcast_in_dim3A_649 = arith.constant 0.000000e+00 : f32
      %broadcast_in_dim3A_650 = vector.broadcast %broadcast_in_dim3A_649 : f32 to vector<16xf32>
      %broadcast_in_dim3A_651 = arith.constant 0.000000e+00 : f32
      %broadcast_in_dim3A_652 = vector.broadcast %broadcast_in_dim3A_651 : f32 to vector<16xf32>
      %broadcast_in_dim3A_653 = arith.constant 0.000000e+00 : f32
      %broadcast_in_dim3A_654 = vector.broadcast %broadcast_in_dim3A_653 : f32 to vector<16xf32>
      %broadcast_in_dim3A_655 = arith.constant 0.000000e+00 : f32
      %broadcast_in_dim3A_656 = vector.broadcast %broadcast_in_dim3A_655 : f32 to vector<16xf32>
      %broadcast_in_dim3A_657 = arith.constant 0.000000e+00 : f32
      %broadcast_in_dim3A_658 = vector.broadcast %broadcast_in_dim3A_657 : f32 to vector<16xf32>
      %scan3A_659 = arith.constant 0 : i32
      %scan3A_660 = arith.constant 112 : i32
      %scan3A_661 = arith.addi %scan3A_659, %scan3A_660 : i32
      %scan3A_662 = arith.constant 1 : i32
      %scan3A_663:16 = scf.for %scan3A_749 = %scan3A_659 to %scan3A_661 step %scan3A_662 iter_args(%scan3A_750 = %broadcast_in_dim3A_628, %scan3A_751 = %broadcast_in_dim3A_630, %scan3A_752 = %broadcast_in_dim3A_632, %scan3A_753 = %broadcast_in_dim3A_634, %scan3A_754 = %broadcast_in_dim3A_636, %scan3A_755 = %broadcast_in_dim3A_638, %scan3A_756 = %broadcast_in_dim3A_640, %scan3A_757 = %broadcast_in_dim3A_642, %scan3A_758 = %broadcast_in_dim3A_644, %scan3A_759 = %broadcast_in_dim3A_646, %scan3A_760 = %broadcast_in_dim3A_648, %scan3A_761 = %broadcast_in_dim3A_650, %scan3A_762 = %broadcast_in_dim3A_652, %scan3A_763 = %broadcast_in_dim3A_654, %scan3A_764 = %broadcast_in_dim3A_656, %scan3A_765 = %broadcast_in_dim3A_658) -> (vector<16xf32>, vector<16xf32>, vector<16xf32>, vector<16xf32>, vector<16xf32>, vector<16xf32>, vector<16xf32>, vector<16xf32>, vector<16xf32>, vector<16xf32>, vector<16xf32>, vector<16xf32>, vector<16xf32>, vector<16xf32>, vector<16xf32>, vector<16xf32>)  : i32 {
        %get3A_766 = arith.index_cast %scan3A_749 : i32 to index
        %get3A_767 = arith.constant 0 : index
        %get3A_768 = tpu.vector_load %arg9[%get3A_766, %get3A_767] {strides = array<i32>} : memref<112x256xf32, #tpu.memory_space<vmem>>, vector<1x16xf32>,
        %get3A_769 = vector.shape_cast %get3A_768 : vector<1x16xf32> to vector<16xf32>
        %add3A_770 = arith.addf %scan3A_750, %get3A_769 : vector<16xf32>
        %get3A_771 = arith.index_cast %scan3A_749 : i32 to index
        %get3A_772 = arith.constant 16 : index
        %get3A_773 = tpu.vector_load %arg9[%get3A_771, %get3A_772] {strides = array<i32>} : memref<112x256xf32, #tpu.memory_space<vmem>>, vector<1x16xf32>,
        %get3A_774 = vector.shape_cast %get3A_773 : vector<1x16xf32> to vector<16xf32>
        %add3A_775 = arith.addf %scan3A_751, %get3A_774 : vector<16xf32>
        %get3A_776 = arith.index_cast %scan3A_749 : i32 to index
        %get3A_777 = arith.constant 32 : index
        %get3A_778 = tpu.vector_load %arg9[%get3A_776, %get3A_777] {strides = array<i32>} : memref<112x256xf32, #tpu.memory_space<vmem>>, vector<1x16xf32>,
        %get3A_779 = vector.shape_cast %get3A_778 : vector<1x16xf32> to vector<16xf32>
        %add3A_780 = arith.addf %scan3A_752, %get3A_779 : vector<16xf32>
        %get3A_781 = arith.index_cast %scan3A_749 : i32 to index
        %get3A_782 = arith.constant 48 : index
        %get3A_783 = tpu.vector_load %arg9[%get3A_781, %get3A_782] {strides = array<i32>} : memref<112x256xf32, #tpu.memory_space<vmem>>, vector<1x16xf32>,
        %get3A_784 = vector.shape_cast %get3A_783 : vector<1x16xf32> to vector<16xf32>
        %add3A_785 = arith.addf %scan3A_753, %get3A_784 : vector<16xf32>
        %get3A_786 = arith.index_cast %scan3A_749 : i32 to index
        %get3A_787 = arith.constant 64 : index
        %get3A_788 = tpu.vector_load %arg9[%get3A_786, %get3A_787] {strides = array<i32>} : memref<112x256xf32, #tpu.memory_space<vmem>>, vector<1x16xf32>,
        %get3A_789 = vector.shape_cast %get3A_788 : vector<1x16xf32> to vector<16xf32>
        %add3A_790 = arith.addf %scan3A_754, %get3A_789 : vector<16xf32>
        %get3A_791 = arith.index_cast %scan3A_749 : i32 to index
        %get3A_792 = arith.constant 80 : index
        %get3A_793 = tpu.vector_load %arg9[%get3A_791, %get3A_792] {strides = array<i32>} : memref<112x256xf32, #tpu.memory_space<vmem>>, vector<1x16xf32>,
        %get3A_794 = vector.shape_cast %get3A_793 : vector<1x16xf32> to vector<16xf32>
        %add3A_795 = arith.addf %scan3A_755, %get3A_794 : vector<16xf32>
        %get3A_796 = arith.index_cast %scan3A_749 : i32 to index
        %get3A_797 = arith.constant 96 : index
        %get3A_798 = tpu.vector_load %arg9[%get3A_796, %get3A_797] {strides = array<i32>} : memref<112x256xf32, #tpu.memory_space<vmem>>, vector<1x16xf32>,
        %get3A_799 = vector.shape_cast %get3A_798 : vector<1x16xf32> to vector<16xf32>
        %add3A_800 = arith.addf %scan3A_756, %get3A_799 : vector<16xf32>
        %get3A_801 = arith.index_cast %scan3A_749 : i32 to index
        %get3A_802 = arith.constant 112 : index
        %get3A_803 = tpu.vector_load %arg9[%get3A_801, %get3A_802] {strides = array<i32>} : memref<112x256xf32, #tpu.memory_space<vmem>>, vector<1x16xf32>,
        %get3A_804 = vector.shape_cast %get3A_803 : vector<1x16xf32> to vector<16xf32>
        %add3A_805 = arith.addf %scan3A_757, %get3A_804 : vector<16xf32>
        %get3A_806 = arith.index_cast %scan3A_749 : i32 to index
        %get3A_807 = arith.constant 128 : index
        %get3A_808 = tpu.vector_load %arg9[%get3A_806, %get3A_807] {strides = array<i32>} : memref<112x256xf32, #tpu.memory_space<vmem>>, vector<1x16xf32>,
        %get3A_809 = vector.shape_cast %get3A_808 : vector<1x16xf32> to vector<16xf32>
        %add3A_810 = arith.addf %scan3A_758, %get3A_809 : vector<16xf32>
        %get3A_811 = arith.index_cast %scan3A_749 : i32 to index
        %get3A_812 = arith.constant 144 : index
        %get3A_813 = tpu.vector_load %arg9[%get3A_811, %get3A_812] {strides = array<i32>} : memref<112x256xf32, #tpu.memory_space<vmem>>, vector<1x16xf32>,
        %get3A_814 = vector.shape_cast %get3A_813 : vector<1x16xf32> to vector<16xf32>
        %add3A_815 = arith.addf %scan3A_759, %get3A_814 : vector<16xf32>
        %get3A_816 = arith.index_cast %scan3A_749 : i32 to index
        %get3A_817 = arith.constant 160 : index
        %get3A_818 = tpu.vector_load %arg9[%get3A_816, %get3A_817] {strides = array<i32>} : memref<112x256xf32, #tpu.memory_space<vmem>>, vector<1x16xf32>,
        %get3A_819 = vector.shape_cast %get3A_818 : vector<1x16xf32> to vector<16xf32>
        %add3A_820 = arith.addf %scan3A_760, %get3A_819 : vector<16xf32>
        %get3A_821 = arith.index_cast %scan3A_749 : i32 to index
        %get3A_822 = arith.constant 176 : index
        %get3A_823 = tpu.vector_load %arg9[%get3A_821, %get3A_822] {strides = array<i32>} : memref<112x256xf32, #tpu.memory_space<vmem>>, vector<1x16xf32>,
        %get3A_824 = vector.shape_cast %get3A_823 : vector<1x16xf32> to vector<16xf32>
        %add3A_825 = arith.addf %scan3A_761, %get3A_824 : vector<16xf32>
        %get3A_826 = arith.index_cast %scan3A_749 : i32 to index
        %get3A_827 = arith.constant 192 : index
        %get3A_828 = tpu.vector_load %arg9[%get3A_826, %get3A_827] {strides = array<i32>} : memref<112x256xf32, #tpu.memory_space<vmem>>, vector<1x16xf32>,
        %get3A_829 = vector.shape_cast %get3A_828 : vector<1x16xf32> to vector<16xf32>
        %add3A_830 = arith.addf %scan3A_762, %get3A_829 : vector<16xf32>
        %get3A_831 = arith.index_cast %scan3A_749 : i32 to index
        %get3A_832 = arith.constant 208 : index
        %get3A_833 = tpu.vector_load %arg9[%get3A_831, %get3A_832] {strides = array<i32>} : memref<112x256xf32, #tpu.memory_space<vmem>>, vector<1x16xf32>,
        %get3A_834 = vector.shape_cast %get3A_833 : vector<1x16xf32> to vector<16xf32>
        %add3A_835 = arith.addf %scan3A_763, %get3A_834 : vector<16xf32>
        %get3A_836 = arith.index_cast %scan3A_749 : i32 to index
        %get3A_837 = arith.constant 224 : index
        %get3A_838 = tpu.vector_load %arg9[%get3A_836, %get3A_837] {strides = array<i32>} : memref<112x256xf32, #tpu.memory_space<vmem>>, vector<1x16xf32>,
        %get3A_839 = vector.shape_cast %get3A_838 : vector<1x16xf32> to vector<16xf32>
        %add3A_840 = arith.addf %scan3A_764, %get3A_839 : vector<16xf32>
        %get3A_841 = arith.index_cast %scan3A_749 : i32 to index
        %get3A_842 = arith.constant 240 : index
        %get3A_843 = tpu.vector_load %arg9[%get3A_841, %get3A_842] {strides = array<i32>} : memref<112x256xf32, #tpu.memory_space<vmem>>, vector<1x16xf32>,
        %get3A_844 = vector.shape_cast %get3A_843 : vector<1x16xf32> to vector<16xf32>
        %add3A_845 = arith.addf %scan3A_765, %get3A_844 : vector<16xf32>
        scf.yield %add3A_770, %add3A_775, %add3A_780, %add3A_785, %add3A_790, %add3A_795, %add3A_800, %add3A_805, %add3A_810, %add3A_815, %add3A_820, %add3A_825, %add3A_830, %add3A_835, %add3A_840, %add3A_845 : vector<16xf32>, vector<16xf32>, vector<16xf32>, vector<16xf32>, vector<16xf32>, vector<16xf32>, vector<16xf32>, vector<16xf32>, vector<16xf32>, vector<16xf32>, vector<16xf32>, vector<16xf32>, vector<16xf32>, vector<16xf32>, vector<16xf32>, vector<16xf32>
      }
      %scan3A_664 = arith.constant 112 : i32
      %add3A_665 = arith.addf %add3A_597, %scan3A_663#0 : vector<16xf32>
      %add3A_666 = arith.addf %add3A_598, %scan3A_663#1 : vector<16xf32>
      %add3A_667 = arith.addf %add3A_599, %scan3A_663#2 : vector<16xf32>
      %add3A_668 = arith.addf %add3A_600, %scan3A_663#3 : vector<16xf32>
      %add3A_669 = arith.addf %add3A_601, %scan3A_663#4 : vector<16xf32>
      %add3A_670 = arith.addf %add3A_602, %scan3A_663#5 : vector<16xf32>
      %add3A_671 = arith.addf %add3A_603, %scan3A_663#6 : vector<16xf32>
      %add3A_672 = arith.addf %add3A_604, %scan3A_663#7 : vector<16xf32>
      %add3A_673 = arith.addf %add3A_605, %scan3A_663#8 : vector<16xf32>
      %add3A_674 = arith.addf %add3A_606, %scan3A_663#9 : vector<16xf32>
      %add3A_675 = arith.addf %add3A_607, %scan3A_663#10 : vector<16xf32>
      %add3A_676 = arith.addf %add3A_608, %scan3A_663#11 : vector<16xf32>
      %add3A_677 = arith.addf %add3A_609, %scan3A_663#12 : vector<16xf32>
      %add3A_678 = arith.addf %add3A_610, %scan3A_663#13 : vector<16xf32>
      %add3A_679 = arith.addf %add3A_611, %scan3A_663#14 : vector<16xf32>
      %add3A_680 = arith.addf %add3A_612, %scan3A_663#15 : vector<16xf32>
      %add3A_681 = arith.constant 3 : i32
      %add3A_682 = arith.addi %mul3A_477, %add3A_681 : i32
      %dma_wait3A_683 = arith.constant 0 : i32
      %dma_wait3A_684 = tpu.memref_slice %arg6[%dma_wait3A_683] : memref<1568xi32, #tpu.memory_space<vmem>> -> memref<112xi32, #tpu.memory_space<vmem>>
      %dma_wait3A_685 = arith.constant 0 : i32
      %dma_wait3A_686 = arith.constant 0 : i32
      %dma_wait3A_687 = tpu.memref_slice %arg2[%dma_wait3A_685, %dma_wait3A_686] : memref<100000x256xf32, #tpu.memory_space<hbm>> -> memref<100000x256xf32, #tpu.memory_space<hbm>>
      tpu.wait_indirect_dma semaphore(%arg16 : memref<!tpu.dma_semaphore, #tpu.memory_space<semaphore_mem>>) src(%dma_wait3A_687 : memref<100000x256xf32, #tpu.memory_space<hbm>>) dst(%arg10 : memref<112x256xf32, #tpu.memory_space<vmem>>)
      %add3A_688 = arith.constant 3 : i32
      %add3A_689 = arith.addi %add3A_682, %add3A_688 : i32
      %lt3A_690 = arith.constant 14 : i32
      %lt3A_691 = arith.cmpi slt, %add3A_689, %lt3A_690 : i32
      %convert_element_type3A_692 = arith.extui %lt3A_691 : i1 to i32
      %cond3A_693 = arith.constant 0 : i32
      %cond3A_694 = arith.cmpi ne, %convert_element_type3A_692, %cond3A_693 : i32
      scf.if %cond3A_694 {
        %add3A_749 = arith.constant 3 : i32
        %add3A_750 = arith.addi %add3A_682, %add3A_749 : i32
        %mul3A_751 = arith.constant 112 : i32
        %mul3A_752 = arith.muli %add3A_750, %mul3A_751 : i32
        %dma_start3A_753 = tpu.memref_slice %arg6[%mul3A_752] : memref<1568xi32, #tpu.memory_space<vmem>> -> memref<112xi32, #tpu.memory_space<vmem>>
        %dma_start3A_754 = arith.constant 0 : i32
        %dma_start3A_755 = arith.constant 0 : i32
        %dma_start3A_756 = tpu.memref_slice %arg2[%dma_start3A_754, %dma_start3A_755] : memref<100000x256xf32, #tpu.memory_space<hbm>> -> memref<100000x256xf32, #tpu.memory_space<hbm>>
        tpu.enqueue_indirect_dma source(%dma_start3A_756 : memref<100000x256xf32, #tpu.memory_space<hbm>>) target(%arg9 : memref<112x256xf32, #tpu.memory_space<vmem>>) offsets(%dma_start3A_753 : memref<112xi32, #tpu.memory_space<vmem>>) semaphore(%arg15 : memref<!tpu.dma_semaphore, #tpu.memory_space<semaphore_mem>>)
      } else {
      }
      %broadcast_in_dim3A_695 = arith.constant 0.000000e+00 : f32
      %broadcast_in_dim3A_696 = vector.broadcast %broadcast_in_dim3A_695 : f32 to vector<16xf32>
      %broadcast_in_dim3A_697 = arith.constant 0.000000e+00 : f32
      %broadcast_in_dim3A_698 = vector.broadcast %broadcast_in_dim3A_697 : f32 to vector<16xf32>
      %broadcast_in_dim3A_699 = arith.constant 0.000000e+00 : f32
      %broadcast_in_dim3A_700 = vector.broadcast %broadcast_in_dim3A_699 : f32 to vector<16xf32>
      %broadcast_in_dim3A_701 = arith.constant 0.000000e+00 : f32
      %broadcast_in_dim3A_702 = vector.broadcast %broadcast_in_dim3A_701 : f32 to vector<16xf32>
      %broadcast_in_dim3A_703 = arith.constant 0.000000e+00 : f32
      %broadcast_in_dim3A_704 = vector.broadcast %broadcast_in_dim3A_703 : f32 to vector<16xf32>
      %broadcast_in_dim3A_705 = arith.constant 0.000000e+00 : f32
      %broadcast_in_dim3A_706 = vector.broadcast %broadcast_in_dim3A_705 : f32 to vector<16xf32>
      %broadcast_in_dim3A_707 = arith.constant 0.000000e+00 : f32
      %broadcast_in_dim3A_708 = vector.broadcast %broadcast_in_dim3A_707 : f32 to vector<16xf32>
      %broadcast_in_dim3A_709 = arith.constant 0.000000e+00 : f32
      %broadcast_in_dim3A_710 = vector.broadcast %broadcast_in_dim3A_709 : f32 to vector<16xf32>
      %broadcast_in_dim3A_711 = arith.constant 0.000000e+00 : f32
      %broadcast_in_dim3A_712 = vector.broadcast %broadcast_in_dim3A_711 : f32 to vector<16xf32>
      %broadcast_in_dim3A_713 = arith.constant 0.000000e+00 : f32
      %broadcast_in_dim3A_714 = vector.broadcast %broadcast_in_dim3A_713 : f32 to vector<16xf32>
      %broadcast_in_dim3A_715 = arith.constant 0.000000e+00 : f32
      %broadcast_in_dim3A_716 = vector.broadcast %broadcast_in_dim3A_715 : f32 to vector<16xf32>
      %broadcast_in_dim3A_717 = arith.constant 0.000000e+00 : f32
      %broadcast_in_dim3A_718 = vector.broadcast %broadcast_in_dim3A_717 : f32 to vector<16xf32>
      %broadcast_in_dim3A_719 = arith.constant 0.000000e+00 : f32
      %broadcast_in_dim3A_720 = vector.broadcast %broadcast_in_dim3A_719 : f32 to vector<16xf32>
      %broadcast_in_dim3A_721 = arith.constant 0.000000e+00 : f32
      %broadcast_in_dim3A_722 = vector.broadcast %broadcast_in_dim3A_721 : f32 to vector<16xf32>
      %broadcast_in_dim3A_723 = arith.constant 0.000000e+00 : f32
      %broadcast_in_dim3A_724 = vector.broadcast %broadcast_in_dim3A_723 : f32 to vector<16xf32>
      %broadcast_in_dim3A_725 = arith.constant 0.000000e+00 : f32
      %broadcast_in_dim3A_726 = vector.broadcast %broadcast_in_dim3A_725 : f32 to vector<16xf32>
      %scan3A_727 = arith.constant 0 : i32
      %scan3A_728 = arith.constant 112 : i32
      %scan3A_729 = arith.addi %scan3A_727, %scan3A_728 : i32
      %scan3A_730 = arith.constant 1 : i32
      %scan3A_731:16 = scf.for %scan3A_749 = %scan3A_727 to %scan3A_729 step %scan3A_730 iter_args(%scan3A_750 = %broadcast_in_dim3A_696, %scan3A_751 = %broadcast_in_dim3A_698, %scan3A_752 = %broadcast_in_dim3A_700, %scan3A_753 = %broadcast_in_dim3A_702, %scan3A_754 = %broadcast_in_dim3A_704, %scan3A_755 = %broadcast_in_dim3A_706, %scan3A_756 = %broadcast_in_dim3A_708, %scan3A_757 = %broadcast_in_dim3A_710, %scan3A_758 = %broadcast_in_dim3A_712, %scan3A_759 = %broadcast_in_dim3A_714, %scan3A_760 = %broadcast_in_dim3A_716, %scan3A_761 = %broadcast_in_dim3A_718, %scan3A_762 = %broadcast_in_dim3A_720, %scan3A_763 = %broadcast_in_dim3A_722, %scan3A_764 = %broadcast_in_dim3A_724, %scan3A_765 = %broadcast_in_dim3A_726) -> (vector<16xf32>, vector<16xf32>, vector<16xf32>, vector<16xf32>, vector<16xf32>, vector<16xf32>, vector<16xf32>, vector<16xf32>, vector<16xf32>, vector<16xf32>, vector<16xf32>, vector<16xf32>, vector<16xf32>, vector<16xf32>, vector<16xf32>, vector<16xf32>)  : i32 {
        %get3A_766 = arith.index_cast %scan3A_749 : i32 to index
        %get3A_767 = arith.constant 0 : index
        %get3A_768 = tpu.vector_load %arg10[%get3A_766, %get3A_767] {strides = array<i32>} : memref<112x256xf32, #tpu.memory_space<vmem>>, vector<1x16xf32>,
        %get3A_769 = vector.shape_cast %get3A_768 : vector<1x16xf32> to vector<16xf32>
        %add3A_770 = arith.addf %scan3A_750, %get3A_769 : vector<16xf32>
        %get3A_771 = arith.index_cast %scan3A_749 : i32 to index
        %get3A_772 = arith.constant 16 : index
        %get3A_773 = tpu.vector_load %arg10[%get3A_771, %get3A_772] {strides = array<i32>} : memref<112x256xf32, #tpu.memory_space<vmem>>, vector<1x16xf32>,
        %get3A_774 = vector.shape_cast %get3A_773 : vector<1x16xf32> to vector<16xf32>
        %add3A_775 = arith.addf %scan3A_751, %get3A_774 : vector<16xf32>
        %get3A_776 = arith.index_cast %scan3A_749 : i32 to index
        %get3A_777 = arith.constant 32 : index
        %get3A_778 = tpu.vector_load %arg10[%get3A_776, %get3A_777] {strides = array<i32>} : memref<112x256xf32, #tpu.memory_space<vmem>>, vector<1x16xf32>,
        %get3A_779 = vector.shape_cast %get3A_778 : vector<1x16xf32> to vector<16xf32>
        %add3A_780 = arith.addf %scan3A_752, %get3A_779 : vector<16xf32>
        %get3A_781 = arith.index_cast %scan3A_749 : i32 to index
        %get3A_782 = arith.constant 48 : index
        %get3A_783 = tpu.vector_load %arg10[%get3A_781, %get3A_782] {strides = array<i32>} : memref<112x256xf32, #tpu.memory_space<vmem>>, vector<1x16xf32>,
        %get3A_784 = vector.shape_cast %get3A_783 : vector<1x16xf32> to vector<16xf32>
        %add3A_785 = arith.addf %scan3A_753, %get3A_784 : vector<16xf32>
        %get3A_786 = arith.index_cast %scan3A_749 : i32 to index
        %get3A_787 = arith.constant 64 : index
        %get3A_788 = tpu.vector_load %arg10[%get3A_786, %get3A_787] {strides = array<i32>} : memref<112x256xf32, #tpu.memory_space<vmem>>, vector<1x16xf32>,
        %get3A_789 = vector.shape_cast %get3A_788 : vector<1x16xf32> to vector<16xf32>
        %add3A_790 = arith.addf %scan3A_754, %get3A_789 : vector<16xf32>
        %get3A_791 = arith.index_cast %scan3A_749 : i32 to index
        %get3A_792 = arith.constant 80 : index
        %get3A_793 = tpu.vector_load %arg10[%get3A_791, %get3A_792] {strides = array<i32>} : memref<112x256xf32, #tpu.memory_space<vmem>>, vector<1x16xf32>,
        %get3A_794 = vector.shape_cast %get3A_793 : vector<1x16xf32> to vector<16xf32>
        %add3A_795 = arith.addf %scan3A_755, %get3A_794 : vector<16xf32>
        %get3A_796 = arith.index_cast %scan3A_749 : i32 to index
        %get3A_797 = arith.constant 96 : index
        %get3A_798 = tpu.vector_load %arg10[%get3A_796, %get3A_797] {strides = array<i32>} : memref<112x256xf32, #tpu.memory_space<vmem>>, vector<1x16xf32>,
        %get3A_799 = vector.shape_cast %get3A_798 : vector<1x16xf32> to vector<16xf32>
        %add3A_800 = arith.addf %scan3A_756, %get3A_799 : vector<16xf32>
        %get3A_801 = arith.index_cast %scan3A_749 : i32 to index
        %get3A_802 = arith.constant 112 : index
        %get3A_803 = tpu.vector_load %arg10[%get3A_801, %get3A_802] {strides = array<i32>} : memref<112x256xf32, #tpu.memory_space<vmem>>, vector<1x16xf32>,
        %get3A_804 = vector.shape_cast %get3A_803 : vector<1x16xf32> to vector<16xf32>
        %add3A_805 = arith.addf %scan3A_757, %get3A_804 : vector<16xf32>
        %get3A_806 = arith.index_cast %scan3A_749 : i32 to index
        %get3A_807 = arith.constant 128 : index
        %get3A_808 = tpu.vector_load %arg10[%get3A_806, %get3A_807] {strides = array<i32>} : memref<112x256xf32, #tpu.memory_space<vmem>>, vector<1x16xf32>,
        %get3A_809 = vector.shape_cast %get3A_808 : vector<1x16xf32> to vector<16xf32>
        %add3A_810 = arith.addf %scan3A_758, %get3A_809 : vector<16xf32>
        %get3A_811 = arith.index_cast %scan3A_749 : i32 to index
        %get3A_812 = arith.constant 144 : index
        %get3A_813 = tpu.vector_load %arg10[%get3A_811, %get3A_812] {strides = array<i32>} : memref<112x256xf32, #tpu.memory_space<vmem>>, vector<1x16xf32>,
        %get3A_814 = vector.shape_cast %get3A_813 : vector<1x16xf32> to vector<16xf32>
        %add3A_815 = arith.addf %scan3A_759, %get3A_814 : vector<16xf32>
        %get3A_816 = arith.index_cast %scan3A_749 : i32 to index
        %get3A_817 = arith.constant 160 : index
        %get3A_818 = tpu.vector_load %arg10[%get3A_816, %get3A_817] {strides = array<i32>} : memref<112x256xf32, #tpu.memory_space<vmem>>, vector<1x16xf32>,
        %get3A_819 = vector.shape_cast %get3A_818 : vector<1x16xf32> to vector<16xf32>
        %add3A_820 = arith.addf %scan3A_760, %get3A_819 : vector<16xf32>
        %get3A_821 = arith.index_cast %scan3A_749 : i32 to index
        %get3A_822 = arith.constant 176 : index
        %get3A_823 = tpu.vector_load %arg10[%get3A_821, %get3A_822] {strides = array<i32>} : memref<112x256xf32, #tpu.memory_space<vmem>>, vector<1x16xf32>,
        %get3A_824 = vector.shape_cast %get3A_823 : vector<1x16xf32> to vector<16xf32>
        %add3A_825 = arith.addf %scan3A_761, %get3A_824 : vector<16xf32>
        %get3A_826 = arith.index_cast %scan3A_749 : i32 to index
        %get3A_827 = arith.constant 192 : index
        %get3A_828 = tpu.vector_load %arg10[%get3A_826, %get3A_827] {strides = array<i32>} : memref<112x256xf32, #tpu.memory_space<vmem>>, vector<1x16xf32>,
        %get3A_829 = vector.shape_cast %get3A_828 : vector<1x16xf32> to vector<16xf32>
        %add3A_830 = arith.addf %scan3A_762, %get3A_829 : vector<16xf32>
        %get3A_831 = arith.index_cast %scan3A_749 : i32 to index
        %get3A_832 = arith.constant 208 : index
        %get3A_833 = tpu.vector_load %arg10[%get3A_831, %get3A_832] {strides = array<i32>} : memref<112x256xf32, #tpu.memory_space<vmem>>, vector<1x16xf32>,
        %get3A_834 = vector.shape_cast %get3A_833 : vector<1x16xf32> to vector<16xf32>
        %add3A_835 = arith.addf %scan3A_763, %get3A_834 : vector<16xf32>
        %get3A_836 = arith.index_cast %scan3A_749 : i32 to index
        %get3A_837 = arith.constant 224 : index
        %get3A_838 = tpu.vector_load %arg10[%get3A_836, %get3A_837] {strides = array<i32>} : memref<112x256xf32, #tpu.memory_space<vmem>>, vector<1x16xf32>,
        %get3A_839 = vector.shape_cast %get3A_838 : vector<1x16xf32> to vector<16xf32>
        %add3A_840 = arith.addf %scan3A_764, %get3A_839 : vector<16xf32>
        %get3A_841 = arith.index_cast %scan3A_749 : i32 to index
        %get3A_842 = arith.constant 240 : index
        %get3A_843 = tpu.vector_load %arg10[%get3A_841, %get3A_842] {strides = array<i32>} : memref<112x256xf32, #tpu.memory_space<vmem>>, vector<1x16xf32>,
        %get3A_844 = vector.shape_cast %get3A_843 : vector<1x16xf32> to vector<16xf32>
        %add3A_845 = arith.addf %scan3A_765, %get3A_844 : vector<16xf32>
        scf.yield %add3A_770, %add3A_775, %add3A_780, %add3A_785, %add3A_790, %add3A_795, %add3A_800, %add3A_805, %add3A_810, %add3A_815, %add3A_820, %add3A_825, %add3A_830, %add3A_835, %add3A_840, %add3A_845 : vector<16xf32>, vector<16xf32>, vector<16xf32>, vector<16xf32>, vector<16xf32>, vector<16xf32>, vector<16xf32>, vector<16xf32>, vector<16xf32>, vector<16xf32>, vector<16xf32>, vector<16xf32>, vector<16xf32>, vector<16xf32>, vector<16xf32>, vector<16xf32>
      }
      %scan3A_732 = arith.constant 112 : i32
      %add3A_733 = arith.addf %add3A_665, %scan3A_731#0 : vector<16xf32>
      %add3A_734 = arith.addf %add3A_666, %scan3A_731#1 : vector<16xf32>
      %add3A_735 = arith.addf %add3A_667, %scan3A_731#2 : vector<16xf32>
      %add3A_736 = arith.addf %add3A_668, %scan3A_731#3 : vector<16xf32>
      %add3A_737 = arith.addf %add3A_669, %scan3A_731#4 : vector<16xf32>
      %add3A_738 = arith.addf %add3A_670, %scan3A_731#5 : vector<16xf32>
      %add3A_739 = arith.addf %add3A_671, %scan3A_731#6 : vector<16xf32>
      %add3A_740 = arith.addf %add3A_672, %scan3A_731#7 : vector<16xf32>
      %add3A_741 = arith.addf %add3A_673, %scan3A_731#8 : vector<16xf32>
      %add3A_742 = arith.addf %add3A_674, %scan3A_731#9 : vector<16xf32>
      %add3A_743 = arith.addf %add3A_675, %scan3A_731#10 : vector<16xf32>
      %add3A_744 = arith.addf %add3A_676, %scan3A_731#11 : vector<16xf32>
      %add3A_745 = arith.addf %add3A_677, %scan3A_731#12 : vector<16xf32>
      %add3A_746 = arith.addf %add3A_678, %scan3A_731#13 : vector<16xf32>
      %add3A_747 = arith.addf %add3A_679, %scan3A_731#14 : vector<16xf32>
      %add3A_748 = arith.addf %add3A_680, %scan3A_731#15 : vector<16xf32>
      scf.yield %add3A_733, %add3A_734, %add3A_735, %add3A_736, %add3A_737, %add3A_738, %add3A_739, %add3A_740, %add3A_741, %add3A_742, %add3A_743, %add3A_744, %add3A_745, %add3A_746, %add3A_747, %add3A_748 : vector<16xf32>, vector<16xf32>, vector<16xf32>, vector<16xf32>, vector<16xf32>, vector<16xf32>, vector<16xf32>, vector<16xf32>, vector<16xf32>, vector<16xf32>, vector<16xf32>, vector<16xf32>, vector<16xf32>, vector<16xf32>, vector<16xf32>, vector<16xf32>
    }
    %scan3A_60 = arith.constant 3 : i32
    %broadcast_in_dim3A_61 = arith.constant 0.000000e+00 : f32
    %broadcast_in_dim3A_62 = vector.broadcast %broadcast_in_dim3A_61 : f32 to vector<16xf32>
    %swap3A = arith.constant 0 : index
    %swap3A_63 = tpu.vector_load %arg12[%swap3A] {strides = array<i32>} : memref<512xf32, #tpu.memory_space<vmem>>, vector<16xf32>,
    %swap3A_64 = vector.shape_cast %swap3A_63 : vector<16xf32> to vector<16xf32>
    %swap3A_65 = vector.shape_cast %broadcast_in_dim3A_62 : vector<16xf32> to vector<16xf32>
    tpu.vector_store %arg12[%swap3A], %swap3A_65 {strides = array<i32>} : memref<512xf32, #tpu.memory_space<vmem>>, vector<16xf32>,
    %swap3A_66 = arith.constant 16 : index
    %swap3A_67 = tpu.vector_load %arg12[%swap3A_66] {strides = array<i32>} : memref<512xf32, #tpu.memory_space<vmem>>, vector<16xf32>,
    %swap3A_68 = vector.shape_cast %swap3A_67 : vector<16xf32> to vector<16xf32>
    %swap3A_69 = vector.shape_cast %broadcast_in_dim3A_62 : vector<16xf32> to vector<16xf32>
    tpu.vector_store %arg12[%swap3A_66], %swap3A_69 {strides = array<i32>} : memref<512xf32, #tpu.memory_space<vmem>>, vector<16xf32>,
    %swap3A_70 = arith.constant 32 : index
    %swap3A_71 = tpu.vector_load %arg12[%swap3A_70] {strides = array<i32>} : memref<512xf32, #tpu.memory_space<vmem>>, vector<16xf32>,
    %swap3A_72 = vector.shape_cast %swap3A_71 : vector<16xf32> to vector<16xf32>
    %swap3A_73 = vector.shape_cast %broadcast_in_dim3A_62 : vector<16xf32> to vector<16xf32>
    tpu.vector_store %arg12[%swap3A_70], %swap3A_73 {strides = array<i32>} : memref<512xf32, #tpu.memory_space<vmem>>, vector<16xf32>,
    %swap3A_74 = arith.constant 48 : index
    %swap3A_75 = tpu.vector_load %arg12[%swap3A_74] {strides = array<i32>} : memref<512xf32, #tpu.memory_space<vmem>>, vector<16xf32>,
    %swap3A_76 = vector.shape_cast %swap3A_75 : vector<16xf32> to vector<16xf32>
    %swap3A_77 = vector.shape_cast %broadcast_in_dim3A_62 : vector<16xf32> to vector<16xf32>
    tpu.vector_store %arg12[%swap3A_74], %swap3A_77 {strides = array<i32>} : memref<512xf32, #tpu.memory_space<vmem>>, vector<16xf32>,
    %swap3A_78 = arith.constant 64 : index
    %swap3A_79 = tpu.vector_load %arg12[%swap3A_78] {strides = array<i32>} : memref<512xf32, #tpu.memory_space<vmem>>, vector<16xf32>,
    %swap3A_80 = vector.shape_cast %swap3A_79 : vector<16xf32> to vector<16xf32>
    %swap3A_81 = vector.shape_cast %broadcast_in_dim3A_62 : vector<16xf32> to vector<16xf32>
    tpu.vector_store %arg12[%swap3A_78], %swap3A_81 {strides = array<i32>} : memref<512xf32, #tpu.memory_space<vmem>>, vector<16xf32>,
    %swap3A_82 = arith.constant 80 : index
    %swap3A_83 = tpu.vector_load %arg12[%swap3A_82] {strides = array<i32>} : memref<512xf32, #tpu.memory_space<vmem>>, vector<16xf32>,
    %swap3A_84 = vector.shape_cast %swap3A_83 : vector<16xf32> to vector<16xf32>
    %swap3A_85 = vector.shape_cast %broadcast_in_dim3A_62 : vector<16xf32> to vector<16xf32>
    tpu.vector_store %arg12[%swap3A_82], %swap3A_85 {strides = array<i32>} : memref<512xf32, #tpu.memory_space<vmem>>, vector<16xf32>,
    %swap3A_86 = arith.constant 96 : index
    %swap3A_87 = tpu.vector_load %arg12[%swap3A_86] {strides = array<i32>} : memref<512xf32, #tpu.memory_space<vmem>>, vector<16xf32>,
    %swap3A_88 = vector.shape_cast %swap3A_87 : vector<16xf32> to vector<16xf32>
    %swap3A_89 = vector.shape_cast %broadcast_in_dim3A_62 : vector<16xf32> to vector<16xf32>
    tpu.vector_store %arg12[%swap3A_86], %swap3A_89 {strides = array<i32>} : memref<512xf32, #tpu.memory_space<vmem>>, vector<16xf32>,
    %swap3A_90 = arith.constant 112 : index
    %swap3A_91 = tpu.vector_load %arg12[%swap3A_90] {strides = array<i32>} : memref<512xf32, #tpu.memory_space<vmem>>, vector<16xf32>,
    %swap3A_92 = vector.shape_cast %swap3A_91 : vector<16xf32> to vector<16xf32>
    %swap3A_93 = vector.shape_cast %broadcast_in_dim3A_62 : vector<16xf32> to vector<16xf32>
    tpu.vector_store %arg12[%swap3A_90], %swap3A_93 {strides = array<i32>} : memref<512xf32, #tpu.memory_space<vmem>>, vector<16xf32>,
    %swap3A_94 = arith.constant 128 : index
    %swap3A_95 = tpu.vector_load %arg12[%swap3A_94] {strides = array<i32>} : memref<512xf32, #tpu.memory_space<vmem>>, vector<16xf32>,
    %swap3A_96 = vector.shape_cast %swap3A_95 : vector<16xf32> to vector<16xf32>
    %swap3A_97 = vector.shape_cast %broadcast_in_dim3A_62 : vector<16xf32> to vector<16xf32>
    tpu.vector_store %arg12[%swap3A_94], %swap3A_97 {strides = array<i32>} : memref<512xf32, #tpu.memory_space<vmem>>, vector<16xf32>,
    %swap3A_98 = arith.constant 144 : index
    %swap3A_99 = tpu.vector_load %arg12[%swap3A_98] {strides = array<i32>} : memref<512xf32, #tpu.memory_space<vmem>>, vector<16xf32>,
    %swap3A_100 = vector.shape_cast %swap3A_99 : vector<16xf32> to vector<16xf32>
    %swap3A_101 = vector.shape_cast %broadcast_in_dim3A_62 : vector<16xf32> to vector<16xf32>
    tpu.vector_store %arg12[%swap3A_98], %swap3A_101 {strides = array<i32>} : memref<512xf32, #tpu.memory_space<vmem>>, vector<16xf32>,
    %swap3A_102 = arith.constant 160 : index
    %swap3A_103 = tpu.vector_load %arg12[%swap3A_102] {strides = array<i32>} : memref<512xf32, #tpu.memory_space<vmem>>, vector<16xf32>,
    %swap3A_104 = vector.shape_cast %swap3A_103 : vector<16xf32> to vector<16xf32>
    %swap3A_105 = vector.shape_cast %broadcast_in_dim3A_62 : vector<16xf32> to vector<16xf32>
    tpu.vector_store %arg12[%swap3A_102], %swap3A_105 {strides = array<i32>} : memref<512xf32, #tpu.memory_space<vmem>>, vector<16xf32>,
    %swap3A_106 = arith.constant 176 : index
    %swap3A_107 = tpu.vector_load %arg12[%swap3A_106] {strides = array<i32>} : memref<512xf32, #tpu.memory_space<vmem>>, vector<16xf32>,
    %swap3A_108 = vector.shape_cast %swap3A_107 : vector<16xf32> to vector<16xf32>
    %swap3A_109 = vector.shape_cast %broadcast_in_dim3A_62 : vector<16xf32> to vector<16xf32>
    tpu.vector_store %arg12[%swap3A_106], %swap3A_109 {strides = array<i32>} : memref<512xf32, #tpu.memory_space<vmem>>, vector<16xf32>,
    %swap3A_110 = arith.constant 192 : index
    %swap3A_111 = tpu.vector_load %arg12[%swap3A_110] {strides = array<i32>} : memref<512xf32, #tpu.memory_space<vmem>>, vector<16xf32>,
    %swap3A_112 = vector.shape_cast %swap3A_111 : vector<16xf32> to vector<16xf32>
    %swap3A_113 = vector.shape_cast %broadcast_in_dim3A_62 : vector<16xf32> to vector<16xf32>
    tpu.vector_store %arg12[%swap3A_110], %swap3A_113 {strides = array<i32>} : memref<512xf32, #tpu.memory_space<vmem>>, vector<16xf32>,
    %swap3A_114 = arith.constant 208 : index
    %swap3A_115 = tpu.vector_load %arg12[%swap3A_114] {strides = array<i32>} : memref<512xf32, #tpu.memory_space<vmem>>, vector<16xf32>,
    %swap3A_116 = vector.shape_cast %swap3A_115 : vector<16xf32> to vector<16xf32>
    %swap3A_117 = vector.shape_cast %broadcast_in_dim3A_62 : vector<16xf32> to vector<16xf32>
    tpu.vector_store %arg12[%swap3A_114], %swap3A_117 {strides = array<i32>} : memref<512xf32, #tpu.memory_space<vmem>>, vector<16xf32>,
    %swap3A_118 = arith.constant 224 : index
    %swap3A_119 = tpu.vector_load %arg12[%swap3A_118] {strides = array<i32>} : memref<512xf32, #tpu.memory_space<vmem>>, vector<16xf32>,
    %swap3A_120 = vector.shape_cast %swap3A_119 : vector<16xf32> to vector<16xf32>
    %swap3A_121 = vector.shape_cast %broadcast_in_dim3A_62 : vector<16xf32> to vector<16xf32>
    tpu.vector_store %arg12[%swap3A_118], %swap3A_121 {strides = array<i32>} : memref<512xf32, #tpu.memory_space<vmem>>, vector<16xf32>,
    %swap3A_122 = arith.constant 240 : index
    %swap3A_123 = tpu.vector_load %arg12[%swap3A_122] {strides = array<i32>} : memref<512xf32, #tpu.memory_space<vmem>>, vector<16xf32>,
    %swap3A_124 = vector.shape_cast %swap3A_123 : vector<16xf32> to vector<16xf32>
    %swap3A_125 = vector.shape_cast %broadcast_in_dim3A_62 : vector<16xf32> to vector<16xf32>
    tpu.vector_store %arg12[%swap3A_122], %swap3A_125 {strides = array<i32>} : memref<512xf32, #tpu.memory_space<vmem>>, vector<16xf32>,
    %eq3A_126 = arith.constant 0 : i32
    %eq3A_127 = arith.cmpi eq, %arg0, %eq3A_126 : i32
    %convert_element_type3A_128 = arith.extui %eq3A_127 : i1 to i32
    %cond3A_129 = arith.constant 0 : i32
    %cond3A_130 = arith.cmpi ne, %convert_element_type3A_128, %cond3A_129 : i32
    scf.if %cond3A_130 {
      %add3A_459 = arith.constant 0 : i32
      %add3A_460 = arith.addi %mul3A_33, %add3A_459 : i32
      %dma_start3A_461 = arith.constant 0 : i32
      %dma_start3A_462 = arith.constant 0 : i32
      %dma_start3A_463 = tpu.memref_slice %arg9[%dma_start3A_461, %dma_start3A_462] : memref<112x256xf32, #tpu.memory_space<vmem>> -> memref<112x256xf32, #tpu.memory_space<vmem>>
      %dma_start3A_464 = arith.constant 0 : i32
      %dma_start3A_465 = tpu.memref_slice %arg3[%add3A_460, %dma_start3A_464] : memref<10000x256xf32, #tpu.memory_space<hbm>> -> memref<112x256xf32, #tpu.memory_space<hbm>>
      %dma_start3A_466 = arith.constant 0 : i32
      %dma_start3A_467 = arith.constant 0 : i32
      %dma_start3A_468 = tpu.memref_slice %arg9[%dma_start3A_466, %dma_start3A_467] : memref<112x256xf32, #tpu.memory_space<vmem>> -> memref<112x256xf32, #tpu.memory_space<vmem>>
      %dma_start3A_469 = arith.constant 0 : i32
      %dma_start3A_470 = tpu.memref_slice %arg3[%add3A_460, %dma_start3A_469] : memref<10000x256xf32, #tpu.memory_space<hbm>> -> memref<112x256xf32, #tpu.memory_space<hbm>>
      tpu.enqueue_dma source(%dma_start3A_470 : memref<112x256xf32, #tpu.memory_space<hbm>>) target(%dma_start3A_468 : memref<112x256xf32, #tpu.memory_space<vmem>>) target_semaphore(%arg15 : memref<!tpu.dma_semaphore, #tpu.memory_space<semaphore_mem>>)
      %add3A_471 = arith.constant 112 : i32
      %add3A_472 = arith.addi %mul3A_33, %add3A_471 : i32
      %dma_start3A_473 = arith.constant 0 : i32
      %dma_start3A_474 = arith.constant 0 : i32
      %dma_start3A_475 = tpu.memref_slice %arg10[%dma_start3A_473, %dma_start3A_474] : memref<112x256xf32, #tpu.memory_space<vmem>> -> memref<112x256xf32, #tpu.memory_space<vmem>>
      %dma_start3A_476 = arith.constant 0 : i32
      %dma_start3A_477 = tpu.memref_slice %arg3[%add3A_472, %dma_start3A_476] : memref<10000x256xf32, #tpu.memory_space<hbm>> -> memref<112x256xf32, #tpu.memory_space<hbm>>
      %dma_start3A_478 = arith.constant 0 : i32
      %dma_start3A_479 = arith.constant 0 : i32
      %dma_start3A_480 = tpu.memref_slice %arg10[%dma_start3A_478, %dma_start3A_479] : memref<112x256xf32, #tpu.memory_space<vmem>> -> memref<112x256xf32, #tpu.memory_space<vmem>>
      %dma_start3A_481 = arith.constant 0 : i32
      %dma_start3A_482 = tpu.memref_slice %arg3[%add3A_472, %dma_start3A_481] : memref<10000x256xf32, #tpu.memory_space<hbm>> -> memref<112x256xf32, #tpu.memory_space<hbm>>
      tpu.enqueue_dma source(%dma_start3A_482 : memref<112x256xf32, #tpu.memory_space<hbm>>) target(%dma_start3A_480 : memref<112x256xf32, #tpu.memory_space<vmem>>) target_semaphore(%arg16 : memref<!tpu.dma_semaphore, #tpu.memory_space<semaphore_mem>>)
    } else {
    }
    %dma_wait3A = arith.constant 0 : i32
    %dma_wait3A_131 = tpu.memref_slice %arg6[%dma_wait3A] : memref<1568xi32, #tpu.memory_space<vmem>> -> memref<112xi32, #tpu.memory_space<vmem>>
    %dma_wait3A_132 = arith.constant 0 : i32
    %dma_wait3A_133 = arith.constant 0 : i32
    %dma_wait3A_134 = tpu.memref_slice %arg2[%dma_wait3A_132, %dma_wait3A_133] : memref<100000x256xf32, #tpu.memory_space<hbm>> -> memref<100000x256xf32, #tpu.memory_space<hbm>>
    tpu.wait_indirect_dma semaphore(%arg13 : memref<!tpu.dma_semaphore, #tpu.memory_space<semaphore_mem>>) src(%dma_wait3A_134 : memref<100000x256xf32, #tpu.memory_space<hbm>>) dst(%arg7 : memref<112x256xf32, #tpu.memory_space<vmem>>)
    %broadcast_in_dim3A_135 = arith.constant 0.000000e+00 : f32
    %broadcast_in_dim3A_136 = vector.broadcast %broadcast_in_dim3A_135 : f32 to vector<16xf32>
    %broadcast_in_dim3A_137 = arith.constant 0.000000e+00 : f32
    %broadcast_in_dim3A_138 = vector.broadcast %broadcast_in_dim3A_137 : f32 to vector<16xf32>
    %broadcast_in_dim3A_139 = arith.constant 0.000000e+00 : f32
    %broadcast_in_dim3A_140 = vector.broadcast %broadcast_in_dim3A_139 : f32 to vector<16xf32>
    %broadcast_in_dim3A_141 = arith.constant 0.000000e+00 : f32
    %broadcast_in_dim3A_142 = vector.broadcast %broadcast_in_dim3A_141 : f32 to vector<16xf32>
    %broadcast_in_dim3A_143 = arith.constant 0.000000e+00 : f32
    %broadcast_in_dim3A_144 = vector.broadcast %broadcast_in_dim3A_143 : f32 to vector<16xf32>
    %broadcast_in_dim3A_145 = arith.constant 0.000000e+00 : f32
    %broadcast_in_dim3A_146 = vector.broadcast %broadcast_in_dim3A_145 : f32 to vector<16xf32>
    %broadcast_in_dim3A_147 = arith.constant 0.000000e+00 : f32
    %broadcast_in_dim3A_148 = vector.broadcast %broadcast_in_dim3A_147 : f32 to vector<16xf32>
    %broadcast_in_dim3A_149 = arith.constant 0.000000e+00 : f32
    %broadcast_in_dim3A_150 = vector.broadcast %broadcast_in_dim3A_149 : f32 to vector<16xf32>
    %broadcast_in_dim3A_151 = arith.constant 0.000000e+00 : f32
    %broadcast_in_dim3A_152 = vector.broadcast %broadcast_in_dim3A_151 : f32 to vector<16xf32>
    %broadcast_in_dim3A_153 = arith.constant 0.000000e+00 : f32
    %broadcast_in_dim3A_154 = vector.broadcast %broadcast_in_dim3A_153 : f32 to vector<16xf32>
    %broadcast_in_dim3A_155 = arith.constant 0.000000e+00 : f32
    %broadcast_in_dim3A_156 = vector.broadcast %broadcast_in_dim3A_155 : f32 to vector<16xf32>
    %broadcast_in_dim3A_157 = arith.constant 0.000000e+00 : f32
    %broadcast_in_dim3A_158 = vector.broadcast %broadcast_in_dim3A_157 : f32 to vector<16xf32>
    %broadcast_in_dim3A_159 = arith.constant 0.000000e+00 : f32
    %broadcast_in_dim3A_160 = vector.broadcast %broadcast_in_dim3A_159 : f32 to vector<16xf32>
    %broadcast_in_dim3A_161 = arith.constant 0.000000e+00 : f32
    %broadcast_in_dim3A_162 = vector.broadcast %broadcast_in_dim3A_161 : f32 to vector<16xf32>
    %broadcast_in_dim3A_163 = arith.constant 0.000000e+00 : f32
    %broadcast_in_dim3A_164 = vector.broadcast %broadcast_in_dim3A_163 : f32 to vector<16xf32>
    %broadcast_in_dim3A_165 = arith.constant 0.000000e+00 : f32
    %broadcast_in_dim3A_166 = vector.broadcast %broadcast_in_dim3A_165 : f32 to vector<16xf32>
    %scan3A_167 = arith.constant 0 : i32
    %scan3A_168 = arith.constant 112 : i32
    %scan3A_169 = arith.addi %scan3A_167, %scan3A_168 : i32
    %scan3A_170 = arith.constant 1 : i32
    %scan3A_171:16 = scf.for %scan3A_459 = %scan3A_167 to %scan3A_169 step %scan3A_170 iter_args(%scan3A_460 = %broadcast_in_dim3A_136, %scan3A_461 = %broadcast_in_dim3A_138, %scan3A_462 = %broadcast_in_dim3A_140, %scan3A_463 = %broadcast_in_dim3A_142, %scan3A_464 = %broadcast_in_dim3A_144, %scan3A_465 = %broadcast_in_dim3A_146, %scan3A_466 = %broadcast_in_dim3A_148, %scan3A_467 = %broadcast_in_dim3A_150, %scan3A_468 = %broadcast_in_dim3A_152, %scan3A_469 = %broadcast_in_dim3A_154, %scan3A_470 = %broadcast_in_dim3A_156, %scan3A_471 = %broadcast_in_dim3A_158, %scan3A_472 = %broadcast_in_dim3A_160, %scan3A_473 = %broadcast_in_dim3A_162, %scan3A_474 = %broadcast_in_dim3A_164, %scan3A_475 = %broadcast_in_dim3A_166) -> (vector<16xf32>, vector<16xf32>, vector<16xf32>, vector<16xf32>, vector<16xf32>, vector<16xf32>, vector<16xf32>, vector<16xf32>, vector<16xf32>, vector<16xf32>, vector<16xf32>, vector<16xf32>, vector<16xf32>, vector<16xf32>, vector<16xf32>, vector<16xf32>)  : i32 {
      %get3A_476 = arith.index_cast %scan3A_459 : i32 to index
      %get3A_477 = arith.constant 0 : index
      %get3A_478 = tpu.vector_load %arg7[%get3A_476, %get3A_477] {strides = array<i32>} : memref<112x256xf32, #tpu.memory_space<vmem>>, vector<1x16xf32>,
      %get3A_479 = vector.shape_cast %get3A_478 : vector<1x16xf32> to vector<16xf32>
      %add3A_480 = arith.addf %scan3A_460, %get3A_479 : vector<16xf32>
      %get3A_481 = arith.index_cast %scan3A_459 : i32 to index
      %get3A_482 = arith.constant 16 : index
      %get3A_483 = tpu.vector_load %arg7[%get3A_481, %get3A_482] {strides = array<i32>} : memref<112x256xf32, #tpu.memory_space<vmem>>, vector<1x16xf32>,
      %get3A_484 = vector.shape_cast %get3A_483 : vector<1x16xf32> to vector<16xf32>
      %add3A_485 = arith.addf %scan3A_461, %get3A_484 : vector<16xf32>
      %get3A_486 = arith.index_cast %scan3A_459 : i32 to index
      %get3A_487 = arith.constant 32 : index
      %get3A_488 = tpu.vector_load %arg7[%get3A_486, %get3A_487] {strides = array<i32>} : memref<112x256xf32, #tpu.memory_space<vmem>>, vector<1x16xf32>,
      %get3A_489 = vector.shape_cast %get3A_488 : vector<1x16xf32> to vector<16xf32>
      %add3A_490 = arith.addf %scan3A_462, %get3A_489 : vector<16xf32>
      %get3A_491 = arith.index_cast %scan3A_459 : i32 to index
      %get3A_492 = arith.constant 48 : index
      %get3A_493 = tpu.vector_load %arg7[%get3A_491, %get3A_492] {strides = array<i32>} : memref<112x256xf32, #tpu.memory_space<vmem>>, vector<1x16xf32>,
      %get3A_494 = vector.shape_cast %get3A_493 : vector<1x16xf32> to vector<16xf32>
      %add3A_495 = arith.addf %scan3A_463, %get3A_494 : vector<16xf32>
      %get3A_496 = arith.index_cast %scan3A_459 : i32 to index
      %get3A_497 = arith.constant 64 : index
      %get3A_498 = tpu.vector_load %arg7[%get3A_496, %get3A_497] {strides = array<i32>} : memref<112x256xf32, #tpu.memory_space<vmem>>, vector<1x16xf32>,
      %get3A_499 = vector.shape_cast %get3A_498 : vector<1x16xf32> to vector<16xf32>
      %add3A_500 = arith.addf %scan3A_464, %get3A_499 : vector<16xf32>
      %get3A_501 = arith.index_cast %scan3A_459 : i32 to index
      %get3A_502 = arith.constant 80 : index
      %get3A_503 = tpu.vector_load %arg7[%get3A_501, %get3A_502] {strides = array<i32>} : memref<112x256xf32, #tpu.memory_space<vmem>>, vector<1x16xf32>,
      %get3A_504 = vector.shape_cast %get3A_503 : vector<1x16xf32> to vector<16xf32>
      %add3A_505 = arith.addf %scan3A_465, %get3A_504 : vector<16xf32>
      %get3A_506 = arith.index_cast %scan3A_459 : i32 to index
      %get3A_507 = arith.constant 96 : index
      %get3A_508 = tpu.vector_load %arg7[%get3A_506, %get3A_507] {strides = array<i32>} : memref<112x256xf32, #tpu.memory_space<vmem>>, vector<1x16xf32>,
      %get3A_509 = vector.shape_cast %get3A_508 : vector<1x16xf32> to vector<16xf32>
      %add3A_510 = arith.addf %scan3A_466, %get3A_509 : vector<16xf32>
      %get3A_511 = arith.index_cast %scan3A_459 : i32 to index
      %get3A_512 = arith.constant 112 : index
      %get3A_513 = tpu.vector_load %arg7[%get3A_511, %get3A_512] {strides = array<i32>} : memref<112x256xf32, #tpu.memory_space<vmem>>, vector<1x16xf32>,
      %get3A_514 = vector.shape_cast %get3A_513 : vector<1x16xf32> to vector<16xf32>
      %add3A_515 = arith.addf %scan3A_467, %get3A_514 : vector<16xf32>
      %get3A_516 = arith.index_cast %scan3A_459 : i32 to index
      %get3A_517 = arith.constant 128 : index
      %get3A_518 = tpu.vector_load %arg7[%get3A_516, %get3A_517] {strides = array<i32>} : memref<112x256xf32, #tpu.memory_space<vmem>>, vector<1x16xf32>,
      %get3A_519 = vector.shape_cast %get3A_518 : vector<1x16xf32> to vector<16xf32>
      %add3A_520 = arith.addf %scan3A_468, %get3A_519 : vector<16xf32>
      %get3A_521 = arith.index_cast %scan3A_459 : i32 to index
      %get3A_522 = arith.constant 144 : index
      %get3A_523 = tpu.vector_load %arg7[%get3A_521, %get3A_522] {strides = array<i32>} : memref<112x256xf32, #tpu.memory_space<vmem>>, vector<1x16xf32>,
      %get3A_524 = vector.shape_cast %get3A_523 : vector<1x16xf32> to vector<16xf32>
      %add3A_525 = arith.addf %scan3A_469, %get3A_524 : vector<16xf32>
      %get3A_526 = arith.index_cast %scan3A_459 : i32 to index
      %get3A_527 = arith.constant 160 : index
      %get3A_528 = tpu.vector_load %arg7[%get3A_526, %get3A_527] {strides = array<i32>} : memref<112x256xf32, #tpu.memory_space<vmem>>, vector<1x16xf32>,
      %get3A_529 = vector.shape_cast %get3A_528 : vector<1x16xf32> to vector<16xf32>
      %add3A_530 = arith.addf %scan3A_470, %get3A_529 : vector<16xf32>
      %get3A_531 = arith.index_cast %scan3A_459 : i32 to index
      %get3A_532 = arith.constant 176 : index
      %get3A_533 = tpu.vector_load %arg7[%get3A_531, %get3A_532] {strides = array<i32>} : memref<112x256xf32, #tpu.memory_space<vmem>>, vector<1x16xf32>,
      %get3A_534 = vector.shape_cast %get3A_533 : vector<1x16xf32> to vector<16xf32>
      %add3A_535 = arith.addf %scan3A_471, %get3A_534 : vector<16xf32>
      %get3A_536 = arith.index_cast %scan3A_459 : i32 to index
      %get3A_537 = arith.constant 192 : index
      %get3A_538 = tpu.vector_load %arg7[%get3A_536, %get3A_537] {strides = array<i32>} : memref<112x256xf32, #tpu.memory_space<vmem>>, vector<1x16xf32>,
      %get3A_539 = vector.shape_cast %get3A_538 : vector<1x16xf32> to vector<16xf32>
      %add3A_540 = arith.addf %scan3A_472, %get3A_539 : vector<16xf32>
      %get3A_541 = arith.index_cast %scan3A_459 : i32 to index
      %get3A_542 = arith.constant 208 : index
      %get3A_543 = tpu.vector_load %arg7[%get3A_541, %get3A_542] {strides = array<i32>} : memref<112x256xf32, #tpu.memory_space<vmem>>, vector<1x16xf32>,
      %get3A_544 = vector.shape_cast %get3A_543 : vector<1x16xf32> to vector<16xf32>
      %add3A_545 = arith.addf %scan3A_473, %get3A_544 : vector<16xf32>
      %get3A_546 = arith.index_cast %scan3A_459 : i32 to index
      %get3A_547 = arith.constant 224 : index
      %get3A_548 = tpu.vector_load %arg7[%get3A_546, %get3A_547] {strides = array<i32>} : memref<112x256xf32, #tpu.memory_space<vmem>>, vector<1x16xf32>,
      %get3A_549 = vector.shape_cast %get3A_548 : vector<1x16xf32> to vector<16xf32>
      %add3A_550 = arith.addf %scan3A_474, %get3A_549 : vector<16xf32>
      %get3A_551 = arith.index_cast %scan3A_459 : i32 to index
      %get3A_552 = arith.constant 240 : index
      %get3A_553 = tpu.vector_load %arg7[%get3A_551, %get3A_552] {strides = array<i32>} : memref<112x256xf32, #tpu.memory_space<vmem>>, vector<1x16xf32>,
      %get3A_554 = vector.shape_cast %get3A_553 : vector<1x16xf32> to vector<16xf32>
      %add3A_555 = arith.addf %scan3A_475, %get3A_554 : vector<16xf32>
      scf.yield %add3A_480, %add3A_485, %add3A_490, %add3A_495, %add3A_500, %add3A_505, %add3A_510, %add3A_515, %add3A_520, %add3A_525, %add3A_530, %add3A_535, %add3A_540, %add3A_545, %add3A_550, %add3A_555 : vector<16xf32>, vector<16xf32>, vector<16xf32>, vector<16xf32>, vector<16xf32>, vector<16xf32>, vector<16xf32>, vector<16xf32>, vector<16xf32>, vector<16xf32>, vector<16xf32>, vector<16xf32>, vector<16xf32>, vector<16xf32>, vector<16xf32>, vector<16xf32>
    }
    %scan3A_172 = arith.constant 112 : i32
    %add3A_173 = arith.addf %scan3A_59#0, %scan3A_171#0 : vector<16xf32>
    %add3A_174 = arith.addf %scan3A_59#1, %scan3A_171#1 : vector<16xf32>
    %add3A_175 = arith.addf %scan3A_59#2, %scan3A_171#2 : vector<16xf32>
    %add3A_176 = arith.addf %scan3A_59#3, %scan3A_171#3 : vector<16xf32>
    %add3A_177 = arith.addf %scan3A_59#4, %scan3A_171#4 : vector<16xf32>
    %add3A_178 = arith.addf %scan3A_59#5, %scan3A_171#5 : vector<16xf32>
    %add3A_179 = arith.addf %scan3A_59#6, %scan3A_171#6 : vector<16xf32>
    %add3A_180 = arith.addf %scan3A_59#7, %scan3A_171#7 : vector<16xf32>
    %add3A_181 = arith.addf %scan3A_59#8, %scan3A_171#8 : vector<16xf32>
    %add3A_182 = arith.addf %scan3A_59#9, %scan3A_171#9 : vector<16xf32>
    %add3A_183 = arith.addf %scan3A_59#10, %scan3A_171#10 : vector<16xf32>
    %add3A_184 = arith.addf %scan3A_59#11, %scan3A_171#11 : vector<16xf32>
    %add3A_185 = arith.addf %scan3A_59#12, %scan3A_171#12 : vector<16xf32>
    %add3A_186 = arith.addf %scan3A_59#13, %scan3A_171#13 : vector<16xf32>
    %add3A_187 = arith.addf %scan3A_59#14, %scan3A_171#14 : vector<16xf32>
    %add3A_188 = arith.addf %scan3A_59#15, %scan3A_171#15 : vector<16xf32>
    %dma_wait3A_189 = arith.constant 0 : i32
    %dma_wait3A_190 = tpu.memref_slice %arg6[%dma_wait3A_189] : memref<1568xi32, #tpu.memory_space<vmem>> -> memref<112xi32, #tpu.memory_space<vmem>>
    %dma_wait3A_191 = arith.constant 0 : i32
    %dma_wait3A_192 = arith.constant 0 : i32
    %dma_wait3A_193 = tpu.memref_slice %arg2[%dma_wait3A_191, %dma_wait3A_192] : memref<100000x256xf32, #tpu.memory_space<hbm>> -> memref<100000x256xf32, #tpu.memory_space<hbm>>
    tpu.wait_indirect_dma semaphore(%arg14 : memref<!tpu.dma_semaphore, #tpu.memory_space<semaphore_mem>>) src(%dma_wait3A_193 : memref<100000x256xf32, #tpu.memory_space<hbm>>) dst(%arg8 : memref<112x256xf32, #tpu.memory_space<vmem>>)
    %broadcast_in_dim3A_194 = arith.constant 0.000000e+00 : f32
    %broadcast_in_dim3A_195 = vector.broadcast %broadcast_in_dim3A_194 : f32 to vector<16xf32>
    %broadcast_in_dim3A_196 = arith.constant 0.000000e+00 : f32
    %broadcast_in_dim3A_197 = vector.broadcast %broadcast_in_dim3A_196 : f32 to vector<16xf32>
    %broadcast_in_dim3A_198 = arith.constant 0.000000e+00 : f32
    %broadcast_in_dim3A_199 = vector.broadcast %broadcast_in_dim3A_198 : f32 to vector<16xf32>
    %broadcast_in_dim3A_200 = arith.constant 0.000000e+00 : f32
    %broadcast_in_dim3A_201 = vector.broadcast %broadcast_in_dim3A_200 : f32 to vector<16xf32>
    %broadcast_in_dim3A_202 = arith.constant 0.000000e+00 : f32
    %broadcast_in_dim3A_203 = vector.broadcast %broadcast_in_dim3A_202 : f32 to vector<16xf32>
    %broadcast_in_dim3A_204 = arith.constant 0.000000e+00 : f32
    %broadcast_in_dim3A_205 = vector.broadcast %broadcast_in_dim3A_204 : f32 to vector<16xf32>
    %broadcast_in_dim3A_206 = arith.constant 0.000000e+00 : f32
    %broadcast_in_dim3A_207 = vector.broadcast %broadcast_in_dim3A_206 : f32 to vector<16xf32>
    %broadcast_in_dim3A_208 = arith.constant 0.000000e+00 : f32
    %broadcast_in_dim3A_209 = vector.broadcast %broadcast_in_dim3A_208 : f32 to vector<16xf32>
    %broadcast_in_dim3A_210 = arith.constant 0.000000e+00 : f32
    %broadcast_in_dim3A_211 = vector.broadcast %broadcast_in_dim3A_210 : f32 to vector<16xf32>
    %broadcast_in_dim3A_212 = arith.constant 0.000000e+00 : f32
    %broadcast_in_dim3A_213 = vector.broadcast %broadcast_in_dim3A_212 : f32 to vector<16xf32>
    %broadcast_in_dim3A_214 = arith.constant 0.000000e+00 : f32
    %broadcast_in_dim3A_215 = vector.broadcast %broadcast_in_dim3A_214 : f32 to vector<16xf32>
    %broadcast_in_dim3A_216 = arith.constant 0.000000e+00 : f32
    %broadcast_in_dim3A_217 = vector.broadcast %broadcast_in_dim3A_216 : f32 to vector<16xf32>
    %broadcast_in_dim3A_218 = arith.constant 0.000000e+00 : f32
    %broadcast_in_dim3A_219 = vector.broadcast %broadcast_in_dim3A_218 : f32 to vector<16xf32>
    %broadcast_in_dim3A_220 = arith.constant 0.000000e+00 : f32
    %broadcast_in_dim3A_221 = vector.broadcast %broadcast_in_dim3A_220 : f32 to vector<16xf32>
    %broadcast_in_dim3A_222 = arith.constant 0.000000e+00 : f32
    %broadcast_in_dim3A_223 = vector.broadcast %broadcast_in_dim3A_222 : f32 to vector<16xf32>
    %broadcast_in_dim3A_224 = arith.constant 0.000000e+00 : f32
    %broadcast_in_dim3A_225 = vector.broadcast %broadcast_in_dim3A_224 : f32 to vector<16xf32>
    %scan3A_226 = arith.constant 0 : i32
    %scan3A_227 = arith.constant 112 : i32
    %scan3A_228 = arith.addi %scan3A_226, %scan3A_227 : i32
    %scan3A_229 = arith.constant 1 : i32
    %scan3A_230:16 = scf.for %scan3A_459 = %scan3A_226 to %scan3A_228 step %scan3A_229 iter_args(%scan3A_460 = %broadcast_in_dim3A_195, %scan3A_461 = %broadcast_in_dim3A_197, %scan3A_462 = %broadcast_in_dim3A_199, %scan3A_463 = %broadcast_in_dim3A_201, %scan3A_464 = %broadcast_in_dim3A_203, %scan3A_465 = %broadcast_in_dim3A_205, %scan3A_466 = %broadcast_in_dim3A_207, %scan3A_467 = %broadcast_in_dim3A_209, %scan3A_468 = %broadcast_in_dim3A_211, %scan3A_469 = %broadcast_in_dim3A_213, %scan3A_470 = %broadcast_in_dim3A_215, %scan3A_471 = %broadcast_in_dim3A_217, %scan3A_472 = %broadcast_in_dim3A_219, %scan3A_473 = %broadcast_in_dim3A_221, %scan3A_474 = %broadcast_in_dim3A_223, %scan3A_475 = %broadcast_in_dim3A_225) -> (vector<16xf32>, vector<16xf32>, vector<16xf32>, vector<16xf32>, vector<16xf32>, vector<16xf32>, vector<16xf32>, vector<16xf32>, vector<16xf32>, vector<16xf32>, vector<16xf32>, vector<16xf32>, vector<16xf32>, vector<16xf32>, vector<16xf32>, vector<16xf32>)  : i32 {
      %get3A_476 = arith.index_cast %scan3A_459 : i32 to index
      %get3A_477 = arith.constant 0 : index
      %get3A_478 = tpu.vector_load %arg8[%get3A_476, %get3A_477] {strides = array<i32>} : memref<112x256xf32, #tpu.memory_space<vmem>>, vector<1x16xf32>,
      %get3A_479 = vector.shape_cast %get3A_478 : vector<1x16xf32> to vector<16xf32>
      %add3A_480 = arith.addf %scan3A_460, %get3A_479 : vector<16xf32>
      %get3A_481 = arith.index_cast %scan3A_459 : i32 to index
      %get3A_482 = arith.constant 16 : index
      %get3A_483 = tpu.vector_load %arg8[%get3A_481, %get3A_482] {strides = array<i32>} : memref<112x256xf32, #tpu.memory_space<vmem>>, vector<1x16xf32>,
      %get3A_484 = vector.shape_cast %get3A_483 : vector<1x16xf32> to vector<16xf32>
      %add3A_485 = arith.addf %scan3A_461, %get3A_484 : vector<16xf32>
      %get3A_486 = arith.index_cast %scan3A_459 : i32 to index
      %get3A_487 = arith.constant 32 : index
      %get3A_488 = tpu.vector_load %arg8[%get3A_486, %get3A_487] {strides = array<i32>} : memref<112x256xf32, #tpu.memory_space<vmem>>, vector<1x16xf32>,
      %get3A_489 = vector.shape_cast %get3A_488 : vector<1x16xf32> to vector<16xf32>
      %add3A_490 = arith.addf %scan3A_462, %get3A_489 : vector<16xf32>
      %get3A_491 = arith.index_cast %scan3A_459 : i32 to index
      %get3A_492 = arith.constant 48 : index
      %get3A_493 = tpu.vector_load %arg8[%get3A_491, %get3A_492] {strides = array<i32>} : memref<112x256xf32, #tpu.memory_space<vmem>>, vector<1x16xf32>,
      %get3A_494 = vector.shape_cast %get3A_493 : vector<1x16xf32> to vector<16xf32>
      %add3A_495 = arith.addf %scan3A_463, %get3A_494 : vector<16xf32>
      %get3A_496 = arith.index_cast %scan3A_459 : i32 to index
      %get3A_497 = arith.constant 64 : index
      %get3A_498 = tpu.vector_load %arg8[%get3A_496, %get3A_497] {strides = array<i32>} : memref<112x256xf32, #tpu.memory_space<vmem>>, vector<1x16xf32>,
      %get3A_499 = vector.shape_cast %get3A_498 : vector<1x16xf32> to vector<16xf32>
      %add3A_500 = arith.addf %scan3A_464, %get3A_499 : vector<16xf32>
      %get3A_501 = arith.index_cast %scan3A_459 : i32 to index
      %get3A_502 = arith.constant 80 : index
      %get3A_503 = tpu.vector_load %arg8[%get3A_501, %get3A_502] {strides = array<i32>} : memref<112x256xf32, #tpu.memory_space<vmem>>, vector<1x16xf32>,
      %get3A_504 = vector.shape_cast %get3A_503 : vector<1x16xf32> to vector<16xf32>
      %add3A_505 = arith.addf %scan3A_465, %get3A_504 : vector<16xf32>
      %get3A_506 = arith.index_cast %scan3A_459 : i32 to index
      %get3A_507 = arith.constant 96 : index
      %get3A_508 = tpu.vector_load %arg8[%get3A_506, %get3A_507] {strides = array<i32>} : memref<112x256xf32, #tpu.memory_space<vmem>>, vector<1x16xf32>,
      %get3A_509 = vector.shape_cast %get3A_508 : vector<1x16xf32> to vector<16xf32>
      %add3A_510 = arith.addf %scan3A_466, %get3A_509 : vector<16xf32>
      %get3A_511 = arith.index_cast %scan3A_459 : i32 to index
      %get3A_512 = arith.constant 112 : index
      %get3A_513 = tpu.vector_load %arg8[%get3A_511, %get3A_512] {strides = array<i32>} : memref<112x256xf32, #tpu.memory_space<vmem>>, vector<1x16xf32>,
      %get3A_514 = vector.shape_cast %get3A_513 : vector<1x16xf32> to vector<16xf32>
      %add3A_515 = arith.addf %scan3A_467, %get3A_514 : vector<16xf32>
      %get3A_516 = arith.index_cast %scan3A_459 : i32 to index
      %get3A_517 = arith.constant 128 : index
      %get3A_518 = tpu.vector_load %arg8[%get3A_516, %get3A_517] {strides = array<i32>} : memref<112x256xf32, #tpu.memory_space<vmem>>, vector<1x16xf32>,
      %get3A_519 = vector.shape_cast %get3A_518 : vector<1x16xf32> to vector<16xf32>
      %add3A_520 = arith.addf %scan3A_468, %get3A_519 : vector<16xf32>
      %get3A_521 = arith.index_cast %scan3A_459 : i32 to index
      %get3A_522 = arith.constant 144 : index
      %get3A_523 = tpu.vector_load %arg8[%get3A_521, %get3A_522] {strides = array<i32>} : memref<112x256xf32, #tpu.memory_space<vmem>>, vector<1x16xf32>,
      %get3A_524 = vector.shape_cast %get3A_523 : vector<1x16xf32> to vector<16xf32>
      %add3A_525 = arith.addf %scan3A_469, %get3A_524 : vector<16xf32>
      %get3A_526 = arith.index_cast %scan3A_459 : i32 to index
      %get3A_527 = arith.constant 160 : index
      %get3A_528 = tpu.vector_load %arg8[%get3A_526, %get3A_527] {strides = array<i32>} : memref<112x256xf32, #tpu.memory_space<vmem>>, vector<1x16xf32>,
      %get3A_529 = vector.shape_cast %get3A_528 : vector<1x16xf32> to vector<16xf32>
      %add3A_530 = arith.addf %scan3A_470, %get3A_529 : vector<16xf32>
      %get3A_531 = arith.index_cast %scan3A_459 : i32 to index
      %get3A_532 = arith.constant 176 : index
      %get3A_533 = tpu.vector_load %arg8[%get3A_531, %get3A_532] {strides = array<i32>} : memref<112x256xf32, #tpu.memory_space<vmem>>, vector<1x16xf32>,
      %get3A_534 = vector.shape_cast %get3A_533 : vector<1x16xf32> to vector<16xf32>
      %add3A_535 = arith.addf %scan3A_471, %get3A_534 : vector<16xf32>
      %get3A_536 = arith.index_cast %scan3A_459 : i32 to index
      %get3A_537 = arith.constant 192 : index
      %get3A_538 = tpu.vector_load %arg8[%get3A_536, %get3A_537] {strides = array<i32>} : memref<112x256xf32, #tpu.memory_space<vmem>>, vector<1x16xf32>,
      %get3A_539 = vector.shape_cast %get3A_538 : vector<1x16xf32> to vector<16xf32>
      %add3A_540 = arith.addf %scan3A_472, %get3A_539 : vector<16xf32>
      %get3A_541 = arith.index_cast %scan3A_459 : i32 to index
      %get3A_542 = arith.constant 208 : index
      %get3A_543 = tpu.vector_load %arg8[%get3A_541, %get3A_542] {strides = array<i32>} : memref<112x256xf32, #tpu.memory_space<vmem>>, vector<1x16xf32>,
      %get3A_544 = vector.shape_cast %get3A_543 : vector<1x16xf32> to vector<16xf32>
      %add3A_545 = arith.addf %scan3A_473, %get3A_544 : vector<16xf32>
      %get3A_546 = arith.index_cast %scan3A_459 : i32 to index
      %get3A_547 = arith.constant 224 : index
      %get3A_548 = tpu.vector_load %arg8[%get3A_546, %get3A_547] {strides = array<i32>} : memref<112x256xf32, #tpu.memory_space<vmem>>, vector<1x16xf32>,
      %get3A_549 = vector.shape_cast %get3A_548 : vector<1x16xf32> to vector<16xf32>
      %add3A_550 = arith.addf %scan3A_474, %get3A_549 : vector<16xf32>
      %get3A_551 = arith.index_cast %scan3A_459 : i32 to index
      %get3A_552 = arith.constant 240 : index
      %get3A_553 = tpu.vector_load %arg8[%get3A_551, %get3A_552] {strides = array<i32>} : memref<112x256xf32, #tpu.memory_space<vmem>>, vector<1x16xf32>,
      %get3A_554 = vector.shape_cast %get3A_553 : vector<1x16xf32> to vector<16xf32>
      %add3A_555 = arith.addf %scan3A_475, %get3A_554 : vector<16xf32>
      scf.yield %add3A_480, %add3A_485, %add3A_490, %add3A_495, %add3A_500, %add3A_505, %add3A_510, %add3A_515, %add3A_520, %add3A_525, %add3A_530, %add3A_535, %add3A_540, %add3A_545, %add3A_550, %add3A_555 : vector<16xf32>, vector<16xf32>, vector<16xf32>, vector<16xf32>, vector<16xf32>, vector<16xf32>, vector<16xf32>, vector<16xf32>, vector<16xf32>, vector<16xf32>, vector<16xf32>, vector<16xf32>, vector<16xf32>, vector<16xf32>, vector<16xf32>, vector<16xf32>
    }
    %scan3A_231 = arith.constant 112 : i32
    %add3A_232 = arith.addf %add3A_173, %scan3A_230#0 : vector<16xf32>
    %add3A_233 = arith.addf %add3A_174, %scan3A_230#1 : vector<16xf32>
    %add3A_234 = arith.addf %add3A_175, %scan3A_230#2 : vector<16xf32>
    %add3A_235 = arith.addf %add3A_176, %scan3A_230#3 : vector<16xf32>
    %add3A_236 = arith.addf %add3A_177, %scan3A_230#4 : vector<16xf32>
    %add3A_237 = arith.addf %add3A_178, %scan3A_230#5 : vector<16xf32>
    %add3A_238 = arith.addf %add3A_179, %scan3A_230#6 : vector<16xf32>
    %add3A_239 = arith.addf %add3A_180, %scan3A_230#7 : vector<16xf32>
    %add3A_240 = arith.addf %add3A_181, %scan3A_230#8 : vector<16xf32>
    %add3A_241 = arith.addf %add3A_182, %scan3A_230#9 : vector<16xf32>
    %add3A_242 = arith.addf %add3A_183, %scan3A_230#10 : vector<16xf32>
    %add3A_243 = arith.addf %add3A_184, %scan3A_230#11 : vector<16xf32>
    %add3A_244 = arith.addf %add3A_185, %scan3A_230#12 : vector<16xf32>
    %add3A_245 = arith.addf %add3A_186, %scan3A_230#13 : vector<16xf32>
    %add3A_246 = arith.addf %add3A_187, %scan3A_230#14 : vector<16xf32>
    %add3A_247 = arith.addf %add3A_188, %scan3A_230#15 : vector<16xf32>
    "tpu.region"() ({
      %run_scoped3A = tpu.sem_alloc : memref<!tpu.dma_semaphore, #tpu.memory_space<semaphore_mem>>
      %dma_start3A_459 = arith.constant 0 : i32
      %dma_start3A_460 = arith.constant 0 : i32
      %dma_start3A_461 = tpu.memref_slice %arg2[%dma_start3A_459, %dma_start3A_460] : memref<100000x256xf32, #tpu.memory_space<hbm>> -> memref<1x256xf32, #tpu.memory_space<hbm>>
      %dma_start3A_462 = arith.constant 0 : i32
      %dma_start3A_463 = arith.constant 0 : i32
      %dma_start3A_464 = tpu.memref_slice %arg2[%dma_start3A_462, %dma_start3A_463] : memref<100000x256xf32, #tpu.memory_space<hbm>> -> memref<1x256xf32, #tpu.memory_space<hbm>>
      tpu.enqueue_dma source(%dma_start3A_464 : memref<1x256xf32, #tpu.memory_space<hbm>>) target(%arg11 : memref<1x256xf32, #tpu.memory_space<vmem>>) target_semaphore(%run_scoped3A : memref<!tpu.dma_semaphore, #tpu.memory_space<semaphore_mem>>)
      %dma_wait3A_465 = arith.constant 0 : i32
      %dma_wait3A_466 = arith.constant 0 : i32
      %dma_wait3A_467 = tpu.memref_slice %arg2[%dma_wait3A_465, %dma_wait3A_466] : memref<100000x256xf32, #tpu.memory_space<hbm>> -> memref<1x256xf32, #tpu.memory_space<hbm>>
      %dma_wait3A_468 = arith.constant 0 : i32
      %dma_wait3A_469 = arith.constant 0 : i32
      %dma_wait3A_470 = tpu.memref_slice %arg2[%dma_wait3A_468, %dma_wait3A_469] : memref<100000x256xf32, #tpu.memory_space<hbm>> -> memref<1x256xf32, #tpu.memory_space<hbm>>
      tpu.wait_dma2 semaphore(%run_scoped3A : memref<!tpu.dma_semaphore, #tpu.memory_space<semaphore_mem>>) src(%dma_wait3A_470 : memref<1x256xf32, #tpu.memory_space<hbm>>) dst(%arg11 : memref<1x256xf32, #tpu.memory_space<vmem>>)
      tpu.yield
    }) : () -> ()
    %get3A = arith.constant 0 : i32
    %get3A_248 = arith.index_cast %get3A : i32 to index
    %get3A_249 = arith.constant 0 : index
    %get3A_250 = tpu.vector_load %arg11[%get3A_248, %get3A_249] {strides = array<i32>} : memref<1x256xf32, #tpu.memory_space<vmem>>, vector<1x16xf32>,
    %get3A_251 = vector.shape_cast %get3A_250 : vector<1x16xf32> to vector<16xf32>
    %mul3A_252 = arith.constant 5.500000e+00 : f32
    %mul3A_253 = vector.broadcast %mul3A_252 : f32 to vector<16xf32>
    %mul3A_254 = arith.mulf %mul3A_253, %get3A_251 : vector<16xf32>
    %sub3A = arith.subf %add3A_232, %mul3A_254 : vector<16xf32>
    %get3A_255 = arith.constant 0 : i32
    %get3A_256 = arith.index_cast %get3A_255 : i32 to index
    %get3A_257 = arith.constant 16 : index
    %get3A_258 = tpu.vector_load %arg11[%get3A_256, %get3A_257] {strides = array<i32>} : memref<1x256xf32, #tpu.memory_space<vmem>>, vector<1x16xf32>,
    %get3A_259 = vector.shape_cast %get3A_258 : vector<1x16xf32> to vector<16xf32>
    %mul3A_260 = arith.constant 5.500000e+00 : f32
    %mul3A_261 = vector.broadcast %mul3A_260 : f32 to vector<16xf32>
    %mul3A_262 = arith.mulf %mul3A_261, %get3A_259 : vector<16xf32>
    %sub3A_263 = arith.subf %add3A_233, %mul3A_262 : vector<16xf32>
    %get3A_264 = arith.constant 0 : i32
    %get3A_265 = arith.index_cast %get3A_264 : i32 to index
    %get3A_266 = arith.constant 32 : index
    %get3A_267 = tpu.vector_load %arg11[%get3A_265, %get3A_266] {strides = array<i32>} : memref<1x256xf32, #tpu.memory_space<vmem>>, vector<1x16xf32>,
    %get3A_268 = vector.shape_cast %get3A_267 : vector<1x16xf32> to vector<16xf32>
    %mul3A_269 = arith.constant 5.500000e+00 : f32
    %mul3A_270 = vector.broadcast %mul3A_269 : f32 to vector<16xf32>
    %mul3A_271 = arith.mulf %mul3A_270, %get3A_268 : vector<16xf32>
    %sub3A_272 = arith.subf %add3A_234, %mul3A_271 : vector<16xf32>
    %get3A_273 = arith.constant 0 : i32
    %get3A_274 = arith.index_cast %get3A_273 : i32 to index
    %get3A_275 = arith.constant 48 : index
    %get3A_276 = tpu.vector_load %arg11[%get3A_274, %get3A_275] {strides = array<i32>} : memref<1x256xf32, #tpu.memory_space<vmem>>, vector<1x16xf32>,
    %get3A_277 = vector.shape_cast %get3A_276 : vector<1x16xf32> to vector<16xf32>
    %mul3A_278 = arith.constant 5.500000e+00 : f32
    %mul3A_279 = vector.broadcast %mul3A_278 : f32 to vector<16xf32>
    %mul3A_280 = arith.mulf %mul3A_279, %get3A_277 : vector<16xf32>
    %sub3A_281 = arith.subf %add3A_235, %mul3A_280 : vector<16xf32>
    %get3A_282 = arith.constant 0 : i32
    %get3A_283 = arith.index_cast %get3A_282 : i32 to index
    %get3A_284 = arith.constant 64 : index
    %get3A_285 = tpu.vector_load %arg11[%get3A_283, %get3A_284] {strides = array<i32>} : memref<1x256xf32, #tpu.memory_space<vmem>>, vector<1x16xf32>,
    %get3A_286 = vector.shape_cast %get3A_285 : vector<1x16xf32> to vector<16xf32>
    %mul3A_287 = arith.constant 5.500000e+00 : f32
    %mul3A_288 = vector.broadcast %mul3A_287 : f32 to vector<16xf32>
    %mul3A_289 = arith.mulf %mul3A_288, %get3A_286 : vector<16xf32>
    %sub3A_290 = arith.subf %add3A_236, %mul3A_289 : vector<16xf32>
    %get3A_291 = arith.constant 0 : i32
    %get3A_292 = arith.index_cast %get3A_291 : i32 to index
    %get3A_293 = arith.constant 80 : index
    %get3A_294 = tpu.vector_load %arg11[%get3A_292, %get3A_293] {strides = array<i32>} : memref<1x256xf32, #tpu.memory_space<vmem>>, vector<1x16xf32>,
    %get3A_295 = vector.shape_cast %get3A_294 : vector<1x16xf32> to vector<16xf32>
    %mul3A_296 = arith.constant 5.500000e+00 : f32
    %mul3A_297 = vector.broadcast %mul3A_296 : f32 to vector<16xf32>
    %mul3A_298 = arith.mulf %mul3A_297, %get3A_295 : vector<16xf32>
    %sub3A_299 = arith.subf %add3A_237, %mul3A_298 : vector<16xf32>
    %get3A_300 = arith.constant 0 : i32
    %get3A_301 = arith.index_cast %get3A_300 : i32 to index
    %get3A_302 = arith.constant 96 : index
    %get3A_303 = tpu.vector_load %arg11[%get3A_301, %get3A_302] {strides = array<i32>} : memref<1x256xf32, #tpu.memory_space<vmem>>, vector<1x16xf32>,
    %get3A_304 = vector.shape_cast %get3A_303 : vector<1x16xf32> to vector<16xf32>
    %mul3A_305 = arith.constant 5.500000e+00 : f32
    %mul3A_306 = vector.broadcast %mul3A_305 : f32 to vector<16xf32>
    %mul3A_307 = arith.mulf %mul3A_306, %get3A_304 : vector<16xf32>
    %sub3A_308 = arith.subf %add3A_238, %mul3A_307 : vector<16xf32>
    %get3A_309 = arith.constant 0 : i32
    %get3A_310 = arith.index_cast %get3A_309 : i32 to index
    %get3A_311 = arith.constant 112 : index
    %get3A_312 = tpu.vector_load %arg11[%get3A_310, %get3A_311] {strides = array<i32>} : memref<1x256xf32, #tpu.memory_space<vmem>>, vector<1x16xf32>,
    %get3A_313 = vector.shape_cast %get3A_312 : vector<1x16xf32> to vector<16xf32>
    %mul3A_314 = arith.constant 5.500000e+00 : f32
    %mul3A_315 = vector.broadcast %mul3A_314 : f32 to vector<16xf32>
    %mul3A_316 = arith.mulf %mul3A_315, %get3A_313 : vector<16xf32>
    %sub3A_317 = arith.subf %add3A_239, %mul3A_316 : vector<16xf32>
    %get3A_318 = arith.constant 0 : i32
    %get3A_319 = arith.index_cast %get3A_318 : i32 to index
    %get3A_320 = arith.constant 128 : index
    %get3A_321 = tpu.vector_load %arg11[%get3A_319, %get3A_320] {strides = array<i32>} : memref<1x256xf32, #tpu.memory_space<vmem>>, vector<1x16xf32>,
    %get3A_322 = vector.shape_cast %get3A_321 : vector<1x16xf32> to vector<16xf32>
    %mul3A_323 = arith.constant 5.500000e+00 : f32
    %mul3A_324 = vector.broadcast %mul3A_323 : f32 to vector<16xf32>
    %mul3A_325 = arith.mulf %mul3A_324, %get3A_322 : vector<16xf32>
    %sub3A_326 = arith.subf %add3A_240, %mul3A_325 : vector<16xf32>
    %get3A_327 = arith.constant 0 : i32
    %get3A_328 = arith.index_cast %get3A_327 : i32 to index
    %get3A_329 = arith.constant 144 : index
    %get3A_330 = tpu.vector_load %arg11[%get3A_328, %get3A_329] {strides = array<i32>} : memref<1x256xf32, #tpu.memory_space<vmem>>, vector<1x16xf32>,
    %get3A_331 = vector.shape_cast %get3A_330 : vector<1x16xf32> to vector<16xf32>
    %mul3A_332 = arith.constant 5.500000e+00 : f32
    %mul3A_333 = vector.broadcast %mul3A_332 : f32 to vector<16xf32>
    %mul3A_334 = arith.mulf %mul3A_333, %get3A_331 : vector<16xf32>
    %sub3A_335 = arith.subf %add3A_241, %mul3A_334 : vector<16xf32>
    %get3A_336 = arith.constant 0 : i32
    %get3A_337 = arith.index_cast %get3A_336 : i32 to index
    %get3A_338 = arith.constant 160 : index
    %get3A_339 = tpu.vector_load %arg11[%get3A_337, %get3A_338] {strides = array<i32>} : memref<1x256xf32, #tpu.memory_space<vmem>>, vector<1x16xf32>,
    %get3A_340 = vector.shape_cast %get3A_339 : vector<1x16xf32> to vector<16xf32>
    %mul3A_341 = arith.constant 5.500000e+00 : f32
    %mul3A_342 = vector.broadcast %mul3A_341 : f32 to vector<16xf32>
    %mul3A_343 = arith.mulf %mul3A_342, %get3A_340 : vector<16xf32>
    %sub3A_344 = arith.subf %add3A_242, %mul3A_343 : vector<16xf32>
    %get3A_345 = arith.constant 0 : i32
    %get3A_346 = arith.index_cast %get3A_345 : i32 to index
    %get3A_347 = arith.constant 176 : index
    %get3A_348 = tpu.vector_load %arg11[%get3A_346, %get3A_347] {strides = array<i32>} : memref<1x256xf32, #tpu.memory_space<vmem>>, vector<1x16xf32>,
    %get3A_349 = vector.shape_cast %get3A_348 : vector<1x16xf32> to vector<16xf32>
    %mul3A_350 = arith.constant 5.500000e+00 : f32
    %mul3A_351 = vector.broadcast %mul3A_350 : f32 to vector<16xf32>
    %mul3A_352 = arith.mulf %mul3A_351, %get3A_349 : vector<16xf32>
    %sub3A_353 = arith.subf %add3A_243, %mul3A_352 : vector<16xf32>
    %get3A_354 = arith.constant 0 : i32
    %get3A_355 = arith.index_cast %get3A_354 : i32 to index
    %get3A_356 = arith.constant 192 : index
    %get3A_357 = tpu.vector_load %arg11[%get3A_355, %get3A_356] {strides = array<i32>} : memref<1x256xf32, #tpu.memory_space<vmem>>, vector<1x16xf32>,
    %get3A_358 = vector.shape_cast %get3A_357 : vector<1x16xf32> to vector<16xf32>
    %mul3A_359 = arith.constant 5.500000e+00 : f32
    %mul3A_360 = vector.broadcast %mul3A_359 : f32 to vector<16xf32>
    %mul3A_361 = arith.mulf %mul3A_360, %get3A_358 : vector<16xf32>
    %sub3A_362 = arith.subf %add3A_244, %mul3A_361 : vector<16xf32>
    %get3A_363 = arith.constant 0 : i32
    %get3A_364 = arith.index_cast %get3A_363 : i32 to index
    %get3A_365 = arith.constant 208 : index
    %get3A_366 = tpu.vector_load %arg11[%get3A_364, %get3A_365] {strides = array<i32>} : memref<1x256xf32, #tpu.memory_space<vmem>>, vector<1x16xf32>,
    %get3A_367 = vector.shape_cast %get3A_366 : vector<1x16xf32> to vector<16xf32>
    %mul3A_368 = arith.constant 5.500000e+00 : f32
    %mul3A_369 = vector.broadcast %mul3A_368 : f32 to vector<16xf32>
    %mul3A_370 = arith.mulf %mul3A_369, %get3A_367 : vector<16xf32>
    %sub3A_371 = arith.subf %add3A_245, %mul3A_370 : vector<16xf32>
    %get3A_372 = arith.constant 0 : i32
    %get3A_373 = arith.index_cast %get3A_372 : i32 to index
    %get3A_374 = arith.constant 224 : index
    %get3A_375 = tpu.vector_load %arg11[%get3A_373, %get3A_374] {strides = array<i32>} : memref<1x256xf32, #tpu.memory_space<vmem>>, vector<1x16xf32>,
    %get3A_376 = vector.shape_cast %get3A_375 : vector<1x16xf32> to vector<16xf32>
    %mul3A_377 = arith.constant 5.500000e+00 : f32
    %mul3A_378 = vector.broadcast %mul3A_377 : f32 to vector<16xf32>
    %mul3A_379 = arith.mulf %mul3A_378, %get3A_376 : vector<16xf32>
    %sub3A_380 = arith.subf %add3A_246, %mul3A_379 : vector<16xf32>
    %get3A_381 = arith.constant 0 : i32
    %get3A_382 = arith.index_cast %get3A_381 : i32 to index
    %get3A_383 = arith.constant 240 : index
    %get3A_384 = tpu.vector_load %arg11[%get3A_382, %get3A_383] {strides = array<i32>} : memref<1x256xf32, #tpu.memory_space<vmem>>, vector<1x16xf32>,
    %get3A_385 = vector.shape_cast %get3A_384 : vector<1x16xf32> to vector<16xf32>
    %mul3A_386 = arith.constant 5.500000e+00 : f32
    %mul3A_387 = vector.broadcast %mul3A_386 : f32 to vector<16xf32>
    %mul3A_388 = arith.mulf %mul3A_387, %get3A_385 : vector<16xf32>
    %sub3A_389 = arith.subf %add3A_247, %mul3A_388 : vector<16xf32>
    %eq3A_390 = arith.constant 0 : i32
    %eq3A_391 = arith.cmpi eq, %arg0, %eq3A_390 : i32
    %convert_element_type3A_392 = arith.extui %eq3A_391 : i1 to i32
    %cond3A_393 = arith.constant 0 : i32
    %cond3A_394 = arith.cmpi ne, %convert_element_type3A_392, %cond3A_393 : i32
    scf.if %cond3A_394 {
      %add3A_459 = arith.constant 224 : i32
      %add3A_460 = arith.addi %mul3A_33, %add3A_459 : i32
      %dma_start3A_461 = arith.constant 0 : i32
      %dma_start3A_462 = arith.constant 0 : i32
      %dma_start3A_463 = tpu.memref_slice %arg7[%dma_start3A_461, %dma_start3A_462] : memref<112x256xf32, #tpu.memory_space<vmem>> -> memref<112x256xf32, #tpu.memory_space<vmem>>
      %dma_start3A_464 = arith.constant 0 : i32
      %dma_start3A_465 = tpu.memref_slice %arg3[%add3A_460, %dma_start3A_464] : memref<10000x256xf32, #tpu.memory_space<hbm>> -> memref<112x256xf32, #tpu.memory_space<hbm>>
      %dma_start3A_466 = arith.constant 0 : i32
      %dma_start3A_467 = arith.constant 0 : i32
      %dma_start3A_468 = tpu.memref_slice %arg7[%dma_start3A_466, %dma_start3A_467] : memref<112x256xf32, #tpu.memory_space<vmem>> -> memref<112x256xf32, #tpu.memory_space<vmem>>
      %dma_start3A_469 = arith.constant 0 : i32
      %dma_start3A_470 = tpu.memref_slice %arg3[%add3A_460, %dma_start3A_469] : memref<10000x256xf32, #tpu.memory_space<hbm>> -> memref<112x256xf32, #tpu.memory_space<hbm>>
      tpu.enqueue_dma source(%dma_start3A_470 : memref<112x256xf32, #tpu.memory_space<hbm>>) target(%dma_start3A_468 : memref<112x256xf32, #tpu.memory_space<vmem>>) target_semaphore(%arg13 : memref<!tpu.dma_semaphore, #tpu.memory_space<semaphore_mem>>)
      %dma_wait3A_471 = arith.constant 0 : i32
      %dma_wait3A_472 = arith.constant 0 : i32
      %dma_wait3A_473 = tpu.memref_slice %arg9[%dma_wait3A_471, %dma_wait3A_472] : memref<112x256xf32, #tpu.memory_space<vmem>> -> memref<112x256xf32, #tpu.memory_space<vmem>>
      %dma_wait3A_474 = arith.constant 0 : i32
      %dma_wait3A_475 = tpu.memref_slice %arg3[%mul3A_33, %dma_wait3A_474] : memref<10000x256xf32, #tpu.memory_space<hbm>> -> memref<112x256xf32, #tpu.memory_space<hbm>>
      %dma_wait3A_476 = arith.constant 0 : i32
      %dma_wait3A_477 = arith.constant 0 : i32
      %dma_wait3A_478 = tpu.memref_slice %arg9[%dma_wait3A_476, %dma_wait3A_477] : memref<112x256xf32, #tpu.memory_space<vmem>> -> memref<112x256xf32, #tpu.memory_space<vmem>>
      %dma_wait3A_479 = arith.constant 0 : i32
      %dma_wait3A_480 = tpu.memref_slice %arg3[%mul3A_33, %dma_wait3A_479] : memref<10000x256xf32, #tpu.memory_space<hbm>> -> memref<112x256xf32, #tpu.memory_space<hbm>>
      tpu.wait_dma2 semaphore(%arg15 : memref<!tpu.dma_semaphore, #tpu.memory_space<semaphore_mem>>) src(%dma_wait3A_480 : memref<112x256xf32, #tpu.memory_space<hbm>>) dst(%dma_wait3A_478 : memref<112x256xf32, #tpu.memory_space<vmem>>)
      %broadcast_in_dim3A_481 = arith.constant 0.000000e+00 : f32
      %broadcast_in_dim3A_482 = vector.broadcast %broadcast_in_dim3A_481 : f32 to vector<16xf32>
      %broadcast_in_dim3A_483 = arith.constant 0.000000e+00 : f32
      %broadcast_in_dim3A_484 = vector.broadcast %broadcast_in_dim3A_483 : f32 to vector<16xf32>
      %broadcast_in_dim3A_485 = arith.constant 0.000000e+00 : f32
      %broadcast_in_dim3A_486 = vector.broadcast %broadcast_in_dim3A_485 : f32 to vector<16xf32>
      %broadcast_in_dim3A_487 = arith.constant 0.000000e+00 : f32
      %broadcast_in_dim3A_488 = vector.broadcast %broadcast_in_dim3A_487 : f32 to vector<16xf32>
      %broadcast_in_dim3A_489 = arith.constant 0.000000e+00 : f32
      %broadcast_in_dim3A_490 = vector.broadcast %broadcast_in_dim3A_489 : f32 to vector<16xf32>
      %broadcast_in_dim3A_491 = arith.constant 0.000000e+00 : f32
      %broadcast_in_dim3A_492 = vector.broadcast %broadcast_in_dim3A_491 : f32 to vector<16xf32>
      %broadcast_in_dim3A_493 = arith.constant 0.000000e+00 : f32
      %broadcast_in_dim3A_494 = vector.broadcast %broadcast_in_dim3A_493 : f32 to vector<16xf32>
      %broadcast_in_dim3A_495 = arith.constant 0.000000e+00 : f32
      %broadcast_in_dim3A_496 = vector.broadcast %broadcast_in_dim3A_495 : f32 to vector<16xf32>
      %broadcast_in_dim3A_497 = arith.constant 0.000000e+00 : f32
      %broadcast_in_dim3A_498 = vector.broadcast %broadcast_in_dim3A_497 : f32 to vector<16xf32>
      %broadcast_in_dim3A_499 = arith.constant 0.000000e+00 : f32
      %broadcast_in_dim3A_500 = vector.broadcast %broadcast_in_dim3A_499 : f32 to vector<16xf32>
      %broadcast_in_dim3A_501 = arith.constant 0.000000e+00 : f32
      %broadcast_in_dim3A_502 = vector.broadcast %broadcast_in_dim3A_501 : f32 to vector<16xf32>
      %broadcast_in_dim3A_503 = arith.constant 0.000000e+00 : f32
      %broadcast_in_dim3A_504 = vector.broadcast %broadcast_in_dim3A_503 : f32 to vector<16xf32>
      %broadcast_in_dim3A_505 = arith.constant 0.000000e+00 : f32
      %broadcast_in_dim3A_506 = vector.broadcast %broadcast_in_dim3A_505 : f32 to vector<16xf32>
      %broadcast_in_dim3A_507 = arith.constant 0.000000e+00 : f32
      %broadcast_in_dim3A_508 = vector.broadcast %broadcast_in_dim3A_507 : f32 to vector<16xf32>
      %broadcast_in_dim3A_509 = arith.constant 0.000000e+00 : f32
      %broadcast_in_dim3A_510 = vector.broadcast %broadcast_in_dim3A_509 : f32 to vector<16xf32>
      %broadcast_in_dim3A_511 = arith.constant 0.000000e+00 : f32
      %broadcast_in_dim3A_512 = vector.broadcast %broadcast_in_dim3A_511 : f32 to vector<16xf32>
      %scan3A_513 = arith.constant 0 : i32
      %scan3A_514 = arith.constant 112 : i32
      %scan3A_515 = arith.addi %scan3A_513, %scan3A_514 : i32
      %scan3A_516 = arith.constant 1 : i32
      %scan3A_517:16 = scf.for %scan3A_1053 = %scan3A_513 to %scan3A_515 step %scan3A_516 iter_args(%scan3A_1054 = %broadcast_in_dim3A_482, %scan3A_1055 = %broadcast_in_dim3A_484, %scan3A_1056 = %broadcast_in_dim3A_486, %scan3A_1057 = %broadcast_in_dim3A_488, %scan3A_1058 = %broadcast_in_dim3A_490, %scan3A_1059 = %broadcast_in_dim3A_492, %scan3A_1060 = %broadcast_in_dim3A_494, %scan3A_1061 = %broadcast_in_dim3A_496, %scan3A_1062 = %broadcast_in_dim3A_498, %scan3A_1063 = %broadcast_in_dim3A_500, %scan3A_1064 = %broadcast_in_dim3A_502, %scan3A_1065 = %broadcast_in_dim3A_504, %scan3A_1066 = %broadcast_in_dim3A_506, %scan3A_1067 = %broadcast_in_dim3A_508, %scan3A_1068 = %broadcast_in_dim3A_510, %scan3A_1069 = %broadcast_in_dim3A_512) -> (vector<16xf32>, vector<16xf32>, vector<16xf32>, vector<16xf32>, vector<16xf32>, vector<16xf32>, vector<16xf32>, vector<16xf32>, vector<16xf32>, vector<16xf32>, vector<16xf32>, vector<16xf32>, vector<16xf32>, vector<16xf32>, vector<16xf32>, vector<16xf32>)  : i32 {
        %get3A_1070 = arith.index_cast %scan3A_1053 : i32 to index
        %get3A_1071 = arith.constant 0 : index
        %get3A_1072 = tpu.vector_load %arg9[%get3A_1070, %get3A_1071] {strides = array<i32>} : memref<112x256xf32, #tpu.memory_space<vmem>>, vector<1x16xf32>,
        %get3A_1073 = vector.shape_cast %get3A_1072 : vector<1x16xf32> to vector<16xf32>
        %add3A_1074 = arith.addf %scan3A_1054, %get3A_1073 : vector<16xf32>
        %get3A_1075 = arith.index_cast %scan3A_1053 : i32 to index
        %get3A_1076 = arith.constant 16 : index
        %get3A_1077 = tpu.vector_load %arg9[%get3A_1075, %get3A_1076] {strides = array<i32>} : memref<112x256xf32, #tpu.memory_space<vmem>>, vector<1x16xf32>,
        %get3A_1078 = vector.shape_cast %get3A_1077 : vector<1x16xf32> to vector<16xf32>
        %add3A_1079 = arith.addf %scan3A_1055, %get3A_1078 : vector<16xf32>
        %get3A_1080 = arith.index_cast %scan3A_1053 : i32 to index
        %get3A_1081 = arith.constant 32 : index
        %get3A_1082 = tpu.vector_load %arg9[%get3A_1080, %get3A_1081] {strides = array<i32>} : memref<112x256xf32, #tpu.memory_space<vmem>>, vector<1x16xf32>,
        %get3A_1083 = vector.shape_cast %get3A_1082 : vector<1x16xf32> to vector<16xf32>
        %add3A_1084 = arith.addf %scan3A_1056, %get3A_1083 : vector<16xf32>
        %get3A_1085 = arith.index_cast %scan3A_1053 : i32 to index
        %get3A_1086 = arith.constant 48 : index
        %get3A_1087 = tpu.vector_load %arg9[%get3A_1085, %get3A_1086] {strides = array<i32>} : memref<112x256xf32, #tpu.memory_space<vmem>>, vector<1x16xf32>,
        %get3A_1088 = vector.shape_cast %get3A_1087 : vector<1x16xf32> to vector<16xf32>
        %add3A_1089 = arith.addf %scan3A_1057, %get3A_1088 : vector<16xf32>
        %get3A_1090 = arith.index_cast %scan3A_1053 : i32 to index
        %get3A_1091 = arith.constant 64 : index
        %get3A_1092 = tpu.vector_load %arg9[%get3A_1090, %get3A_1091] {strides = array<i32>} : memref<112x256xf32, #tpu.memory_space<vmem>>, vector<1x16xf32>,
        %get3A_1093 = vector.shape_cast %get3A_1092 : vector<1x16xf32> to vector<16xf32>
        %add3A_1094 = arith.addf %scan3A_1058, %get3A_1093 : vector<16xf32>
        %get3A_1095 = arith.index_cast %scan3A_1053 : i32 to index
        %get3A_1096 = arith.constant 80 : index
        %get3A_1097 = tpu.vector_load %arg9[%get3A_1095, %get3A_1096] {strides = array<i32>} : memref<112x256xf32, #tpu.memory_space<vmem>>, vector<1x16xf32>,
        %get3A_1098 = vector.shape_cast %get3A_1097 : vector<1x16xf32> to vector<16xf32>
        %add3A_1099 = arith.addf %scan3A_1059, %get3A_1098 : vector<16xf32>
        %get3A_1100 = arith.index_cast %scan3A_1053 : i32 to index
        %get3A_1101 = arith.constant 96 : index
        %get3A_1102 = tpu.vector_load %arg9[%get3A_1100, %get3A_1101] {strides = array<i32>} : memref<112x256xf32, #tpu.memory_space<vmem>>, vector<1x16xf32>,
        %get3A_1103 = vector.shape_cast %get3A_1102 : vector<1x16xf32> to vector<16xf32>
        %add3A_1104 = arith.addf %scan3A_1060, %get3A_1103 : vector<16xf32>
        %get3A_1105 = arith.index_cast %scan3A_1053 : i32 to index
        %get3A_1106 = arith.constant 112 : index
        %get3A_1107 = tpu.vector_load %arg9[%get3A_1105, %get3A_1106] {strides = array<i32>} : memref<112x256xf32, #tpu.memory_space<vmem>>, vector<1x16xf32>,
        %get3A_1108 = vector.shape_cast %get3A_1107 : vector<1x16xf32> to vector<16xf32>
        %add3A_1109 = arith.addf %scan3A_1061, %get3A_1108 : vector<16xf32>
        %get3A_1110 = arith.index_cast %scan3A_1053 : i32 to index
        %get3A_1111 = arith.constant 128 : index
        %get3A_1112 = tpu.vector_load %arg9[%get3A_1110, %get3A_1111] {strides = array<i32>} : memref<112x256xf32, #tpu.memory_space<vmem>>, vector<1x16xf32>,
        %get3A_1113 = vector.shape_cast %get3A_1112 : vector<1x16xf32> to vector<16xf32>
        %add3A_1114 = arith.addf %scan3A_1062, %get3A_1113 : vector<16xf32>
        %get3A_1115 = arith.index_cast %scan3A_1053 : i32 to index
        %get3A_1116 = arith.constant 144 : index
        %get3A_1117 = tpu.vector_load %arg9[%get3A_1115, %get3A_1116] {strides = array<i32>} : memref<112x256xf32, #tpu.memory_space<vmem>>, vector<1x16xf32>,
        %get3A_1118 = vector.shape_cast %get3A_1117 : vector<1x16xf32> to vector<16xf32>
        %add3A_1119 = arith.addf %scan3A_1063, %get3A_1118 : vector<16xf32>
        %get3A_1120 = arith.index_cast %scan3A_1053 : i32 to index
        %get3A_1121 = arith.constant 160 : index
        %get3A_1122 = tpu.vector_load %arg9[%get3A_1120, %get3A_1121] {strides = array<i32>} : memref<112x256xf32, #tpu.memory_space<vmem>>, vector<1x16xf32>,
        %get3A_1123 = vector.shape_cast %get3A_1122 : vector<1x16xf32> to vector<16xf32>
        %add3A_1124 = arith.addf %scan3A_1064, %get3A_1123 : vector<16xf32>
        %get3A_1125 = arith.index_cast %scan3A_1053 : i32 to index
        %get3A_1126 = arith.constant 176 : index
        %get3A_1127 = tpu.vector_load %arg9[%get3A_1125, %get3A_1126] {strides = array<i32>} : memref<112x256xf32, #tpu.memory_space<vmem>>, vector<1x16xf32>,
        %get3A_1128 = vector.shape_cast %get3A_1127 : vector<1x16xf32> to vector<16xf32>
        %add3A_1129 = arith.addf %scan3A_1065, %get3A_1128 : vector<16xf32>
        %get3A_1130 = arith.index_cast %scan3A_1053 : i32 to index
        %get3A_1131 = arith.constant 192 : index
        %get3A_1132 = tpu.vector_load %arg9[%get3A_1130, %get3A_1131] {strides = array<i32>} : memref<112x256xf32, #tpu.memory_space<vmem>>, vector<1x16xf32>,
        %get3A_1133 = vector.shape_cast %get3A_1132 : vector<1x16xf32> to vector<16xf32>
        %add3A_1134 = arith.addf %scan3A_1066, %get3A_1133 : vector<16xf32>
        %get3A_1135 = arith.index_cast %scan3A_1053 : i32 to index
        %get3A_1136 = arith.constant 208 : index
        %get3A_1137 = tpu.vector_load %arg9[%get3A_1135, %get3A_1136] {strides = array<i32>} : memref<112x256xf32, #tpu.memory_space<vmem>>, vector<1x16xf32>,
        %get3A_1138 = vector.shape_cast %get3A_1137 : vector<1x16xf32> to vector<16xf32>
        %add3A_1139 = arith.addf %scan3A_1067, %get3A_1138 : vector<16xf32>
        %get3A_1140 = arith.index_cast %scan3A_1053 : i32 to index
        %get3A_1141 = arith.constant 224 : index
        %get3A_1142 = tpu.vector_load %arg9[%get3A_1140, %get3A_1141] {strides = array<i32>} : memref<112x256xf32, #tpu.memory_space<vmem>>, vector<1x16xf32>,
        %get3A_1143 = vector.shape_cast %get3A_1142 : vector<1x16xf32> to vector<16xf32>
        %add3A_1144 = arith.addf %scan3A_1068, %get3A_1143 : vector<16xf32>
        %get3A_1145 = arith.index_cast %scan3A_1053 : i32 to index
        %get3A_1146 = arith.constant 240 : index
        %get3A_1147 = tpu.vector_load %arg9[%get3A_1145, %get3A_1146] {strides = array<i32>} : memref<112x256xf32, #tpu.memory_space<vmem>>, vector<1x16xf32>,
        %get3A_1148 = vector.shape_cast %get3A_1147 : vector<1x16xf32> to vector<16xf32>
        %add3A_1149 = arith.addf %scan3A_1069, %get3A_1148 : vector<16xf32>
        scf.yield %add3A_1074, %add3A_1079, %add3A_1084, %add3A_1089, %add3A_1094, %add3A_1099, %add3A_1104, %add3A_1109, %add3A_1114, %add3A_1119, %add3A_1124, %add3A_1129, %add3A_1134, %add3A_1139, %add3A_1144, %add3A_1149 : vector<16xf32>, vector<16xf32>, vector<16xf32>, vector<16xf32>, vector<16xf32>, vector<16xf32>, vector<16xf32>, vector<16xf32>, vector<16xf32>, vector<16xf32>, vector<16xf32>, vector<16xf32>, vector<16xf32>, vector<16xf32>, vector<16xf32>, vector<16xf32>
      }
      %scan3A_518 = arith.constant 112 : i32
      %add3A_519 = arith.addf %broadcast_in_dim3A_1, %scan3A_517#0 : vector<16xf32>
      %add3A_520 = arith.addf %broadcast_in_dim3A_3, %scan3A_517#1 : vector<16xf32>
      %add3A_521 = arith.addf %broadcast_in_dim3A_5, %scan3A_517#2 : vector<16xf32>
      %add3A_522 = arith.addf %broadcast_in_dim3A_7, %scan3A_517#3 : vector<16xf32>
      %add3A_523 = arith.addf %broadcast_in_dim3A_9, %scan3A_517#4 : vector<16xf32>
      %add3A_524 = arith.addf %broadcast_in_dim3A_11, %scan3A_517#5 : vector<16xf32>
      %add3A_525 = arith.addf %broadcast_in_dim3A_13, %scan3A_517#6 : vector<16xf32>
      %add3A_526 = arith.addf %broadcast_in_dim3A_15, %scan3A_517#7 : vector<16xf32>
      %add3A_527 = arith.addf %broadcast_in_dim3A_17, %scan3A_517#8 : vector<16xf32>
      %add3A_528 = arith.addf %broadcast_in_dim3A_19, %scan3A_517#9 : vector<16xf32>
      %add3A_529 = arith.addf %broadcast_in_dim3A_21, %scan3A_517#10 : vector<16xf32>
      %add3A_530 = arith.addf %broadcast_in_dim3A_23, %scan3A_517#11 : vector<16xf32>
      %add3A_531 = arith.addf %broadcast_in_dim3A_25, %scan3A_517#12 : vector<16xf32>
      %add3A_532 = arith.addf %broadcast_in_dim3A_27, %scan3A_517#13 : vector<16xf32>
      %add3A_533 = arith.addf %broadcast_in_dim3A_29, %scan3A_517#14 : vector<16xf32>
      %add3A_534 = arith.addf %broadcast_in_dim3A_31, %scan3A_517#15 : vector<16xf32>
      %add3A_535 = arith.constant 336 : i32
      %add3A_536 = arith.addi %mul3A_33, %add3A_535 : i32
      %dma_start3A_537 = arith.constant 0 : i32
      %dma_start3A_538 = arith.constant 0 : i32
      %dma_start3A_539 = tpu.memref_slice %arg8[%dma_start3A_537, %dma_start3A_538] : memref<112x256xf32, #tpu.memory_space<vmem>> -> memref<112x256xf32, #tpu.memory_space<vmem>>
      %dma_start3A_540 = arith.constant 0 : i32
      %dma_start3A_541 = tpu.memref_slice %arg3[%add3A_536, %dma_start3A_540] : memref<10000x256xf32, #tpu.memory_space<hbm>> -> memref<112x256xf32, #tpu.memory_space<hbm>>
      %dma_start3A_542 = arith.constant 0 : i32
      %dma_start3A_543 = arith.constant 0 : i32
      %dma_start3A_544 = tpu.memref_slice %arg8[%dma_start3A_542, %dma_start3A_543] : memref<112x256xf32, #tpu.memory_space<vmem>> -> memref<112x256xf32, #tpu.memory_space<vmem>>
      %dma_start3A_545 = arith.constant 0 : i32
      %dma_start3A_546 = tpu.memref_slice %arg3[%add3A_536, %dma_start3A_545] : memref<10000x256xf32, #tpu.memory_space<hbm>> -> memref<112x256xf32, #tpu.memory_space<hbm>>
      tpu.enqueue_dma source(%dma_start3A_546 : memref<112x256xf32, #tpu.memory_space<hbm>>) target(%dma_start3A_544 : memref<112x256xf32, #tpu.memory_space<vmem>>) target_semaphore(%arg14 : memref<!tpu.dma_semaphore, #tpu.memory_space<semaphore_mem>>)
      %dma_wait3A_547 = arith.constant 0 : i32
      %dma_wait3A_548 = arith.constant 0 : i32
      %dma_wait3A_549 = tpu.memref_slice %arg10[%dma_wait3A_547, %dma_wait3A_548] : memref<112x256xf32, #tpu.memory_space<vmem>> -> memref<112x256xf32, #tpu.memory_space<vmem>>
      %dma_wait3A_550 = arith.constant 0 : i32
      %dma_wait3A_551 = tpu.memref_slice %arg3[%mul3A_33, %dma_wait3A_550] : memref<10000x256xf32, #tpu.memory_space<hbm>> -> memref<112x256xf32, #tpu.memory_space<hbm>>
      %dma_wait3A_552 = arith.constant 0 : i32
      %dma_wait3A_553 = arith.constant 0 : i32
      %dma_wait3A_554 = tpu.memref_slice %arg10[%dma_wait3A_552, %dma_wait3A_553] : memref<112x256xf32, #tpu.memory_space<vmem>> -> memref<112x256xf32, #tpu.memory_space<vmem>>
      %dma_wait3A_555 = arith.constant 0 : i32
      %dma_wait3A_556 = tpu.memref_slice %arg3[%mul3A_33, %dma_wait3A_555] : memref<10000x256xf32, #tpu.memory_space<hbm>> -> memref<112x256xf32, #tpu.memory_space<hbm>>
      tpu.wait_dma2 semaphore(%arg16 : memref<!tpu.dma_semaphore, #tpu.memory_space<semaphore_mem>>) src(%dma_wait3A_556 : memref<112x256xf32, #tpu.memory_space<hbm>>) dst(%dma_wait3A_554 : memref<112x256xf32, #tpu.memory_space<vmem>>)
      %broadcast_in_dim3A_557 = arith.constant 0.000000e+00 : f32
      %broadcast_in_dim3A_558 = vector.broadcast %broadcast_in_dim3A_557 : f32 to vector<16xf32>
      %broadcast_in_dim3A_559 = arith.constant 0.000000e+00 : f32
      %broadcast_in_dim3A_560 = vector.broadcast %broadcast_in_dim3A_559 : f32 to vector<16xf32>
      %broadcast_in_dim3A_561 = arith.constant 0.000000e+00 : f32
      %broadcast_in_dim3A_562 = vector.broadcast %broadcast_in_dim3A_561 : f32 to vector<16xf32>
      %broadcast_in_dim3A_563 = arith.constant 0.000000e+00 : f32
      %broadcast_in_dim3A_564 = vector.broadcast %broadcast_in_dim3A_563 : f32 to vector<16xf32>
      %broadcast_in_dim3A_565 = arith.constant 0.000000e+00 : f32
      %broadcast_in_dim3A_566 = vector.broadcast %broadcast_in_dim3A_565 : f32 to vector<16xf32>
      %broadcast_in_dim3A_567 = arith.constant 0.000000e+00 : f32
      %broadcast_in_dim3A_568 = vector.broadcast %broadcast_in_dim3A_567 : f32 to vector<16xf32>
      %broadcast_in_dim3A_569 = arith.constant 0.000000e+00 : f32
      %broadcast_in_dim3A_570 = vector.broadcast %broadcast_in_dim3A_569 : f32 to vector<16xf32>
      %broadcast_in_dim3A_571 = arith.constant 0.000000e+00 : f32
      %broadcast_in_dim3A_572 = vector.broadcast %broadcast_in_dim3A_571 : f32 to vector<16xf32>
      %broadcast_in_dim3A_573 = arith.constant 0.000000e+00 : f32
      %broadcast_in_dim3A_574 = vector.broadcast %broadcast_in_dim3A_573 : f32 to vector<16xf32>
      %broadcast_in_dim3A_575 = arith.constant 0.000000e+00 : f32
      %broadcast_in_dim3A_576 = vector.broadcast %broadcast_in_dim3A_575 : f32 to vector<16xf32>
      %broadcast_in_dim3A_577 = arith.constant 0.000000e+00 : f32
      %broadcast_in_dim3A_578 = vector.broadcast %broadcast_in_dim3A_577 : f32 to vector<16xf32>
      %broadcast_in_dim3A_579 = arith.constant 0.000000e+00 : f32
      %broadcast_in_dim3A_580 = vector.broadcast %broadcast_in_dim3A_579 : f32 to vector<16xf32>
      %broadcast_in_dim3A_581 = arith.constant 0.000000e+00 : f32
      %broadcast_in_dim3A_582 = vector.broadcast %broadcast_in_dim3A_581 : f32 to vector<16xf32>
      %broadcast_in_dim3A_583 = arith.constant 0.000000e+00 : f32
      %broadcast_in_dim3A_584 = vector.broadcast %broadcast_in_dim3A_583 : f32 to vector<16xf32>
      %broadcast_in_dim3A_585 = arith.constant 0.000000e+00 : f32
      %broadcast_in_dim3A_586 = vector.broadcast %broadcast_in_dim3A_585 : f32 to vector<16xf32>
      %broadcast_in_dim3A_587 = arith.constant 0.000000e+00 : f32
      %broadcast_in_dim3A_588 = vector.broadcast %broadcast_in_dim3A_587 : f32 to vector<16xf32>
      %scan3A_589 = arith.constant 0 : i32
      %scan3A_590 = arith.constant 112 : i32
      %scan3A_591 = arith.addi %scan3A_589, %scan3A_590 : i32
      %scan3A_592 = arith.constant 1 : i32
      %scan3A_593:16 = scf.for %scan3A_1053 = %scan3A_589 to %scan3A_591 step %scan3A_592 iter_args(%scan3A_1054 = %broadcast_in_dim3A_558, %scan3A_1055 = %broadcast_in_dim3A_560, %scan3A_1056 = %broadcast_in_dim3A_562, %scan3A_1057 = %broadcast_in_dim3A_564, %scan3A_1058 = %broadcast_in_dim3A_566, %scan3A_1059 = %broadcast_in_dim3A_568, %scan3A_1060 = %broadcast_in_dim3A_570, %scan3A_1061 = %broadcast_in_dim3A_572, %scan3A_1062 = %broadcast_in_dim3A_574, %scan3A_1063 = %broadcast_in_dim3A_576, %scan3A_1064 = %broadcast_in_dim3A_578, %scan3A_1065 = %broadcast_in_dim3A_580, %scan3A_1066 = %broadcast_in_dim3A_582, %scan3A_1067 = %broadcast_in_dim3A_584, %scan3A_1068 = %broadcast_in_dim3A_586, %scan3A_1069 = %broadcast_in_dim3A_588) -> (vector<16xf32>, vector<16xf32>, vector<16xf32>, vector<16xf32>, vector<16xf32>, vector<16xf32>, vector<16xf32>, vector<16xf32>, vector<16xf32>, vector<16xf32>, vector<16xf32>, vector<16xf32>, vector<16xf32>, vector<16xf32>, vector<16xf32>, vector<16xf32>)  : i32 {
        %get3A_1070 = arith.index_cast %scan3A_1053 : i32 to index
        %get3A_1071 = arith.constant 0 : index
        %get3A_1072 = tpu.vector_load %arg10[%get3A_1070, %get3A_1071] {strides = array<i32>} : memref<112x256xf32, #tpu.memory_space<vmem>>, vector<1x16xf32>,
        %get3A_1073 = vector.shape_cast %get3A_1072 : vector<1x16xf32> to vector<16xf32>
        %add3A_1074 = arith.addf %scan3A_1054, %get3A_1073 : vector<16xf32>
        %get3A_1075 = arith.index_cast %scan3A_1053 : i32 to index
        %get3A_1076 = arith.constant 16 : index
        %get3A_1077 = tpu.vector_load %arg10[%get3A_1075, %get3A_1076] {strides = array<i32>} : memref<112x256xf32, #tpu.memory_space<vmem>>, vector<1x16xf32>,
        %get3A_1078 = vector.shape_cast %get3A_1077 : vector<1x16xf32> to vector<16xf32>
        %add3A_1079 = arith.addf %scan3A_1055, %get3A_1078 : vector<16xf32>
        %get3A_1080 = arith.index_cast %scan3A_1053 : i32 to index
        %get3A_1081 = arith.constant 32 : index
        %get3A_1082 = tpu.vector_load %arg10[%get3A_1080, %get3A_1081] {strides = array<i32>} : memref<112x256xf32, #tpu.memory_space<vmem>>, vector<1x16xf32>,
        %get3A_1083 = vector.shape_cast %get3A_1082 : vector<1x16xf32> to vector<16xf32>
        %add3A_1084 = arith.addf %scan3A_1056, %get3A_1083 : vector<16xf32>
        %get3A_1085 = arith.index_cast %scan3A_1053 : i32 to index
        %get3A_1086 = arith.constant 48 : index
        %get3A_1087 = tpu.vector_load %arg10[%get3A_1085, %get3A_1086] {strides = array<i32>} : memref<112x256xf32, #tpu.memory_space<vmem>>, vector<1x16xf32>,
        %get3A_1088 = vector.shape_cast %get3A_1087 : vector<1x16xf32> to vector<16xf32>
        %add3A_1089 = arith.addf %scan3A_1057, %get3A_1088 : vector<16xf32>
        %get3A_1090 = arith.index_cast %scan3A_1053 : i32 to index
        %get3A_1091 = arith.constant 64 : index
        %get3A_1092 = tpu.vector_load %arg10[%get3A_1090, %get3A_1091] {strides = array<i32>} : memref<112x256xf32, #tpu.memory_space<vmem>>, vector<1x16xf32>,
        %get3A_1093 = vector.shape_cast %get3A_1092 : vector<1x16xf32> to vector<16xf32>
        %add3A_1094 = arith.addf %scan3A_1058, %get3A_1093 : vector<16xf32>
        %get3A_1095 = arith.index_cast %scan3A_1053 : i32 to index
        %get3A_1096 = arith.constant 80 : index
        %get3A_1097 = tpu.vector_load %arg10[%get3A_1095, %get3A_1096] {strides = array<i32>} : memref<112x256xf32, #tpu.memory_space<vmem>>, vector<1x16xf32>,
        %get3A_1098 = vector.shape_cast %get3A_1097 : vector<1x16xf32> to vector<16xf32>
        %add3A_1099 = arith.addf %scan3A_1059, %get3A_1098 : vector<16xf32>
        %get3A_1100 = arith.index_cast %scan3A_1053 : i32 to index
        %get3A_1101 = arith.constant 96 : index
        %get3A_1102 = tpu.vector_load %arg10[%get3A_1100, %get3A_1101] {strides = array<i32>} : memref<112x256xf32, #tpu.memory_space<vmem>>, vector<1x16xf32>,
        %get3A_1103 = vector.shape_cast %get3A_1102 : vector<1x16xf32> to vector<16xf32>
        %add3A_1104 = arith.addf %scan3A_1060, %get3A_1103 : vector<16xf32>
        %get3A_1105 = arith.index_cast %scan3A_1053 : i32 to index
        %get3A_1106 = arith.constant 112 : index
        %get3A_1107 = tpu.vector_load %arg10[%get3A_1105, %get3A_1106] {strides = array<i32>} : memref<112x256xf32, #tpu.memory_space<vmem>>, vector<1x16xf32>,
        %get3A_1108 = vector.shape_cast %get3A_1107 : vector<1x16xf32> to vector<16xf32>
        %add3A_1109 = arith.addf %scan3A_1061, %get3A_1108 : vector<16xf32>
        %get3A_1110 = arith.index_cast %scan3A_1053 : i32 to index
        %get3A_1111 = arith.constant 128 : index
        %get3A_1112 = tpu.vector_load %arg10[%get3A_1110, %get3A_1111] {strides = array<i32>} : memref<112x256xf32, #tpu.memory_space<vmem>>, vector<1x16xf32>,
        %get3A_1113 = vector.shape_cast %get3A_1112 : vector<1x16xf32> to vector<16xf32>
        %add3A_1114 = arith.addf %scan3A_1062, %get3A_1113 : vector<16xf32>
        %get3A_1115 = arith.index_cast %scan3A_1053 : i32 to index
        %get3A_1116 = arith.constant 144 : index
        %get3A_1117 = tpu.vector_load %arg10[%get3A_1115, %get3A_1116] {strides = array<i32>} : memref<112x256xf32, #tpu.memory_space<vmem>>, vector<1x16xf32>,
        %get3A_1118 = vector.shape_cast %get3A_1117 : vector<1x16xf32> to vector<16xf32>
        %add3A_1119 = arith.addf %scan3A_1063, %get3A_1118 : vector<16xf32>
        %get3A_1120 = arith.index_cast %scan3A_1053 : i32 to index
        %get3A_1121 = arith.constant 160 : index
        %get3A_1122 = tpu.vector_load %arg10[%get3A_1120, %get3A_1121] {strides = array<i32>} : memref<112x256xf32, #tpu.memory_space<vmem>>, vector<1x16xf32>,
        %get3A_1123 = vector.shape_cast %get3A_1122 : vector<1x16xf32> to vector<16xf32>
        %add3A_1124 = arith.addf %scan3A_1064, %get3A_1123 : vector<16xf32>
        %get3A_1125 = arith.index_cast %scan3A_1053 : i32 to index
        %get3A_1126 = arith.constant 176 : index
        %get3A_1127 = tpu.vector_load %arg10[%get3A_1125, %get3A_1126] {strides = array<i32>} : memref<112x256xf32, #tpu.memory_space<vmem>>, vector<1x16xf32>,
        %get3A_1128 = vector.shape_cast %get3A_1127 : vector<1x16xf32> to vector<16xf32>
        %add3A_1129 = arith.addf %scan3A_1065, %get3A_1128 : vector<16xf32>
        %get3A_1130 = arith.index_cast %scan3A_1053 : i32 to index
        %get3A_1131 = arith.constant 192 : index
        %get3A_1132 = tpu.vector_load %arg10[%get3A_1130, %get3A_1131] {strides = array<i32>} : memref<112x256xf32, #tpu.memory_space<vmem>>, vector<1x16xf32>,
        %get3A_1133 = vector.shape_cast %get3A_1132 : vector<1x16xf32> to vector<16xf32>
        %add3A_1134 = arith.addf %scan3A_1066, %get3A_1133 : vector<16xf32>
        %get3A_1135 = arith.index_cast %scan3A_1053 : i32 to index
        %get3A_1136 = arith.constant 208 : index
        %get3A_1137 = tpu.vector_load %arg10[%get3A_1135, %get3A_1136] {strides = array<i32>} : memref<112x256xf32, #tpu.memory_space<vmem>>, vector<1x16xf32>,
        %get3A_1138 = vector.shape_cast %get3A_1137 : vector<1x16xf32> to vector<16xf32>
        %add3A_1139 = arith.addf %scan3A_1067, %get3A_1138 : vector<16xf32>
        %get3A_1140 = arith.index_cast %scan3A_1053 : i32 to index
        %get3A_1141 = arith.constant 224 : index
        %get3A_1142 = tpu.vector_load %arg10[%get3A_1140, %get3A_1141] {strides = array<i32>} : memref<112x256xf32, #tpu.memory_space<vmem>>, vector<1x16xf32>,
        %get3A_1143 = vector.shape_cast %get3A_1142 : vector<1x16xf32> to vector<16xf32>
        %add3A_1144 = arith.addf %scan3A_1068, %get3A_1143 : vector<16xf32>
        %get3A_1145 = arith.index_cast %scan3A_1053 : i32 to index
        %get3A_1146 = arith.constant 240 : index
        %get3A_1147 = tpu.vector_load %arg10[%get3A_1145, %get3A_1146] {strides = array<i32>} : memref<112x256xf32, #tpu.memory_space<vmem>>, vector<1x16xf32>,
        %get3A_1148 = vector.shape_cast %get3A_1147 : vector<1x16xf32> to vector<16xf32>
        %add3A_1149 = arith.addf %scan3A_1069, %get3A_1148 : vector<16xf32>
        scf.yield %add3A_1074, %add3A_1079, %add3A_1084, %add3A_1089, %add3A_1094, %add3A_1099, %add3A_1104, %add3A_1109, %add3A_1114, %add3A_1119, %add3A_1124, %add3A_1129, %add3A_1134, %add3A_1139, %add3A_1144, %add3A_1149 : vector<16xf32>, vector<16xf32>, vector<16xf32>, vector<16xf32>, vector<16xf32>, vector<16xf32>, vector<16xf32>, vector<16xf32>, vector<16xf32>, vector<16xf32>, vector<16xf32>, vector<16xf32>, vector<16xf32>, vector<16xf32>, vector<16xf32>, vector<16xf32>
      }
      %scan3A_594 = arith.constant 112 : i32
      %add3A_595 = arith.addf %add3A_519, %scan3A_593#0 : vector<16xf32>
      %add3A_596 = arith.addf %add3A_520, %scan3A_593#1 : vector<16xf32>
      %add3A_597 = arith.addf %add3A_521, %scan3A_593#2 : vector<16xf32>
      %add3A_598 = arith.addf %add3A_522, %scan3A_593#3 : vector<16xf32>
      %add3A_599 = arith.addf %add3A_523, %scan3A_593#4 : vector<16xf32>
      %add3A_600 = arith.addf %add3A_524, %scan3A_593#5 : vector<16xf32>
      %add3A_601 = arith.addf %add3A_525, %scan3A_593#6 : vector<16xf32>
      %add3A_602 = arith.addf %add3A_526, %scan3A_593#7 : vector<16xf32>
      %add3A_603 = arith.addf %add3A_527, %scan3A_593#8 : vector<16xf32>
      %add3A_604 = arith.addf %add3A_528, %scan3A_593#9 : vector<16xf32>
      %add3A_605 = arith.addf %add3A_529, %scan3A_593#10 : vector<16xf32>
      %add3A_606 = arith.addf %add3A_530, %scan3A_593#11 : vector<16xf32>
      %add3A_607 = arith.addf %add3A_531, %scan3A_593#12 : vector<16xf32>
      %add3A_608 = arith.addf %add3A_532, %scan3A_593#13 : vector<16xf32>
      %add3A_609 = arith.addf %add3A_533, %scan3A_593#14 : vector<16xf32>
      %add3A_610 = arith.addf %add3A_534, %scan3A_593#15 : vector<16xf32>
      %add3A_611 = arith.constant 448 : i32
      %add3A_612 = arith.addi %mul3A_33, %add3A_611 : i32
      %dma_start3A_613 = arith.constant 0 : i32
      %dma_start3A_614 = arith.constant 0 : i32
      %dma_start3A_615 = tpu.memref_slice %arg9[%dma_start3A_613, %dma_start3A_614] : memref<112x256xf32, #tpu.memory_space<vmem>> -> memref<112x256xf32, #tpu.memory_space<vmem>>
      %dma_start3A_616 = arith.constant 0 : i32
      %dma_start3A_617 = tpu.memref_slice %arg3[%add3A_612, %dma_start3A_616] : memref<10000x256xf32, #tpu.memory_space<hbm>> -> memref<112x256xf32, #tpu.memory_space<hbm>>
      %dma_start3A_618 = arith.constant 0 : i32
      %dma_start3A_619 = arith.constant 0 : i32
      %dma_start3A_620 = tpu.memref_slice %arg9[%dma_start3A_618, %dma_start3A_619] : memref<112x256xf32, #tpu.memory_space<vmem>> -> memref<112x256xf32, #tpu.memory_space<vmem>>
      %dma_start3A_621 = arith.constant 0 : i32
      %dma_start3A_622 = tpu.memref_slice %arg3[%add3A_612, %dma_start3A_621] : memref<10000x256xf32, #tpu.memory_space<hbm>> -> memref<112x256xf32, #tpu.memory_space<hbm>>
      tpu.enqueue_dma source(%dma_start3A_622 : memref<112x256xf32, #tpu.memory_space<hbm>>) target(%dma_start3A_620 : memref<112x256xf32, #tpu.memory_space<vmem>>) target_semaphore(%arg15 : memref<!tpu.dma_semaphore, #tpu.memory_space<semaphore_mem>>)
      %dma_wait3A_623 = arith.constant 0 : i32
      %dma_wait3A_624 = arith.constant 0 : i32
      %dma_wait3A_625 = tpu.memref_slice %arg7[%dma_wait3A_623, %dma_wait3A_624] : memref<112x256xf32, #tpu.memory_space<vmem>> -> memref<112x256xf32, #tpu.memory_space<vmem>>
      %dma_wait3A_626 = arith.constant 0 : i32
      %dma_wait3A_627 = tpu.memref_slice %arg3[%mul3A_33, %dma_wait3A_626] : memref<10000x256xf32, #tpu.memory_space<hbm>> -> memref<112x256xf32, #tpu.memory_space<hbm>>
      %dma_wait3A_628 = arith.constant 0 : i32
      %dma_wait3A_629 = arith.constant 0 : i32
      %dma_wait3A_630 = tpu.memref_slice %arg7[%dma_wait3A_628, %dma_wait3A_629] : memref<112x256xf32, #tpu.memory_space<vmem>> -> memref<112x256xf32, #tpu.memory_space<vmem>>
      %dma_wait3A_631 = arith.constant 0 : i32
      %dma_wait3A_632 = tpu.memref_slice %arg3[%mul3A_33, %dma_wait3A_631] : memref<10000x256xf32, #tpu.memory_space<hbm>> -> memref<112x256xf32, #tpu.memory_space<hbm>>
      tpu.wait_dma2 semaphore(%arg13 : memref<!tpu.dma_semaphore, #tpu.memory_space<semaphore_mem>>) src(%dma_wait3A_632 : memref<112x256xf32, #tpu.memory_space<hbm>>) dst(%dma_wait3A_630 : memref<112x256xf32, #tpu.memory_space<vmem>>)
      %broadcast_in_dim3A_633 = arith.constant 0.000000e+00 : f32
      %broadcast_in_dim3A_634 = vector.broadcast %broadcast_in_dim3A_633 : f32 to vector<16xf32>
      %broadcast_in_dim3A_635 = arith.constant 0.000000e+00 : f32
      %broadcast_in_dim3A_636 = vector.broadcast %broadcast_in_dim3A_635 : f32 to vector<16xf32>
      %broadcast_in_dim3A_637 = arith.constant 0.000000e+00 : f32
      %broadcast_in_dim3A_638 = vector.broadcast %broadcast_in_dim3A_637 : f32 to vector<16xf32>
      %broadcast_in_dim3A_639 = arith.constant 0.000000e+00 : f32
      %broadcast_in_dim3A_640 = vector.broadcast %broadcast_in_dim3A_639 : f32 to vector<16xf32>
      %broadcast_in_dim3A_641 = arith.constant 0.000000e+00 : f32
      %broadcast_in_dim3A_642 = vector.broadcast %broadcast_in_dim3A_641 : f32 to vector<16xf32>
      %broadcast_in_dim3A_643 = arith.constant 0.000000e+00 : f32
      %broadcast_in_dim3A_644 = vector.broadcast %broadcast_in_dim3A_643 : f32 to vector<16xf32>
      %broadcast_in_dim3A_645 = arith.constant 0.000000e+00 : f32
      %broadcast_in_dim3A_646 = vector.broadcast %broadcast_in_dim3A_645 : f32 to vector<16xf32>
      %broadcast_in_dim3A_647 = arith.constant 0.000000e+00 : f32
      %broadcast_in_dim3A_648 = vector.broadcast %broadcast_in_dim3A_647 : f32 to vector<16xf32>
      %broadcast_in_dim3A_649 = arith.constant 0.000000e+00 : f32
      %broadcast_in_dim3A_650 = vector.broadcast %broadcast_in_dim3A_649 : f32 to vector<16xf32>
      %broadcast_in_dim3A_651 = arith.constant 0.000000e+00 : f32
      %broadcast_in_dim3A_652 = vector.broadcast %broadcast_in_dim3A_651 : f32 to vector<16xf32>
      %broadcast_in_dim3A_653 = arith.constant 0.000000e+00 : f32
      %broadcast_in_dim3A_654 = vector.broadcast %broadcast_in_dim3A_653 : f32 to vector<16xf32>
      %broadcast_in_dim3A_655 = arith.constant 0.000000e+00 : f32
      %broadcast_in_dim3A_656 = vector.broadcast %broadcast_in_dim3A_655 : f32 to vector<16xf32>
      %broadcast_in_dim3A_657 = arith.constant 0.000000e+00 : f32
      %broadcast_in_dim3A_658 = vector.broadcast %broadcast_in_dim3A_657 : f32 to vector<16xf32>
      %broadcast_in_dim3A_659 = arith.constant 0.000000e+00 : f32
      %broadcast_in_dim3A_660 = vector.broadcast %broadcast_in_dim3A_659 : f32 to vector<16xf32>
      %broadcast_in_dim3A_661 = arith.constant 0.000000e+00 : f32
      %broadcast_in_dim3A_662 = vector.broadcast %broadcast_in_dim3A_661 : f32 to vector<16xf32>
      %broadcast_in_dim3A_663 = arith.constant 0.000000e+00 : f32
      %broadcast_in_dim3A_664 = vector.broadcast %broadcast_in_dim3A_663 : f32 to vector<16xf32>
      %scan3A_665 = arith.constant 0 : i32
      %scan3A_666 = arith.constant 112 : i32
      %scan3A_667 = arith.addi %scan3A_665, %scan3A_666 : i32
      %scan3A_668 = arith.constant 1 : i32
      %scan3A_669:16 = scf.for %scan3A_1053 = %scan3A_665 to %scan3A_667 step %scan3A_668 iter_args(%scan3A_1054 = %broadcast_in_dim3A_634, %scan3A_1055 = %broadcast_in_dim3A_636, %scan3A_1056 = %broadcast_in_dim3A_638, %scan3A_1057 = %broadcast_in_dim3A_640, %scan3A_1058 = %broadcast_in_dim3A_642, %scan3A_1059 = %broadcast_in_dim3A_644, %scan3A_1060 = %broadcast_in_dim3A_646, %scan3A_1061 = %broadcast_in_dim3A_648, %scan3A_1062 = %broadcast_in_dim3A_650, %scan3A_1063 = %broadcast_in_dim3A_652, %scan3A_1064 = %broadcast_in_dim3A_654, %scan3A_1065 = %broadcast_in_dim3A_656, %scan3A_1066 = %broadcast_in_dim3A_658, %scan3A_1067 = %broadcast_in_dim3A_660, %scan3A_1068 = %broadcast_in_dim3A_662, %scan3A_1069 = %broadcast_in_dim3A_664) -> (vector<16xf32>, vector<16xf32>, vector<16xf32>, vector<16xf32>, vector<16xf32>, vector<16xf32>, vector<16xf32>, vector<16xf32>, vector<16xf32>, vector<16xf32>, vector<16xf32>, vector<16xf32>, vector<16xf32>, vector<16xf32>, vector<16xf32>, vector<16xf32>)  : i32 {
        %get3A_1070 = arith.index_cast %scan3A_1053 : i32 to index
        %get3A_1071 = arith.constant 0 : index
        %get3A_1072 = tpu.vector_load %arg7[%get3A_1070, %get3A_1071] {strides = array<i32>} : memref<112x256xf32, #tpu.memory_space<vmem>>, vector<1x16xf32>,
        %get3A_1073 = vector.shape_cast %get3A_1072 : vector<1x16xf32> to vector<16xf32>
        %add3A_1074 = arith.addf %scan3A_1054, %get3A_1073 : vector<16xf32>
        %get3A_1075 = arith.index_cast %scan3A_1053 : i32 to index
        %get3A_1076 = arith.constant 16 : index
        %get3A_1077 = tpu.vector_load %arg7[%get3A_1075, %get3A_1076] {strides = array<i32>} : memref<112x256xf32, #tpu.memory_space<vmem>>, vector<1x16xf32>,
        %get3A_1078 = vector.shape_cast %get3A_1077 : vector<1x16xf32> to vector<16xf32>
        %add3A_1079 = arith.addf %scan3A_1055, %get3A_1078 : vector<16xf32>
        %get3A_1080 = arith.index_cast %scan3A_1053 : i32 to index
        %get3A_1081 = arith.constant 32 : index
        %get3A_1082 = tpu.vector_load %arg7[%get3A_1080, %get3A_1081] {strides = array<i32>} : memref<112x256xf32, #tpu.memory_space<vmem>>, vector<1x16xf32>,
        %get3A_1083 = vector.shape_cast %get3A_1082 : vector<1x16xf32> to vector<16xf32>
        %add3A_1084 = arith.addf %scan3A_1056, %get3A_1083 : vector<16xf32>
        %get3A_1085 = arith.index_cast %scan3A_1053 : i32 to index
        %get3A_1086 = arith.constant 48 : index
        %get3A_1087 = tpu.vector_load %arg7[%get3A_1085, %get3A_1086] {strides = array<i32>} : memref<112x256xf32, #tpu.memory_space<vmem>>, vector<1x16xf32>,
        %get3A_1088 = vector.shape_cast %get3A_1087 : vector<1x16xf32> to vector<16xf32>
        %add3A_1089 = arith.addf %scan3A_1057, %get3A_1088 : vector<16xf32>
        %get3A_1090 = arith.index_cast %scan3A_1053 : i32 to index
        %get3A_1091 = arith.constant 64 : index
        %get3A_1092 = tpu.vector_load %arg7[%get3A_1090, %get3A_1091] {strides = array<i32>} : memref<112x256xf32, #tpu.memory_space<vmem>>, vector<1x16xf32>,
        %get3A_1093 = vector.shape_cast %get3A_1092 : vector<1x16xf32> to vector<16xf32>
        %add3A_1094 = arith.addf %scan3A_1058, %get3A_1093 : vector<16xf32>
        %get3A_1095 = arith.index_cast %scan3A_1053 : i32 to index
        %get3A_1096 = arith.constant 80 : index
        %get3A_1097 = tpu.vector_load %arg7[%get3A_1095, %get3A_1096] {strides = array<i32>} : memref<112x256xf32, #tpu.memory_space<vmem>>, vector<1x16xf32>,
        %get3A_1098 = vector.shape_cast %get3A_1097 : vector<1x16xf32> to vector<16xf32>
        %add3A_1099 = arith.addf %scan3A_1059, %get3A_1098 : vector<16xf32>
        %get3A_1100 = arith.index_cast %scan3A_1053 : i32 to index
        %get3A_1101 = arith.constant 96 : index
        %get3A_1102 = tpu.vector_load %arg7[%get3A_1100, %get3A_1101] {strides = array<i32>} : memref<112x256xf32, #tpu.memory_space<vmem>>, vector<1x16xf32>,
        %get3A_1103 = vector.shape_cast %get3A_1102 : vector<1x16xf32> to vector<16xf32>
        %add3A_1104 = arith.addf %scan3A_1060, %get3A_1103 : vector<16xf32>
        %get3A_1105 = arith.index_cast %scan3A_1053 : i32 to index
        %get3A_1106 = arith.constant 112 : index
        %get3A_1107 = tpu.vector_load %arg7[%get3A_1105, %get3A_1106] {strides = array<i32>} : memref<112x256xf32, #tpu.memory_space<vmem>>, vector<1x16xf32>,
        %get3A_1108 = vector.shape_cast %get3A_1107 : vector<1x16xf32> to vector<16xf32>
        %add3A_1109 = arith.addf %scan3A_1061, %get3A_1108 : vector<16xf32>
        %get3A_1110 = arith.index_cast %scan3A_1053 : i32 to index
        %get3A_1111 = arith.constant 128 : index
        %get3A_1112 = tpu.vector_load %arg7[%get3A_1110, %get3A_1111] {strides = array<i32>} : memref<112x256xf32, #tpu.memory_space<vmem>>, vector<1x16xf32>,
        %get3A_1113 = vector.shape_cast %get3A_1112 : vector<1x16xf32> to vector<16xf32>
        %add3A_1114 = arith.addf %scan3A_1062, %get3A_1113 : vector<16xf32>
        %get3A_1115 = arith.index_cast %scan3A_1053 : i32 to index
        %get3A_1116 = arith.constant 144 : index
        %get3A_1117 = tpu.vector_load %arg7[%get3A_1115, %get3A_1116] {strides = array<i32>} : memref<112x256xf32, #tpu.memory_space<vmem>>, vector<1x16xf32>,
        %get3A_1118 = vector.shape_cast %get3A_1117 : vector<1x16xf32> to vector<16xf32>
        %add3A_1119 = arith.addf %scan3A_1063, %get3A_1118 : vector<16xf32>
        %get3A_1120 = arith.index_cast %scan3A_1053 : i32 to index
        %get3A_1121 = arith.constant 160 : index
        %get3A_1122 = tpu.vector_load %arg7[%get3A_1120, %get3A_1121] {strides = array<i32>} : memref<112x256xf32, #tpu.memory_space<vmem>>, vector<1x16xf32>,
        %get3A_1123 = vector.shape_cast %get3A_1122 : vector<1x16xf32> to vector<16xf32>
        %add3A_1124 = arith.addf %scan3A_1064, %get3A_1123 : vector<16xf32>
        %get3A_1125 = arith.index_cast %scan3A_1053 : i32 to index
        %get3A_1126 = arith.constant 176 : index
        %get3A_1127 = tpu.vector_load %arg7[%get3A_1125, %get3A_1126] {strides = array<i32>} : memref<112x256xf32, #tpu.memory_space<vmem>>, vector<1x16xf32>,
        %get3A_1128 = vector.shape_cast %get3A_1127 : vector<1x16xf32> to vector<16xf32>
        %add3A_1129 = arith.addf %scan3A_1065, %get3A_1128 : vector<16xf32>
        %get3A_1130 = arith.index_cast %scan3A_1053 : i32 to index
        %get3A_1131 = arith.constant 192 : index
        %get3A_1132 = tpu.vector_load %arg7[%get3A_1130, %get3A_1131] {strides = array<i32>} : memref<112x256xf32, #tpu.memory_space<vmem>>, vector<1x16xf32>,
        %get3A_1133 = vector.shape_cast %get3A_1132 : vector<1x16xf32> to vector<16xf32>
        %add3A_1134 = arith.addf %scan3A_1066, %get3A_1133 : vector<16xf32>
        %get3A_1135 = arith.index_cast %scan3A_1053 : i32 to index
        %get3A_1136 = arith.constant 208 : index
        %get3A_1137 = tpu.vector_load %arg7[%get3A_1135, %get3A_1136] {strides = array<i32>} : memref<112x256xf32, #tpu.memory_space<vmem>>, vector<1x16xf32>,
        %get3A_1138 = vector.shape_cast %get3A_1137 : vector<1x16xf32> to vector<16xf32>
        %add3A_1139 = arith.addf %scan3A_1067, %get3A_1138 : vector<16xf32>
        %get3A_1140 = arith.index_cast %scan3A_1053 : i32 to index
        %get3A_1141 = arith.constant 224 : index
        %get3A_1142 = tpu.vector_load %arg7[%get3A_1140, %get3A_1141] {strides = array<i32>} : memref<112x256xf32, #tpu.memory_space<vmem>>, vector<1x16xf32>,
        %get3A_1143 = vector.shape_cast %get3A_1142 : vector<1x16xf32> to vector<16xf32>
        %add3A_1144 = arith.addf %scan3A_1068, %get3A_1143 : vector<16xf32>
        %get3A_1145 = arith.index_cast %scan3A_1053 : i32 to index
        %get3A_1146 = arith.constant 240 : index
        %get3A_1147 = tpu.vector_load %arg7[%get3A_1145, %get3A_1146] {strides = array<i32>} : memref<112x256xf32, #tpu.memory_space<vmem>>, vector<1x16xf32>,
        %get3A_1148 = vector.shape_cast %get3A_1147 : vector<1x16xf32> to vector<16xf32>
        %add3A_1149 = arith.addf %scan3A_1069, %get3A_1148 : vector<16xf32>
        scf.yield %add3A_1074, %add3A_1079, %add3A_1084, %add3A_1089, %add3A_1094, %add3A_1099, %add3A_1104, %add3A_1109, %add3A_1114, %add3A_1119, %add3A_1124, %add3A_1129, %add3A_1134, %add3A_1139, %add3A_1144, %add3A_1149 : vector<16xf32>, vector<16xf32>, vector<16xf32>, vector<16xf32>, vector<16xf32>, vector<16xf32>, vector<16xf32>, vector<16xf32>, vector<16xf32>, vector<16xf32>, vector<16xf32>, vector<16xf32>, vector<16xf32>, vector<16xf32>, vector<16xf32>, vector<16xf32>
      }
      %scan3A_670 = arith.constant 112 : i32
      %add3A_671 = arith.addf %add3A_595, %scan3A_669#0 : vector<16xf32>
      %add3A_672 = arith.addf %add3A_596, %scan3A_669#1 : vector<16xf32>
      %add3A_673 = arith.addf %add3A_597, %scan3A_669#2 : vector<16xf32>
      %add3A_674 = arith.addf %add3A_598, %scan3A_669#3 : vector<16xf32>
      %add3A_675 = arith.addf %add3A_599, %scan3A_669#4 : vector<16xf32>
      %add3A_676 = arith.addf %add3A_600, %scan3A_669#5 : vector<16xf32>
      %add3A_677 = arith.addf %add3A_601, %scan3A_669#6 : vector<16xf32>
      %add3A_678 = arith.addf %add3A_602, %scan3A_669#7 : vector<16xf32>
      %add3A_679 = arith.addf %add3A_603, %scan3A_669#8 : vector<16xf32>
      %add3A_680 = arith.addf %add3A_604, %scan3A_669#9 : vector<16xf32>
      %add3A_681 = arith.addf %add3A_605, %scan3A_669#10 : vector<16xf32>
      %add3A_682 = arith.addf %add3A_606, %scan3A_669#11 : vector<16xf32>
      %add3A_683 = arith.addf %add3A_607, %scan3A_669#12 : vector<16xf32>
      %add3A_684 = arith.addf %add3A_608, %scan3A_669#13 : vector<16xf32>
      %add3A_685 = arith.addf %add3A_609, %scan3A_669#14 : vector<16xf32>
      %add3A_686 = arith.addf %add3A_610, %scan3A_669#15 : vector<16xf32>
      %add3A_687 = arith.constant 560 : i32
      %add3A_688 = arith.addi %mul3A_33, %add3A_687 : i32
      %dma_start3A_689 = arith.constant 0 : i32
      %dma_start3A_690 = arith.constant 0 : i32
      %dma_start3A_691 = tpu.memref_slice %arg10[%dma_start3A_689, %dma_start3A_690] : memref<112x256xf32, #tpu.memory_space<vmem>> -> memref<64x256xf32, #tpu.memory_space<vmem>>
      %dma_start3A_692 = arith.constant 0 : i32
      %dma_start3A_693 = tpu.memref_slice %arg3[%add3A_688, %dma_start3A_692] : memref<10000x256xf32, #tpu.memory_space<hbm>> -> memref<64x256xf32, #tpu.memory_space<hbm>>
      %dma_start3A_694 = arith.constant 0 : i32
      %dma_start3A_695 = arith.constant 0 : i32
      %dma_start3A_696 = tpu.memref_slice %arg10[%dma_start3A_694, %dma_start3A_695] : memref<112x256xf32, #tpu.memory_space<vmem>> -> memref<64x256xf32, #tpu.memory_space<vmem>>
      %dma_start3A_697 = arith.constant 0 : i32
      %dma_start3A_698 = tpu.memref_slice %arg3[%add3A_688, %dma_start3A_697] : memref<10000x256xf32, #tpu.memory_space<hbm>> -> memref<64x256xf32, #tpu.memory_space<hbm>>
      tpu.enqueue_dma source(%dma_start3A_698 : memref<64x256xf32, #tpu.memory_space<hbm>>) target(%dma_start3A_696 : memref<64x256xf32, #tpu.memory_space<vmem>>) target_semaphore(%arg16 : memref<!tpu.dma_semaphore, #tpu.memory_space<semaphore_mem>>)
      %dma_wait3A_699 = arith.constant 0 : i32
      %dma_wait3A_700 = arith.constant 0 : i32
      %dma_wait3A_701 = tpu.memref_slice %arg8[%dma_wait3A_699, %dma_wait3A_700] : memref<112x256xf32, #tpu.memory_space<vmem>> -> memref<112x256xf32, #tpu.memory_space<vmem>>
      %dma_wait3A_702 = arith.constant 0 : i32
      %dma_wait3A_703 = tpu.memref_slice %arg3[%mul3A_33, %dma_wait3A_702] : memref<10000x256xf32, #tpu.memory_space<hbm>> -> memref<112x256xf32, #tpu.memory_space<hbm>>
      %dma_wait3A_704 = arith.constant 0 : i32
      %dma_wait3A_705 = arith.constant 0 : i32
      %dma_wait3A_706 = tpu.memref_slice %arg8[%dma_wait3A_704, %dma_wait3A_705] : memref<112x256xf32, #tpu.memory_space<vmem>> -> memref<112x256xf32, #tpu.memory_space<vmem>>
      %dma_wait3A_707 = arith.constant 0 : i32
      %dma_wait3A_708 = tpu.memref_slice %arg3[%mul3A_33, %dma_wait3A_707] : memref<10000x256xf32, #tpu.memory_space<hbm>> -> memref<112x256xf32, #tpu.memory_space<hbm>>
      tpu.wait_dma2 semaphore(%arg14 : memref<!tpu.dma_semaphore, #tpu.memory_space<semaphore_mem>>) src(%dma_wait3A_708 : memref<112x256xf32, #tpu.memory_space<hbm>>) dst(%dma_wait3A_706 : memref<112x256xf32, #tpu.memory_space<vmem>>)
      %broadcast_in_dim3A_709 = arith.constant 0.000000e+00 : f32
      %broadcast_in_dim3A_710 = vector.broadcast %broadcast_in_dim3A_709 : f32 to vector<16xf32>
      %broadcast_in_dim3A_711 = arith.constant 0.000000e+00 : f32
      %broadcast_in_dim3A_712 = vector.broadcast %broadcast_in_dim3A_711 : f32 to vector<16xf32>
      %broadcast_in_dim3A_713 = arith.constant 0.000000e+00 : f32
      %broadcast_in_dim3A_714 = vector.broadcast %broadcast_in_dim3A_713 : f32 to vector<16xf32>
      %broadcast_in_dim3A_715 = arith.constant 0.000000e+00 : f32
      %broadcast_in_dim3A_716 = vector.broadcast %broadcast_in_dim3A_715 : f32 to vector<16xf32>
      %broadcast_in_dim3A_717 = arith.constant 0.000000e+00 : f32
      %broadcast_in_dim3A_718 = vector.broadcast %broadcast_in_dim3A_717 : f32 to vector<16xf32>
      %broadcast_in_dim3A_719 = arith.constant 0.000000e+00 : f32
      %broadcast_in_dim3A_720 = vector.broadcast %broadcast_in_dim3A_719 : f32 to vector<16xf32>
      %broadcast_in_dim3A_721 = arith.constant 0.000000e+00 : f32
      %broadcast_in_dim3A_722 = vector.broadcast %broadcast_in_dim3A_721 : f32 to vector<16xf32>
      %broadcast_in_dim3A_723 = arith.constant 0.000000e+00 : f32
      %broadcast_in_dim3A_724 = vector.broadcast %broadcast_in_dim3A_723 : f32 to vector<16xf32>
      %broadcast_in_dim3A_725 = arith.constant 0.000000e+00 : f32
      %broadcast_in_dim3A_726 = vector.broadcast %broadcast_in_dim3A_725 : f32 to vector<16xf32>
      %broadcast_in_dim3A_727 = arith.constant 0.000000e+00 : f32
      %broadcast_in_dim3A_728 = vector.broadcast %broadcast_in_dim3A_727 : f32 to vector<16xf32>
      %broadcast_in_dim3A_729 = arith.constant 0.000000e+00 : f32
      %broadcast_in_dim3A_730 = vector.broadcast %broadcast_in_dim3A_729 : f32 to vector<16xf32>
      %broadcast_in_dim3A_731 = arith.constant 0.000000e+00 : f32
      %broadcast_in_dim3A_732 = vector.broadcast %broadcast_in_dim3A_731 : f32 to vector<16xf32>
      %broadcast_in_dim3A_733 = arith.constant 0.000000e+00 : f32
      %broadcast_in_dim3A_734 = vector.broadcast %broadcast_in_dim3A_733 : f32 to vector<16xf32>
      %broadcast_in_dim3A_735 = arith.constant 0.000000e+00 : f32
      %broadcast_in_dim3A_736 = vector.broadcast %broadcast_in_dim3A_735 : f32 to vector<16xf32>
      %broadcast_in_dim3A_737 = arith.constant 0.000000e+00 : f32
      %broadcast_in_dim3A_738 = vector.broadcast %broadcast_in_dim3A_737 : f32 to vector<16xf32>
      %broadcast_in_dim3A_739 = arith.constant 0.000000e+00 : f32
      %broadcast_in_dim3A_740 = vector.broadcast %broadcast_in_dim3A_739 : f32 to vector<16xf32>
      %scan3A_741 = arith.constant 0 : i32
      %scan3A_742 = arith.constant 112 : i32
      %scan3A_743 = arith.addi %scan3A_741, %scan3A_742 : i32
      %scan3A_744 = arith.constant 1 : i32
      %scan3A_745:16 = scf.for %scan3A_1053 = %scan3A_741 to %scan3A_743 step %scan3A_744 iter_args(%scan3A_1054 = %broadcast_in_dim3A_710, %scan3A_1055 = %broadcast_in_dim3A_712, %scan3A_1056 = %broadcast_in_dim3A_714, %scan3A_1057 = %broadcast_in_dim3A_716, %scan3A_1058 = %broadcast_in_dim3A_718, %scan3A_1059 = %broadcast_in_dim3A_720, %scan3A_1060 = %broadcast_in_dim3A_722, %scan3A_1061 = %broadcast_in_dim3A_724, %scan3A_1062 = %broadcast_in_dim3A_726, %scan3A_1063 = %broadcast_in_dim3A_728, %scan3A_1064 = %broadcast_in_dim3A_730, %scan3A_1065 = %broadcast_in_dim3A_732, %scan3A_1066 = %broadcast_in_dim3A_734, %scan3A_1067 = %broadcast_in_dim3A_736, %scan3A_1068 = %broadcast_in_dim3A_738, %scan3A_1069 = %broadcast_in_dim3A_740) -> (vector<16xf32>, vector<16xf32>, vector<16xf32>, vector<16xf32>, vector<16xf32>, vector<16xf32>, vector<16xf32>, vector<16xf32>, vector<16xf32>, vector<16xf32>, vector<16xf32>, vector<16xf32>, vector<16xf32>, vector<16xf32>, vector<16xf32>, vector<16xf32>)  : i32 {
        %get3A_1070 = arith.index_cast %scan3A_1053 : i32 to index
        %get3A_1071 = arith.constant 0 : index
        %get3A_1072 = tpu.vector_load %arg8[%get3A_1070, %get3A_1071] {strides = array<i32>} : memref<112x256xf32, #tpu.memory_space<vmem>>, vector<1x16xf32>,
        %get3A_1073 = vector.shape_cast %get3A_1072 : vector<1x16xf32> to vector<16xf32>
        %add3A_1074 = arith.addf %scan3A_1054, %get3A_1073 : vector<16xf32>
        %get3A_1075 = arith.index_cast %scan3A_1053 : i32 to index
        %get3A_1076 = arith.constant 16 : index
        %get3A_1077 = tpu.vector_load %arg8[%get3A_1075, %get3A_1076] {strides = array<i32>} : memref<112x256xf32, #tpu.memory_space<vmem>>, vector<1x16xf32>,
        %get3A_1078 = vector.shape_cast %get3A_1077 : vector<1x16xf32> to vector<16xf32>
        %add3A_1079 = arith.addf %scan3A_1055, %get3A_1078 : vector<16xf32>
        %get3A_1080 = arith.index_cast %scan3A_1053 : i32 to index
        %get3A_1081 = arith.constant 32 : index
        %get3A_1082 = tpu.vector_load %arg8[%get3A_1080, %get3A_1081] {strides = array<i32>} : memref<112x256xf32, #tpu.memory_space<vmem>>, vector<1x16xf32>,
        %get3A_1083 = vector.shape_cast %get3A_1082 : vector<1x16xf32> to vector<16xf32>
        %add3A_1084 = arith.addf %scan3A_1056, %get3A_1083 : vector<16xf32>
        %get3A_1085 = arith.index_cast %scan3A_1053 : i32 to index
        %get3A_1086 = arith.constant 48 : index
        %get3A_1087 = tpu.vector_load %arg8[%get3A_1085, %get3A_1086] {strides = array<i32>} : memref<112x256xf32, #tpu.memory_space<vmem>>, vector<1x16xf32>,
        %get3A_1088 = vector.shape_cast %get3A_1087 : vector<1x16xf32> to vector<16xf32>
        %add3A_1089 = arith.addf %scan3A_1057, %get3A_1088 : vector<16xf32>
        %get3A_1090 = arith.index_cast %scan3A_1053 : i32 to index
        %get3A_1091 = arith.constant 64 : index
        %get3A_1092 = tpu.vector_load %arg8[%get3A_1090, %get3A_1091] {strides = array<i32>} : memref<112x256xf32, #tpu.memory_space<vmem>>, vector<1x16xf32>,
        %get3A_1093 = vector.shape_cast %get3A_1092 : vector<1x16xf32> to vector<16xf32>
        %add3A_1094 = arith.addf %scan3A_1058, %get3A_1093 : vector<16xf32>
        %get3A_1095 = arith.index_cast %scan3A_1053 : i32 to index
        %get3A_1096 = arith.constant 80 : index
        %get3A_1097 = tpu.vector_load %arg8[%get3A_1095, %get3A_1096] {strides = array<i32>} : memref<112x256xf32, #tpu.memory_space<vmem>>, vector<1x16xf32>,
        %get3A_1098 = vector.shape_cast %get3A_1097 : vector<1x16xf32> to vector<16xf32>
        %add3A_1099 = arith.addf %scan3A_1059, %get3A_1098 : vector<16xf32>
        %get3A_1100 = arith.index_cast %scan3A_1053 : i32 to index
        %get3A_1101 = arith.constant 96 : index
        %get3A_1102 = tpu.vector_load %arg8[%get3A_1100, %get3A_1101] {strides = array<i32>} : memref<112x256xf32, #tpu.memory_space<vmem>>, vector<1x16xf32>,
        %get3A_1103 = vector.shape_cast %get3A_1102 : vector<1x16xf32> to vector<16xf32>
        %add3A_1104 = arith.addf %scan3A_1060, %get3A_1103 : vector<16xf32>
        %get3A_1105 = arith.index_cast %scan3A_1053 : i32 to index
        %get3A_1106 = arith.constant 112 : index
        %get3A_1107 = tpu.vector_load %arg8[%get3A_1105, %get3A_1106] {strides = array<i32>} : memref<112x256xf32, #tpu.memory_space<vmem>>, vector<1x16xf32>,
        %get3A_1108 = vector.shape_cast %get3A_1107 : vector<1x16xf32> to vector<16xf32>
        %add3A_1109 = arith.addf %scan3A_1061, %get3A_1108 : vector<16xf32>
        %get3A_1110 = arith.index_cast %scan3A_1053 : i32 to index
        %get3A_1111 = arith.constant 128 : index
        %get3A_1112 = tpu.vector_load %arg8[%get3A_1110, %get3A_1111] {strides = array<i32>} : memref<112x256xf32, #tpu.memory_space<vmem>>, vector<1x16xf32>,
        %get3A_1113 = vector.shape_cast %get3A_1112 : vector<1x16xf32> to vector<16xf32>
        %add3A_1114 = arith.addf %scan3A_1062, %get3A_1113 : vector<16xf32>
        %get3A_1115 = arith.index_cast %scan3A_1053 : i32 to index
        %get3A_1116 = arith.constant 144 : index
        %get3A_1117 = tpu.vector_load %arg8[%get3A_1115, %get3A_1116] {strides = array<i32>} : memref<112x256xf32, #tpu.memory_space<vmem>>, vector<1x16xf32>,
        %get3A_1118 = vector.shape_cast %get3A_1117 : vector<1x16xf32> to vector<16xf32>
        %add3A_1119 = arith.addf %scan3A_1063, %get3A_1118 : vector<16xf32>
        %get3A_1120 = arith.index_cast %scan3A_1053 : i32 to index
        %get3A_1121 = arith.constant 160 : index
        %get3A_1122 = tpu.vector_load %arg8[%get3A_1120, %get3A_1121] {strides = array<i32>} : memref<112x256xf32, #tpu.memory_space<vmem>>, vector<1x16xf32>,
        %get3A_1123 = vector.shape_cast %get3A_1122 : vector<1x16xf32> to vector<16xf32>
        %add3A_1124 = arith.addf %scan3A_1064, %get3A_1123 : vector<16xf32>
        %get3A_1125 = arith.index_cast %scan3A_1053 : i32 to index
        %get3A_1126 = arith.constant 176 : index
        %get3A_1127 = tpu.vector_load %arg8[%get3A_1125, %get3A_1126] {strides = array<i32>} : memref<112x256xf32, #tpu.memory_space<vmem>>, vector<1x16xf32>,
        %get3A_1128 = vector.shape_cast %get3A_1127 : vector<1x16xf32> to vector<16xf32>
        %add3A_1129 = arith.addf %scan3A_1065, %get3A_1128 : vector<16xf32>
        %get3A_1130 = arith.index_cast %scan3A_1053 : i32 to index
        %get3A_1131 = arith.constant 192 : index
        %get3A_1132 = tpu.vector_load %arg8[%get3A_1130, %get3A_1131] {strides = array<i32>} : memref<112x256xf32, #tpu.memory_space<vmem>>, vector<1x16xf32>,
        %get3A_1133 = vector.shape_cast %get3A_1132 : vector<1x16xf32> to vector<16xf32>
        %add3A_1134 = arith.addf %scan3A_1066, %get3A_1133 : vector<16xf32>
        %get3A_1135 = arith.index_cast %scan3A_1053 : i32 to index
        %get3A_1136 = arith.constant 208 : index
        %get3A_1137 = tpu.vector_load %arg8[%get3A_1135, %get3A_1136] {strides = array<i32>} : memref<112x256xf32, #tpu.memory_space<vmem>>, vector<1x16xf32>,
        %get3A_1138 = vector.shape_cast %get3A_1137 : vector<1x16xf32> to vector<16xf32>
        %add3A_1139 = arith.addf %scan3A_1067, %get3A_1138 : vector<16xf32>
        %get3A_1140 = arith.index_cast %scan3A_1053 : i32 to index
        %get3A_1141 = arith.constant 224 : index
        %get3A_1142 = tpu.vector_load %arg8[%get3A_1140, %get3A_1141] {strides = array<i32>} : memref<112x256xf32, #tpu.memory_space<vmem>>, vector<1x16xf32>,
        %get3A_1143 = vector.shape_cast %get3A_1142 : vector<1x16xf32> to vector<16xf32>
        %add3A_1144 = arith.addf %scan3A_1068, %get3A_1143 : vector<16xf32>
        %get3A_1145 = arith.index_cast %scan3A_1053 : i32 to index
        %get3A_1146 = arith.constant 240 : index
        %get3A_1147 = tpu.vector_load %arg8[%get3A_1145, %get3A_1146] {strides = array<i32>} : memref<112x256xf32, #tpu.memory_space<vmem>>, vector<1x16xf32>,
        %get3A_1148 = vector.shape_cast %get3A_1147 : vector<1x16xf32> to vector<16xf32>
        %add3A_1149 = arith.addf %scan3A_1069, %get3A_1148 : vector<16xf32>
        scf.yield %add3A_1074, %add3A_1079, %add3A_1084, %add3A_1089, %add3A_1094, %add3A_1099, %add3A_1104, %add3A_1109, %add3A_1114, %add3A_1119, %add3A_1124, %add3A_1129, %add3A_1134, %add3A_1139, %add3A_1144, %add3A_1149 : vector<16xf32>, vector<16xf32>, vector<16xf32>, vector<16xf32>, vector<16xf32>, vector<16xf32>, vector<16xf32>, vector<16xf32>, vector<16xf32>, vector<16xf32>, vector<16xf32>, vector<16xf32>, vector<16xf32>, vector<16xf32>, vector<16xf32>, vector<16xf32>
      }
      %scan3A_746 = arith.constant 112 : i32
      %add3A_747 = arith.addf %add3A_671, %scan3A_745#0 : vector<16xf32>
      %add3A_748 = arith.addf %add3A_672, %scan3A_745#1 : vector<16xf32>
      %add3A_749 = arith.addf %add3A_673, %scan3A_745#2 : vector<16xf32>
      %add3A_750 = arith.addf %add3A_674, %scan3A_745#3 : vector<16xf32>
      %add3A_751 = arith.addf %add3A_675, %scan3A_745#4 : vector<16xf32>
      %add3A_752 = arith.addf %add3A_676, %scan3A_745#5 : vector<16xf32>
      %add3A_753 = arith.addf %add3A_677, %scan3A_745#6 : vector<16xf32>
      %add3A_754 = arith.addf %add3A_678, %scan3A_745#7 : vector<16xf32>
      %add3A_755 = arith.addf %add3A_679, %scan3A_745#8 : vector<16xf32>
      %add3A_756 = arith.addf %add3A_680, %scan3A_745#9 : vector<16xf32>
      %add3A_757 = arith.addf %add3A_681, %scan3A_745#10 : vector<16xf32>
      %add3A_758 = arith.addf %add3A_682, %scan3A_745#11 : vector<16xf32>
      %add3A_759 = arith.addf %add3A_683, %scan3A_745#12 : vector<16xf32>
      %add3A_760 = arith.addf %add3A_684, %scan3A_745#13 : vector<16xf32>
      %add3A_761 = arith.addf %add3A_685, %scan3A_745#14 : vector<16xf32>
      %add3A_762 = arith.addf %add3A_686, %scan3A_745#15 : vector<16xf32>
      %dma_wait3A_763 = arith.constant 0 : i32
      %dma_wait3A_764 = arith.constant 0 : i32
      %dma_wait3A_765 = tpu.memref_slice %arg9[%dma_wait3A_763, %dma_wait3A_764] : memref<112x256xf32, #tpu.memory_space<vmem>> -> memref<112x256xf32, #tpu.memory_space<vmem>>
      %dma_wait3A_766 = arith.constant 0 : i32
      %dma_wait3A_767 = tpu.memref_slice %arg3[%mul3A_33, %dma_wait3A_766] : memref<10000x256xf32, #tpu.memory_space<hbm>> -> memref<112x256xf32, #tpu.memory_space<hbm>>
      %dma_wait3A_768 = arith.constant 0 : i32
      %dma_wait3A_769 = arith.constant 0 : i32
      %dma_wait3A_770 = tpu.memref_slice %arg9[%dma_wait3A_768, %dma_wait3A_769] : memref<112x256xf32, #tpu.memory_space<vmem>> -> memref<112x256xf32, #tpu.memory_space<vmem>>
      %dma_wait3A_771 = arith.constant 0 : i32
      %dma_wait3A_772 = tpu.memref_slice %arg3[%mul3A_33, %dma_wait3A_771] : memref<10000x256xf32, #tpu.memory_space<hbm>> -> memref<112x256xf32, #tpu.memory_space<hbm>>
      tpu.wait_dma2 semaphore(%arg15 : memref<!tpu.dma_semaphore, #tpu.memory_space<semaphore_mem>>) src(%dma_wait3A_772 : memref<112x256xf32, #tpu.memory_space<hbm>>) dst(%dma_wait3A_770 : memref<112x256xf32, #tpu.memory_space<vmem>>)
      %broadcast_in_dim3A_773 = arith.constant 0.000000e+00 : f32
      %broadcast_in_dim3A_774 = vector.broadcast %broadcast_in_dim3A_773 : f32 to vector<16xf32>
      %broadcast_in_dim3A_775 = arith.constant 0.000000e+00 : f32
      %broadcast_in_dim3A_776 = vector.broadcast %broadcast_in_dim3A_775 : f32 to vector<16xf32>
      %broadcast_in_dim3A_777 = arith.constant 0.000000e+00 : f32
      %broadcast_in_dim3A_778 = vector.broadcast %broadcast_in_dim3A_777 : f32 to vector<16xf32>
      %broadcast_in_dim3A_779 = arith.constant 0.000000e+00 : f32
      %broadcast_in_dim3A_780 = vector.broadcast %broadcast_in_dim3A_779 : f32 to vector<16xf32>
      %broadcast_in_dim3A_781 = arith.constant 0.000000e+00 : f32
      %broadcast_in_dim3A_782 = vector.broadcast %broadcast_in_dim3A_781 : f32 to vector<16xf32>
      %broadcast_in_dim3A_783 = arith.constant 0.000000e+00 : f32
      %broadcast_in_dim3A_784 = vector.broadcast %broadcast_in_dim3A_783 : f32 to vector<16xf32>
      %broadcast_in_dim3A_785 = arith.constant 0.000000e+00 : f32
      %broadcast_in_dim3A_786 = vector.broadcast %broadcast_in_dim3A_785 : f32 to vector<16xf32>
      %broadcast_in_dim3A_787 = arith.constant 0.000000e+00 : f32
      %broadcast_in_dim3A_788 = vector.broadcast %broadcast_in_dim3A_787 : f32 to vector<16xf32>
      %broadcast_in_dim3A_789 = arith.constant 0.000000e+00 : f32
      %broadcast_in_dim3A_790 = vector.broadcast %broadcast_in_dim3A_789 : f32 to vector<16xf32>
      %broadcast_in_dim3A_791 = arith.constant 0.000000e+00 : f32
      %broadcast_in_dim3A_792 = vector.broadcast %broadcast_in_dim3A_791 : f32 to vector<16xf32>
      %broadcast_in_dim3A_793 = arith.constant 0.000000e+00 : f32
      %broadcast_in_dim3A_794 = vector.broadcast %broadcast_in_dim3A_793 : f32 to vector<16xf32>
      %broadcast_in_dim3A_795 = arith.constant 0.000000e+00 : f32
      %broadcast_in_dim3A_796 = vector.broadcast %broadcast_in_dim3A_795 : f32 to vector<16xf32>
      %broadcast_in_dim3A_797 = arith.constant 0.000000e+00 : f32
      %broadcast_in_dim3A_798 = vector.broadcast %broadcast_in_dim3A_797 : f32 to vector<16xf32>
      %broadcast_in_dim3A_799 = arith.constant 0.000000e+00 : f32
      %broadcast_in_dim3A_800 = vector.broadcast %broadcast_in_dim3A_799 : f32 to vector<16xf32>
      %broadcast_in_dim3A_801 = arith.constant 0.000000e+00 : f32
      %broadcast_in_dim3A_802 = vector.broadcast %broadcast_in_dim3A_801 : f32 to vector<16xf32>
      %broadcast_in_dim3A_803 = arith.constant 0.000000e+00 : f32
      %broadcast_in_dim3A_804 = vector.broadcast %broadcast_in_dim3A_803 : f32 to vector<16xf32>
      %scan3A_805 = arith.constant 0 : i32
      %scan3A_806 = arith.constant 112 : i32
      %scan3A_807 = arith.addi %scan3A_805, %scan3A_806 : i32
      %scan3A_808 = arith.constant 1 : i32
      %scan3A_809:16 = scf.for %scan3A_1053 = %scan3A_805 to %scan3A_807 step %scan3A_808 iter_args(%scan3A_1054 = %broadcast_in_dim3A_774, %scan3A_1055 = %broadcast_in_dim3A_776, %scan3A_1056 = %broadcast_in_dim3A_778, %scan3A_1057 = %broadcast_in_dim3A_780, %scan3A_1058 = %broadcast_in_dim3A_782, %scan3A_1059 = %broadcast_in_dim3A_784, %scan3A_1060 = %broadcast_in_dim3A_786, %scan3A_1061 = %broadcast_in_dim3A_788, %scan3A_1062 = %broadcast_in_dim3A_790, %scan3A_1063 = %broadcast_in_dim3A_792, %scan3A_1064 = %broadcast_in_dim3A_794, %scan3A_1065 = %broadcast_in_dim3A_796, %scan3A_1066 = %broadcast_in_dim3A_798, %scan3A_1067 = %broadcast_in_dim3A_800, %scan3A_1068 = %broadcast_in_dim3A_802, %scan3A_1069 = %broadcast_in_dim3A_804) -> (vector<16xf32>, vector<16xf32>, vector<16xf32>, vector<16xf32>, vector<16xf32>, vector<16xf32>, vector<16xf32>, vector<16xf32>, vector<16xf32>, vector<16xf32>, vector<16xf32>, vector<16xf32>, vector<16xf32>, vector<16xf32>, vector<16xf32>, vector<16xf32>)  : i32 {
        %get3A_1070 = arith.index_cast %scan3A_1053 : i32 to index
        %get3A_1071 = arith.constant 0 : index
        %get3A_1072 = tpu.vector_load %arg9[%get3A_1070, %get3A_1071] {strides = array<i32>} : memref<112x256xf32, #tpu.memory_space<vmem>>, vector<1x16xf32>,
        %get3A_1073 = vector.shape_cast %get3A_1072 : vector<1x16xf32> to vector<16xf32>
        %add3A_1074 = arith.addf %scan3A_1054, %get3A_1073 : vector<16xf32>
        %get3A_1075 = arith.index_cast %scan3A_1053 : i32 to index
        %get3A_1076 = arith.constant 16 : index
        %get3A_1077 = tpu.vector_load %arg9[%get3A_1075, %get3A_1076] {strides = array<i32>} : memref<112x256xf32, #tpu.memory_space<vmem>>, vector<1x16xf32>,
        %get3A_1078 = vector.shape_cast %get3A_1077 : vector<1x16xf32> to vector<16xf32>
        %add3A_1079 = arith.addf %scan3A_1055, %get3A_1078 : vector<16xf32>
        %get3A_1080 = arith.index_cast %scan3A_1053 : i32 to index
        %get3A_1081 = arith.constant 32 : index
        %get3A_1082 = tpu.vector_load %arg9[%get3A_1080, %get3A_1081] {strides = array<i32>} : memref<112x256xf32, #tpu.memory_space<vmem>>, vector<1x16xf32>,
        %get3A_1083 = vector.shape_cast %get3A_1082 : vector<1x16xf32> to vector<16xf32>
        %add3A_1084 = arith.addf %scan3A_1056, %get3A_1083 : vector<16xf32>
        %get3A_1085 = arith.index_cast %scan3A_1053 : i32 to index
        %get3A_1086 = arith.constant 48 : index
        %get3A_1087 = tpu.vector_load %arg9[%get3A_1085, %get3A_1086] {strides = array<i32>} : memref<112x256xf32, #tpu.memory_space<vmem>>, vector<1x16xf32>,
        %get3A_1088 = vector.shape_cast %get3A_1087 : vector<1x16xf32> to vector<16xf32>
        %add3A_1089 = arith.addf %scan3A_1057, %get3A_1088 : vector<16xf32>
        %get3A_1090 = arith.index_cast %scan3A_1053 : i32 to index
        %get3A_1091 = arith.constant 64 : index
        %get3A_1092 = tpu.vector_load %arg9[%get3A_1090, %get3A_1091] {strides = array<i32>} : memref<112x256xf32, #tpu.memory_space<vmem>>, vector<1x16xf32>,
        %get3A_1093 = vector.shape_cast %get3A_1092 : vector<1x16xf32> to vector<16xf32>
        %add3A_1094 = arith.addf %scan3A_1058, %get3A_1093 : vector<16xf32>
        %get3A_1095 = arith.index_cast %scan3A_1053 : i32 to index
        %get3A_1096 = arith.constant 80 : index
        %get3A_1097 = tpu.vector_load %arg9[%get3A_1095, %get3A_1096] {strides = array<i32>} : memref<112x256xf32, #tpu.memory_space<vmem>>, vector<1x16xf32>,
        %get3A_1098 = vector.shape_cast %get3A_1097 : vector<1x16xf32> to vector<16xf32>
        %add3A_1099 = arith.addf %scan3A_1059, %get3A_1098 : vector<16xf32>
        %get3A_1100 = arith.index_cast %scan3A_1053 : i32 to index
        %get3A_1101 = arith.constant 96 : index
        %get3A_1102 = tpu.vector_load %arg9[%get3A_1100, %get3A_1101] {strides = array<i32>} : memref<112x256xf32, #tpu.memory_space<vmem>>, vector<1x16xf32>,
        %get3A_1103 = vector.shape_cast %get3A_1102 : vector<1x16xf32> to vector<16xf32>
        %add3A_1104 = arith.addf %scan3A_1060, %get3A_1103 : vector<16xf32>
        %get3A_1105 = arith.index_cast %scan3A_1053 : i32 to index
        %get3A_1106 = arith.constant 112 : index
        %get3A_1107 = tpu.vector_load %arg9[%get3A_1105, %get3A_1106] {strides = array<i32>} : memref<112x256xf32, #tpu.memory_space<vmem>>, vector<1x16xf32>,
        %get3A_1108 = vector.shape_cast %get3A_1107 : vector<1x16xf32> to vector<16xf32>
        %add3A_1109 = arith.addf %scan3A_1061, %get3A_1108 : vector<16xf32>
        %get3A_1110 = arith.index_cast %scan3A_1053 : i32 to index
        %get3A_1111 = arith.constant 128 : index
        %get3A_1112 = tpu.vector_load %arg9[%get3A_1110, %get3A_1111] {strides = array<i32>} : memref<112x256xf32, #tpu.memory_space<vmem>>, vector<1x16xf32>,
        %get3A_1113 = vector.shape_cast %get3A_1112 : vector<1x16xf32> to vector<16xf32>
        %add3A_1114 = arith.addf %scan3A_1062, %get3A_1113 : vector<16xf32>
        %get3A_1115 = arith.index_cast %scan3A_1053 : i32 to index
        %get3A_1116 = arith.constant 144 : index
        %get3A_1117 = tpu.vector_load %arg9[%get3A_1115, %get3A_1116] {strides = array<i32>} : memref<112x256xf32, #tpu.memory_space<vmem>>, vector<1x16xf32>,
        %get3A_1118 = vector.shape_cast %get3A_1117 : vector<1x16xf32> to vector<16xf32>
        %add3A_1119 = arith.addf %scan3A_1063, %get3A_1118 : vector<16xf32>
        %get3A_1120 = arith.index_cast %scan3A_1053 : i32 to index
        %get3A_1121 = arith.constant 160 : index
        %get3A_1122 = tpu.vector_load %arg9[%get3A_1120, %get3A_1121] {strides = array<i32>} : memref<112x256xf32, #tpu.memory_space<vmem>>, vector<1x16xf32>,
        %get3A_1123 = vector.shape_cast %get3A_1122 : vector<1x16xf32> to vector<16xf32>
        %add3A_1124 = arith.addf %scan3A_1064, %get3A_1123 : vector<16xf32>
        %get3A_1125 = arith.index_cast %scan3A_1053 : i32 to index
        %get3A_1126 = arith.constant 176 : index
        %get3A_1127 = tpu.vector_load %arg9[%get3A_1125, %get3A_1126] {strides = array<i32>} : memref<112x256xf32, #tpu.memory_space<vmem>>, vector<1x16xf32>,
        %get3A_1128 = vector.shape_cast %get3A_1127 : vector<1x16xf32> to vector<16xf32>
        %add3A_1129 = arith.addf %scan3A_1065, %get3A_1128 : vector<16xf32>
        %get3A_1130 = arith.index_cast %scan3A_1053 : i32 to index
        %get3A_1131 = arith.constant 192 : index
        %get3A_1132 = tpu.vector_load %arg9[%get3A_1130, %get3A_1131] {strides = array<i32>} : memref<112x256xf32, #tpu.memory_space<vmem>>, vector<1x16xf32>,
        %get3A_1133 = vector.shape_cast %get3A_1132 : vector<1x16xf32> to vector<16xf32>
        %add3A_1134 = arith.addf %scan3A_1066, %get3A_1133 : vector<16xf32>
        %get3A_1135 = arith.index_cast %scan3A_1053 : i32 to index
        %get3A_1136 = arith.constant 208 : index
        %get3A_1137 = tpu.vector_load %arg9[%get3A_1135, %get3A_1136] {strides = array<i32>} : memref<112x256xf32, #tpu.memory_space<vmem>>, vector<1x16xf32>,
        %get3A_1138 = vector.shape_cast %get3A_1137 : vector<1x16xf32> to vector<16xf32>
        %add3A_1139 = arith.addf %scan3A_1067, %get3A_1138 : vector<16xf32>
        %get3A_1140 = arith.index_cast %scan3A_1053 : i32 to index
        %get3A_1141 = arith.constant 224 : index
        %get3A_1142 = tpu.vector_load %arg9[%get3A_1140, %get3A_1141] {strides = array<i32>} : memref<112x256xf32, #tpu.memory_space<vmem>>, vector<1x16xf32>,
        %get3A_1143 = vector.shape_cast %get3A_1142 : vector<1x16xf32> to vector<16xf32>
        %add3A_1144 = arith.addf %scan3A_1068, %get3A_1143 : vector<16xf32>
        %get3A_1145 = arith.index_cast %scan3A_1053 : i32 to index
        %get3A_1146 = arith.constant 240 : index
        %get3A_1147 = tpu.vector_load %arg9[%get3A_1145, %get3A_1146] {strides = array<i32>} : memref<112x256xf32, #tpu.memory_space<vmem>>, vector<1x16xf32>,
        %get3A_1148 = vector.shape_cast %get3A_1147 : vector<1x16xf32> to vector<16xf32>
        %add3A_1149 = arith.addf %scan3A_1069, %get3A_1148 : vector<16xf32>
        scf.yield %add3A_1074, %add3A_1079, %add3A_1084, %add3A_1089, %add3A_1094, %add3A_1099, %add3A_1104, %add3A_1109, %add3A_1114, %add3A_1119, %add3A_1124, %add3A_1129, %add3A_1134, %add3A_1139, %add3A_1144, %add3A_1149 : vector<16xf32>, vector<16xf32>, vector<16xf32>, vector<16xf32>, vector<16xf32>, vector<16xf32>, vector<16xf32>, vector<16xf32>, vector<16xf32>, vector<16xf32>, vector<16xf32>, vector<16xf32>, vector<16xf32>, vector<16xf32>, vector<16xf32>, vector<16xf32>
      }
      %scan3A_810 = arith.constant 112 : i32
      %add3A_811 = arith.addf %add3A_747, %scan3A_809#0 : vector<16xf32>
      %add3A_812 = arith.addf %add3A_748, %scan3A_809#1 : vector<16xf32>
      %add3A_813 = arith.addf %add3A_749, %scan3A_809#2 : vector<16xf32>
      %add3A_814 = arith.addf %add3A_750, %scan3A_809#3 : vector<16xf32>
      %add3A_815 = arith.addf %add3A_751, %scan3A_809#4 : vector<16xf32>
      %add3A_816 = arith.addf %add3A_752, %scan3A_809#5 : vector<16xf32>
      %add3A_817 = arith.addf %add3A_753, %scan3A_809#6 : vector<16xf32>
      %add3A_818 = arith.addf %add3A_754, %scan3A_809#7 : vector<16xf32>
      %add3A_819 = arith.addf %add3A_755, %scan3A_809#8 : vector<16xf32>
      %add3A_820 = arith.addf %add3A_756, %scan3A_809#9 : vector<16xf32>
      %add3A_821 = arith.addf %add3A_757, %scan3A_809#10 : vector<16xf32>
      %add3A_822 = arith.addf %add3A_758, %scan3A_809#11 : vector<16xf32>
      %add3A_823 = arith.addf %add3A_759, %scan3A_809#12 : vector<16xf32>
      %add3A_824 = arith.addf %add3A_760, %scan3A_809#13 : vector<16xf32>
      %add3A_825 = arith.addf %add3A_761, %scan3A_809#14 : vector<16xf32>
      %add3A_826 = arith.addf %add3A_762, %scan3A_809#15 : vector<16xf32>
      %dma_wait3A_827 = arith.constant 0 : i32
      %dma_wait3A_828 = arith.constant 0 : i32
      %dma_wait3A_829 = tpu.memref_slice %arg10[%dma_wait3A_827, %dma_wait3A_828] : memref<112x256xf32, #tpu.memory_space<vmem>> -> memref<64x256xf32, #tpu.memory_space<vmem>>
      %dma_wait3A_830 = arith.constant 0 : i32
      %dma_wait3A_831 = tpu.memref_slice %arg3[%mul3A_33, %dma_wait3A_830] : memref<10000x256xf32, #tpu.memory_space<hbm>> -> memref<64x256xf32, #tpu.memory_space<hbm>>
      %dma_wait3A_832 = arith.constant 0 : i32
      %dma_wait3A_833 = arith.constant 0 : i32
      %dma_wait3A_834 = tpu.memref_slice %arg10[%dma_wait3A_832, %dma_wait3A_833] : memref<112x256xf32, #tpu.memory_space<vmem>> -> memref<64x256xf32, #tpu.memory_space<vmem>>
      %dma_wait3A_835 = arith.constant 0 : i32
      %dma_wait3A_836 = tpu.memref_slice %arg3[%mul3A_33, %dma_wait3A_835] : memref<10000x256xf32, #tpu.memory_space<hbm>> -> memref<64x256xf32, #tpu.memory_space<hbm>>
      tpu.wait_dma2 semaphore(%arg16 : memref<!tpu.dma_semaphore, #tpu.memory_space<semaphore_mem>>) src(%dma_wait3A_836 : memref<64x256xf32, #tpu.memory_space<hbm>>) dst(%dma_wait3A_834 : memref<64x256xf32, #tpu.memory_space<vmem>>)
      %broadcast_in_dim3A_837 = arith.constant 0.000000e+00 : f32
      %broadcast_in_dim3A_838 = vector.broadcast %broadcast_in_dim3A_837 : f32 to vector<16xf32>
      %broadcast_in_dim3A_839 = arith.constant 0.000000e+00 : f32
      %broadcast_in_dim3A_840 = vector.broadcast %broadcast_in_dim3A_839 : f32 to vector<16xf32>
      %broadcast_in_dim3A_841 = arith.constant 0.000000e+00 : f32
      %broadcast_in_dim3A_842 = vector.broadcast %broadcast_in_dim3A_841 : f32 to vector<16xf32>
      %broadcast_in_dim3A_843 = arith.constant 0.000000e+00 : f32
      %broadcast_in_dim3A_844 = vector.broadcast %broadcast_in_dim3A_843 : f32 to vector<16xf32>
      %broadcast_in_dim3A_845 = arith.constant 0.000000e+00 : f32
      %broadcast_in_dim3A_846 = vector.broadcast %broadcast_in_dim3A_845 : f32 to vector<16xf32>
      %broadcast_in_dim3A_847 = arith.constant 0.000000e+00 : f32
      %broadcast_in_dim3A_848 = vector.broadcast %broadcast_in_dim3A_847 : f32 to vector<16xf32>
      %broadcast_in_dim3A_849 = arith.constant 0.000000e+00 : f32
      %broadcast_in_dim3A_850 = vector.broadcast %broadcast_in_dim3A_849 : f32 to vector<16xf32>
      %broadcast_in_dim3A_851 = arith.constant 0.000000e+00 : f32
      %broadcast_in_dim3A_852 = vector.broadcast %broadcast_in_dim3A_851 : f32 to vector<16xf32>
      %broadcast_in_dim3A_853 = arith.constant 0.000000e+00 : f32
      %broadcast_in_dim3A_854 = vector.broadcast %broadcast_in_dim3A_853 : f32 to vector<16xf32>
      %broadcast_in_dim3A_855 = arith.constant 0.000000e+00 : f32
      %broadcast_in_dim3A_856 = vector.broadcast %broadcast_in_dim3A_855 : f32 to vector<16xf32>
      %broadcast_in_dim3A_857 = arith.constant 0.000000e+00 : f32
      %broadcast_in_dim3A_858 = vector.broadcast %broadcast_in_dim3A_857 : f32 to vector<16xf32>
      %broadcast_in_dim3A_859 = arith.constant 0.000000e+00 : f32
      %broadcast_in_dim3A_860 = vector.broadcast %broadcast_in_dim3A_859 : f32 to vector<16xf32>
      %broadcast_in_dim3A_861 = arith.constant 0.000000e+00 : f32
      %broadcast_in_dim3A_862 = vector.broadcast %broadcast_in_dim3A_861 : f32 to vector<16xf32>
      %broadcast_in_dim3A_863 = arith.constant 0.000000e+00 : f32
      %broadcast_in_dim3A_864 = vector.broadcast %broadcast_in_dim3A_863 : f32 to vector<16xf32>
      %broadcast_in_dim3A_865 = arith.constant 0.000000e+00 : f32
      %broadcast_in_dim3A_866 = vector.broadcast %broadcast_in_dim3A_865 : f32 to vector<16xf32>
      %broadcast_in_dim3A_867 = arith.constant 0.000000e+00 : f32
      %broadcast_in_dim3A_868 = vector.broadcast %broadcast_in_dim3A_867 : f32 to vector<16xf32>
      %scan3A_869 = arith.constant 0 : i32
      %scan3A_870 = arith.constant 64 : i32
      %scan3A_871 = arith.addi %scan3A_869, %scan3A_870 : i32
      %scan3A_872 = arith.constant 1 : i32
      %scan3A_873:16 = scf.for %scan3A_1053 = %scan3A_869 to %scan3A_871 step %scan3A_872 iter_args(%scan3A_1054 = %broadcast_in_dim3A_838, %scan3A_1055 = %broadcast_in_dim3A_840, %scan3A_1056 = %broadcast_in_dim3A_842, %scan3A_1057 = %broadcast_in_dim3A_844, %scan3A_1058 = %broadcast_in_dim3A_846, %scan3A_1059 = %broadcast_in_dim3A_848, %scan3A_1060 = %broadcast_in_dim3A_850, %scan3A_1061 = %broadcast_in_dim3A_852, %scan3A_1062 = %broadcast_in_dim3A_854, %scan3A_1063 = %broadcast_in_dim3A_856, %scan3A_1064 = %broadcast_in_dim3A_858, %scan3A_1065 = %broadcast_in_dim3A_860, %scan3A_1066 = %broadcast_in_dim3A_862, %scan3A_1067 = %broadcast_in_dim3A_864, %scan3A_1068 = %broadcast_in_dim3A_866, %scan3A_1069 = %broadcast_in_dim3A_868) -> (vector<16xf32>, vector<16xf32>, vector<16xf32>, vector<16xf32>, vector<16xf32>, vector<16xf32>, vector<16xf32>, vector<16xf32>, vector<16xf32>, vector<16xf32>, vector<16xf32>, vector<16xf32>, vector<16xf32>, vector<16xf32>, vector<16xf32>, vector<16xf32>)  : i32 {
        %get3A_1070 = arith.index_cast %scan3A_1053 : i32 to index
        %get3A_1071 = arith.constant 0 : index
        %get3A_1072 = tpu.vector_load %arg10[%get3A_1070, %get3A_1071] {strides = array<i32>} : memref<112x256xf32, #tpu.memory_space<vmem>>, vector<1x16xf32>,
        %get3A_1073 = vector.shape_cast %get3A_1072 : vector<1x16xf32> to vector<16xf32>
        %add3A_1074 = arith.addf %scan3A_1054, %get3A_1073 : vector<16xf32>
        %get3A_1075 = arith.index_cast %scan3A_1053 : i32 to index
        %get3A_1076 = arith.constant 16 : index
        %get3A_1077 = tpu.vector_load %arg10[%get3A_1075, %get3A_1076] {strides = array<i32>} : memref<112x256xf32, #tpu.memory_space<vmem>>, vector<1x16xf32>,
        %get3A_1078 = vector.shape_cast %get3A_1077 : vector<1x16xf32> to vector<16xf32>
        %add3A_1079 = arith.addf %scan3A_1055, %get3A_1078 : vector<16xf32>
        %get3A_1080 = arith.index_cast %scan3A_1053 : i32 to index
        %get3A_1081 = arith.constant 32 : index
        %get3A_1082 = tpu.vector_load %arg10[%get3A_1080, %get3A_1081] {strides = array<i32>} : memref<112x256xf32, #tpu.memory_space<vmem>>, vector<1x16xf32>,
        %get3A_1083 = vector.shape_cast %get3A_1082 : vector<1x16xf32> to vector<16xf32>
        %add3A_1084 = arith.addf %scan3A_1056, %get3A_1083 : vector<16xf32>
        %get3A_1085 = arith.index_cast %scan3A_1053 : i32 to index
        %get3A_1086 = arith.constant 48 : index
        %get3A_1087 = tpu.vector_load %arg10[%get3A_1085, %get3A_1086] {strides = array<i32>} : memref<112x256xf32, #tpu.memory_space<vmem>>, vector<1x16xf32>,
        %get3A_1088 = vector.shape_cast %get3A_1087 : vector<1x16xf32> to vector<16xf32>
        %add3A_1089 = arith.addf %scan3A_1057, %get3A_1088 : vector<16xf32>
        %get3A_1090 = arith.index_cast %scan3A_1053 : i32 to index
        %get3A_1091 = arith.constant 64 : index
        %get3A_1092 = tpu.vector_load %arg10[%get3A_1090, %get3A_1091] {strides = array<i32>} : memref<112x256xf32, #tpu.memory_space<vmem>>, vector<1x16xf32>,
        %get3A_1093 = vector.shape_cast %get3A_1092 : vector<1x16xf32> to vector<16xf32>
        %add3A_1094 = arith.addf %scan3A_1058, %get3A_1093 : vector<16xf32>
        %get3A_1095 = arith.index_cast %scan3A_1053 : i32 to index
        %get3A_1096 = arith.constant 80 : index
        %get3A_1097 = tpu.vector_load %arg10[%get3A_1095, %get3A_1096] {strides = array<i32>} : memref<112x256xf32, #tpu.memory_space<vmem>>, vector<1x16xf32>,
        %get3A_1098 = vector.shape_cast %get3A_1097 : vector<1x16xf32> to vector<16xf32>
        %add3A_1099 = arith.addf %scan3A_1059, %get3A_1098 : vector<16xf32>
        %get3A_1100 = arith.index_cast %scan3A_1053 : i32 to index
        %get3A_1101 = arith.constant 96 : index
        %get3A_1102 = tpu.vector_load %arg10[%get3A_1100, %get3A_1101] {strides = array<i32>} : memref<112x256xf32, #tpu.memory_space<vmem>>, vector<1x16xf32>,
        %get3A_1103 = vector.shape_cast %get3A_1102 : vector<1x16xf32> to vector<16xf32>
        %add3A_1104 = arith.addf %scan3A_1060, %get3A_1103 : vector<16xf32>
        %get3A_1105 = arith.index_cast %scan3A_1053 : i32 to index
        %get3A_1106 = arith.constant 112 : index
        %get3A_1107 = tpu.vector_load %arg10[%get3A_1105, %get3A_1106] {strides = array<i32>} : memref<112x256xf32, #tpu.memory_space<vmem>>, vector<1x16xf32>,
        %get3A_1108 = vector.shape_cast %get3A_1107 : vector<1x16xf32> to vector<16xf32>
        %add3A_1109 = arith.addf %scan3A_1061, %get3A_1108 : vector<16xf32>
        %get3A_1110 = arith.index_cast %scan3A_1053 : i32 to index
        %get3A_1111 = arith.constant 128 : index
        %get3A_1112 = tpu.vector_load %arg10[%get3A_1110, %get3A_1111] {strides = array<i32>} : memref<112x256xf32, #tpu.memory_space<vmem>>, vector<1x16xf32>,
        %get3A_1113 = vector.shape_cast %get3A_1112 : vector<1x16xf32> to vector<16xf32>
        %add3A_1114 = arith.addf %scan3A_1062, %get3A_1113 : vector<16xf32>
        %get3A_1115 = arith.index_cast %scan3A_1053 : i32 to index
        %get3A_1116 = arith.constant 144 : index
        %get3A_1117 = tpu.vector_load %arg10[%get3A_1115, %get3A_1116] {strides = array<i32>} : memref<112x256xf32, #tpu.memory_space<vmem>>, vector<1x16xf32>,
        %get3A_1118 = vector.shape_cast %get3A_1117 : vector<1x16xf32> to vector<16xf32>
        %add3A_1119 = arith.addf %scan3A_1063, %get3A_1118 : vector<16xf32>
        %get3A_1120 = arith.index_cast %scan3A_1053 : i32 to index
        %get3A_1121 = arith.constant 160 : index
        %get3A_1122 = tpu.vector_load %arg10[%get3A_1120, %get3A_1121] {strides = array<i32>} : memref<112x256xf32, #tpu.memory_space<vmem>>, vector<1x16xf32>,
        %get3A_1123 = vector.shape_cast %get3A_1122 : vector<1x16xf32> to vector<16xf32>
        %add3A_1124 = arith.addf %scan3A_1064, %get3A_1123 : vector<16xf32>
        %get3A_1125 = arith.index_cast %scan3A_1053 : i32 to index
        %get3A_1126 = arith.constant 176 : index
        %get3A_1127 = tpu.vector_load %arg10[%get3A_1125, %get3A_1126] {strides = array<i32>} : memref<112x256xf32, #tpu.memory_space<vmem>>, vector<1x16xf32>,
        %get3A_1128 = vector.shape_cast %get3A_1127 : vector<1x16xf32> to vector<16xf32>
        %add3A_1129 = arith.addf %scan3A_1065, %get3A_1128 : vector<16xf32>
        %get3A_1130 = arith.index_cast %scan3A_1053 : i32 to index
        %get3A_1131 = arith.constant 192 : index
        %get3A_1132 = tpu.vector_load %arg10[%get3A_1130, %get3A_1131] {strides = array<i32>} : memref<112x256xf32, #tpu.memory_space<vmem>>, vector<1x16xf32>,
        %get3A_1133 = vector.shape_cast %get3A_1132 : vector<1x16xf32> to vector<16xf32>
        %add3A_1134 = arith.addf %scan3A_1066, %get3A_1133 : vector<16xf32>
        %get3A_1135 = arith.index_cast %scan3A_1053 : i32 to index
        %get3A_1136 = arith.constant 208 : index
        %get3A_1137 = tpu.vector_load %arg10[%get3A_1135, %get3A_1136] {strides = array<i32>} : memref<112x256xf32, #tpu.memory_space<vmem>>, vector<1x16xf32>,
        %get3A_1138 = vector.shape_cast %get3A_1137 : vector<1x16xf32> to vector<16xf32>
        %add3A_1139 = arith.addf %scan3A_1067, %get3A_1138 : vector<16xf32>
        %get3A_1140 = arith.index_cast %scan3A_1053 : i32 to index
        %get3A_1141 = arith.constant 224 : index
        %get3A_1142 = tpu.vector_load %arg10[%get3A_1140, %get3A_1141] {strides = array<i32>} : memref<112x256xf32, #tpu.memory_space<vmem>>, vector<1x16xf32>,
        %get3A_1143 = vector.shape_cast %get3A_1142 : vector<1x16xf32> to vector<16xf32>
        %add3A_1144 = arith.addf %scan3A_1068, %get3A_1143 : vector<16xf32>
        %get3A_1145 = arith.index_cast %scan3A_1053 : i32 to index
        %get3A_1146 = arith.constant 240 : index
        %get3A_1147 = tpu.vector_load %arg10[%get3A_1145, %get3A_1146] {strides = array<i32>} : memref<112x256xf32, #tpu.memory_space<vmem>>, vector<1x16xf32>,
        %get3A_1148 = vector.shape_cast %get3A_1147 : vector<1x16xf32> to vector<16xf32>
        %add3A_1149 = arith.addf %scan3A_1069, %get3A_1148 : vector<16xf32>
        scf.yield %add3A_1074, %add3A_1079, %add3A_1084, %add3A_1089, %add3A_1094, %add3A_1099, %add3A_1104, %add3A_1109, %add3A_1114, %add3A_1119, %add3A_1124, %add3A_1129, %add3A_1134, %add3A_1139, %add3A_1144, %add3A_1149 : vector<16xf32>, vector<16xf32>, vector<16xf32>, vector<16xf32>, vector<16xf32>, vector<16xf32>, vector<16xf32>, vector<16xf32>, vector<16xf32>, vector<16xf32>, vector<16xf32>, vector<16xf32>, vector<16xf32>, vector<16xf32>, vector<16xf32>, vector<16xf32>
      }
      %scan3A_874 = arith.constant 64 : i32
      %add3A_875 = arith.addf %add3A_811, %scan3A_873#0 : vector<16xf32>
      %add3A_876 = arith.addf %add3A_812, %scan3A_873#1 : vector<16xf32>
      %add3A_877 = arith.addf %add3A_813, %scan3A_873#2 : vector<16xf32>
      %add3A_878 = arith.addf %add3A_814, %scan3A_873#3 : vector<16xf32>
      %add3A_879 = arith.addf %add3A_815, %scan3A_873#4 : vector<16xf32>
      %add3A_880 = arith.addf %add3A_816, %scan3A_873#5 : vector<16xf32>
      %add3A_881 = arith.addf %add3A_817, %scan3A_873#6 : vector<16xf32>
      %add3A_882 = arith.addf %add3A_818, %scan3A_873#7 : vector<16xf32>
      %add3A_883 = arith.addf %add3A_819, %scan3A_873#8 : vector<16xf32>
      %add3A_884 = arith.addf %add3A_820, %scan3A_873#9 : vector<16xf32>
      %add3A_885 = arith.addf %add3A_821, %scan3A_873#10 : vector<16xf32>
      %add3A_886 = arith.addf %add3A_822, %scan3A_873#11 : vector<16xf32>
      %add3A_887 = arith.addf %add3A_823, %scan3A_873#12 : vector<16xf32>
      %add3A_888 = arith.addf %add3A_824, %scan3A_873#13 : vector<16xf32>
      %add3A_889 = arith.addf %add3A_825, %scan3A_873#14 : vector<16xf32>
      %add3A_890 = arith.addf %add3A_826, %scan3A_873#15 : vector<16xf32>
      %add3A_891 = arith.constant 9984 : i32
      %add3A_892 = arith.addi %add3A_891, %arg1 : i32
      "tpu.region"() ({
        %run_scoped3A = tpu.sem_alloc : memref<!tpu.dma_semaphore, #tpu.memory_space<semaphore_mem>>
        %dma_start3A_1053 = arith.constant 0 : i32
        %dma_start3A_1054 = tpu.memref_slice %arg3[%add3A_892, %dma_start3A_1053] : memref<10000x256xf32, #tpu.memory_space<hbm>> -> memref<1x256xf32, #tpu.memory_space<hbm>>
        %dma_start3A_1055 = arith.constant 0 : i32
        %dma_start3A_1056 = tpu.memref_slice %arg3[%add3A_892, %dma_start3A_1055] : memref<10000x256xf32, #tpu.memory_space<hbm>> -> memref<1x256xf32, #tpu.memory_space<hbm>>
        tpu.enqueue_dma source(%dma_start3A_1056 : memref<1x256xf32, #tpu.memory_space<hbm>>) target(%arg11 : memref<1x256xf32, #tpu.memory_space<vmem>>) target_semaphore(%run_scoped3A : memref<!tpu.dma_semaphore, #tpu.memory_space<semaphore_mem>>)
        %dma_wait3A_1057 = arith.constant 0 : i32
        %dma_wait3A_1058 = tpu.memref_slice %arg3[%add3A_892, %dma_wait3A_1057] : memref<10000x256xf32, #tpu.memory_space<hbm>> -> memref<1x256xf32, #tpu.memory_space<hbm>>
        %dma_wait3A_1059 = arith.constant 0 : i32
        %dma_wait3A_1060 = tpu.memref_slice %arg3[%add3A_892, %dma_wait3A_1059] : memref<10000x256xf32, #tpu.memory_space<hbm>> -> memref<1x256xf32, #tpu.memory_space<hbm>>
        tpu.wait_dma2 semaphore(%run_scoped3A : memref<!tpu.dma_semaphore, #tpu.memory_space<semaphore_mem>>) src(%dma_wait3A_1060 : memref<1x256xf32, #tpu.memory_space<hbm>>) dst(%arg11 : memref<1x256xf32, #tpu.memory_space<vmem>>)
        tpu.yield
      }) : () -> ()
      %get3A_893 = arith.constant 0 : i32
      %get3A_894 = arith.index_cast %get3A_893 : i32 to index
      %get3A_895 = arith.constant 0 : index
      %get3A_896 = tpu.vector_load %arg11[%get3A_894, %get3A_895] {strides = array<i32>} : memref<1x256xf32, #tpu.memory_space<vmem>>, vector<1x16xf32>,
      %get3A_897 = vector.shape_cast %get3A_896 : vector<1x16xf32> to vector<16xf32>
      %add3A_898 = arith.addf %add3A_875, %get3A_897 : vector<16xf32>
      %get3A_899 = arith.constant 0 : i32
      %get3A_900 = arith.index_cast %get3A_899 : i32 to index
      %get3A_901 = arith.constant 16 : index
      %get3A_902 = tpu.vector_load %arg11[%get3A_900, %get3A_901] {strides = array<i32>} : memref<1x256xf32, #tpu.memory_space<vmem>>, vector<1x16xf32>,
      %get3A_903 = vector.shape_cast %get3A_902 : vector<1x16xf32> to vector<16xf32>
      %add3A_904 = arith.addf %add3A_876, %get3A_903 : vector<16xf32>
      %get3A_905 = arith.constant 0 : i32
      %get3A_906 = arith.index_cast %get3A_905 : i32 to index
      %get3A_907 = arith.constant 32 : index
      %get3A_908 = tpu.vector_load %arg11[%get3A_906, %get3A_907] {strides = array<i32>} : memref<1x256xf32, #tpu.memory_space<vmem>>, vector<1x16xf32>,
      %get3A_909 = vector.shape_cast %get3A_908 : vector<1x16xf32> to vector<16xf32>
      %add3A_910 = arith.addf %add3A_877, %get3A_909 : vector<16xf32>
      %get3A_911 = arith.constant 0 : i32
      %get3A_912 = arith.index_cast %get3A_911 : i32 to index
      %get3A_913 = arith.constant 48 : index
      %get3A_914 = tpu.vector_load %arg11[%get3A_912, %get3A_913] {strides = array<i32>} : memref<1x256xf32, #tpu.memory_space<vmem>>, vector<1x16xf32>,
      %get3A_915 = vector.shape_cast %get3A_914 : vector<1x16xf32> to vector<16xf32>
      %add3A_916 = arith.addf %add3A_878, %get3A_915 : vector<16xf32>
      %get3A_917 = arith.constant 0 : i32
      %get3A_918 = arith.index_cast %get3A_917 : i32 to index
      %get3A_919 = arith.constant 64 : index
      %get3A_920 = tpu.vector_load %arg11[%get3A_918, %get3A_919] {strides = array<i32>} : memref<1x256xf32, #tpu.memory_space<vmem>>, vector<1x16xf32>,
      %get3A_921 = vector.shape_cast %get3A_920 : vector<1x16xf32> to vector<16xf32>
      %add3A_922 = arith.addf %add3A_879, %get3A_921 : vector<16xf32>
      %get3A_923 = arith.constant 0 : i32
      %get3A_924 = arith.index_cast %get3A_923 : i32 to index
      %get3A_925 = arith.constant 80 : index
      %get3A_926 = tpu.vector_load %arg11[%get3A_924, %get3A_925] {strides = array<i32>} : memref<1x256xf32, #tpu.memory_space<vmem>>, vector<1x16xf32>,
      %get3A_927 = vector.shape_cast %get3A_926 : vector<1x16xf32> to vector<16xf32>
      %add3A_928 = arith.addf %add3A_880, %get3A_927 : vector<16xf32>
      %get3A_929 = arith.constant 0 : i32
      %get3A_930 = arith.index_cast %get3A_929 : i32 to index
      %get3A_931 = arith.constant 96 : index
      %get3A_932 = tpu.vector_load %arg11[%get3A_930, %get3A_931] {strides = array<i32>} : memref<1x256xf32, #tpu.memory_space<vmem>>, vector<1x16xf32>,
      %get3A_933 = vector.shape_cast %get3A_932 : vector<1x16xf32> to vector<16xf32>
      %add3A_934 = arith.addf %add3A_881, %get3A_933 : vector<16xf32>
      %get3A_935 = arith.constant 0 : i32
      %get3A_936 = arith.index_cast %get3A_935 : i32 to index
      %get3A_937 = arith.constant 112 : index
      %get3A_938 = tpu.vector_load %arg11[%get3A_936, %get3A_937] {strides = array<i32>} : memref<1x256xf32, #tpu.memory_space<vmem>>, vector<1x16xf32>,
      %get3A_939 = vector.shape_cast %get3A_938 : vector<1x16xf32> to vector<16xf32>
      %add3A_940 = arith.addf %add3A_882, %get3A_939 : vector<16xf32>
      %get3A_941 = arith.constant 0 : i32
      %get3A_942 = arith.index_cast %get3A_941 : i32 to index
      %get3A_943 = arith.constant 128 : index
      %get3A_944 = tpu.vector_load %arg11[%get3A_942, %get3A_943] {strides = array<i32>} : memref<1x256xf32, #tpu.memory_space<vmem>>, vector<1x16xf32>,
      %get3A_945 = vector.shape_cast %get3A_944 : vector<1x16xf32> to vector<16xf32>
      %add3A_946 = arith.addf %add3A_883, %get3A_945 : vector<16xf32>
      %get3A_947 = arith.constant 0 : i32
      %get3A_948 = arith.index_cast %get3A_947 : i32 to index
      %get3A_949 = arith.constant 144 : index
      %get3A_950 = tpu.vector_load %arg11[%get3A_948, %get3A_949] {strides = array<i32>} : memref<1x256xf32, #tpu.memory_space<vmem>>, vector<1x16xf32>,
      %get3A_951 = vector.shape_cast %get3A_950 : vector<1x16xf32> to vector<16xf32>
      %add3A_952 = arith.addf %add3A_884, %get3A_951 : vector<16xf32>
      %get3A_953 = arith.constant 0 : i32
      %get3A_954 = arith.index_cast %get3A_953 : i32 to index
      %get3A_955 = arith.constant 160 : index
      %get3A_956 = tpu.vector_load %arg11[%get3A_954, %get3A_955] {strides = array<i32>} : memref<1x256xf32, #tpu.memory_space<vmem>>, vector<1x16xf32>,
      %get3A_957 = vector.shape_cast %get3A_956 : vector<1x16xf32> to vector<16xf32>
      %add3A_958 = arith.addf %add3A_885, %get3A_957 : vector<16xf32>
      %get3A_959 = arith.constant 0 : i32
      %get3A_960 = arith.index_cast %get3A_959 : i32 to index
      %get3A_961 = arith.constant 176 : index
      %get3A_962 = tpu.vector_load %arg11[%get3A_960, %get3A_961] {strides = array<i32>} : memref<1x256xf32, #tpu.memory_space<vmem>>, vector<1x16xf32>,
      %get3A_963 = vector.shape_cast %get3A_962 : vector<1x16xf32> to vector<16xf32>
      %add3A_964 = arith.addf %add3A_886, %get3A_963 : vector<16xf32>
      %get3A_965 = arith.constant 0 : i32
      %get3A_966 = arith.index_cast %get3A_965 : i32 to index
      %get3A_967 = arith.constant 192 : index
      %get3A_968 = tpu.vector_load %arg11[%get3A_966, %get3A_967] {strides = array<i32>} : memref<1x256xf32, #tpu.memory_space<vmem>>, vector<1x16xf32>,
      %get3A_969 = vector.shape_cast %get3A_968 : vector<1x16xf32> to vector<16xf32>
      %add3A_970 = arith.addf %add3A_887, %get3A_969 : vector<16xf32>
      %get3A_971 = arith.constant 0 : i32
      %get3A_972 = arith.index_cast %get3A_971 : i32 to index
      %get3A_973 = arith.constant 208 : index
      %get3A_974 = tpu.vector_load %arg11[%get3A_972, %get3A_973] {strides = array<i32>} : memref<1x256xf32, #tpu.memory_space<vmem>>, vector<1x16xf32>,
      %get3A_975 = vector.shape_cast %get3A_974 : vector<1x16xf32> to vector<16xf32>
      %add3A_976 = arith.addf %add3A_888, %get3A_975 : vector<16xf32>
      %get3A_977 = arith.constant 0 : i32
      %get3A_978 = arith.index_cast %get3A_977 : i32 to index
      %get3A_979 = arith.constant 224 : index
      %get3A_980 = tpu.vector_load %arg11[%get3A_978, %get3A_979] {strides = array<i32>} : memref<1x256xf32, #tpu.memory_space<vmem>>, vector<1x16xf32>,
      %get3A_981 = vector.shape_cast %get3A_980 : vector<1x16xf32> to vector<16xf32>
      %add3A_982 = arith.addf %add3A_889, %get3A_981 : vector<16xf32>
      %get3A_983 = arith.constant 0 : i32
      %get3A_984 = arith.index_cast %get3A_983 : i32 to index
      %get3A_985 = arith.constant 240 : index
      %get3A_986 = tpu.vector_load %arg11[%get3A_984, %get3A_985] {strides = array<i32>} : memref<1x256xf32, #tpu.memory_space<vmem>>, vector<1x16xf32>,
      %get3A_987 = vector.shape_cast %get3A_986 : vector<1x16xf32> to vector<16xf32>
      %add3A_988 = arith.addf %add3A_890, %get3A_987 : vector<16xf32>
      %swap3A_989 = arith.constant 0 : index
      %swap3A_990 = tpu.vector_load %arg12[%swap3A_989] {strides = array<i32>} : memref<512xf32, #tpu.memory_space<vmem>>, vector<16xf32>,
      %swap3A_991 = vector.shape_cast %swap3A_990 : vector<16xf32> to vector<16xf32>
      %swap3A_992 = vector.shape_cast %add3A_898 : vector<16xf32> to vector<16xf32>
      tpu.vector_store %arg12[%swap3A_989], %swap3A_992 {strides = array<i32>} : memref<512xf32, #tpu.memory_space<vmem>>, vector<16xf32>,
      %swap3A_993 = arith.constant 16 : index
      %swap3A_994 = tpu.vector_load %arg12[%swap3A_993] {strides = array<i32>} : memref<512xf32, #tpu.memory_space<vmem>>, vector<16xf32>,
      %swap3A_995 = vector.shape_cast %swap3A_994 : vector<16xf32> to vector<16xf32>
      %swap3A_996 = vector.shape_cast %add3A_904 : vector<16xf32> to vector<16xf32>
      tpu.vector_store %arg12[%swap3A_993], %swap3A_996 {strides = array<i32>} : memref<512xf32, #tpu.memory_space<vmem>>, vector<16xf32>,
      %swap3A_997 = arith.constant 32 : index
      %swap3A_998 = tpu.vector_load %arg12[%swap3A_997] {strides = array<i32>} : memref<512xf32, #tpu.memory_space<vmem>>, vector<16xf32>,
      %swap3A_999 = vector.shape_cast %swap3A_998 : vector<16xf32> to vector<16xf32>
      %swap3A_1000 = vector.shape_cast %add3A_910 : vector<16xf32> to vector<16xf32>
      tpu.vector_store %arg12[%swap3A_997], %swap3A_1000 {strides = array<i32>} : memref<512xf32, #tpu.memory_space<vmem>>, vector<16xf32>,
      %swap3A_1001 = arith.constant 48 : index
      %swap3A_1002 = tpu.vector_load %arg12[%swap3A_1001] {strides = array<i32>} : memref<512xf32, #tpu.memory_space<vmem>>, vector<16xf32>,
      %swap3A_1003 = vector.shape_cast %swap3A_1002 : vector<16xf32> to vector<16xf32>
      %swap3A_1004 = vector.shape_cast %add3A_916 : vector<16xf32> to vector<16xf32>
      tpu.vector_store %arg12[%swap3A_1001], %swap3A_1004 {strides = array<i32>} : memref<512xf32, #tpu.memory_space<vmem>>, vector<16xf32>,
      %swap3A_1005 = arith.constant 64 : index
      %swap3A_1006 = tpu.vector_load %arg12[%swap3A_1005] {strides = array<i32>} : memref<512xf32, #tpu.memory_space<vmem>>, vector<16xf32>,
      %swap3A_1007 = vector.shape_cast %swap3A_1006 : vector<16xf32> to vector<16xf32>
      %swap3A_1008 = vector.shape_cast %add3A_922 : vector<16xf32> to vector<16xf32>
      tpu.vector_store %arg12[%swap3A_1005], %swap3A_1008 {strides = array<i32>} : memref<512xf32, #tpu.memory_space<vmem>>, vector<16xf32>,
      %swap3A_1009 = arith.constant 80 : index
      %swap3A_1010 = tpu.vector_load %arg12[%swap3A_1009] {strides = array<i32>} : memref<512xf32, #tpu.memory_space<vmem>>, vector<16xf32>,
      %swap3A_1011 = vector.shape_cast %swap3A_1010 : vector<16xf32> to vector<16xf32>
      %swap3A_1012 = vector.shape_cast %add3A_928 : vector<16xf32> to vector<16xf32>
      tpu.vector_store %arg12[%swap3A_1009], %swap3A_1012 {strides = array<i32>} : memref<512xf32, #tpu.memory_space<vmem>>, vector<16xf32>,
      %swap3A_1013 = arith.constant 96 : index
      %swap3A_1014 = tpu.vector_load %arg12[%swap3A_1013] {strides = array<i32>} : memref<512xf32, #tpu.memory_space<vmem>>, vector<16xf32>,
      %swap3A_1015 = vector.shape_cast %swap3A_1014 : vector<16xf32> to vector<16xf32>
      %swap3A_1016 = vector.shape_cast %add3A_934 : vector<16xf32> to vector<16xf32>
      tpu.vector_store %arg12[%swap3A_1013], %swap3A_1016 {strides = array<i32>} : memref<512xf32, #tpu.memory_space<vmem>>, vector<16xf32>,
      %swap3A_1017 = arith.constant 112 : index
      %swap3A_1018 = tpu.vector_load %arg12[%swap3A_1017] {strides = array<i32>} : memref<512xf32, #tpu.memory_space<vmem>>, vector<16xf32>,
      %swap3A_1019 = vector.shape_cast %swap3A_1018 : vector<16xf32> to vector<16xf32>
      %swap3A_1020 = vector.shape_cast %add3A_940 : vector<16xf32> to vector<16xf32>
      tpu.vector_store %arg12[%swap3A_1017], %swap3A_1020 {strides = array<i32>} : memref<512xf32, #tpu.memory_space<vmem>>, vector<16xf32>,
      %swap3A_1021 = arith.constant 128 : index
      %swap3A_1022 = tpu.vector_load %arg12[%swap3A_1021] {strides = array<i32>} : memref<512xf32, #tpu.memory_space<vmem>>, vector<16xf32>,
      %swap3A_1023 = vector.shape_cast %swap3A_1022 : vector<16xf32> to vector<16xf32>
      %swap3A_1024 = vector.shape_cast %add3A_946 : vector<16xf32> to vector<16xf32>
      tpu.vector_store %arg12[%swap3A_1021], %swap3A_1024 {strides = array<i32>} : memref<512xf32, #tpu.memory_space<vmem>>, vector<16xf32>,
      %swap3A_1025 = arith.constant 144 : index
      %swap3A_1026 = tpu.vector_load %arg12[%swap3A_1025] {strides = array<i32>} : memref<512xf32, #tpu.memory_space<vmem>>, vector<16xf32>,
      %swap3A_1027 = vector.shape_cast %swap3A_1026 : vector<16xf32> to vector<16xf32>
      %swap3A_1028 = vector.shape_cast %add3A_952 : vector<16xf32> to vector<16xf32>
      tpu.vector_store %arg12[%swap3A_1025], %swap3A_1028 {strides = array<i32>} : memref<512xf32, #tpu.memory_space<vmem>>, vector<16xf32>,
      %swap3A_1029 = arith.constant 160 : index
      %swap3A_1030 = tpu.vector_load %arg12[%swap3A_1029] {strides = array<i32>} : memref<512xf32, #tpu.memory_space<vmem>>, vector<16xf32>,
      %swap3A_1031 = vector.shape_cast %swap3A_1030 : vector<16xf32> to vector<16xf32>
      %swap3A_1032 = vector.shape_cast %add3A_958 : vector<16xf32> to vector<16xf32>
      tpu.vector_store %arg12[%swap3A_1029], %swap3A_1032 {strides = array<i32>} : memref<512xf32, #tpu.memory_space<vmem>>, vector<16xf32>,
      %swap3A_1033 = arith.constant 176 : index
      %swap3A_1034 = tpu.vector_load %arg12[%swap3A_1033] {strides = array<i32>} : memref<512xf32, #tpu.memory_space<vmem>>, vector<16xf32>,
      %swap3A_1035 = vector.shape_cast %swap3A_1034 : vector<16xf32> to vector<16xf32>
      %swap3A_1036 = vector.shape_cast %add3A_964 : vector<16xf32> to vector<16xf32>
      tpu.vector_store %arg12[%swap3A_1033], %swap3A_1036 {strides = array<i32>} : memref<512xf32, #tpu.memory_space<vmem>>, vector<16xf32>,
      %swap3A_1037 = arith.constant 192 : index
      %swap3A_1038 = tpu.vector_load %arg12[%swap3A_1037] {strides = array<i32>} : memref<512xf32, #tpu.memory_space<vmem>>, vector<16xf32>,
      %swap3A_1039 = vector.shape_cast %swap3A_1038 : vector<16xf32> to vector<16xf32>
      %swap3A_1040 = vector.shape_cast %add3A_970 : vector<16xf32> to vector<16xf32>
      tpu.vector_store %arg12[%swap3A_1037], %swap3A_1040 {strides = array<i32>} : memref<512xf32, #tpu.memory_space<vmem>>, vector<16xf32>,
      %swap3A_1041 = arith.constant 208 : index
      %swap3A_1042 = tpu.vector_load %arg12[%swap3A_1041] {strides = array<i32>} : memref<512xf32, #tpu.memory_space<vmem>>, vector<16xf32>,
      %swap3A_1043 = vector.shape_cast %swap3A_1042 : vector<16xf32> to vector<16xf32>
      %swap3A_1044 = vector.shape_cast %add3A_976 : vector<16xf32> to vector<16xf32>
      tpu.vector_store %arg12[%swap3A_1041], %swap3A_1044 {strides = array<i32>} : memref<512xf32, #tpu.memory_space<vmem>>, vector<16xf32>,
      %swap3A_1045 = arith.constant 224 : index
      %swap3A_1046 = tpu.vector_load %arg12[%swap3A_1045] {strides = array<i32>} : memref<512xf32, #tpu.memory_space<vmem>>, vector<16xf32>,
      %swap3A_1047 = vector.shape_cast %swap3A_1046 : vector<16xf32> to vector<16xf32>
      %swap3A_1048 = vector.shape_cast %add3A_982 : vector<16xf32> to vector<16xf32>
      tpu.vector_store %arg12[%swap3A_1045], %swap3A_1048 {strides = array<i32>} : memref<512xf32, #tpu.memory_space<vmem>>, vector<16xf32>,
      %swap3A_1049 = arith.constant 240 : index
      %swap3A_1050 = tpu.vector_load %arg12[%swap3A_1049] {strides = array<i32>} : memref<512xf32, #tpu.memory_space<vmem>>, vector<16xf32>,
      %swap3A_1051 = vector.shape_cast %swap3A_1050 : vector<16xf32> to vector<16xf32>
      %swap3A_1052 = vector.shape_cast %add3A_988 : vector<16xf32> to vector<16xf32>
      tpu.vector_store %arg12[%swap3A_1049], %swap3A_1052 {strides = array<i32>} : memref<512xf32, #tpu.memory_space<vmem>>, vector<16xf32>,
    } else {
    }
    %swap3A_395 = arith.constant 256 : index
    %swap3A_396 = tpu.vector_load %arg12[%swap3A_395] {strides = array<i32>} : memref<512xf32, #tpu.memory_space<vmem>>, vector<16xf32>,
    %swap3A_397 = vector.shape_cast %swap3A_396 : vector<16xf32> to vector<16xf32>
    %swap3A_398 = vector.shape_cast %sub3A : vector<16xf32> to vector<16xf32>
    tpu.vector_store %arg12[%swap3A_395], %swap3A_398 {strides = array<i32>} : memref<512xf32, #tpu.memory_space<vmem>>, vector<16xf32>,
    %swap3A_399 = arith.constant 272 : index
    %swap3A_400 = tpu.vector_load %arg12[%swap3A_399] {strides = array<i32>} : memref<512xf32, #tpu.memory_space<vmem>>, vector<16xf32>,
    %swap3A_401 = vector.shape_cast %swap3A_400 : vector<16xf32> to vector<16xf32>
    %swap3A_402 = vector.shape_cast %sub3A_263 : vector<16xf32> to vector<16xf32>
    tpu.vector_store %arg12[%swap3A_399], %swap3A_402 {strides = array<i32>} : memref<512xf32, #tpu.memory_space<vmem>>, vector<16xf32>,
    %swap3A_403 = arith.constant 288 : index
    %swap3A_404 = tpu.vector_load %arg12[%swap3A_403] {strides = array<i32>} : memref<512xf32, #tpu.memory_space<vmem>>, vector<16xf32>,
    %swap3A_405 = vector.shape_cast %swap3A_404 : vector<16xf32> to vector<16xf32>
    %swap3A_406 = vector.shape_cast %sub3A_272 : vector<16xf32> to vector<16xf32>
    tpu.vector_store %arg12[%swap3A_403], %swap3A_406 {strides = array<i32>} : memref<512xf32, #tpu.memory_space<vmem>>, vector<16xf32>,
    %swap3A_407 = arith.constant 304 : index
    %swap3A_408 = tpu.vector_load %arg12[%swap3A_407] {strides = array<i32>} : memref<512xf32, #tpu.memory_space<vmem>>, vector<16xf32>,
    %swap3A_409 = vector.shape_cast %swap3A_408 : vector<16xf32> to vector<16xf32>
    %swap3A_410 = vector.shape_cast %sub3A_281 : vector<16xf32> to vector<16xf32>
    tpu.vector_store %arg12[%swap3A_407], %swap3A_410 {strides = array<i32>} : memref<512xf32, #tpu.memory_space<vmem>>, vector<16xf32>,
    %swap3A_411 = arith.constant 320 : index
    %swap3A_412 = tpu.vector_load %arg12[%swap3A_411] {strides = array<i32>} : memref<512xf32, #tpu.memory_space<vmem>>, vector<16xf32>,
    %swap3A_413 = vector.shape_cast %swap3A_412 : vector<16xf32> to vector<16xf32>
    %swap3A_414 = vector.shape_cast %sub3A_290 : vector<16xf32> to vector<16xf32>
    tpu.vector_store %arg12[%swap3A_411], %swap3A_414 {strides = array<i32>} : memref<512xf32, #tpu.memory_space<vmem>>, vector<16xf32>,
    %swap3A_415 = arith.constant 336 : index
    %swap3A_416 = tpu.vector_load %arg12[%swap3A_415] {strides = array<i32>} : memref<512xf32, #tpu.memory_space<vmem>>, vector<16xf32>,
    %swap3A_417 = vector.shape_cast %swap3A_416 : vector<16xf32> to vector<16xf32>
    %swap3A_418 = vector.shape_cast %sub3A_299 : vector<16xf32> to vector<16xf32>
    tpu.vector_store %arg12[%swap3A_415], %swap3A_418 {strides = array<i32>} : memref<512xf32, #tpu.memory_space<vmem>>, vector<16xf32>,
    %swap3A_419 = arith.constant 352 : index
    %swap3A_420 = tpu.vector_load %arg12[%swap3A_419] {strides = array<i32>} : memref<512xf32, #tpu.memory_space<vmem>>, vector<16xf32>,
    %swap3A_421 = vector.shape_cast %swap3A_420 : vector<16xf32> to vector<16xf32>
    %swap3A_422 = vector.shape_cast %sub3A_308 : vector<16xf32> to vector<16xf32>
    tpu.vector_store %arg12[%swap3A_419], %swap3A_422 {strides = array<i32>} : memref<512xf32, #tpu.memory_space<vmem>>, vector<16xf32>,
    %swap3A_423 = arith.constant 368 : index
    %swap3A_424 = tpu.vector_load %arg12[%swap3A_423] {strides = array<i32>} : memref<512xf32, #tpu.memory_space<vmem>>, vector<16xf32>,
    %swap3A_425 = vector.shape_cast %swap3A_424 : vector<16xf32> to vector<16xf32>
    %swap3A_426 = vector.shape_cast %sub3A_317 : vector<16xf32> to vector<16xf32>
    tpu.vector_store %arg12[%swap3A_423], %swap3A_426 {strides = array<i32>} : memref<512xf32, #tpu.memory_space<vmem>>, vector<16xf32>,
    %swap3A_427 = arith.constant 384 : index
    %swap3A_428 = tpu.vector_load %arg12[%swap3A_427] {strides = array<i32>} : memref<512xf32, #tpu.memory_space<vmem>>, vector<16xf32>,
    %swap3A_429 = vector.shape_cast %swap3A_428 : vector<16xf32> to vector<16xf32>
    %swap3A_430 = vector.shape_cast %sub3A_326 : vector<16xf32> to vector<16xf32>
    tpu.vector_store %arg12[%swap3A_427], %swap3A_430 {strides = array<i32>} : memref<512xf32, #tpu.memory_space<vmem>>, vector<16xf32>,
    %swap3A_431 = arith.constant 400 : index
    %swap3A_432 = tpu.vector_load %arg12[%swap3A_431] {strides = array<i32>} : memref<512xf32, #tpu.memory_space<vmem>>, vector<16xf32>,
    %swap3A_433 = vector.shape_cast %swap3A_432 : vector<16xf32> to vector<16xf32>
    %swap3A_434 = vector.shape_cast %sub3A_335 : vector<16xf32> to vector<16xf32>
    tpu.vector_store %arg12[%swap3A_431], %swap3A_434 {strides = array<i32>} : memref<512xf32, #tpu.memory_space<vmem>>, vector<16xf32>,
    %swap3A_435 = arith.constant 416 : index
    %swap3A_436 = tpu.vector_load %arg12[%swap3A_435] {strides = array<i32>} : memref<512xf32, #tpu.memory_space<vmem>>, vector<16xf32>,
    %swap3A_437 = vector.shape_cast %swap3A_436 : vector<16xf32> to vector<16xf32>
    %swap3A_438 = vector.shape_cast %sub3A_344 : vector<16xf32> to vector<16xf32>
    tpu.vector_store %arg12[%swap3A_435], %swap3A_438 {strides = array<i32>} : memref<512xf32, #tpu.memory_space<vmem>>, vector<16xf32>,
    %swap3A_439 = arith.constant 432 : index
    %swap3A_440 = tpu.vector_load %arg12[%swap3A_439] {strides = array<i32>} : memref<512xf32, #tpu.memory_space<vmem>>, vector<16xf32>,
    %swap3A_441 = vector.shape_cast %swap3A_440 : vector<16xf32> to vector<16xf32>
    %swap3A_442 = vector.shape_cast %sub3A_353 : vector<16xf32> to vector<16xf32>
    tpu.vector_store %arg12[%swap3A_439], %swap3A_442 {strides = array<i32>} : memref<512xf32, #tpu.memory_space<vmem>>, vector<16xf32>,
    %swap3A_443 = arith.constant 448 : index
    %swap3A_444 = tpu.vector_load %arg12[%swap3A_443] {strides = array<i32>} : memref<512xf32, #tpu.memory_space<vmem>>, vector<16xf32>,
    %swap3A_445 = vector.shape_cast %swap3A_444 : vector<16xf32> to vector<16xf32>
    %swap3A_446 = vector.shape_cast %sub3A_362 : vector<16xf32> to vector<16xf32>
    tpu.vector_store %arg12[%swap3A_443], %swap3A_446 {strides = array<i32>} : memref<512xf32, #tpu.memory_space<vmem>>, vector<16xf32>,
    %swap3A_447 = arith.constant 464 : index
    %swap3A_448 = tpu.vector_load %arg12[%swap3A_447] {strides = array<i32>} : memref<512xf32, #tpu.memory_space<vmem>>, vector<16xf32>,
    %swap3A_449 = vector.shape_cast %swap3A_448 : vector<16xf32> to vector<16xf32>
    %swap3A_450 = vector.shape_cast %sub3A_371 : vector<16xf32> to vector<16xf32>
    tpu.vector_store %arg12[%swap3A_447], %swap3A_450 {strides = array<i32>} : memref<512xf32, #tpu.memory_space<vmem>>, vector<16xf32>,
    %swap3A_451 = arith.constant 480 : index
    %swap3A_452 = tpu.vector_load %arg12[%swap3A_451] {strides = array<i32>} : memref<512xf32, #tpu.memory_space<vmem>>, vector<16xf32>,
    %swap3A_453 = vector.shape_cast %swap3A_452 : vector<16xf32> to vector<16xf32>
    %swap3A_454 = vector.shape_cast %sub3A_380 : vector<16xf32> to vector<16xf32>
    tpu.vector_store %arg12[%swap3A_451], %swap3A_454 {strides = array<i32>} : memref<512xf32, #tpu.memory_space<vmem>>, vector<16xf32>,
    %swap3A_455 = arith.constant 496 : index
    %swap3A_456 = tpu.vector_load %arg12[%swap3A_455] {strides = array<i32>} : memref<512xf32, #tpu.memory_space<vmem>>, vector<16xf32>,
    %swap3A_457 = vector.shape_cast %swap3A_456 : vector<16xf32> to vector<16xf32>
    %swap3A_458 = vector.shape_cast %sub3A_389 : vector<16xf32> to vector<16xf32>
    tpu.vector_store %arg12[%swap3A_455], %swap3A_458 {strides = array<i32>} : memref<512xf32, #tpu.memory_space<vmem>>, vector<16xf32>,
    "tpu.region"() ({
      %run_scoped3A = tpu.sem_alloc : memref<!tpu.dma_semaphore, #tpu.memory_space<semaphore_mem>>
      %dma_start3A_459 = arith.constant 0 : i32
      %dma_start3A_460 = tpu.memref_slice %arg5[%add3A, %dma_start3A_459] : memref<32x512xf32, #tpu.memory_space<hbm>> -> memref<1x512xf32, #tpu.memory_space<hbm>>
      %dma_start3A_461 = tpu.memref_squeeze %dma_start3A_460 : memref<1x512xf32, #tpu.memory_space<hbm>> -> memref<512xf32, #tpu.memory_space<hbm>>
      %dma_start3A_462 = arith.constant 0 : i32
      %dma_start3A_463 = tpu.memref_slice %arg5[%add3A, %dma_start3A_462] : memref<32x512xf32, #tpu.memory_space<hbm>> -> memref<1x512xf32, #tpu.memory_space<hbm>>
      %dma_start3A_464 = tpu.memref_squeeze %dma_start3A_463 : memref<1x512xf32, #tpu.memory_space<hbm>> -> memref<512xf32, #tpu.memory_space<hbm>>
      tpu.enqueue_dma source(%arg12 : memref<512xf32, #tpu.memory_space<vmem>>) target(%dma_start3A_464 : memref<512xf32, #tpu.memory_space<hbm>>) target_semaphore(%run_scoped3A : memref<!tpu.dma_semaphore, #tpu.memory_space<semaphore_mem>>)
      %dma_wait3A_465 = arith.constant 0 : i32
      %dma_wait3A_466 = tpu.memref_slice %arg5[%add3A, %dma_wait3A_465] : memref<32x512xf32, #tpu.memory_space<hbm>> -> memref<1x512xf32, #tpu.memory_space<hbm>>
      %dma_wait3A_467 = tpu.memref_squeeze %dma_wait3A_466 : memref<1x512xf32, #tpu.memory_space<hbm>> -> memref<512xf32, #tpu.memory_space<hbm>>
      %dma_wait3A_468 = arith.constant 0 : i32
      %dma_wait3A_469 = tpu.memref_slice %arg5[%add3A, %dma_wait3A_468] : memref<32x512xf32, #tpu.memory_space<hbm>> -> memref<1x512xf32, #tpu.memory_space<hbm>>
      %dma_wait3A_470 = tpu.memref_squeeze %dma_wait3A_469 : memref<1x512xf32, #tpu.memory_space<hbm>> -> memref<512xf32, #tpu.memory_space<hbm>>
      tpu.wait_dma2 semaphore(%run_scoped3A : memref<!tpu.dma_semaphore, #tpu.memory_space<semaphore_mem>>) src(%arg12 : memref<512xf32, #tpu.memory_space<vmem>>) dst(%dma_wait3A_470 : memref<512xf32, #tpu.memory_space<hbm>>)
      tpu.yield
    }) : () -> ()
    return
  }
}

module attributes {stable_mosaic.version = 14 : i64} {
  func.func @_head_body(%arg0: memref<32x512xf32, #tpu.memory_space<vmem>>, %arg1: memref<256x256xf32, #tpu.memory_space<vmem>>, %arg2: memref<256xf32, #tpu.memory_space<vmem>>, %arg3: memref<256x128xf32, #tpu.memory_space<vmem>>, %arg4: memref<128xf32, #tpu.memory_space<vmem>>, %arg5: memref<256x128xf32, #tpu.memory_space<vmem>>, %arg6: memref<128xf32, #tpu.memory_space<vmem>>, %arg7: memref<128x64xf32, #tpu.memory_space<vmem>>, %arg8: memref<64xf32, #tpu.memory_space<vmem>>, %arg9: memref<192x128xf32, #tpu.memory_space<vmem>>, %arg10: memref<128xf32, #tpu.memory_space<vmem>>, %arg11: memref<128x1xf32, #tpu.memory_space<vmem>>, %arg12: memref<1xf32, #tpu.memory_space<vmem>>, %arg13: memref<1x1xf32, #tpu.memory_space<vmem>>) attributes {dimension_semantics = [], scalar_prefetch = 0 : i64, scratch_operands = 0 : i64, tpu.core_type = #tpu.core_type<tc>} {
    %get3A = arith.constant 0 : index
    %get3A_0 = arith.constant 0 : index
    %get3A_1 = vector.load %arg0[%get3A, %get3A_0] : memref<32x512xf32, #tpu.memory_space<vmem>>, vector<32x512xf32>
    %broadcast_in_dim3A = arith.constant 0.000000e+00 : f32
    %broadcast_in_dim3A_2 = vector.broadcast %broadcast_in_dim3A : f32 to vector<512xf32>
    %broadcast_in_dim3A_3 = arith.constant 0.000000e+00 : f32
    %broadcast_in_dim3A_4 = vector.broadcast %broadcast_in_dim3A_3 : f32 to vector<512xf32>
    %slice3A = vector.extract_strided_slice %get3A_1 {offsets = [0, 0], sizes = [1, 512], strides = [1, 1]} : vector<32x512xf32> to vector<1x512xf32>
    %squeeze3A = vector.shape_cast %slice3A : vector<1x512xf32> to vector<512xf32>
    %sub3A = arith.subf %squeeze3A, %broadcast_in_dim3A_4 : vector<512xf32>
    %add3A = arith.addf %broadcast_in_dim3A_2, %sub3A : vector<512xf32>
    %sub3A_5 = arith.subf %add3A, %broadcast_in_dim3A_2 : vector<512xf32>
    %sub3A_6 = arith.subf %sub3A_5, %sub3A : vector<512xf32>
    %slice3A_7 = vector.extract_strided_slice %get3A_1 {offsets = [1, 0], sizes = [1, 512], strides = [1, 1]} : vector<32x512xf32> to vector<1x512xf32>
    %squeeze3A_8 = vector.shape_cast %slice3A_7 : vector<1x512xf32> to vector<512xf32>
    %sub3A_9 = arith.subf %squeeze3A_8, %sub3A_6 : vector<512xf32>
    %add3A_10 = arith.addf %add3A, %sub3A_9 : vector<512xf32>
    %sub3A_11 = arith.subf %add3A_10, %add3A : vector<512xf32>
    %sub3A_12 = arith.subf %sub3A_11, %sub3A_9 : vector<512xf32>
    %slice3A_13 = vector.extract_strided_slice %get3A_1 {offsets = [2, 0], sizes = [1, 512], strides = [1, 1]} : vector<32x512xf32> to vector<1x512xf32>
    %squeeze3A_14 = vector.shape_cast %slice3A_13 : vector<1x512xf32> to vector<512xf32>
    %sub3A_15 = arith.subf %squeeze3A_14, %sub3A_12 : vector<512xf32>
    %add3A_16 = arith.addf %add3A_10, %sub3A_15 : vector<512xf32>
    %sub3A_17 = arith.subf %add3A_16, %add3A_10 : vector<512xf32>
    %sub3A_18 = arith.subf %sub3A_17, %sub3A_15 : vector<512xf32>
    %slice3A_19 = vector.extract_strided_slice %get3A_1 {offsets = [3, 0], sizes = [1, 512], strides = [1, 1]} : vector<32x512xf32> to vector<1x512xf32>
    %squeeze3A_20 = vector.shape_cast %slice3A_19 : vector<1x512xf32> to vector<512xf32>
    %sub3A_21 = arith.subf %squeeze3A_20, %sub3A_18 : vector<512xf32>
    %add3A_22 = arith.addf %add3A_16, %sub3A_21 : vector<512xf32>
    %sub3A_23 = arith.subf %add3A_22, %add3A_16 : vector<512xf32>
    %sub3A_24 = arith.subf %sub3A_23, %sub3A_21 : vector<512xf32>
    %slice3A_25 = vector.extract_strided_slice %get3A_1 {offsets = [4, 0], sizes = [1, 512], strides = [1, 1]} : vector<32x512xf32> to vector<1x512xf32>
    %squeeze3A_26 = vector.shape_cast %slice3A_25 : vector<1x512xf32> to vector<512xf32>
    %sub3A_27 = arith.subf %squeeze3A_26, %sub3A_24 : vector<512xf32>
    %add3A_28 = arith.addf %add3A_22, %sub3A_27 : vector<512xf32>
    %sub3A_29 = arith.subf %add3A_28, %add3A_22 : vector<512xf32>
    %sub3A_30 = arith.subf %sub3A_29, %sub3A_27 : vector<512xf32>
    %slice3A_31 = vector.extract_strided_slice %get3A_1 {offsets = [5, 0], sizes = [1, 512], strides = [1, 1]} : vector<32x512xf32> to vector<1x512xf32>
    %squeeze3A_32 = vector.shape_cast %slice3A_31 : vector<1x512xf32> to vector<512xf32>
    %sub3A_33 = arith.subf %squeeze3A_32, %sub3A_30 : vector<512xf32>
    %add3A_34 = arith.addf %add3A_28, %sub3A_33 : vector<512xf32>
    %sub3A_35 = arith.subf %add3A_34, %add3A_28 : vector<512xf32>
    %sub3A_36 = arith.subf %sub3A_35, %sub3A_33 : vector<512xf32>
    %slice3A_37 = vector.extract_strided_slice %get3A_1 {offsets = [6, 0], sizes = [1, 512], strides = [1, 1]} : vector<32x512xf32> to vector<1x512xf32>
    %squeeze3A_38 = vector.shape_cast %slice3A_37 : vector<1x512xf32> to vector<512xf32>
    %sub3A_39 = arith.subf %squeeze3A_38, %sub3A_36 : vector<512xf32>
    %add3A_40 = arith.addf %add3A_34, %sub3A_39 : vector<512xf32>
    %sub3A_41 = arith.subf %add3A_40, %add3A_34 : vector<512xf32>
    %sub3A_42 = arith.subf %sub3A_41, %sub3A_39 : vector<512xf32>
    %slice3A_43 = vector.extract_strided_slice %get3A_1 {offsets = [7, 0], sizes = [1, 512], strides = [1, 1]} : vector<32x512xf32> to vector<1x512xf32>
    %squeeze3A_44 = vector.shape_cast %slice3A_43 : vector<1x512xf32> to vector<512xf32>
    %sub3A_45 = arith.subf %squeeze3A_44, %sub3A_42 : vector<512xf32>
    %add3A_46 = arith.addf %add3A_40, %sub3A_45 : vector<512xf32>
    %sub3A_47 = arith.subf %add3A_46, %add3A_40 : vector<512xf32>
    %sub3A_48 = arith.subf %sub3A_47, %sub3A_45 : vector<512xf32>
    %slice3A_49 = vector.extract_strided_slice %get3A_1 {offsets = [8, 0], sizes = [1, 512], strides = [1, 1]} : vector<32x512xf32> to vector<1x512xf32>
    %squeeze3A_50 = vector.shape_cast %slice3A_49 : vector<1x512xf32> to vector<512xf32>
    %sub3A_51 = arith.subf %squeeze3A_50, %sub3A_48 : vector<512xf32>
    %add3A_52 = arith.addf %add3A_46, %sub3A_51 : vector<512xf32>
    %sub3A_53 = arith.subf %add3A_52, %add3A_46 : vector<512xf32>
    %sub3A_54 = arith.subf %sub3A_53, %sub3A_51 : vector<512xf32>
    %slice3A_55 = vector.extract_strided_slice %get3A_1 {offsets = [9, 0], sizes = [1, 512], strides = [1, 1]} : vector<32x512xf32> to vector<1x512xf32>
    %squeeze3A_56 = vector.shape_cast %slice3A_55 : vector<1x512xf32> to vector<512xf32>
    %sub3A_57 = arith.subf %squeeze3A_56, %sub3A_54 : vector<512xf32>
    %add3A_58 = arith.addf %add3A_52, %sub3A_57 : vector<512xf32>
    %sub3A_59 = arith.subf %add3A_58, %add3A_52 : vector<512xf32>
    %sub3A_60 = arith.subf %sub3A_59, %sub3A_57 : vector<512xf32>
    %slice3A_61 = vector.extract_strided_slice %get3A_1 {offsets = [10, 0], sizes = [1, 512], strides = [1, 1]} : vector<32x512xf32> to vector<1x512xf32>
    %squeeze3A_62 = vector.shape_cast %slice3A_61 : vector<1x512xf32> to vector<512xf32>
    %sub3A_63 = arith.subf %squeeze3A_62, %sub3A_60 : vector<512xf32>
    %add3A_64 = arith.addf %add3A_58, %sub3A_63 : vector<512xf32>
    %sub3A_65 = arith.subf %add3A_64, %add3A_58 : vector<512xf32>
    %sub3A_66 = arith.subf %sub3A_65, %sub3A_63 : vector<512xf32>
    %slice3A_67 = vector.extract_strided_slice %get3A_1 {offsets = [11, 0], sizes = [1, 512], strides = [1, 1]} : vector<32x512xf32> to vector<1x512xf32>
    %squeeze3A_68 = vector.shape_cast %slice3A_67 : vector<1x512xf32> to vector<512xf32>
    %sub3A_69 = arith.subf %squeeze3A_68, %sub3A_66 : vector<512xf32>
    %add3A_70 = arith.addf %add3A_64, %sub3A_69 : vector<512xf32>
    %sub3A_71 = arith.subf %add3A_70, %add3A_64 : vector<512xf32>
    %sub3A_72 = arith.subf %sub3A_71, %sub3A_69 : vector<512xf32>
    %slice3A_73 = vector.extract_strided_slice %get3A_1 {offsets = [12, 0], sizes = [1, 512], strides = [1, 1]} : vector<32x512xf32> to vector<1x512xf32>
    %squeeze3A_74 = vector.shape_cast %slice3A_73 : vector<1x512xf32> to vector<512xf32>
    %sub3A_75 = arith.subf %squeeze3A_74, %sub3A_72 : vector<512xf32>
    %add3A_76 = arith.addf %add3A_70, %sub3A_75 : vector<512xf32>
    %sub3A_77 = arith.subf %add3A_76, %add3A_70 : vector<512xf32>
    %sub3A_78 = arith.subf %sub3A_77, %sub3A_75 : vector<512xf32>
    %slice3A_79 = vector.extract_strided_slice %get3A_1 {offsets = [13, 0], sizes = [1, 512], strides = [1, 1]} : vector<32x512xf32> to vector<1x512xf32>
    %squeeze3A_80 = vector.shape_cast %slice3A_79 : vector<1x512xf32> to vector<512xf32>
    %sub3A_81 = arith.subf %squeeze3A_80, %sub3A_78 : vector<512xf32>
    %add3A_82 = arith.addf %add3A_76, %sub3A_81 : vector<512xf32>
    %sub3A_83 = arith.subf %add3A_82, %add3A_76 : vector<512xf32>
    %sub3A_84 = arith.subf %sub3A_83, %sub3A_81 : vector<512xf32>
    %slice3A_85 = vector.extract_strided_slice %get3A_1 {offsets = [14, 0], sizes = [1, 512], strides = [1, 1]} : vector<32x512xf32> to vector<1x512xf32>
    %squeeze3A_86 = vector.shape_cast %slice3A_85 : vector<1x512xf32> to vector<512xf32>
    %sub3A_87 = arith.subf %squeeze3A_86, %sub3A_84 : vector<512xf32>
    %add3A_88 = arith.addf %add3A_82, %sub3A_87 : vector<512xf32>
    %sub3A_89 = arith.subf %add3A_88, %add3A_82 : vector<512xf32>
    %sub3A_90 = arith.subf %sub3A_89, %sub3A_87 : vector<512xf32>
    %slice3A_91 = vector.extract_strided_slice %get3A_1 {offsets = [15, 0], sizes = [1, 512], strides = [1, 1]} : vector<32x512xf32> to vector<1x512xf32>
    %squeeze3A_92 = vector.shape_cast %slice3A_91 : vector<1x512xf32> to vector<512xf32>
    %sub3A_93 = arith.subf %squeeze3A_92, %sub3A_90 : vector<512xf32>
    %add3A_94 = arith.addf %add3A_88, %sub3A_93 : vector<512xf32>
    %sub3A_95 = arith.subf %add3A_94, %add3A_88 : vector<512xf32>
    %sub3A_96 = arith.subf %sub3A_95, %sub3A_93 : vector<512xf32>
    %slice3A_97 = vector.extract_strided_slice %get3A_1 {offsets = [16, 0], sizes = [1, 512], strides = [1, 1]} : vector<32x512xf32> to vector<1x512xf32>
    %squeeze3A_98 = vector.shape_cast %slice3A_97 : vector<1x512xf32> to vector<512xf32>
    %sub3A_99 = arith.subf %squeeze3A_98, %sub3A_96 : vector<512xf32>
    %add3A_100 = arith.addf %add3A_94, %sub3A_99 : vector<512xf32>
    %sub3A_101 = arith.subf %add3A_100, %add3A_94 : vector<512xf32>
    %sub3A_102 = arith.subf %sub3A_101, %sub3A_99 : vector<512xf32>
    %slice3A_103 = vector.extract_strided_slice %get3A_1 {offsets = [17, 0], sizes = [1, 512], strides = [1, 1]} : vector<32x512xf32> to vector<1x512xf32>
    %squeeze3A_104 = vector.shape_cast %slice3A_103 : vector<1x512xf32> to vector<512xf32>
    %sub3A_105 = arith.subf %squeeze3A_104, %sub3A_102 : vector<512xf32>
    %add3A_106 = arith.addf %add3A_100, %sub3A_105 : vector<512xf32>
    %sub3A_107 = arith.subf %add3A_106, %add3A_100 : vector<512xf32>
    %sub3A_108 = arith.subf %sub3A_107, %sub3A_105 : vector<512xf32>
    %slice3A_109 = vector.extract_strided_slice %get3A_1 {offsets = [18, 0], sizes = [1, 512], strides = [1, 1]} : vector<32x512xf32> to vector<1x512xf32>
    %squeeze3A_110 = vector.shape_cast %slice3A_109 : vector<1x512xf32> to vector<512xf32>
    %sub3A_111 = arith.subf %squeeze3A_110, %sub3A_108 : vector<512xf32>
    %add3A_112 = arith.addf %add3A_106, %sub3A_111 : vector<512xf32>
    %sub3A_113 = arith.subf %add3A_112, %add3A_106 : vector<512xf32>
    %sub3A_114 = arith.subf %sub3A_113, %sub3A_111 : vector<512xf32>
    %slice3A_115 = vector.extract_strided_slice %get3A_1 {offsets = [19, 0], sizes = [1, 512], strides = [1, 1]} : vector<32x512xf32> to vector<1x512xf32>
    %squeeze3A_116 = vector.shape_cast %slice3A_115 : vector<1x512xf32> to vector<512xf32>
    %sub3A_117 = arith.subf %squeeze3A_116, %sub3A_114 : vector<512xf32>
    %add3A_118 = arith.addf %add3A_112, %sub3A_117 : vector<512xf32>
    %sub3A_119 = arith.subf %add3A_118, %add3A_112 : vector<512xf32>
    %sub3A_120 = arith.subf %sub3A_119, %sub3A_117 : vector<512xf32>
    %slice3A_121 = vector.extract_strided_slice %get3A_1 {offsets = [20, 0], sizes = [1, 512], strides = [1, 1]} : vector<32x512xf32> to vector<1x512xf32>
    %squeeze3A_122 = vector.shape_cast %slice3A_121 : vector<1x512xf32> to vector<512xf32>
    %sub3A_123 = arith.subf %squeeze3A_122, %sub3A_120 : vector<512xf32>
    %add3A_124 = arith.addf %add3A_118, %sub3A_123 : vector<512xf32>
    %sub3A_125 = arith.subf %add3A_124, %add3A_118 : vector<512xf32>
    %sub3A_126 = arith.subf %sub3A_125, %sub3A_123 : vector<512xf32>
    %slice3A_127 = vector.extract_strided_slice %get3A_1 {offsets = [21, 0], sizes = [1, 512], strides = [1, 1]} : vector<32x512xf32> to vector<1x512xf32>
    %squeeze3A_128 = vector.shape_cast %slice3A_127 : vector<1x512xf32> to vector<512xf32>
    %sub3A_129 = arith.subf %squeeze3A_128, %sub3A_126 : vector<512xf32>
    %add3A_130 = arith.addf %add3A_124, %sub3A_129 : vector<512xf32>
    %sub3A_131 = arith.subf %add3A_130, %add3A_124 : vector<512xf32>
    %sub3A_132 = arith.subf %sub3A_131, %sub3A_129 : vector<512xf32>
    %slice3A_133 = vector.extract_strided_slice %get3A_1 {offsets = [22, 0], sizes = [1, 512], strides = [1, 1]} : vector<32x512xf32> to vector<1x512xf32>
    %squeeze3A_134 = vector.shape_cast %slice3A_133 : vector<1x512xf32> to vector<512xf32>
    %sub3A_135 = arith.subf %squeeze3A_134, %sub3A_132 : vector<512xf32>
    %add3A_136 = arith.addf %add3A_130, %sub3A_135 : vector<512xf32>
    %sub3A_137 = arith.subf %add3A_136, %add3A_130 : vector<512xf32>
    %sub3A_138 = arith.subf %sub3A_137, %sub3A_135 : vector<512xf32>
    %slice3A_139 = vector.extract_strided_slice %get3A_1 {offsets = [23, 0], sizes = [1, 512], strides = [1, 1]} : vector<32x512xf32> to vector<1x512xf32>
    %squeeze3A_140 = vector.shape_cast %slice3A_139 : vector<1x512xf32> to vector<512xf32>
    %sub3A_141 = arith.subf %squeeze3A_140, %sub3A_138 : vector<512xf32>
    %add3A_142 = arith.addf %add3A_136, %sub3A_141 : vector<512xf32>
    %sub3A_143 = arith.subf %add3A_142, %add3A_136 : vector<512xf32>
    %sub3A_144 = arith.subf %sub3A_143, %sub3A_141 : vector<512xf32>
    %slice3A_145 = vector.extract_strided_slice %get3A_1 {offsets = [24, 0], sizes = [1, 512], strides = [1, 1]} : vector<32x512xf32> to vector<1x512xf32>
    %squeeze3A_146 = vector.shape_cast %slice3A_145 : vector<1x512xf32> to vector<512xf32>
    %sub3A_147 = arith.subf %squeeze3A_146, %sub3A_144 : vector<512xf32>
    %add3A_148 = arith.addf %add3A_142, %sub3A_147 : vector<512xf32>
    %sub3A_149 = arith.subf %add3A_148, %add3A_142 : vector<512xf32>
    %sub3A_150 = arith.subf %sub3A_149, %sub3A_147 : vector<512xf32>
    %slice3A_151 = vector.extract_strided_slice %get3A_1 {offsets = [25, 0], sizes = [1, 512], strides = [1, 1]} : vector<32x512xf32> to vector<1x512xf32>
    %squeeze3A_152 = vector.shape_cast %slice3A_151 : vector<1x512xf32> to vector<512xf32>
    %sub3A_153 = arith.subf %squeeze3A_152, %sub3A_150 : vector<512xf32>
    %add3A_154 = arith.addf %add3A_148, %sub3A_153 : vector<512xf32>
    %sub3A_155 = arith.subf %add3A_154, %add3A_148 : vector<512xf32>
    %sub3A_156 = arith.subf %sub3A_155, %sub3A_153 : vector<512xf32>
    %slice3A_157 = vector.extract_strided_slice %get3A_1 {offsets = [26, 0], sizes = [1, 512], strides = [1, 1]} : vector<32x512xf32> to vector<1x512xf32>
    %squeeze3A_158 = vector.shape_cast %slice3A_157 : vector<1x512xf32> to vector<512xf32>
    %sub3A_159 = arith.subf %squeeze3A_158, %sub3A_156 : vector<512xf32>
    %add3A_160 = arith.addf %add3A_154, %sub3A_159 : vector<512xf32>
    %sub3A_161 = arith.subf %add3A_160, %add3A_154 : vector<512xf32>
    %sub3A_162 = arith.subf %sub3A_161, %sub3A_159 : vector<512xf32>
    %slice3A_163 = vector.extract_strided_slice %get3A_1 {offsets = [27, 0], sizes = [1, 512], strides = [1, 1]} : vector<32x512xf32> to vector<1x512xf32>
    %squeeze3A_164 = vector.shape_cast %slice3A_163 : vector<1x512xf32> to vector<512xf32>
    %sub3A_165 = arith.subf %squeeze3A_164, %sub3A_162 : vector<512xf32>
    %add3A_166 = arith.addf %add3A_160, %sub3A_165 : vector<512xf32>
    %sub3A_167 = arith.subf %add3A_166, %add3A_160 : vector<512xf32>
    %sub3A_168 = arith.subf %sub3A_167, %sub3A_165 : vector<512xf32>
    %slice3A_169 = vector.extract_strided_slice %get3A_1 {offsets = [28, 0], sizes = [1, 512], strides = [1, 1]} : vector<32x512xf32> to vector<1x512xf32>
    %squeeze3A_170 = vector.shape_cast %slice3A_169 : vector<1x512xf32> to vector<512xf32>
    %sub3A_171 = arith.subf %squeeze3A_170, %sub3A_168 : vector<512xf32>
    %add3A_172 = arith.addf %add3A_166, %sub3A_171 : vector<512xf32>
    %sub3A_173 = arith.subf %add3A_172, %add3A_166 : vector<512xf32>
    %sub3A_174 = arith.subf %sub3A_173, %sub3A_171 : vector<512xf32>
    %slice3A_175 = vector.extract_strided_slice %get3A_1 {offsets = [29, 0], sizes = [1, 512], strides = [1, 1]} : vector<32x512xf32> to vector<1x512xf32>
    %squeeze3A_176 = vector.shape_cast %slice3A_175 : vector<1x512xf32> to vector<512xf32>
    %sub3A_177 = arith.subf %squeeze3A_176, %sub3A_174 : vector<512xf32>
    %add3A_178 = arith.addf %add3A_172, %sub3A_177 : vector<512xf32>
    %sub3A_179 = arith.subf %add3A_178, %add3A_172 : vector<512xf32>
    %sub3A_180 = arith.subf %sub3A_179, %sub3A_177 : vector<512xf32>
    %slice3A_181 = vector.extract_strided_slice %get3A_1 {offsets = [30, 0], sizes = [1, 512], strides = [1, 1]} : vector<32x512xf32> to vector<1x512xf32>
    %squeeze3A_182 = vector.shape_cast %slice3A_181 : vector<1x512xf32> to vector<512xf32>
    %sub3A_183 = arith.subf %squeeze3A_182, %sub3A_180 : vector<512xf32>
    %add3A_184 = arith.addf %add3A_178, %sub3A_183 : vector<512xf32>
    %sub3A_185 = arith.subf %add3A_184, %add3A_178 : vector<512xf32>
    %sub3A_186 = arith.subf %sub3A_185, %sub3A_183 : vector<512xf32>
    %slice3A_187 = vector.extract_strided_slice %get3A_1 {offsets = [31, 0], sizes = [1, 512], strides = [1, 1]} : vector<32x512xf32> to vector<1x512xf32>
    %squeeze3A_188 = vector.shape_cast %slice3A_187 : vector<1x512xf32> to vector<512xf32>
    %sub3A_189 = arith.subf %squeeze3A_188, %sub3A_186 : vector<512xf32>
    %add3A_190 = arith.addf %add3A_184, %sub3A_189 : vector<512xf32>
    %slice3A_191 = vector.extract_strided_slice %add3A_190 {offsets = [0], sizes = [256], strides = [1]} : vector<512xf32> to vector<256xf32>
    %mul3A = arith.constant 9.99999974E-5 : f32
    %mul3A_192 = vector.broadcast %mul3A : f32 to vector<256xf32>
    %mul3A_193 = arith.mulf %slice3A_191, %mul3A_192 : vector<256xf32>
    %reshape3A = vector.shape_cast %mul3A_193 : vector<256xf32> to vector<1x256xf32>
    %broadcast_in_dim3A_194 = vector.shape_cast %reshape3A : vector<1x256xf32> to vector<1x256xf32>
    %broadcast_in_dim3A_195 = vector.broadcast %broadcast_in_dim3A_194 : vector<1x256xf32> to vector<8x256xf32>
    %slice3A_196 = vector.extract_strided_slice %add3A_190 {offsets = [256], sizes = [256], strides = [1]} : vector<512xf32> to vector<256xf32>
    %mul3A_197 = arith.constant 2.000000e-05 : f32
    %mul3A_198 = vector.broadcast %mul3A_197 : f32 to vector<256xf32>
    %mul3A_199 = arith.mulf %slice3A_196, %mul3A_198 : vector<256xf32>
    %reshape3A_200 = vector.shape_cast %mul3A_199 : vector<256xf32> to vector<1x256xf32>
    %broadcast_in_dim3A_201 = vector.shape_cast %reshape3A_200 : vector<1x256xf32> to vector<1x256xf32>
    %broadcast_in_dim3A_202 = vector.broadcast %broadcast_in_dim3A_201 : vector<1x256xf32> to vector<8x256xf32>
    %get3A_203 = arith.constant 0 : index
    %get3A_204 = arith.constant 0 : index
    %get3A_205 = vector.load %arg1[%get3A_203, %get3A_204] : memref<256x256xf32, #tpu.memory_space<vmem>>, vector<256x256xf32>
    %dot_general3A = arith.constant dense<0.000000e+00> : vector<8x256xf32>
    %dot_general3A_206 = tpu.matmul %broadcast_in_dim3A_195, %get3A_205, %dot_general3A {dimension_numbers = #tpu.dot_dimension_numbers<[1], [0], [0], [1], [0, 0, 1, 1], [], []>, transpose_lhs_hint = false} : vector<8x256xf32>, vector<256x256xf32>, vector<8x256xf32> -> vector<8x256xf32>
    %get3A_207 = arith.constant 0 : index
    %get3A_208 = vector.load %arg2[%get3A_207] : memref<256xf32, #tpu.memory_space<vmem>>, vector<256xf32>
    %broadcast_in_dim3A_209 = vector.shape_cast %get3A_208 : vector<256xf32> to vector<1x256xf32>
    %add3A_210 = vector.broadcast %broadcast_in_dim3A_209 : vector<1x256xf32> to vector<8x256xf32>
    %add3A_211 = arith.addf %dot_general3A_206, %add3A_210 : vector<8x256xf32>
    %max3A = arith.constant 0.000000e+00 : f32
    %max3A_212 = vector.broadcast %max3A : f32 to vector<8x256xf32>
    %max3A_213 = arith.maximumf %add3A_211, %max3A_212 : vector<8x256xf32>
    %get3A_214 = arith.constant 0 : index
    %get3A_215 = arith.constant 0 : index
    %get3A_216 = vector.load %arg3[%get3A_214, %get3A_215] : memref<256x128xf32, #tpu.memory_space<vmem>>, vector<256x128xf32>
    %dot_general3A_217 = arith.constant dense<0.000000e+00> : vector<8x128xf32>
    %dot_general3A_218 = tpu.matmul %max3A_213, %get3A_216, %dot_general3A_217 {dimension_numbers = #tpu.dot_dimension_numbers<[1], [0], [0], [1], [0, 0, 1, 1], [], []>, transpose_lhs_hint = false} : vector<8x256xf32>, vector<256x128xf32>, vector<8x128xf32> -> vector<8x128xf32>
    %get3A_219 = arith.constant 0 : index
    %get3A_220 = vector.load %arg4[%get3A_219] : memref<128xf32, #tpu.memory_space<vmem>>, vector<128xf32>
    %broadcast_in_dim3A_221 = vector.shape_cast %get3A_220 : vector<128xf32> to vector<1x128xf32>
    %add3A_222 = vector.broadcast %broadcast_in_dim3A_221 : vector<1x128xf32> to vector<8x128xf32>
    %add3A_223 = arith.addf %dot_general3A_218, %add3A_222 : vector<8x128xf32>
    %max3A_224 = arith.constant 0.000000e+00 : f32
    %max3A_225 = vector.broadcast %max3A_224 : f32 to vector<8x128xf32>
    %max3A_226 = arith.maximumf %add3A_223, %max3A_225 : vector<8x128xf32>
    %get3A_227 = arith.constant 0 : index
    %get3A_228 = arith.constant 0 : index
    %get3A_229 = vector.load %arg5[%get3A_227, %get3A_228] : memref<256x128xf32, #tpu.memory_space<vmem>>, vector<256x128xf32>
    %dot_general3A_230 = arith.constant dense<0.000000e+00> : vector<8x128xf32>
    %dot_general3A_231 = tpu.matmul %broadcast_in_dim3A_202, %get3A_229, %dot_general3A_230 {dimension_numbers = #tpu.dot_dimension_numbers<[1], [0], [0], [1], [0, 0, 1, 1], [], []>, transpose_lhs_hint = false} : vector<8x256xf32>, vector<256x128xf32>, vector<8x128xf32> -> vector<8x128xf32>
    %get3A_232 = arith.constant 0 : index
    %get3A_233 = vector.load %arg6[%get3A_232] : memref<128xf32, #tpu.memory_space<vmem>>, vector<128xf32>
    %broadcast_in_dim3A_234 = vector.shape_cast %get3A_233 : vector<128xf32> to vector<1x128xf32>
    %add3A_235 = vector.broadcast %broadcast_in_dim3A_234 : vector<1x128xf32> to vector<8x128xf32>
    %add3A_236 = arith.addf %dot_general3A_231, %add3A_235 : vector<8x128xf32>
    %max3A_237 = arith.constant 0.000000e+00 : f32
    %max3A_238 = vector.broadcast %max3A_237 : f32 to vector<8x128xf32>
    %max3A_239 = arith.maximumf %add3A_236, %max3A_238 : vector<8x128xf32>
    %get3A_240 = arith.constant 0 : index
    %get3A_241 = arith.constant 0 : index
    %get3A_242 = vector.load %arg7[%get3A_240, %get3A_241] : memref<128x64xf32, #tpu.memory_space<vmem>>, vector<128x64xf32>
    %dot_general3A_243 = arith.constant dense<0.000000e+00> : vector<8x64xf32>
    %dot_general3A_244 = tpu.matmul %max3A_239, %get3A_242, %dot_general3A_243 {dimension_numbers = #tpu.dot_dimension_numbers<[1], [0], [0], [1], [0, 0, 1, 1], [], []>, transpose_lhs_hint = false} : vector<8x128xf32>, vector<128x64xf32>, vector<8x64xf32> -> vector<8x64xf32>
    %get3A_245 = arith.constant 0 : index
    %get3A_246 = vector.load %arg8[%get3A_245] : memref<64xf32, #tpu.memory_space<vmem>>, vector<64xf32>
    %broadcast_in_dim3A_247 = vector.shape_cast %get3A_246 : vector<64xf32> to vector<1x64xf32>
    %add3A_248 = vector.broadcast %broadcast_in_dim3A_247 : vector<1x64xf32> to vector<8x64xf32>
    %add3A_249 = arith.addf %dot_general3A_244, %add3A_248 : vector<8x64xf32>
    %get3A_250 = arith.constant 0 : index
    %get3A_251 = arith.constant 0 : index
    %get3A_252 = vector.load %arg9[%get3A_250, %get3A_251] : memref<192x128xf32, #tpu.memory_space<vmem>>, vector<192x128xf32>
    %slice3A_253 = vector.extract_strided_slice %get3A_252 {offsets = [0, 0], sizes = [128, 128], strides = [1, 1]} : vector<192x128xf32> to vector<128x128xf32>
    %dot_general3A_254 = arith.constant dense<0.000000e+00> : vector<8x128xf32>
    %dot_general3A_255 = tpu.matmul %max3A_226, %slice3A_253, %dot_general3A_254 {dimension_numbers = #tpu.dot_dimension_numbers<[1], [0], [0], [1], [0, 0, 1, 1], [], []>, transpose_lhs_hint = false} : vector<8x128xf32>, vector<128x128xf32>, vector<8x128xf32> -> vector<8x128xf32>
    %slice3A_256 = vector.extract_strided_slice %get3A_252 {offsets = [128, 0], sizes = [64, 128], strides = [1, 1]} : vector<192x128xf32> to vector<64x128xf32>
    %dot_general3A_257 = arith.constant dense<0.000000e+00> : vector<8x128xf32>
    %dot_general3A_258 = tpu.matmul %add3A_249, %slice3A_256, %dot_general3A_257 {dimension_numbers = #tpu.dot_dimension_numbers<[1], [0], [0], [1], [0, 0, 1, 1], [], []>, transpose_lhs_hint = false} : vector<8x64xf32>, vector<64x128xf32>, vector<8x128xf32> -> vector<8x128xf32>
    %add3A_259 = arith.addf %dot_general3A_255, %dot_general3A_258 : vector<8x128xf32>
    %get3A_260 = arith.constant 0 : index
    %get3A_261 = vector.load %arg10[%get3A_260] : memref<128xf32, #tpu.memory_space<vmem>>, vector<128xf32>
    %broadcast_in_dim3A_262 = vector.shape_cast %get3A_261 : vector<128xf32> to vector<1x128xf32>
    %add3A_263 = vector.broadcast %broadcast_in_dim3A_262 : vector<1x128xf32> to vector<8x128xf32>
    %add3A_264 = arith.addf %add3A_259, %add3A_263 : vector<8x128xf32>
    %max3A_265 = arith.constant 0.000000e+00 : f32
    %max3A_266 = vector.broadcast %max3A_265 : f32 to vector<8x128xf32>
    %max3A_267 = arith.maximumf %add3A_264, %max3A_266 : vector<8x128xf32>
    %get3A_268 = arith.constant 0 : index
    %get3A_269 = arith.constant 0 : index
    %get3A_270 = vector.load %arg11[%get3A_268, %get3A_269] : memref<128x1xf32, #tpu.memory_space<vmem>>, vector<128x1xf32>
    %dot_general3A_271 = arith.constant dense<0.000000e+00> : vector<8x1xf32>
    %dot_general3A_272 = tpu.matmul %max3A_267, %get3A_270, %dot_general3A_271 {dimension_numbers = #tpu.dot_dimension_numbers<[1], [0], [0], [1], [0, 0, 1, 1], [], []>, transpose_lhs_hint = false} : vector<8x128xf32>, vector<128x1xf32>, vector<8x1xf32> -> vector<8x1xf32>
    %get3A_273 = arith.constant 0 : index
    %get3A_274 = vector.load %arg12[%get3A_273] : memref<1xf32, #tpu.memory_space<vmem>>, vector<1xf32>
    %broadcast_in_dim3A_275 = vector.shape_cast %get3A_274 : vector<1xf32> to vector<1x1xf32>
    %add3A_276 = vector.broadcast %broadcast_in_dim3A_275 : vector<1x1xf32> to vector<8x1xf32>
    %add3A_277 = arith.addf %dot_general3A_272, %add3A_276 : vector<8x1xf32>
    %slice3A_278 = vector.extract_strided_slice %add3A_277 {offsets = [0, 0], sizes = [1, 1], strides = [1, 1]} : vector<8x1xf32> to vector<1x1xf32>
    %swap3A = arith.constant 0 : index
    %swap3A_279 = arith.constant 0 : index
    %swap3A_280 = vector.load %arg13[%swap3A, %swap3A_279] : memref<1x1xf32, #tpu.memory_space<vmem>>, vector<1x1xf32>
    tpu.vector_store %arg13[%swap3A, %swap3A_279], %slice3A_278 {strides = array<i32>} : memref<1x1xf32, #tpu.memory_space<vmem>>, vector<1x1xf32>,
    return
  }
}

</mosaic_0001>

<sc_bundles>
// kernel: kernel.4.cloned.1.call-start
scs
__scs_entry_jumppad:
0x0: {  	(pc) =	sbr.rel $0x88, $3  }
0x1: {  	(tag) =	ssettag $0x0;
	lr =	simm.s32 $0x1  }
0x2: {  	[smem:$0x3F92] =	sst lr;
	_ =	strace $0xD0000000  }
0x3: {  	_ = 	snop  }
0x4: {  	_ = 	snop  }
0x5: {  	_ = 	snop  }
0x6: {  	_ = 	snop  }
0x7: {  	_ = 	snop  }
__scs_overlays_trampoline_lowered:
0x8: {  	[smem:$0x3FA1] =	sst s0  }
0x9: {  	[smem:$0x3FA2] =	sst s1  }
0xa: {  	[smem:$0x3FA3] =	sst s2  }
0xb: {  	[smem:$0x3FA4] =	sst s3  }
0xc: {  	[smem:$0x3FA5] =	sst s4  }
0xd: {  	[smem:$0x3FA6] =	sst s5  }
0xe: {  	[smem:$0x3FA7] =	sst s6  }
0xf: {  	[smem:$0x3FA8] =	sst s7  }
0x10: {  	[smem:$0x3FA9] =	sst s8  }
0x11: {  	[smem:$0x3FAA] =	sst s9;
	s0 =	simm.s32 @!p0 $0x0  }
0x12: {  	s1 =	sld [smem:$0x3F90];
	s0 =	simm.s32 @p0 $0x1  }
0x13: {  	[smem:$0x3FAB] =	sst s0;
	s0 =	simm.s32 @!p1 $0x0  }
0x14: {  	s2 =	sld [smem:$0x3F8F];
	s0 =	simm.s32 @p1 $0x1  }
0x15: {  	[smem:$0x3FAC] =	sst s0;
	s0 =	simm.s32 @!p2 $0x0  }
0x16: {  	s3 =	sld [smem:$0x3FDB];
	s0 =	simm.s32 @p2 $0x1  }
0x17: {  	s4 =	simm.s32 $0x1BF5;
	[smem:$0x3FAE] =	sst s0  }
0x18: {  	s0 =	sld [smem:$0x3F91];
	_ =	swait.ge [sflag:s4], $0x0  }
0x19: {  	s7 =	sld [smem:$0x3F92]  }
0x1a: {  	s8 =	sadd.s32 $0xFFFFE003, lr  }
0x1b: {  	s9 =	sadd.s32 $0xFFFFFEF7, lr;
	s5 =	simm.s32 $0xFFFFFFFF;
	p2 =	slt.u32 s8, $0xFFFFF086  }
0x1c: {  	p1 =	slt.u32 s9, $0xF7A;
	s5 =	simm.s32 @!p2 $0x0  }
0x1d: {  	s5 =	simm.s32 @p1 $0x1;
	p0 =	seq.s32 s7, s2  }
0x1e: {  	s7 =	smul.u32 @!p0 $0xF7A, s2;
	p2 =	seq.s32 @!p0 s5, $0x0  }
0x1f: {  	s9 =	smul.u32 $0xF7A, s1;
	s8 =	simm.s32 @!p0 $0x1BF5;
	p2 =	por !p2, p0  }
0x20: {  	[sflag:s8] =	ssyncset.s32 @!p0 $0xFFFFF086;
	s6 =	sadd.s32 @!p0 s3, s7;
	s7 =	simm.s32 @!p0 $0x108  }
0x21: {  	s3 =	sadd.s32 s3, s9;
	s6 =	sadd.s32 @!p0 $0x88, s6;
	s7 =	simm.s32 @p2 $0x1082  }
0x22: {  	[simem:s7], [sflag:s8] =	dma.local @!p0 [hbm:s6], $0xF7A  }
0x23: {  	s9 =	sor.u32 $0xD0000000, s2;
	s6 =	simm.s32 $0x108;
	_ =	swait.ge @!p0 [sflag:s8], $0x0  }
0x24: {  	s3 =	sadd.s32 $0x88, s3;
	s6 =	simm.s32 @!p1 $0x1082;
	[sflag:s4] =	ssyncset.s32 $0xFFFFF086  }
0x25: {  	[simem:s6], [sflag:s4] =	dma.local [hbm:s3], $0xF7A  }
0x26: {  	[smem:$0x3F92] =	sst s1;
	(tag) =	ssettag s2;
	_ =	strace s9  }
0x27: {  	s1 =	sld [smem:$0x3FA2]  }
0x28: {  	s2 =	sld [smem:$0x3FA3]  }
0x29: {  	s4 =	sld [smem:$0x3FA5]  }
0x2a: {  	p0 =	seq.s32 s5, $0x0;
	s5 =	sld [smem:$0x3FA6]  }
0x2b: {  	s6 =	sld [smem:$0x3FA7]  }
0x2c: {  	s7 =	sld [smem:$0x3FA8]  }
0x2d: {  	s3 =	simm.s32 $0x108;
	s8 =	sld [smem:$0x3FA9]  }
0x2e: {  	s3 =	simm.s32 @!p0 $0x1082;
	s9 =	sld [smem:$0x3FAA]  }
0x2f: {  	lr =	sadd.s32 s0, s3;
	s0 =	sld [smem:$0x3FA1]  }
0x30: {  	s3 =	sld [smem:$0x3FA4]  }
0x31: {  	[smem:$0x3FAD] =	sst s10  }
0x32: {  	s10 =	sld [smem:$0x3FAB];
	_ =	sdelay $0x3  }
0x33: {  	p0 =	seq.s32 s10, $0x1;
	s10 =	sld [smem:$0x3FAD];
	_ =	sdelay $0x3  }
0x34: {  	[smem:$0x3FAD] =	sst s10  }
0x35: {  	s10 =	sld [smem:$0x3FAC];
	_ =	sdelay $0x3  }
0x36: {  	p1 =	seq.s32 s10, $0x1;
	s10 =	sld [smem:$0x3FAD];
	_ =	sdelay $0x3  }
0x37: {  	[smem:$0x3FAD] =	sst s10  }
0x38: {  	s10 =	sld [smem:$0x3FAE]  }
0x39: {  	_ = 	snop;
	(pc) =	sbr.ind lr, $3  }
0x3a: {  	_ = 	snop  }
0x3b: {  	_ = 	snop  }
0x3c: {  	p2 =	seq.s32 s10, $0x1;
	s10 =	sld [smem:$0x3FAD]  }
0x3d: {  	_ =	shalt  }
0x3e: {  	_ =	shalt  }
0x3f: {  	_ =	shalt  }
0x40: {  	_ =	shalt  }
0x41: {  	_ =	shalt  }
0x42: {  	_ =	shalt  }
0x43: {  	_ =	shalt  }
0x44: {  	_ =	shalt  }
0x45: {  	_ =	shalt  }
0x46: {  	_ =	shalt  }
0x47: {  	_ =	shalt  }
0x48: {  	_ =	shalt  }
0x49: {  	_ =	shalt  }
0x4a: {  	_ =	shalt  }
0x4b: {  	_ =	shalt  }
0x4c: {  	_ =	shalt  }
0x4d: {  	_ =	shalt  }
0x4e: {  	_ =	shalt  }
0x4f: {  	_ =	shalt  }
0x50: {  	_ =	shalt  }
0x51: {  	_ =	shalt  }
0x52: {  	_ =	shalt  }
0x53: {  	_ =	shalt  }
0x54: {  	_ =	shalt  }
0x55: {  	_ =	shalt  }
0x56: {  	_ =	shalt  }
0x57: {  	_ =	shalt  }
0x58: {  	_ =	shalt  }
0x59: {  	_ =	shalt  }
0x5a: {  	_ =	shalt  }
0x5b: {  	_ =	shalt  }
0x5c: {  	_ =	shalt  }
0x5d: {  	_ =	shalt  }
0x5e: {  	_ =	shalt  }
0x5f: {  	_ =	shalt  }
0x60: {  	_ =	shalt  }
0x61: {  	_ =	shalt  }
0x62: {  	_ =	shalt  }
0x63: {  	_ =	shalt  }
0x64: {  	_ =	shalt  }
0x65: {  	_ =	shalt  }
0x66: {  	_ =	shalt  }
0x67: {  	_ =	shalt  }
0x68: {  	_ =	shalt  }
0x69: {  	_ =	shalt  }
0x6a: {  	_ =	shalt  }
0x6b: {  	_ =	shalt  }
0x6c: {  	_ =	shalt  }
0x6d: {  	_ =	shalt  }
0x6e: {  	_ =	shalt  }
0x6f: {  	_ =	shalt  }
0x70: {  	_ =	shalt  }
0x71: {  	_ =	shalt  }
0x72: {  	_ =	shalt  }
0x73: {  	_ =	shalt  }
0x74: {  	_ =	shalt  }
0x75: {  	_ =	shalt  }
0x76: {  	_ =	shalt  }
0x77: {  	_ =	shalt  }
0x78: {  	_ =	shalt  }
0x79: {  	_ =	shalt  }
0x7a: {  	_ =	shalt  }
0x7b: {  	_ =	shalt  }
0x7c: {  	_ =	shalt  }
0x7d: {  	_ =	shalt  }
0x7e: {  	_ =	shalt  }
0x7f: {  	_ =	shalt  }
0x80: {  	_ =	shalt  }
0x81: {  	_ =	shalt  }
0x82: {  	_ =	shalt  }
0x83: {  	_ =	shalt  }
0x84: {  	_ =	shalt  }
0x85: {  	_ =	shalt  }
0x86: {  	_ =	shalt  }
0x87: {  	_ =	shalt  }
.Lfunc_end0:
.L_simem_size_0:
called_computation_lowered:
.L_overlay_start_0:
0x88: {  	s2 =	sld [smem:$0x3FD9]  }
0x89: {  	s3 =	sld [smem:$0x3FFE];
	_ =	sdelay $0x1  }
0x8a: {  	s1 =	srdreg.scid  }
0x8b: {  	s0 =	sand.u32 $0x1, s1  }
0x8c: {  	s17 =	sshll.u32 s0, $0xA;
	s2 =	sadd.s32 s3, s2  }
0x8d: {  	s2 =	sadd.s32 s2, s17  }
0x8e: {  	[smem:$0x3FB9] =	sst s2  }
0x8f: {  	_ = 	snop  }
0x90: {  	s2 =	sld [smem:$0x3FC9]  }
0x91: {  	s18 =	sld [smem:$0x3FC8]  }
0x92: {  	s4 =	sld [smem:$0x3FC7];
	(tm) =	ssettm $0x1  }
0x93: {  	s5 =	sld [smem:$0x3FFB];
	_ =	sdelay $0x3  }
0x94: {  	_ =	strace s5  }
0x95: {  	s5 =	sld [smem:$0x3FFC];
	_ =	sdelay $0x3  }
0x96: {  	_ =	strace s5  }
0x97: {  	s5 =	sld [smem:$0x3FFD];
	_ =	sdelay $0x3  }
0x98: {  	_ =	strace s5  }
0x99: {  	_ =	strace $0x8FFFFFFF  }
0x9a: {  	s19 =	sld [smem:$0x3FDB];
	_ =	sdelay $0x1  }
0x9b: {  	s6 =	simm.s32 $_scs_section_size  }
0x9c: {  	s7 =	simm.s32 $_size__tile_overlayer_lowered;
	s8 =	simm.s32 $_tile_overlayer_lowered  }
0x9d: {  	s22 =	simm.s32 $0x1BFF;
	s21 =	sshll.u32 s8, $0x1;
	s5 =	sadd.s32 s6, s19  }
0x9e: {  	s9 =	simm.s32 $0x0;
	s20 =	sshll.u32 s7, $0x1;
	s7 =	sadd.s32 s21, s5  }
0x9f: {  	[timem:s9], [sflag:s22] =	dma.local [hbm:s7], s20  }
0xa0: {  	_ =	swait.ge [sflag:s22], s20  }
0xa1: {  	s6 =	ssub.s32 $0x0, s20;
	[sflag:s22] =	ssyncset.done $0x0  }
0xa2: {  	[sflag:s22] =	ssyncadd.s32 s6;
	_ =	sdelay $0x1  }
0xa3: {  	s23 =	simm.s32 $0x1B8B  }
0xa4: {  	_ =	swait.ge [sflag:s23], $0x1  }
0xa5: {  	[sflag:s23] =	ssyncset.done $0x0  }
0xa6: {  	s25 =	simm.s32 $0x1B8E;
	s24 =	sld [smem:$0x3FFE];
	[sflag:s23] =	ssyncadd.s32 $0xFFFFFFFF  }
0xa7: {  	s26 =	simm.s32 $execute0_lowered;
	[smem:$0x3FD2] =	sst s25  }
0xa8: {  	s7 =	sshll.u32 s26, $0x1;
	_ =	strace $0x80000046;
	[dreg:$0x1] =	wrdreg $0xFFFFFFFF  }
0xa9: {  	s28 =	simm.s32 $_size_execute0_lowered;
	s5 =	sadd.s32 s5, s7;
	[dreg:$0x0] =	wrdreg $0x0  }
0xaa: {  	s7 =	sshll.u32 s28, $0x1;
	[dreg:$0x2] =	wrdreg s5  }
0xab: {  	[dreg:$0x3] =	wrdreg s7  }
0xac: {  	[dreg:$0x4] =	wrdreg $0xC0  }
0xad: {  	_ =	task [dreg:s9], $0x5FFFF  }
0xae: {  	[dreg:$0x1] =	wrdreg $0xFFFFFFFF  }
0xaf: {  	[dreg:$0x0] =	wrdreg $0x60  }
0xb0: {  	[dreg:$0x2] =	wrdreg s2  }
0xb1: {  	[dreg:$0x3] =	wrdreg s18  }
0xb2: {  	[dreg:$0x4] =	wrdreg s4  }
0xb3: {  	[dreg:$0x5] =	wrdreg s24  }
0xb4: {  	[dreg:$0x6] =	wrdreg $0x9  }
0xb5: {  	_ =	task.clear_ibuf [dreg:s9], $0x7FFFF;
	_ =	strace $0x90000046  }
0xb6: {  	s29 =	simm.s32 $0x9;
	_ =	strace $0x80000048  }
0xb7: {  	_ =	swait.ge [sflag:s29], $0x1  }
0xb8: {  	[sflag:s29] =	ssyncadd.s32 $0xFFFFFFFF  }
0xb9: {  	_ =	strace $0x90000048  }
0xba: {  	_ =	sfence  }
0xbb: {  	s30 =	sld [smem:$0x0];
	_ =	sdelay $0x2  }
0xbc: {  	s31 =	sshll.u32 s1, $0xD;
	s1 =	sshrl.u32 s1, $0x2  }
0xbd: {  	s3 =	sand.u32 $0x4000, s31;
	s1 =	sadd.s32 s1, s30  }
0xbe: {  	s0 =	sor.u32 s3, s0;
	s1 =	sshll.u32 s1, $0x11  }
0xbf: {  	s0 =	sor.u32 s1, s0  }
0xc0: {  	s0 =	sadd.s32 $0x8F2B, s0  }
0xc1: {  	[sflag:s0] =	ssyncadd.remote.s32 $0x1  }
0xc2: {  	_ =	sfence.sel $0xFFFF  }
0xc3: {  	[dreg:$0x0] =	wrdreg $0xFFFFFFFF;
	(pc) =	sbr.abs _section_cstart, $3  }
0xc4: {  	[dreg:$0x1] =	wrdreg $0xFFFFFFFF  }
0xc5: {  	_ =	task.clear_ibuf [dreg:s9], $0x2FFFF;
	_ =	strace $0x9FFFFFFF  }
0xc6: {  	(tm) =	ssettm $0x7FFFFFFF  }
0xc7: {  	_ =	shalt  }
tec
execute0_lowered:
.L_overlay_start_1:
0x0: {  	(tag) =	ssettag $0x1  }
0x1: {  	s1 =	rddreg [dreg:$0x0]  }
0x2: {  	s0 =	rddreg [dreg:$0x1]  }
0x3: {  	s2 =	rddreg [dreg:$0x2]  }
0x4: {  	s4 =	rddreg [dreg:$0x3];
	s3 =	simm.s32 $0x0  }
0x5: {  	s12 =	stileid.u32;
	s5 =	srdreg.scid;
	s28 =	simm.s32 $0x6680  }
0x6: {  	s29 =	simm.s32 $0x6E80;
	s30 =	simm.s32 $0x7680;
	s31 =	simm.s32 $0x7E80  }
0x7: {  	[smem:$0x7FF] =	sst s3;
	s6 =	sshll.u32 s12, $0x7;
	s8 =	smul.u32 $0x27000, s12  }
0x8: {  	s5 =	sand.u32 $0x1, s5;
	s7 =	sshll.u32 s12, $0x1;
	s11 =	smul.u32 $0x4E00, s12  }
0x9: {  	s17 =	sshll.u32 s12, $0x5;
	s18 =	sshll.u32 s12, $0x4;
	s12 =	simm.s32 $0xB680  }
0xa: {  	_ =	strace $0x80000047;
	s6 =	sand.u32 $0x600, s6;
	s7 =	sor.u32 s5, s7  }
0xb: {  	s13 =	ssub.s32 $0x2, s5;
	p1 =	sne.s32 s5, $0x0;
	s5 =	simm.s32 $0xC680  }
0xc: {  	s4 =	sadd.s32 s6, s4;
	s9 =	smul.u32 $0xC4, s7;
	s10 =	sshrl.u32 s13, $0x1  }
0xd: {  	s8 =	sshrl.u32 s8, $0x3;
	s14 =	sadd.s32 s0, s11;
	s19 =	sshll.u32 s7, $0x4  }
0xe: {  	p0 =	seq.s32 s7, $0x1F;
	s11 =	simm.s32 $0xAE80;
	s7 =	simm.s32 $0xD680  }
0xf: {  	s6 =	ssub.s32 s13, s10;
	s8 =	sadd.s32 s0, s8;
	[dreg:$0x7] =	wrdreg s14  }
0x10: {  	s21 =	sand.u32 $0x70, s19;
	s10 =	simm.s32 $0xA680;
	s9 =	sadd.s32 s2, s9  }
0x11: {  	s13 =	simm.s32 $0xDE80;
	s2 =	sadd.s32 $0x17BC, s2;
	[dreg:$0x5] =	wrdreg s9  }
0x12: {  	s14 =	simm.s32 $0x1;
	s15 =	sadd.s32 $0xE00, s8;
	[dreg:$0x6] =	wrdreg s2  }
0x13: {  	s16 =	sadd.s32 $0x1C00, s8;
	s20 =	sadd.s32 $0x2A00, s8;
	[dreg:$0x8] =	wrdreg s15  }
0x14: {  	s22 =	sadd.s32 $0x3800, s8;
	s23 =	sadd.s32 s21, s4;
	[dreg:$0x9] =	wrdreg s16  }
0x15: {  	s24 =	sadd.s32 $0x4600, s8;
	s26 =	smax.u32 s6, $0x1;
	[dreg:$0xa] =	wrdreg s20  }
0x16: {  	s8 =	simm.s32 $0x9680;
	s4 =	simm.s32 $0xBE80;
	[dreg:$0xb] =	wrdreg s22  }
0x17: {  	s6 =	simm.s32 $0xCE80;
	s2 =	sand.u32 $0x100, s17;
	[dreg:$0xc] =	wrdreg s24  }
0x18: {  	s9 =	sand.u32 $0x70, s18;
	s25 =	sadd.s32 $0x1C00, s23;
	[dreg:$0xf] =	wrdreg s26  }
.Ltmp0:
0x19: {  	s15 =	simm.s32 $0x680;
	s26 =	simm.s32 $0x5E80;
	(pc) =	sbr.rel .LBB2_1-.Ltmp0, $4  }
0x1a: {  	s17 =	simm.s32 $0x2;
	s16 =	simm.s32 $0x3;
	s2 =	sor.u32 s9, s2  }
0x1b: {  	v2 =	vlaneseq.u32;
	s18 =	simm.s32 $0x4;
	s23 =	simm.s32 $0x0;
	s0 =	sadd.s32 s2, s0  }
0x1c: {  	vm0 =	vmmov $0xffff;
	v1 =	vshrl.u32 v2, $0x3;
	[dreg:$0xe] =	wrdreg s25;
	s9 =	simm.s32 $0x9E80;
	s0 =	sadd.s32 $0x4E000, s0  }
0x1d: {  	v0 =	vand.u32 $0x7, v2;
	v2 =	vor.u32 $0x8, v2;
	v1 =	vmul.u32 $0x8, v1;
	s2 =	simm.s32 $0x8E80;
	[dreg:$0xd] =	wrdreg s0;
	s0 =	simm.s32 $0x8680  }
.LBB2_31:
0x1e: {  	v9 =	vld [tilespmem:$0x1FE10]  }
0x1f: {  	v10 =	vld [tilespmem:$0x1FE20]  }
0x20: {  	v11 =	vld [tilespmem:$0x1FE30]  }
0x21: {  	v12 =	vld [tilespmem:$0x1FE40]  }
0x22: {  	v13 =	vld [tilespmem:$0x1FE50]  }
0x23: {  	v14 =	vld [tilespmem:$0x1FE60]  }
0x24: {  	v15 =	vld [tilespmem:$0x1FE70]  }
0x25: {  	v16 =	vld [tilespmem:$0x1FE80]  }
0x26: {  	v17 =	vld [tilespmem:$0x1FE90]  }
0x27: {  	v18 =	vld [tilespmem:$0x1FD60]  }
0x28: {  	v37 =	vld [tilespmem:$0x1FCF0]  }
0x29: {  	v19 =	vld [tilespmem:$0x1FE00]  }
0x2a: {  	v20 =	vld [tilespmem:$0x1FD70]  }
0x2b: {  	v38 =	vld [tilespmem:$0x1FD00]  }
0x2c: {  	v3 =	vadd.f32 v58, v56;
	v4 =	vadd.f32 v59, v55;
	v29 =	vld [tilespmem:$0x1FD80]  }
0x2d: {  	v5 =	vadd.f32 v60, v54;
	v6 =	vadd.f32 v61, v53;
	v39 =	vld [tilespmem:$0x1FD10]  }
0x2e: {  	v7 =	vadd.f32 v62, v52;
	v8 =	vadd.f32 v63, v51;
	v40 =	vld [tilespmem:$0x1FD90]  }
0x2f: {  	v9 =	vadd.f32 v9, v50;
	v19 =	vadd.f32 v19, v41;
	v41 =	vld [tilespmem:$0x1FD20]  }
0x30: {  	v10 =	vadd.f32 v10, v49;
	v17 =	vadd.f32 v17, v42;
	v42 =	vld [tilespmem:$0x1FDA0]  }
0x31: {  	v16 =	vadd.f32 v16, v43;
	v3 =	vadd.f32 v18, v3;
	v18 =	vmul.f32 $5.500000000e+00, v37;
	v43 =	vld [tilespmem:$0x1FD30]  }
0x32: {  	v11 =	vadd.f32 v11, v48;
	v15 =	vadd.f32 v15, v44;
	v44 =	vld [tilespmem:$0x1FD40]  }
0x33: {  	v14 =	vadd.f32 v14, v45;
	v45 =	vld [tilespmem:$0x1FDC0];
	v3 =	vsub.f32 v3, v18  }
0x34: {  	v13 =	vadd.f32 v13, v46;
	v4 =	vadd.f32 v20, v4;
	v20 =	vmul.f32 $5.500000000e+00, v38;
	v46 =	vld [tilespmem:$0x1FD50]  }
0x35: {  	v12 =	vadd.f32 v12, v47;
	v5 =	vadd.f32 v29, v5;
	v18 =	vmul.f32 $5.500000000e+00, v39;
	[tilespmem:$0x1C880] =	vst v3;
	v3 =	vld [tilespmem:$0x1FDB0]  }
0x36: {  	v61 =	vmul.f32 $5.500000000e+00, v22;
	v47 =	vld [tilespmem:$0x1FDD0];
	v4 =	vsub.f32 v4, v20;
	v60 =	vadd.f32 v25, v17  }
0x37: {  	v6 =	vadd.f32 v40, v6;
	v5 =	vsub.f32 v5, v18;
	v20 =	vmul.f32 $5.500000000e+00, v41  }
0x38: {  	v49 =	vld [tilespmem:$0x1FDE0];
	[tilespmem:$0x1C890] =	vst v4;
	v63 =	vsub.f32 v60, v61;
	v7 =	vadd.f32 v42, v7;
	v18 =	vmul.f32 $5.500000000e+00, v43  }
0x39: {  	v4 =	vadd.f32 v45, v9;
	v9 =	vmul.f32 $5.500000000e+00, v46;
	[tilespmem:$0x1C8A0] =	vst v5;
	v6 =	vsub.f32 v6, v20  }
0x3a: {  	v51 =	vld [tilespmem:$0x1FDF0];
	[tilespmem:$0x1C960] =	vst v63;
	v7 =	vsub.f32 v7, v18;
	v3 =	vadd.f32 v3, v8;
	v8 =	vmul.f32 $5.500000000e+00, v44  }
0x3b: {  	v48 =	vmul.f32 $5.500000000e+00, v36;
	v5 =	vadd.f32 v47, v10;
	v4 =	vsub.f32 v4, v9;
	[tilespmem:$0x1C8B0] =	vst v6  }
0x3c: {  	v55 =	vmul.f32 $5.500000000e+00, v32;
	v54 =	vadd.f32 v28, v14;
	[tilespmem:$0x1C8C0] =	vst v7;
	v3 =	vsub.f32 v3, v8  }
0x3d: {  	v50 =	vmul.f32 $5.500000000e+00, v35;
	v5 =	vsub.f32 v5, v48;
	v6 =	vadd.f32 v49, v11;
	[tilespmem:$0x1C8E0] =	vst v4  }
0x3e: {  	v53 =	vmul.f32 $5.500000000e+00, v33;
	v4 =	vsub.f32 v54, v55;
	[tilespmem:$0x1C8D0] =	vst v3;
	v3 =	vadd.f32 v57, v13  }
0x3f: {  	v52 =	vmul.f32 $5.500000000e+00, v34;
	v7 =	vadd.f32 v51, v12;
	[tilespmem:$0x1C8F0] =	vst v5;
	v6 =	vsub.f32 v6, v50  }
0x40: {  	v59 =	vmul.f32 $5.500000000e+00, v23;
	v58 =	vadd.f32 v26, v16;
	[tilespmem:$0x1C930] =	vst v4;
	v3 =	vsub.f32 v3, v53  }
0x41: {  	v56 =	vadd.f32 v27, v15;
	v7 =	vsub.f32 v7, v52;
	v57 =	vmul.f32 $5.500000000e+00, v24;
	[tilespmem:$0x1C900] =	vst v6  }
0x42: {  	v62 =	vmul.f32 $5.500000000e+00, v21;
	v6 =	vsub.f32 v58, v59;
	[tilespmem:$0x1C920] =	vst v3;
	v3 =	vadd.f32 v30, v19  }
0x43: {  	[tilespmem:$0x1C910] =	vst v7;
	v5 =	vsub.f32 v56, v57  }
0x44: {  	[tilespmem:$0x1C950] =	vst v6;
	v3 =	vsub.f32 v3, v62  }
0x45: {  	[tilespmem:$0x1C940] =	vst v5  }
0x46: {  	s19 =	rddreg [dreg:$0xe];
	s22 =	simm.s32 $0x1C780;
	[tilespmem:$0x1C970] =	vst v3  }
0x47: {  	[hbm4b:s19+s24] =	stream.strided.scatter [tilespmem:s22], [sflag:$0x5], $0x200, s20, s24, $0x38;
	[tilespmem:$0x1C980] =	vst v63  }
0x48: {  	_ =	swait.ge [sflag:s21], $0x200  }
0x49: {  	s23 =	sadd.s32 $0x1, s23;
	s25 =	rddreg [dreg:$0xf]  }
0x4a: {  	p2 =	sne.s32 s23, s25  }
.Ltmp1:
0x4b: {  	_ = 	snop;
	(pc) =	sbr.rel @!p2 .LBB2_32-.Ltmp1, $3  }
0x4c: {  	_ =	sdelay $0x1  }
0x4d: {  	[sflag:s21] =	ssyncset.done $0x0  }
0x4e: {  	[sflag:s21] =	ssyncadd.s32 $0xFFFFFE00  }
.LBB2_1:
0x4f: {  	s19 =	simm.s32 @p0 $0x0;
	s20 =	rddreg [dreg:$0x6]  }
0x50: {  	[tilespmem:s19], [sflag:$0x5] =	stream.linear.gather @p0 [hbm4b:s20+s19], $0x570, $0x38;
	[tilespmem:$0x1C980] =	vst v63  }
0x51: {  	[dreg:$0x10] =	wrdreg s23;
	s19 =	simm.s32 @p0 $0x5  }
0x52: {  	_ =	swait.ge @p0 [sflag:s19], $0x570  }
0x53: {  	[sflag:s19] =	ssyncset.done @p0 $0x0  }
0x54: {  	v3 =	vimm.s32 @p0 $0x0;
	[sflag:s19] =	ssyncadd.s32 @p0 $0xFFFFFA90  }
0x55: {  	[tilespmem:$0x570] =	vst @p0 v3  }
0x56: {  	[tilespmem:$0x580] =	vst @p0 v3  }
0x57: {  	[tilespmem:$0x590] =	vst @p0 v3  }
0x58: {  	[tilespmem:$0x5A0] =	vst @p0 v3  }
0x59: {  	[tilespmem:$0x5B0] =	vst @p0 v3  }
0x5a: {  	[tilespmem:$0x5C0] =	vst @p0 v3  }
0x5b: {  	[tilespmem:$0x5D0] =	vst @p0 v3  }
0x5c: {  	[tilespmem:$0x5E0] =	vst @p0 v3  }
0x5d: {  	[tilespmem:$0x5F0] =	vst @p0 v3  }
0x5e: {  	[tilespmem:$0x600] =	vst @p0 v3  }
0x5f: {  	s20 =	rddreg [dreg:$0x5];
	s19 =	simm.s32 @!p0 $0x0;
	[tilespmem:$0x610] =	vst @p0 v3  }
0x60: {  	[tilespmem:s19], [sflag:$0x5] =	stream.linear.gather @!p0 [hbm4b:s20+s19], $0x620, $0x38;
	[tilespmem:$0x1C980] =	vst v63  }
0x61: {  	s19 =	simm.s32 @!p0 $0x5  }
0x62: {  	_ =	swait.ge @!p0 [sflag:s19], $0x620  }
0x63: {  	[sflag:s19] =	ssyncset.done @!p0 $0x0  }
0x64: {  	[sflag:s19] =	ssyncadd.s32 @!p0 $0xFFFFF9E0  }
0x65: {  	v3 =	vld [tilespmem:$0x0];
	_ =	sdelay $0x4  }
0x66: {  	v4 =	vshll.u32 v3, $0x1  }
0x67: {  	v3 =	vand.u32 $0x7, v3;
	v4 =	vand.u32 $0xFFFFFFF0, v4  }
0x68: {  	v3 =	vor.u32 v3, v4  }
0x69: {  	v4 =	vperm.xlane v3, v0;
	_ =	sdelay $0x1  }
0x6a: {  	v3 =	vperm.xlane v3, v2;
	v4 =	vadd.s32 v1, v4;
	_ =	sdelay $0x1  }
0x6b: {  	v3 =	vadd.s32 v1, v3;
	_ =	sdelay $0x2  }
0x6c: {  	[tilespmem:s15], [sflag:$0x1] =	stream.indirect_vreg.gather [hbm4b:s1+s3], $0x80, v4, vm0, $0xb8;
	[tilespmem:$0x1C980] =	vst v63  }
0x6d: {  	s20 =	simm.s32 $0xE80  }
0x6e: {  	[tilespmem:s20], [sflag:$0x1] =	stream.indirect_vreg.gather [hbm4b:s1+s3], $0x80, v3, vm0, $0xb8;
	[tilespmem:$0x1C980] =	vst v63  }
0x6f: {  	v3 =	vld [tilespmem:$0x10];
	_ =	sdelay $0x4  }
0x70: {  	v44 =	vshll.u32 v3, $0x1  }
0x71: {  	v3 =	vand.u32 $0x7, v3;
	v4 =	vand.u32 $0xFFFFFFF0, v44  }
0x72: {  	v3 =	vor.u32 v3, v4  }
0x73: {  	v4 =	vperm.xlane v3, v0;
	_ =	sdelay $0x1  }
0x74: {  	v3 =	vperm.xlane v3, v2;
	v4 =	vadd.s32 v1, v4;
	_ =	sdelay $0x1  }
0x75: {  	v3 =	vadd.s32 v1, v3;
	_ =	sdelay $0x1  }
0x76: {  	s21 =	simm.s32 $0x1680  }
0x77: {  	[tilespmem:s21], [sflag:$0x1] =	stream.indirect_vreg.gather [hbm4b:s1+s3], $0x80, v4, vm0, $0xb8;
	[tilespmem:$0x1C980] =	vst v63  }
0x78: {  	s22 =	simm.s32 $0x1E80  }
0x79: {  	[tilespmem:s22], [sflag:$0x1] =	stream.indirect_vreg.gather [hbm4b:s1+s3], $0x80, v3, vm0, $0xb8;
	[tilespmem:$0x1C980] =	vst v63  }
0x7a: {  	v3 =	vld [tilespmem:$0x20];
	_ =	sdelay $0x4  }
0x7b: {  	v45 =	vshll.u32 v3, $0x1  }
0x7c: {  	v3 =	vand.u32 $0x7, v3;
	v4 =	vand.u32 $0xFFFFFFF0, v45  }
0x7d: {  	v3 =	vor.u32 v3, v4  }
0x7e: {  	v4 =	vperm.xlane v3, v0;
	_ =	sdelay $0x1  }
0x7f: {  	v3 =	vperm.xlane v3, v2;
	v4 =	vadd.s32 v1, v4;
	_ =	sdelay $0x1  }
0x80: {  	v3 =	vadd.s32 v1, v3;
	_ =	sdelay $0x1  }
0x81: {  	s23 =	simm.s32 $0x2680  }
0x82: {  	[tilespmem:s23], [sflag:$0x1] =	stream.indirect_vreg.gather [hbm4b:s1+s3], $0x80, v4, vm0, $0xb8;
	[tilespmem:$0x1C980] =	vst v63  }
0x83: {  	s24 =	simm.s32 $0x2E80  }
0x84: {  	[tilespmem:s24], [sflag:$0x1] =	stream.indirect_vreg.gather [hbm4b:s1+s3], $0x80, v3, vm0, $0xb8;
	[tilespmem:$0x1C980] =	vst v63  }
0x85: {  	v3 =	vld [tilespmem:$0x30];
	_ =	sdelay $0x4  }
0x86: {  	v46 =	vshll.u32 v3, $0x1  }
0x87: {  	v3 =	vand.u32 $0x7, v3;
	v4 =	vand.u32 $0xFFFFFFF0, v46  }
0x88: {  	v3 =	vor.u32 v3, v4  }
0x89: {  	v4 =	vperm.xlane v3, v0;
	_ =	sdelay $0x1  }
0x8a: {  	v3 =	vperm.xlane v3, v2;
	v4 =	vadd.s32 v1, v4;
	_ =	sdelay $0x1  }
0x8b: {  	v3 =	vadd.s32 v1, v3;
	_ =	sdelay $0x1  }
0x8c: {  	s25 =	simm.s32 $0x3680  }
0x8d: {  	[tilespmem:s25], [sflag:$0x1] =	stream.indirect_vreg.gather [hbm4b:s1+s3], $0x80, v4, vm0, $0xb8;
	[tilespmem:$0x1C980] =	vst v63  }
0x8e: {  	s20 =	simm.s32 $0x3E80  }
0x8f: {  	[tilespmem:s20], [sflag:$0x1] =	stream.indirect_vreg.gather [hbm4b:s1+s3], $0x80, v3, vm0, $0xb8;
	[tilespmem:$0x1C980] =	vst v63  }
0x90: {  	v3 =	vld [tilespmem:$0x40];
	_ =	sdelay $0x4  }
0x91: {  	v47 =	vshll.u32 v3, $0x1  }
0x92: {  	v3 =	vand.u32 $0x7, v3;
	v4 =	vand.u32 $0xFFFFFFF0, v47  }
0x93: {  	v3 =	vor.u32 v3, v4  }
0x94: {  	v4 =	vperm.xlane v3, v0;
	_ =	sdelay $0x1  }
0x95: {  	v3 =	vperm.xlane v3, v2;
	v4 =	vadd.s32 v1, v4;
	_ =	sdelay $0x1  }
0x96: {  	v3 =	vadd.s32 v1, v3;
	_ =	sdelay $0x1  }
0x97: {  	s21 =	simm.s32 $0x4680  }
0x98: {  	[tilespmem:s21], [sflag:$0x1] =	stream.indirect_vreg.gather [hbm4b:s1+s3], $0x80, v4, vm0, $0xb8;
	[tilespmem:$0x1C980] =	vst v63  }
0x99: {  	s22 =	simm.s32 $0x4E80  }
0x9a: {  	[tilespmem:s22], [sflag:$0x1] =	stream.indirect_vreg.gather [hbm4b:s1+s3], $0x80, v3, vm0, $0xb8;
	[tilespmem:$0x1C980] =	vst v63  }
0x9b: {  	v3 =	vld [tilespmem:$0x50];
	_ =	sdelay $0x4  }
0x9c: {  	v48 =	vshll.u32 v3, $0x1  }
0x9d: {  	v3 =	vand.u32 $0x7, v3;
	v4 =	vand.u32 $0xFFFFFFF0, v48  }
0x9e: {  	v3 =	vor.u32 v3, v4  }
0x9f: {  	v4 =	vperm.xlane v3, v0;
	_ =	sdelay $0x1  }
0xa0: {  	v3 =	vperm.xlane v3, v2;
	v4 =	vadd.s32 v1, v4;
	_ =	sdelay $0x1  }
0xa1: {  	v3 =	vadd.s32 v1, v3;
	_ =	sdelay $0x1  }
0xa2: {  	s23 =	simm.s32 $0x5680  }
0xa3: {  	[tilespmem:s23], [sflag:$0x1] =	stream.indirect_vreg.gather [hbm4b:s1+s3], $0x80, v4, vm0, $0xb8;
	[tilespmem:$0x1C980] =	vst v63  }
0xa4: {  	_ = 	snop  }
0xa5: {  	[tilespmem:s26], [sflag:$0x1] =	stream.indirect_vreg.gather [hbm4b:s1+s3], $0x80, v3, vm0, $0xb8;
	[tilespmem:$0x1C980] =	vst v63  }
0xa6: {  	v3 =	vld [tilespmem:$0x60];
	_ =	sdelay $0x4  }
0xa7: {  	v49 =	vshll.u32 v3, $0x1  }
0xa8: {  	v3 =	vand.u32 $0x7, v3;
	v4 =	vand.u32 $0xFFFFFFF0, v49  }
0xa9: {  	v3 =	vor.u32 v3, v4  }
0xaa: {  	v4 =	vperm.xlane v3, v0;
	_ =	sdelay $0x1  }
0xab: {  	v3 =	vperm.xlane v3, v2;
	v4 =	vadd.s32 v1, v4;
	_ =	sdelay $0x1  }
0xac: {  	v3 =	vadd.s32 v1, v3;
	_ =	sdelay $0x2  }
0xad: {  	[tilespmem:s28], [sflag:$0x1] =	stream.indirect_vreg.gather [hbm4b:s1+s3], $0x80, v4, vm0, $0xb8;
	[tilespmem:$0x1C980] =	vst v63  }
0xae: {  	_ = 	snop  }
0xaf: {  	[tilespmem:s29], [sflag:$0x1] =	stream.indirect_vreg.gather [hbm4b:s1+s3], $0x80, v3, vm0, $0xb8;
	[tilespmem:$0x1C980] =	vst v63  }
0xb0: {  	v3 =	vld [tilespmem:$0x70];
	_ =	sdelay $0x4  }
0xb1: {  	v50 =	vshll.u32 v3, $0x1  }
0xb2: {  	v3 =	vand.u32 $0x7, v3;
	v4 =	vand.u32 $0xFFFFFFF0, v50  }
0xb3: {  	v3 =	vor.u32 v3, v4  }
0xb4: {  	v4 =	vperm.xlane v3, v0;
	_ =	sdelay $0x1  }
0xb5: {  	v3 =	vperm.xlane v3, v2;
	v4 =	vadd.s32 v1, v4;
	_ =	sdelay $0x1  }
0xb6: {  	v3 =	vadd.s32 v1, v3;
	_ =	sdelay $0x2  }
0xb7: {  	[tilespmem:s30], [sflag:$0x2] =	stream.indirect_vreg.gather [hbm4b:s1+s3], $0x80, v4, vm0, $0xb8;
	[tilespmem:$0x1C980] =	vst v63  }
0xb8: {  	_ = 	snop  }
0xb9: {  	[tilespmem:s31], [sflag:$0x2] =	stream.indirect_vreg.gather [hbm4b:s1+s3], $0x80, v3, vm0, $0xb8;
	[tilespmem:$0x1C980] =	vst v63  }
0xba: {  	v3 =	vld [tilespmem:$0x80];
	_ =	sdelay $0x4  }
0xbb: {  	v51 =	vshll.u32 v3, $0x1  }
0xbc: {  	v3 =	vand.u32 $0x7, v3;
	v4 =	vand.u32 $0xFFFFFFF0, v51  }
0xbd: {  	v3 =	vor.u32 v3, v4  }
0xbe: {  	v4 =	vperm.xlane v3, v0;
	_ =	sdelay $0x1  }
0xbf: {  	v3 =	vperm.xlane v3, v2;
	v4 =	vadd.s32 v1, v4;
	_ =	sdelay $0x1  }
0xc0: {  	v3 =	vadd.s32 v1, v3;
	_ =	sdelay $0x2  }
0xc1: {  	[tilespmem:s0], [sflag:$0x2] =	stream.indirect_vreg.gather [hbm4b:s1+s3], $0x80, v4, vm0, $0xb8;
	[tilespmem:$0x1C980] =	vst v63  }
0xc2: {  	_ = 	snop  }
0xc3: {  	[tilespmem:s2], [sflag:$0x2] =	stream.indirect_vreg.gather [hbm4b:s1+s3], $0x80, v3, vm0, $0xb8;
	[tilespmem:$0x1C980] =	vst v63  }
0xc4: {  	v3 =	vld [tilespmem:$0x90];
	_ =	sdelay $0x4  }
0xc5: {  	v52 =	vshll.u32 v3, $0x1  }
0xc6: {  	v3 =	vand.u32 $0x7, v3;
	v4 =	vand.u32 $0xFFFFFFF0, v52  }
0xc7: {  	v3 =	vor.u32 v3, v4  }
0xc8: {  	v4 =	vperm.xlane v3, v0;
	_ =	sdelay $0x1  }
0xc9: {  	v3 =	vperm.xlane v3, v2;
	v4 =	vadd.s32 v1, v4;
	_ =	sdelay $0x1  }
0xca: {  	v3 =	vadd.s32 v1, v3;
	_ =	sdelay $0x2  }
0xcb: {  	[tilespmem:s8], [sflag:$0x2] =	stream.indirect_vreg.gather [hbm4b:s1+s3], $0x80, v4, vm0, $0xb8;
	[tilespmem:$0x1C980] =	vst v63  }
0xcc: {  	_ = 	snop  }
0xcd: {  	[tilespmem:s9], [sflag:$0x2] =	stream.indirect_vreg.gather [hbm4b:s1+s3], $0x80, v3, vm0, $0xb8;
	[tilespmem:$0x1C980] =	vst v63  }
0xce: {  	v3 =	vld [tilespmem:$0xA0];
	_ =	sdelay $0x4  }
0xcf: {  	v53 =	vshll.u32 v3, $0x1  }
0xd0: {  	v3 =	vand.u32 $0x7, v3;
	v4 =	vand.u32 $0xFFFFFFF0, v53  }
0xd1: {  	v3 =	vor.u32 v3, v4  }
0xd2: {  	v4 =	vperm.xlane v3, v0;
	_ =	sdelay $0x1  }
0xd3: {  	v3 =	vperm.xlane v3, v2;
	v4 =	vadd.s32 v1, v4;
	_ =	sdelay $0x1  }
0xd4: {  	v3 =	vadd.s32 v1, v3;
	_ =	sdelay $0x2  }
0xd5: {  	[tilespmem:s10], [sflag:$0x2] =	stream.indirect_vreg.gather [hbm4b:s1+s3], $0x80, v4, vm0, $0xb8;
	[tilespmem:$0x1C980] =	vst v63  }
0xd6: {  	_ = 	snop  }
0xd7: {  	[tilespmem:s11], [sflag:$0x2] =	stream.indirect_vreg.gather [hbm4b:s1+s3], $0x80, v3, vm0, $0xb8;
	[tilespmem:$0x1C980] =	vst v63  }
0xd8: {  	v3 =	vld [tilespmem:$0xB0];
	_ =	sdelay $0x4  }
0xd9: {  	v54 =	vshll.u32 v3, $0x1  }
0xda: {  	v3 =	vand.u32 $0x7, v3;
	v4 =	vand.u32 $0xFFFFFFF0, v54  }
0xdb: {  	v3 =	vor.u32 v3, v4  }
0xdc: {  	v4 =	vperm.xlane v3, v0;
	_ =	sdelay $0x1  }
0xdd: {  	v3 =	vperm.xlane v3, v2;
	v4 =	vadd.s32 v1, v4;
	_ =	sdelay $0x1  }
0xde: {  	v3 =	vadd.s32 v1, v3;
	_ =	sdelay $0x2  }
0xdf: {  	[tilespmem:s12], [sflag:$0x2] =	stream.indirect_vreg.gather [hbm4b:s1+s3], $0x80, v4, vm0, $0xb8;
	[tilespmem:$0x1C980] =	vst v63  }
0xe0: {  	_ = 	snop  }
0xe1: {  	[tilespmem:s4], [sflag:$0x2] =	stream.indirect_vreg.gather [hbm4b:s1+s3], $0x80, v3, vm0, $0xb8;
	[tilespmem:$0x1C980] =	vst v63  }
0xe2: {  	v3 =	vld [tilespmem:$0xC0];
	_ =	sdelay $0x4  }
0xe3: {  	v55 =	vshll.u32 v3, $0x1  }
0xe4: {  	v3 =	vand.u32 $0x7, v3;
	v4 =	vand.u32 $0xFFFFFFF0, v55  }
0xe5: {  	v3 =	vor.u32 v3, v4  }
0xe6: {  	v4 =	vperm.xlane v3, v0;
	_ =	sdelay $0x1  }
0xe7: {  	v3 =	vperm.xlane v3, v2;
	v4 =	vadd.s32 v1, v4;
	_ =	sdelay $0x1  }
0xe8: {  	v3 =	vadd.s32 v1, v3;
	_ =	sdelay $0x2  }
0xe9: {  	[tilespmem:s5], [sflag:$0x2] =	stream.indirect_vreg.gather [hbm4b:s1+s3], $0x80, v4, vm0, $0xb8;
	[tilespmem:$0x1C980] =	vst v63  }
0xea: {  	_ = 	snop  }
0xeb: {  	[tilespmem:s6], [sflag:$0x2] =	stream.indirect_vreg.gather [hbm4b:s1+s3], $0x80, v3, vm0, $0xb8;
	[tilespmem:$0x1C980] =	vst v63  }
0xec: {  	v3 =	vld [tilespmem:$0xD0];
	_ =	sdelay $0x4  }
0xed: {  	v56 =	vshll.u32 v3, $0x1  }
0xee: {  	v3 =	vand.u32 $0x7, v3;
	v4 =	vand.u32 $0xFFFFFFF0, v56  }
0xef: {  	v3 =	vor.u32 v3, v4  }
0xf0: {  	v4 =	vperm.xlane v3, v0;
	_ =	sdelay $0x1  }
0xf1: {  	v3 =	vperm.xlane v3, v2;
	v4 =	vadd.s32 v1, v4;
	_ =	sdelay $0x1  }
0xf2: {  	v3 =	vadd.s32 v1, v3;
	_ =	sdelay $0x2  }
0xf3: {  	[tilespmem:s7], [sflag:$0x2] =	stream.indirect_vreg.gather [hbm4b:s1+s3], $0x80, v4, vm0, $0xb8;
	[tilespmem:$0x1C980] =	vst v63  }
0xf4: {  	_ = 	snop  }
0xf5: {  	[tilespmem:s13], [sflag:$0x2] =	stream.indirect_vreg.gather [hbm4b:s1+s3], $0x80, v3, vm0, $0xb8;
	[tilespmem:$0x1C980] =	vst v63  }
0xf6: {  	v3 =	vld [tilespmem:$0xE0];
	_ =	sdelay $0x4  }
0xf7: {  	v57 =	vshll.u32 v3, $0x1  }
0xf8: {  	v3 =	vand.u32 $0x7, v3;
	v4 =	vand.u32 $0xFFFFFFF0, v57  }
0xf9: {  	v3 =	vor.u32 v3, v4  }
0xfa: {  	v4 =	vperm.xlane v3, v0;
	_ =	sdelay $0x1  }
0xfb: {  	v3 =	vperm.xlane v3, v2;
	v4 =	vadd.s32 v1, v4;
	_ =	sdelay $0x1  }
0xfc: {  	v3 =	vadd.s32 v1, v3;
	_ =	sdelay $0x1  }
0xfd: {  	s24 =	simm.s32 $0xE680  }
0xfe: {  	[tilespmem:s24], [sflag:$0x3] =	stream.indirect_vreg.gather [hbm4b:s1+s3], $0x80, v4, vm0, $0xb8;
	[tilespmem:$0x1C980] =	vst v63  }
0xff: {  	s25 =	simm.s32 $0xEE80  }
0x100: {  	[tilespmem:s25], [sflag:$0x3] =	stream.indirect_vreg.gather [hbm4b:s1+s3], $0x80, v3, vm0, $0xb8;
	[tilespmem:$0x1C980] =	vst v63  }
0x101: {  	v3 =	vld [tilespmem:$0xF0];
	_ =	sdelay $0x4  }
0x102: {  	v58 =	vshll.u32 v3, $0x1  }
0x103: {  	v3 =	vand.u32 $0x7, v3;
	v4 =	vand.u32 $0xFFFFFFF0, v58  }
0x104: {  	v3 =	vor.u32 v3, v4  }
0x105: {  	v4 =	vperm.xlane v3, v0;
	_ =	sdelay $0x1  }
0x106: {  	v3 =	vperm.xlane v3, v2;
	v4 =	vadd.s32 v1, v4;
	_ =	sdelay $0x1  }
0x107: {  	v3 =	vadd.s32 v1, v3;
	_ =	sdelay $0x1  }
0x108: {  	s20 =	simm.s32 $0xF680  }
0x109: {  	[tilespmem:s20], [sflag:$0x3] =	stream.indirect_vreg.gather [hbm4b:s1+s3], $0x80, v4, vm0, $0xb8;
	[tilespmem:$0x1C980] =	vst v63  }
0x10a: {  	s21 =	simm.s32 $0xFE80  }
0x10b: {  	[tilespmem:s21], [sflag:$0x3] =	stream.indirect_vreg.gather [hbm4b:s1+s3], $0x80, v3, vm0, $0xb8;
	[tilespmem:$0x1C980] =	vst v63  }
0x10c: {  	v3 =	vld [tilespmem:$0x100];
	_ =	sdelay $0x4  }
0x10d: {  	v59 =	vshll.u32 v3, $0x1  }
0x10e: {  	v3 =	vand.u32 $0x7, v3;
	v4 =	vand.u32 $0xFFFFFFF0, v59  }
0x10f: {  	v3 =	vor.u32 v3, v4  }
0x110: {  	v4 =	vperm.xlane v3, v0;
	_ =	sdelay $0x1  }
0x111: {  	v3 =	vperm.xlane v3, v2;
	v4 =	vadd.s32 v1, v4;
	_ =	sdelay $0x1  }
0x112: {  	v3 =	vadd.s32 v1, v3;
	_ =	sdelay $0x1  }
0x113: {  	s22 =	simm.s32 $0x10680  }
0x114: {  	[tilespmem:s22], [sflag:$0x3] =	stream.indirect_vreg.gather [hbm4b:s1+s3], $0x80, v4, vm0, $0xb8;
	[tilespmem:$0x1C980] =	vst v63  }
0x115: {  	s23 =	simm.s32 $0x10E80  }
0x116: {  	[tilespmem:s23], [sflag:$0x3] =	stream.indirect_vreg.gather [hbm4b:s1+s3], $0x80, v3, vm0, $0xb8;
	[tilespmem:$0x1C980] =	vst v63  }
0x117: {  	v3 =	vld [tilespmem:$0x110];
	_ =	sdelay $0x4  }
0x118: {  	v60 =	vshll.u32 v3, $0x1  }
0x119: {  	v3 =	vand.u32 $0x7, v3;
	v4 =	vand.u32 $0xFFFFFFF0, v60  }
0x11a: {  	v3 =	vor.u32 v3, v4  }
0x11b: {  	v4 =	vperm.xlane v3, v0;
	_ =	sdelay $0x1  }
0x11c: {  	v3 =	vperm.xlane v3, v2;
	v4 =	vadd.s32 v1, v4;
	_ =	sdelay $0x1  }
0x11d: {  	v3 =	vadd.s32 v1, v3;
	_ =	sdelay $0x1  }
0x11e: {  	s24 =	simm.s32 $0x11680  }
0x11f: {  	[tilespmem:s24], [sflag:$0x3] =	stream.indirect_vreg.gather [hbm4b:s1+s3], $0x80, v4, vm0, $0xb8;
	[tilespmem:$0x1C980] =	vst v63  }
0x120: {  	s25 =	simm.s32 $0x11E80  }
0x121: {  	[tilespmem:s25], [sflag:$0x3] =	stream.indirect_vreg.gather [hbm4b:s1+s3], $0x80, v3, vm0, $0xb8;
	[tilespmem:$0x1C980] =	vst v63  }
0x122: {  	v3 =	vld [tilespmem:$0x120];
	_ =	sdelay $0x4  }
0x123: {  	v61 =	vshll.u32 v3, $0x1  }
0x124: {  	v3 =	vand.u32 $0x7, v3;
	v4 =	vand.u32 $0xFFFFFFF0, v61  }
0x125: {  	v3 =	vor.u32 v3, v4  }
0x126: {  	v4 =	vperm.xlane v3, v0;
	_ =	sdelay $0x1  }
0x127: {  	v3 =	vperm.xlane v3, v2;
	v4 =	vadd.s32 v1, v4;
	_ =	sdelay $0x1  }
0x128: {  	v3 =	vadd.s32 v1, v3;
	_ =	sdelay $0x1  }
0x129: {  	s20 =	simm.s32 $0x12680  }
0x12a: {  	[tilespmem:s20], [sflag:$0x3] =	stream.indirect_vreg.gather [hbm4b:s1+s3], $0x80, v4, vm0, $0xb8;
	[tilespmem:$0x1C980] =	vst v63  }
0x12b: {  	s21 =	simm.s32 $0x12E80  }
0x12c: {  	[tilespmem:s21], [sflag:$0x3] =	stream.indirect_vreg.gather [hbm4b:s1+s3], $0x80, v3, vm0, $0xb8;
	[tilespmem:$0x1C980] =	vst v63  }
0x12d: {  	v3 =	vld [tilespmem:$0x130];
	_ =	sdelay $0x4  }
0x12e: {  	v62 =	vshll.u32 v3, $0x1  }
0x12f: {  	v3 =	vand.u32 $0x7, v3;
	v4 =	vand.u32 $0xFFFFFFF0, v62  }
0x130: {  	v3 =	vor.u32 v3, v4  }
0x131: {  	v4 =	vperm.xlane v3, v0;
	_ =	sdelay $0x1  }
0x132: {  	v3 =	vperm.xlane v3, v2;
	v4 =	vadd.s32 v1, v4;
	_ =	sdelay $0x1  }
0x133: {  	v3 =	vadd.s32 v1, v3;
	_ =	sdelay $0x1  }
0x134: {  	s22 =	simm.s32 $0x13680  }
0x135: {  	[tilespmem:s22], [sflag:$0x3] =	stream.indirect_vreg.gather [hbm4b:s1+s3], $0x80, v4, vm0, $0xb8;
	[tilespmem:$0x1C980] =	vst v63  }
0x136: {  	s23 =	simm.s32 $0x13E80  }
0x137: {  	[tilespmem:s23], [sflag:$0x3] =	stream.indirect_vreg.gather [hbm4b:s1+s3], $0x80, v3, vm0, $0xb8;
	[tilespmem:$0x1C980] =	vst v63  }
0x138: {  	v3 =	vld [tilespmem:$0x140];
	_ =	sdelay $0x4  }
0x139: {  	v63 =	vshll.u32 v3, $0x1  }
0x13a: {  	v3 =	vand.u32 $0x7, v3;
	v4 =	vand.u32 $0xFFFFFFF0, v63  }
0x13b: {  	v3 =	vor.u32 v3, v4  }
0x13c: {  	v4 =	vperm.xlane v3, v0;
	_ =	sdelay $0x1  }
0x13d: {  	v3 =	vperm.xlane v3, v2;
	v4 =	vadd.s32 v1, v4;
	_ =	sdelay $0x1  }
0x13e: {  	v41 =	vimm.f32 $0.0e+00;
	v3 =	vadd.s32 v1, v3  }
0x13f: {  	v42 =	vimm.f32 $0.0e+00;
	v43 =	vimm.f32 $0.0e+00;
	v44 =	vimm.f32 $0.0e+00  }
0x140: {  	v45 =	vimm.f32 $0.0e+00;
	v46 =	vimm.f32 $0.0e+00;
	v47 =	vimm.f32 $0.0e+00;
	s24 =	simm.s32 $0x14680  }
0x141: {  	v48 =	vimm.f32 $0.0e+00;
	v49 =	vimm.f32 $0.0e+00;
	v50 =	vimm.f32 $0.0e+00;
	[tilespmem:s24], [sflag:$0x3] =	stream.indirect_vreg.gather [hbm4b:s1+s3], $0x80, v4, vm0, $0xb8;
	[tilespmem:$0x1C980] =	vst v63  }
0x142: {  	s19 =	simm.s32 $0x0;
	v51 =	vimm.f32 $0.0e+00;
	v52 =	vimm.f32 $0.0e+00;
	v53 =	vimm.f32 $0.0e+00;
	s25 =	simm.s32 $0x14E80  }
0x143: {  	v54 =	vimm.f32 $0.0e+00;
	v55 =	vimm.f32 $0.0e+00;
	v56 =	vimm.f32 $0.0e+00;
	[tilespmem:s25], [sflag:$0x3] =	stream.indirect_vreg.gather [hbm4b:s1+s3], $0x80, v3, vm0, $0xb8;
	[tilespmem:$0x1C980] =	vst v63  }
.LBB2_2:
0x144: {  	[tilespmem:$0x1FF10] =	vst v55  }
0x145: {  	[tilespmem:$0x1FF20] =	vst v54  }
0x146: {  	[tilespmem:$0x1FF30] =	vst v53  }
0x147: {  	[tilespmem:$0x1FF40] =	vst v52  }
0x148: {  	[tilespmem:$0x1FF50] =	vst v51  }
0x149: {  	[tilespmem:$0x1FF60] =	vst v50  }
0x14a: {  	[tilespmem:$0x1FF70] =	vst v49  }
0x14b: {  	[tilespmem:$0x1FF80] =	vst v48  }
0x14c: {  	[tilespmem:$0x1FF90] =	vst v47  }
0x14d: {  	[tilespmem:$0x1FFA0] =	vst v46  }
0x14e: {  	[tilespmem:$0x1FFB0] =	vst v45  }
0x14f: {  	[tilespmem:$0x1FFC0] =	vst v44  }
0x150: {  	[tilespmem:$0x1FFD0] =	vst v43  }
0x151: {  	[tilespmem:$0x1FFE0] =	vst v42  }
0x152: {  	[tilespmem:$0x1FFF0] =	vst v41  }
0x153: {  	s20 =	smul.u32 $0x700, s19;
	_ =	swait.ge [sflag:s14], $0x7000  }
0x154: {  	[sflag:s14] =	ssyncset.done $0x0  }
0x155: {  	s20 =	sshra.s32 s20, $0x2;
	[sflag:s14] =	ssyncadd.s32 $0xFFFF9000  }
0x156: {  	v3 =	vld [tilespmem:s20+$0x150];
	_ =	sdelay $0x4  }
0x157: {  	v4 =	vshll.u32 v3, $0x1  }
0x158: {  	v3 =	vand.u32 $0x7, v3;
	v4 =	vand.u32 $0xFFFFFFF0, v4  }
0x159: {  	v3 =	vor.u32 v3, v4  }
0x15a: {  	v4 =	vperm.xlane v3, v0;
	_ =	sdelay $0x1  }
0x15b: {  	v3 =	vperm.xlane v3, v2;
	v4 =	vadd.s32 v1, v4;
	_ =	sdelay $0x1  }
0x15c: {  	v3 =	vadd.s32 v1, v3;
	_ =	sdelay $0x1  }
0x15d: {  	s21 =	simm.s32 $0x0;
	s22 =	simm.s32 $0x15680  }
0x15e: {  	[tilespmem:s22], [sflag:$0x4] =	stream.indirect_vreg.gather [hbm4b:s1+s21], $0x80, v4, vm0, $0xb8;
	[tilespmem:$0x1C980] =	vst v63  }
0x15f: {  	s24 =	simm.s32 $0x15E80  }
0x160: {  	[tilespmem:s24], [sflag:$0x4] =	stream.indirect_vreg.gather [hbm4b:s1+s21], $0x80, v3, vm0, $0xb8;
	[tilespmem:$0x1C980] =	vst v63  }
0x161: {  	v3 =	vld [tilespmem:s20+$0x160];
	_ =	sdelay $0x4  }
0x162: {  	v4 =	vshll.u32 v3, $0x1  }
0x163: {  	v3 =	vand.u32 $0x7, v3;
	v4 =	vand.u32 $0xFFFFFFF0, v4  }
0x164: {  	v3 =	vor.u32 v3, v4  }
0x165: {  	v4 =	vperm.xlane v3, v0;
	_ =	sdelay $0x1  }
0x166: {  	v3 =	vperm.xlane v3, v2;
	v4 =	vadd.s32 v1, v4;
	_ =	sdelay $0x1  }
0x167: {  	v3 =	vadd.s32 v1, v3;
	_ =	sdelay $0x1  }
0x168: {  	s25 =	simm.s32 $0x16680  }
0x169: {  	[tilespmem:s25], [sflag:$0x4] =	stream.indirect_vreg.gather [hbm4b:s1+s21], $0x80, v4, vm0, $0xb8;
	[tilespmem:$0x1C980] =	vst v63  }
0x16a: {  	s23 =	simm.s32 $0x16E80  }
0x16b: {  	[tilespmem:s23], [sflag:$0x4] =	stream.indirect_vreg.gather [hbm4b:s1+s21], $0x80, v3, vm0, $0xb8;
	[tilespmem:$0x1C980] =	vst v63  }
0x16c: {  	v3 =	vld [tilespmem:s20+$0x170];
	_ =	sdelay $0x4  }
0x16d: {  	v4 =	vshll.u32 v3, $0x1  }
0x16e: {  	v3 =	vand.u32 $0x7, v3;
	v4 =	vand.u32 $0xFFFFFFF0, v4  }
0x16f: {  	v3 =	vor.u32 v3, v4  }
0x170: {  	v4 =	vperm.xlane v3, v0;
	_ =	sdelay $0x1  }
0x171: {  	v3 =	vperm.xlane v3, v2;
	v4 =	vadd.s32 v1, v4;
	_ =	sdelay $0x1  }
0x172: {  	v3 =	vadd.s32 v1, v3;
	_ =	sdelay $0x1  }
0x173: {  	s24 =	simm.s32 $0x17680  }
0x174: {  	[tilespmem:s24], [sflag:$0x4] =	stream.indirect_vreg.gather [hbm4b:s1+s21], $0x80, v4, vm0, $0xb8;
	[tilespmem:$0x1C980] =	vst v63  }
0x175: {  	s25 =	simm.s32 $0x17E80  }
0x176: {  	[tilespmem:s25], [sflag:$0x4] =	stream.indirect_vreg.gather [hbm4b:s1+s21], $0x80, v3, vm0, $0xb8;
	[tilespmem:$0x1C980] =	vst v63  }
0x177: {  	v3 =	vld [tilespmem:s20+$0x180];
	_ =	sdelay $0x4  }
0x178: {  	v4 =	vshll.u32 v3, $0x1  }
0x179: {  	v3 =	vand.u32 $0x7, v3;
	v4 =	vand.u32 $0xFFFFFFF0, v4  }
0x17a: {  	v3 =	vor.u32 v3, v4  }
0x17b: {  	v4 =	vperm.xlane v3, v0;
	_ =	sdelay $0x1  }
0x17c: {  	v3 =	vperm.xlane v3, v2;
	v4 =	vadd.s32 v1, v4;
	_ =	sdelay $0x1  }
0x17d: {  	v3 =	vadd.s32 v1, v3;
	_ =	sdelay $0x1  }
0x17e: {  	s23 =	simm.s32 $0x18680  }
0x17f: {  	[tilespmem:s23], [sflag:$0x4] =	stream.indirect_vreg.gather [hbm4b:s1+s21], $0x80, v4, vm0, $0xb8;
	[tilespmem:$0x1C980] =	vst v63  }
0x180: {  	s24 =	simm.s32 $0x18E80  }
0x181: {  	[tilespmem:s24], [sflag:$0x4] =	stream.indirect_vreg.gather [hbm4b:s1+s21], $0x80, v3, vm0, $0xb8;
	[tilespmem:$0x1C980] =	vst v63  }
0x182: {  	v3 =	vld [tilespmem:s20+$0x190];
	_ =	sdelay $0x4  }
0x183: {  	v4 =	vshll.u32 v3, $0x1  }
0x184: {  	v3 =	vand.u32 $0x7, v3;
	v4 =	vand.u32 $0xFFFFFFF0, v4  }
0x185: {  	v3 =	vor.u32 v3, v4  }
0x186: {  	v4 =	vperm.xlane v3, v0;
	_ =	sdelay $0x1  }
0x187: {  	v3 =	vperm.xlane v3, v2;
	v4 =	vadd.s32 v1, v4;
	_ =	sdelay $0x1  }
0x188: {  	v3 =	vadd.s32 v1, v3;
	_ =	sdelay $0x1  }
0x189: {  	s25 =	simm.s32 $0x19680  }
0x18a: {  	[tilespmem:s25], [sflag:$0x4] =	stream.indirect_vreg.gather [hbm4b:s1+s21], $0x80, v4, vm0, $0xb8;
	[tilespmem:$0x1C980] =	vst v63  }
0x18b: {  	s23 =	simm.s32 $0x19E80  }
0x18c: {  	[tilespmem:s23], [sflag:$0x4] =	stream.indirect_vreg.gather [hbm4b:s1+s21], $0x80, v3, vm0, $0xb8;
	[tilespmem:$0x1C980] =	vst v63  }
0x18d: {  	v3 =	vld [tilespmem:s20+$0x1A0];
	_ =	sdelay $0x4  }
0x18e: {  	v4 =	vshll.u32 v3, $0x1  }
0x18f: {  	v3 =	vand.u32 $0x7, v3;
	v4 =	vand.u32 $0xFFFFFFF0, v4  }
0x190: {  	v3 =	vor.u32 v3, v4  }
0x191: {  	v4 =	vperm.xlane v3, v0;
	_ =	sdelay $0x1  }
0x192: {  	v3 =	vperm.xlane v3, v2;
	v4 =	vadd.s32 v1, v4;
	_ =	sdelay $0x1  }
0x193: {  	v3 =	vadd.s32 v1, v3;
	_ =	sdelay $0x1  }
0x194: {  	s24 =	simm.s32 $0x1A680  }
0x195: {  	[tilespmem:s24], [sflag:$0x4] =	stream.indirect_vreg.gather [hbm4b:s1+s21], $0x80, v4, vm0, $0xb8;
	[tilespmem:$0x1C980] =	vst v63  }
0x196: {  	s25 =	simm.s32 $0x1AE80  }
0x197: {  	[tilespmem:s25], [sflag:$0x4] =	stream.indirect_vreg.gather [hbm4b:s1+s21], $0x80, v3, vm0, $0xb8;
	[tilespmem:$0x1C980] =	vst v63  }
0x198: {  	v3 =	vld [tilespmem:s20+$0x1B0];
	_ =	sdelay $0x4  }
0x199: {  	v4 =	vshll.u32 v3, $0x1  }
0x19a: {  	v3 =	vand.u32 $0x7, v3;
	v4 =	vand.u32 $0xFFFFFFF0, v4  }
0x19b: {  	v3 =	vor.u32 v3, v4  }
0x19c: {  	v4 =	vperm.xlane v3, v0;
	_ =	sdelay $0x1  }
0x19d: {  	v3 =	vperm.xlane v3, v2;
	v4 =	vadd.s32 v1, v4;
	_ =	sdelay $0x1  }
0x19e: {  	v3 =	vadd.s32 v1, v3;
	_ =	sdelay $0x1  }
0x19f: {  	s23 =	simm.s32 $0x1B680  }
0x1a0: {  	[tilespmem:s23], [sflag:$0x4] =	stream.indirect_vreg.gather [hbm4b:s1+s21], $0x80, v4, vm0, $0xb8;
	[tilespmem:$0x1C980] =	vst v63  }
0x1a1: {  	s24 =	simm.s32 $0x1BE80  }
0x1a2: {  	[tilespmem:s24], [sflag:$0x4] =	stream.indirect_vreg.gather [hbm4b:s1+s21], $0x80, v3, vm0, $0xb8;
	[tilespmem:$0x1C980] =	vst v63  }
0x1a3: {  	s25 =	sand.u32 $0x7800, s21;
	s21 =	sand.u32 $0x380, s21  }
0x1a4: {  	s21 =	sor.u32 s21, s25  }
0x1a5: {  	v3 =	vld [tilespmem:s21+$0xAF0]  }
0x1a6: {  	v4 =	vld [tilespmem:s21+$0x680]  }
0x1a7: {  	v5 =	vld [tilespmem:s21+$0x690]  }
0x1a8: {  	v6 =	vld [tilespmem:s21+$0x6A0]  }
0x1a9: {  	v7 =	vld [tilespmem:s21+$0x6B0]  }
0x1aa: {  	v8 =	vld [tilespmem:s21+$0x6C0]  }
0x1ab: {  	v9 =	vld [tilespmem:s21+$0x6D0]  }
0x1ac: {  	v10 =	vld [tilespmem:s21+$0x6E0]  }
0x1ad: {  	v30 =	vimm.f32 $0.0e+00;
	v11 =	vld [tilespmem:s21+$0x6F0]  }
0x1ae: {  	v20 =	vadd.f32 v3, v30;
	v3 =	vld [tilespmem:s21+$0xA80]  }
0x1af: {  	v31 =	vimm.f32 $0.0e+00;
	v38 =	vld [tilespmem:s21+$0xA90];
	v21 =	vadd.f32 v4, v30  }
0x1b0: {  	v32 =	vimm.f32 $0.0e+00;
	v36 =	vld [tilespmem:s21+$0xAA0];
	v22 =	vadd.f32 v5, v30;
	v23 =	vadd.f32 v6, v30  }
0x1b1: {  	v34 =	vimm.f32 $0.0e+00;
	v37 =	vld [tilespmem:s21+$0xAB0];
	v24 =	vadd.f32 v7, v30;
	v25 =	vadd.f32 v8, v30  }
0x1b2: {  	v35 =	vimm.f32 $0.0e+00;
	s22 =	simm.s32 $0x80;
	s23 =	simm.s32 $0x100;
	v39 =	vld [tilespmem:s21+$0xAC0];
	v26 =	vadd.f32 v9, v30;
	v27 =	vadd.f32 v10, v30  }
0x1b3: {  	v33 =	vimm.f32 $0.0e+00;
	s24 =	sand.u32 $0x7800, s23;
	s23 =	simm.s32 $0x200;
	s25 =	sand.u32 $0x380, s22;
	v28 =	vadd.f32 v11, v30;
	v29 =	vadd.f32 v3, v30;
	v3 =	vld [tilespmem:s21+$0xAD0]  }
.LBB2_3:
0x1b4: {  	p2 =	sne.s32 s23, $0x6F00;
	v30 =	vadd.f32 v38, v30;
	v4 =	vld [tilespmem:s21+$0xAE0];
	s21 =	sor.u32 s25, s24  }
0x1b5: {  	v5 =	vld [tilespmem:s21+$0xAF0];
	v31 =	vadd.f32 v36, v31  }
0x1b6: {  	v6 =	vld [tilespmem:s21+$0x680];
	v32 =	vadd.f32 v37, v32  }
0x1b7: {  	v7 =	vld [tilespmem:s21+$0x690];
	v34 =	vadd.f32 v39, v34  }
0x1b8: {  	v8 =	vld [tilespmem:s21+$0x6A0];
	v35 =	vadd.f32 v3, v35  }
0x1b9: {  	v3 =	vld [tilespmem:s21+$0x6B0];
	v33 =	vadd.f32 v4, v33  }
0x1ba: {  	v4 =	vld [tilespmem:s21+$0x6C0];
	v20 =	vadd.f32 v5, v20  }
0x1bb: {  	v21 =	vadd.f32 v6, v21;
	v5 =	vld [tilespmem:s21+$0x6D0]  }
0x1bc: {  	v22 =	vadd.f32 v7, v22;
	v6 =	vld [tilespmem:s21+$0x6E0]  }
0x1bd: {  	v23 =	vadd.f32 v8, v23;
	v7 =	vld [tilespmem:s21+$0x6F0]  }
0x1be: {  	v24 =	vadd.f32 v3, v24;
	v3 =	vld [tilespmem:s21+$0xA80]  }
.Ltmp2:
0x1bf: {  	v25 =	vadd.f32 v4, v25;
	v38 =	vld [tilespmem:s21+$0xA90];
	(pc) =	sbr.rel @p2 .LBB2_3-.Ltmp2, $4  }
0x1c0: {  	v26 =	vadd.f32 v5, v26;
	v36 =	vld [tilespmem:s21+$0xAA0]  }
0x1c1: {  	v27 =	vadd.f32 v6, v27;
	v37 =	vld [tilespmem:s21+$0xAB0]  }
0x1c2: {  	s22 =	sadd.s32 $0x80, s22;
	v28 =	vadd.f32 v7, v28;
	v39 =	vld [tilespmem:s21+$0xAC0]  }
0x1c3: {  	s24 =	sand.u32 $0x7800, s23;
	s23 =	sadd.s32 $0x100, s23;
	s25 =	sand.u32 $0x380, s22;
	v29 =	vadd.f32 v3, v29;
	v3 =	vld [tilespmem:s21+$0xAD0]  }
0x1c4: {  	s22 =	sor.u32 s25, s24;
	v4 =	vld [tilespmem:s21+$0xAE0]  }
0x1c5: {  	v5 =	vld [tilespmem:s22+$0xAF0]  }
0x1c6: {  	v6 =	vld [tilespmem:s22+$0x680]  }
0x1c7: {  	v7 =	vld [tilespmem:s22+$0x690]  }
0x1c8: {  	v8 =	vld [tilespmem:s22+$0x6A0]  }
0x1c9: {  	v9 =	vld [tilespmem:s22+$0x6B0]  }
0x1ca: {  	v10 =	vld [tilespmem:s22+$0x6C0]  }
0x1cb: {  	v11 =	vld [tilespmem:s22+$0x6D0]  }
0x1cc: {  	v40 =	vld [tilespmem:s22+$0x6E0]  }
0x1cd: {  	v41 =	vld [tilespmem:s22+$0x6F0]  }
0x1ce: {  	v42 =	vld [tilespmem:s22+$0xA80]  }
0x1cf: {  	v43 =	vld [tilespmem:s22+$0xA90]  }
0x1d0: {  	v44 =	vld [tilespmem:s22+$0xAA0]  }
0x1d1: {  	v45 =	vld [tilespmem:s22+$0xAB0]  }
0x1d2: {  	v46 =	vld [tilespmem:s22+$0xAC0]  }
0x1d3: {  	[tilespmem:$0x1FEA0] =	vst v56;
	v47 =	vld [tilespmem:s22+$0xAD0]  }
0x1d4: {  	v48 =	vld [tilespmem:s22+$0xAE0];
	_ =	swait.ge [sflag:s17], $0x7000  }
0x1d5: {  	[sflag:s17] =	ssyncset.done $0x0  }
0x1d6: {  	[sflag:s17] =	ssyncadd.s32 $0xFFFF9000  }
0x1d7: {  	v49 =	vld [tilespmem:s20+$0x1C0];
	_ =	sdelay $0x4  }
0x1d8: {  	v50 =	vshll.u32 v49, $0x1  }
0x1d9: {  	v49 =	vand.u32 $0x7, v49;
	v50 =	vand.u32 $0xFFFFFFF0, v50  }
0x1da: {  	v49 =	vor.u32 v49, v50  }
0x1db: {  	v50 =	vperm.xlane v49, v0;
	_ =	sdelay $0x1  }
0x1dc: {  	v49 =	vperm.xlane v49, v2;
	v50 =	vadd.s32 v1, v50;
	_ =	sdelay $0x1  }
0x1dd: {  	v49 =	vadd.s32 v1, v49;
	_ =	sdelay $0x1  }
0x1de: {  	s21 =	simm.s32 $0x0  }
0x1df: {  	[tilespmem:s15], [sflag:$0x1] =	stream.indirect_vreg.gather [hbm4b:s1+s21], $0x80, v50, vm0, $0xb8;
	[tilespmem:$0x1C980] =	vst v63  }
0x1e0: {  	s24 =	simm.s32 $0xE80  }
0x1e1: {  	[tilespmem:s24], [sflag:$0x1] =	stream.indirect_vreg.gather [hbm4b:s1+s21], $0x80, v49, vm0, $0xb8;
	[tilespmem:$0x1C980] =	vst v63  }
0x1e2: {  	v49 =	vld [tilespmem:s20+$0x1D0];
	_ =	sdelay $0x4  }
0x1e3: {  	v15 =	vshll.u32 v49, $0x1  }
0x1e4: {  	v49 =	vand.u32 $0x7, v49;
	v50 =	vand.u32 $0xFFFFFFF0, v15  }
0x1e5: {  	v49 =	vor.u32 v49, v50  }
0x1e6: {  	v50 =	vperm.xlane v49, v0;
	_ =	sdelay $0x1  }
0x1e7: {  	v49 =	vperm.xlane v49, v2;
	v50 =	vadd.s32 v1, v50;
	_ =	sdelay $0x1  }
0x1e8: {  	v49 =	vadd.s32 v1, v49;
	_ =	sdelay $0x1  }
0x1e9: {  	s25 =	simm.s32 $0x1680  }
0x1ea: {  	[tilespmem:s25], [sflag:$0x1] =	stream.indirect_vreg.gather [hbm4b:s1+s21], $0x80, v50, vm0, $0xb8;
	[tilespmem:$0x1C980] =	vst v63  }
0x1eb: {  	s23 =	simm.s32 $0x1E80  }
0x1ec: {  	[tilespmem:s23], [sflag:$0x1] =	stream.indirect_vreg.gather [hbm4b:s1+s21], $0x80, v49, vm0, $0xb8;
	[tilespmem:$0x1C980] =	vst v63  }
0x1ed: {  	v49 =	vld [tilespmem:s20+$0x1E0];
	_ =	sdelay $0x4  }
0x1ee: {  	v16 =	vshll.u32 v49, $0x1  }
0x1ef: {  	v49 =	vand.u32 $0x7, v49;
	v50 =	vand.u32 $0xFFFFFFF0, v16  }
0x1f0: {  	v49 =	vor.u32 v49, v50  }
0x1f1: {  	v50 =	vperm.xlane v49, v0;
	_ =	sdelay $0x1  }
0x1f2: {  	v49 =	vperm.xlane v49, v2;
	v50 =	vadd.s32 v1, v50;
	_ =	sdelay $0x1  }
0x1f3: {  	v49 =	vadd.s32 v1, v49;
	_ =	sdelay $0x1  }
0x1f4: {  	s24 =	simm.s32 $0x2680  }
0x1f5: {  	[tilespmem:s24], [sflag:$0x1] =	stream.indirect_vreg.gather [hbm4b:s1+s21], $0x80, v50, vm0, $0xb8;
	[tilespmem:$0x1C980] =	vst v63  }
0x1f6: {  	s25 =	simm.s32 $0x2E80  }
0x1f7: {  	[tilespmem:s25], [sflag:$0x1] =	stream.indirect_vreg.gather [hbm4b:s1+s21], $0x80, v49, vm0, $0xb8;
	[tilespmem:$0x1C980] =	vst v63  }
0x1f8: {  	v49 =	vld [tilespmem:s20+$0x1F0];
	_ =	sdelay $0x4  }
0x1f9: {  	v17 =	vshll.u32 v49, $0x1  }
0x1fa: {  	v49 =	vand.u32 $0x7, v49;
	v50 =	vand.u32 $0xFFFFFFF0, v17  }
0x1fb: {  	v49 =	vor.u32 v49, v50  }
0x1fc: {  	v50 =	vperm.xlane v49, v0;
	_ =	sdelay $0x1  }
0x1fd: {  	v49 =	vperm.xlane v49, v2;
	v50 =	vadd.s32 v1, v50;
	_ =	sdelay $0x1  }
0x1fe: {  	v49 =	vadd.s32 v1, v49;
	_ =	sdelay $0x1  }
0x1ff: {  	s23 =	simm.s32 $0x3680  }
0x200: {  	[tilespmem:s23], [sflag:$0x1] =	stream.indirect_vreg.gather [hbm4b:s1+s21], $0x80, v50, vm0, $0xb8;
	[tilespmem:$0x1C980] =	vst v63  }
0x201: {  	s24 =	simm.s32 $0x3E80  }
0x202: {  	[tilespmem:s24], [sflag:$0x1] =	stream.indirect_vreg.gather [hbm4b:s1+s21], $0x80, v49, vm0, $0xb8;
	[tilespmem:$0x1C980] =	vst v63  }
0x203: {  	v49 =	vld [tilespmem:s20+$0x200];
	_ =	sdelay $0x4  }
0x204: {  	v18 =	vshll.u32 v49, $0x1  }
0x205: {  	v49 =	vand.u32 $0x7, v49;
	v50 =	vand.u32 $0xFFFFFFF0, v18  }
0x206: {  	v49 =	vor.u32 v49, v50  }
0x207: {  	v50 =	vperm.xlane v49, v0;
	_ =	sdelay $0x1  }
0x208: {  	v49 =	vperm.xlane v49, v2;
	v50 =	vadd.s32 v1, v50;
	_ =	sdelay $0x1  }
0x209: {  	v49 =	vadd.s32 v1, v49;
	_ =	sdelay $0x1  }
0x20a: {  	s25 =	simm.s32 $0x4680  }
0x20b: {  	[tilespmem:s25], [sflag:$0x1] =	stream.indirect_vreg.gather [hbm4b:s1+s21], $0x80, v50, vm0, $0xb8;
	[tilespmem:$0x1C980] =	vst v63  }
0x20c: {  	s23 =	simm.s32 $0x4E80  }
0x20d: {  	[tilespmem:s23], [sflag:$0x1] =	stream.indirect_vreg.gather [hbm4b:s1+s21], $0x80, v49, vm0, $0xb8;
	[tilespmem:$0x1C980] =	vst v63  }
0x20e: {  	v49 =	vld [tilespmem:s20+$0x210];
	_ =	sdelay $0x4  }
0x20f: {  	v19 =	vshll.u32 v49, $0x1  }
0x210: {  	v49 =	vand.u32 $0x7, v49;
	v50 =	vand.u32 $0xFFFFFFF0, v19  }
0x211: {  	v49 =	vor.u32 v49, v50  }
0x212: {  	v50 =	vperm.xlane v49, v0;
	_ =	sdelay $0x1  }
0x213: {  	v49 =	vperm.xlane v49, v2;
	v50 =	vadd.s32 v1, v50;
	_ =	sdelay $0x1  }
0x214: {  	v49 =	vadd.s32 v1, v49;
	_ =	sdelay $0x1  }
0x215: {  	s24 =	simm.s32 $0x5680  }
0x216: {  	[tilespmem:s24], [sflag:$0x1] =	stream.indirect_vreg.gather [hbm4b:s1+s21], $0x80, v50, vm0, $0xb8;
	[tilespmem:$0x1C980] =	vst v63  }
0x217: {  	_ = 	snop  }
0x218: {  	[tilespmem:s26], [sflag:$0x1] =	stream.indirect_vreg.gather [hbm4b:s1+s21], $0x80, v49, vm0, $0xb8;
	[tilespmem:$0x1C980] =	vst v63  }
0x219: {  	v49 =	vld [tilespmem:s20+$0x220];
	_ =	sdelay $0x4  }
0x21a: {  	v52 =	vshll.u32 v49, $0x1  }
0x21b: {  	v49 =	vand.u32 $0x7, v49;
	v50 =	vand.u32 $0xFFFFFFF0, v52  }
0x21c: {  	v49 =	vor.u32 v49, v50  }
0x21d: {  	v50 =	vperm.xlane v49, v0;
	_ =	sdelay $0x1  }
0x21e: {  	v49 =	vperm.xlane v49, v2;
	v50 =	vadd.s32 v1, v50;
	_ =	sdelay $0x1  }
0x21f: {  	v49 =	vadd.s32 v1, v49;
	_ =	sdelay $0x2  }
0x220: {  	[tilespmem:s28], [sflag:$0x1] =	stream.indirect_vreg.gather [hbm4b:s1+s21], $0x80, v50, vm0, $0xb8;
	[tilespmem:$0x1C980] =	vst v63  }
0x221: {  	_ = 	snop  }
0x222: {  	[tilespmem:s29], [sflag:$0x1] =	stream.indirect_vreg.gather [hbm4b:s1+s21], $0x80, v49, vm0, $0xb8;
	[tilespmem:$0x1C980] =	vst v63  }
0x223: {  	s25 =	sand.u32 $0x7800, s21;
	s21 =	sand.u32 $0x380, s21  }
0x224: {  	v38 =	vadd.f32 v38, v30;
	v5 =	vadd.f32 v5, v20;
	s21 =	sor.u32 s21, s25  }
0x225: {  	v31 =	vadd.f32 v36, v31;
	v32 =	vadd.f32 v37, v32;
	v53 =	vld [tilespmem:s21+$0x7AF0]  }
0x226: {  	v34 =	vadd.f32 v39, v34;
	v3 =	vadd.f32 v3, v35;
	[tilespmem:$0x1FEB0] =	vst v5;
	v5 =	vld [tilespmem:s21+$0x7680]  }
0x227: {  	v4 =	vadd.f32 v4, v33;
	v6 =	vadd.f32 v6, v21;
	v55 =	vld [tilespmem:s21+$0x7690]  }
0x228: {  	v54 =	vadd.f32 v7, v22;
	v56 =	vadd.f32 v8, v23;
	v58 =	vld [tilespmem:s21+$0x76A0]  }
0x229: {  	v57 =	vadd.f32 v9, v24;
	v59 =	vadd.f32 v10, v25;
	v60 =	vld [tilespmem:s21+$0x76B0]  }
0x22a: {  	v26 =	vadd.f32 v11, v26;
	v27 =	vadd.f32 v40, v27;
	v61 =	vld [tilespmem:s21+$0x76C0]  }
0x22b: {  	v28 =	vadd.f32 v41, v28;
	v30 =	vadd.f32 v42, v29;
	v62 =	vld [tilespmem:s21+$0x76D0]  }
0x22c: {  	v29 =	vadd.f32 v43, v38;
	v31 =	vadd.f32 v44, v31;
	v63 =	vld [tilespmem:s21+$0x76E0]  }
0x22d: {  	v33 =	vadd.f32 v46, v34;
	v34 =	vadd.f32 v47, v3;
	v3 =	vld [tilespmem:s21+$0x76F0]  }
0x22e: {  	v32 =	vadd.f32 v45, v32;
	v43 =	vimm.f32 $0.0e+00;
	v35 =	vadd.f32 v48, v4;
	v4 =	vld [tilespmem:s21+$0x7A80]  }
0x22f: {  	v51 =	vimm.f32 $0.0e+00;
	[tilespmem:$0x1FED0] =	vst v54;
	v54 =	vld [tilespmem:s21+$0x7A90];
	v36 =	vadd.f32 v53, v43;
	v37 =	vadd.f32 v5, v43  }
0x230: {  	v44 =	vimm.f32 $0.0e+00;
	[tilespmem:$0x1FEC0] =	vst v6;
	v52 =	vld [tilespmem:s21+$0x7AA0];
	v38 =	vadd.f32 v55, v43;
	v39 =	vadd.f32 v58, v43  }
0x231: {  	v47 =	vimm.f32 $0.0e+00;
	[tilespmem:$0x1FEE0] =	vst v56;
	v40 =	vadd.f32 v60, v43;
	v41 =	vadd.f32 v61, v43;
	v53 =	vld [tilespmem:s21+$0x7AB0]  }
0x232: {  	s22 =	simm.s32 $0x80;
	v48 =	vimm.f32 $0.0e+00;
	[tilespmem:$0x1FEF0] =	vst v57;
	s23 =	simm.s32 $0x100;
	v42 =	vadd.f32 v62, v43;
	v45 =	vadd.f32 v63, v43;
	v55 =	vld [tilespmem:s21+$0x7AC0]  }
0x233: {  	[tilespmem:$0x1FF00] =	vst v59;
	s24 =	sand.u32 $0x7800, s23;
	s23 =	simm.s32 $0x200;
	v50 =	vimm.f32 $0.0e+00;
	s25 =	sand.u32 $0x380, s22;
	v46 =	vadd.f32 v3, v43;
	v49 =	vadd.f32 v4, v43;
	v3 =	vld [tilespmem:s21+$0x7AD0]  }
.LBB2_5:
0x234: {  	p2 =	sne.s32 s23, $0x6F00;
	v43 =	vadd.f32 v54, v43;
	v4 =	vld [tilespmem:s21+$0x7AE0];
	s21 =	sor.u32 s25, s24  }
0x235: {  	v5 =	vld [tilespmem:s21+$0x7AF0];
	v44 =	vadd.f32 v52, v44  }
0x236: {  	v6 =	vld [tilespmem:s21+$0x7680];
	v47 =	vadd.f32 v53, v47  }
0x237: {  	v7 =	vld [tilespmem:s21+$0x7690];
	v50 =	vadd.f32 v55, v50  }
0x238: {  	v8 =	vld [tilespmem:s21+$0x76A0];
	v51 =	vadd.f32 v3, v51  }
0x239: {  	v3 =	vld [tilespmem:s21+$0x76B0];
	v48 =	vadd.f32 v4, v48  }
0x23a: {  	v4 =	vld [tilespmem:s21+$0x76C0];
	v36 =	vadd.f32 v5, v36  }
0x23b: {  	v37 =	vadd.f32 v6, v37;
	v5 =	vld [tilespmem:s21+$0x76D0]  }
0x23c: {  	v38 =	vadd.f32 v7, v38;
	v6 =	vld [tilespmem:s21+$0x76E0]  }
0x23d: {  	v39 =	vadd.f32 v8, v39;
	v7 =	vld [tilespmem:s21+$0x76F0]  }
0x23e: {  	v40 =	vadd.f32 v3, v40;
	v3 =	vld [tilespmem:s21+$0x7A80]  }
.Ltmp3:
0x23f: {  	v41 =	vadd.f32 v4, v41;
	v54 =	vld [tilespmem:s21+$0x7A90];
	(pc) =	sbr.rel @p2 .LBB2_5-.Ltmp3, $4  }
0x240: {  	v42 =	vadd.f32 v5, v42;
	v52 =	vld [tilespmem:s21+$0x7AA0]  }
0x241: {  	v45 =	vadd.f32 v6, v45;
	v53 =	vld [tilespmem:s21+$0x7AB0]  }
0x242: {  	s22 =	sadd.s32 $0x80, s22;
	v46 =	vadd.f32 v7, v46;
	v55 =	vld [tilespmem:s21+$0x7AC0]  }
0x243: {  	s24 =	sand.u32 $0x7800, s23;
	s23 =	sadd.s32 $0x100, s23;
	s25 =	sand.u32 $0x380, s22;
	v49 =	vadd.f32 v3, v49;
	v3 =	vld [tilespmem:s21+$0x7AD0]  }
0x244: {  	s22 =	sor.u32 s25, s24;
	v4 =	vld [tilespmem:s21+$0x7AE0]  }
0x245: {  	v5 =	vld [tilespmem:s22+$0x7AF0]  }
0x246: {  	v6 =	vld [tilespmem:s22+$0x7680]  }
0x247: {  	v7 =	vld [tilespmem:s22+$0x7690]  }
0x248: {  	v8 =	vld [tilespmem:s22+$0x76A0]  }
0x249: {  	v9 =	vld [tilespmem:s22+$0x76B0]  }
0x24a: {  	v10 =	vld [tilespmem:s22+$0x76C0]  }
0x24b: {  	v11 =	vld [tilespmem:s22+$0x76D0]  }
0x24c: {  	v56 =	vld [tilespmem:s22+$0x76E0]  }
0x24d: {  	v57 =	vld [tilespmem:s22+$0x76F0]  }
0x24e: {  	v58 =	vld [tilespmem:s22+$0x7A80]  }
0x24f: {  	v59 =	vld [tilespmem:s22+$0x7A90]  }
0x250: {  	v60 =	vld [tilespmem:s22+$0x7AA0]  }
0x251: {  	v61 =	vld [tilespmem:s22+$0x7AB0]  }
0x252: {  	v62 =	vld [tilespmem:s22+$0x7AC0]  }
0x253: {  	v63 =	vld [tilespmem:s22+$0x7AD0]  }
0x254: {  	v12 =	vld [tilespmem:s22+$0x7AE0];
	_ =	swait.ge [sflag:s16], $0x7000  }
0x255: {  	[sflag:s16] =	ssyncset.done $0x0  }
0x256: {  	[sflag:s16] =	ssyncadd.s32 $0xFFFF9000  }
0x257: {  	v13 =	vld [tilespmem:s20+$0x230];
	_ =	sdelay $0x4  }
0x258: {  	v14 =	vshll.u32 v13, $0x1  }
0x259: {  	v13 =	vand.u32 $0x7, v13;
	v14 =	vand.u32 $0xFFFFFFF0, v14  }
0x25a: {  	v13 =	vor.u32 v13, v14  }
0x25b: {  	v14 =	vperm.xlane v13, v0;
	_ =	sdelay $0x1  }
0x25c: {  	v13 =	vperm.xlane v13, v2;
	v14 =	vadd.s32 v1, v14;
	_ =	sdelay $0x1  }
0x25d: {  	v13 =	vadd.s32 v1, v13;
	_ =	sdelay $0x1  }
0x25e: {  	s24 =	simm.s32 $0x0  }
0x25f: {  	[tilespmem:s30], [sflag:$0x2] =	stream.indirect_vreg.gather [hbm4b:s1+s24], $0x80, v14, vm0, $0xb8;
	[tilespmem:$0x1C980] =	vst v63  }
0x260: {  	_ = 	snop  }
0x261: {  	[tilespmem:s31], [sflag:$0x2] =	stream.indirect_vreg.gather [hbm4b:s1+s24], $0x80, v13, vm0, $0xb8;
	[tilespmem:$0x1C980] =	vst v63  }
0x262: {  	v13 =	vld [tilespmem:s20+$0x240];
	_ =	sdelay $0x4  }
0x263: {  	v21 =	vshll.u32 v13, $0x1  }
0x264: {  	v13 =	vand.u32 $0x7, v13;
	v14 =	vand.u32 $0xFFFFFFF0, v21  }
0x265: {  	v13 =	vor.u32 v13, v14  }
0x266: {  	v14 =	vperm.xlane v13, v0;
	_ =	sdelay $0x1  }
0x267: {  	v13 =	vperm.xlane v13, v2;
	v14 =	vadd.s32 v1, v14;
	_ =	sdelay $0x1  }
0x268: {  	v13 =	vadd.s32 v1, v13;
	_ =	sdelay $0x2  }
0x269: {  	[tilespmem:s0], [sflag:$0x2] =	stream.indirect_vreg.gather [hbm4b:s1+s24], $0x80, v14, vm0, $0xb8;
	[tilespmem:$0x1C980] =	vst v63  }
0x26a: {  	_ = 	snop  }
0x26b: {  	[tilespmem:s2], [sflag:$0x2] =	stream.indirect_vreg.gather [hbm4b:s1+s24], $0x80, v13, vm0, $0xb8;
	[tilespmem:$0x1C980] =	vst v63  }
0x26c: {  	v13 =	vld [tilespmem:s20+$0x250];
	_ =	sdelay $0x4  }
0x26d: {  	v22 =	vshll.u32 v13, $0x1  }
0x26e: {  	v13 =	vand.u32 $0x7, v13;
	v14 =	vand.u32 $0xFFFFFFF0, v22  }
0x26f: {  	v13 =	vor.u32 v13, v14  }
0x270: {  	v14 =	vperm.xlane v13, v0;
	_ =	sdelay $0x1  }
0x271: {  	v13 =	vperm.xlane v13, v2;
	v14 =	vadd.s32 v1, v14;
	_ =	sdelay $0x1  }
0x272: {  	v13 =	vadd.s32 v1, v13;
	_ =	sdelay $0x2  }
0x273: {  	[tilespmem:s8], [sflag:$0x2] =	stream.indirect_vreg.gather [hbm4b:s1+s24], $0x80, v14, vm0, $0xb8;
	[tilespmem:$0x1C980] =	vst v63  }
0x274: {  	_ = 	snop  }
0x275: {  	[tilespmem:s9], [sflag:$0x2] =	stream.indirect_vreg.gather [hbm4b:s1+s24], $0x80, v13, vm0, $0xb8;
	[tilespmem:$0x1C980] =	vst v63  }
0x276: {  	v13 =	vld [tilespmem:s20+$0x260];
	_ =	sdelay $0x4  }
0x277: {  	v23 =	vshll.u32 v13, $0x1  }
0x278: {  	v13 =	vand.u32 $0x7, v13;
	v14 =	vand.u32 $0xFFFFFFF0, v23  }
0x279: {  	v13 =	vor.u32 v13, v14  }
0x27a: {  	v14 =	vperm.xlane v13, v0;
	_ =	sdelay $0x1  }
0x27b: {  	v13 =	vperm.xlane v13, v2;
	v14 =	vadd.s32 v1, v14;
	_ =	sdelay $0x1  }
0x27c: {  	v13 =	vadd.s32 v1, v13;
	_ =	sdelay $0x2  }
0x27d: {  	[tilespmem:s10], [sflag:$0x2] =	stream.indirect_vreg.gather [hbm4b:s1+s24], $0x80, v14, vm0, $0xb8;
	[tilespmem:$0x1C980] =	vst v63  }
0x27e: {  	_ = 	snop  }
0x27f: {  	[tilespmem:s11], [sflag:$0x2] =	stream.indirect_vreg.gather [hbm4b:s1+s24], $0x80, v13, vm0, $0xb8;
	[tilespmem:$0x1C980] =	vst v63  }
0x280: {  	v13 =	vld [tilespmem:s20+$0x270];
	_ =	sdelay $0x4  }
0x281: {  	v16 =	vshll.u32 v13, $0x1  }
0x282: {  	v13 =	vand.u32 $0x7, v13;
	v14 =	vand.u32 $0xFFFFFFF0, v16  }
0x283: {  	v13 =	vor.u32 v13, v14  }
0x284: {  	v14 =	vperm.xlane v13, v0;
	_ =	sdelay $0x1  }
0x285: {  	v13 =	vperm.xlane v13, v2;
	v14 =	vadd.s32 v1, v14;
	_ =	sdelay $0x1  }
0x286: {  	v13 =	vadd.s32 v1, v13;
	_ =	sdelay $0x2  }
0x287: {  	[tilespmem:s12], [sflag:$0x2] =	stream.indirect_vreg.gather [hbm4b:s1+s24], $0x80, v14, vm0, $0xb8;
	[tilespmem:$0x1C980] =	vst v63  }
0x288: {  	_ = 	snop  }
0x289: {  	[tilespmem:s4], [sflag:$0x2] =	stream.indirect_vreg.gather [hbm4b:s1+s24], $0x80, v13, vm0, $0xb8;
	[tilespmem:$0x1C980] =	vst v63  }
0x28a: {  	v13 =	vld [tilespmem:s20+$0x280];
	_ =	sdelay $0x4  }
0x28b: {  	v17 =	vshll.u32 v13, $0x1  }
0x28c: {  	v13 =	vand.u32 $0x7, v13;
	v14 =	vand.u32 $0xFFFFFFF0, v17  }
0x28d: {  	v13 =	vor.u32 v13, v14  }
0x28e: {  	v14 =	vperm.xlane v13, v0;
	_ =	sdelay $0x1  }
0x28f: {  	v13 =	vperm.xlane v13, v2;
	v14 =	vadd.s32 v1, v14;
	_ =	sdelay $0x1  }
0x290: {  	v13 =	vadd.s32 v1, v13;
	_ =	sdelay $0x2  }
0x291: {  	[tilespmem:s5], [sflag:$0x2] =	stream.indirect_vreg.gather [hbm4b:s1+s24], $0x80, v14, vm0, $0xb8;
	[tilespmem:$0x1C980] =	vst v63  }
0x292: {  	_ = 	snop  }
0x293: {  	[tilespmem:s6], [sflag:$0x2] =	stream.indirect_vreg.gather [hbm4b:s1+s24], $0x80, v13, vm0, $0xb8;
	[tilespmem:$0x1C980] =	vst v63  }
0x294: {  	v13 =	vld [tilespmem:s20+$0x290];
	_ =	sdelay $0x4  }
0x295: {  	v18 =	vshll.u32 v13, $0x1  }
0x296: {  	v13 =	vand.u32 $0x7, v13;
	v14 =	vand.u32 $0xFFFFFFF0, v18  }
0x297: {  	v13 =	vor.u32 v13, v14  }
0x298: {  	v14 =	vperm.xlane v13, v0;
	_ =	sdelay $0x1  }
0x299: {  	v13 =	vperm.xlane v13, v2;
	v14 =	vadd.s32 v1, v14;
	_ =	sdelay $0x1  }
0x29a: {  	v13 =	vadd.s32 v1, v13;
	_ =	sdelay $0x1  }
0x29b: {  	s25 =	sand.u32 $0x7800, s24;
	s21 =	sand.u32 $0x380, s24  }
0x29c: {  	[tilespmem:s7], [sflag:$0x2] =	stream.indirect_vreg.gather [hbm4b:s1+s24], $0x80, v14, vm0, $0xb8;
	[tilespmem:$0x1C980] =	vst v63  }
0x29d: {  	s21 =	sor.u32 s21, s25  }
0x29e: {  	v19 =	vadd.f32 v54, v43;
	v20 =	vadd.f32 v52, v44;
	[tilespmem:s13], [sflag:$0x2] =	stream.indirect_vreg.gather [hbm4b:s1+s24], $0x80, v13, vm0, $0xb8;
	[tilespmem:$0x1C980] =	vst v63  }
0x29f: {  	v50 =	vadd.f32 v55, v50;
	v3 =	vadd.f32 v3, v51;
	v22 =	vld [tilespmem:s21+$0xEAF0]  }
0x2a0: {  	v4 =	vadd.f32 v4, v48;
	v36 =	vadd.f32 v5, v36;
	v5 =	vld [tilespmem:s21+$0xE680]  }
0x2a1: {  	v37 =	vadd.f32 v6, v37;
	v38 =	vadd.f32 v7, v38;
	v6 =	vld [tilespmem:s21+$0xE690]  }
0x2a2: {  	v39 =	vadd.f32 v8, v39;
	v40 =	vadd.f32 v9, v40;
	v7 =	vld [tilespmem:s21+$0xE6A0]  }
0x2a3: {  	v43 =	vadd.f32 v10, v41;
	v44 =	vadd.f32 v11, v42;
	v9 =	vld [tilespmem:s21+$0xE6B0]  }
0x2a4: {  	v48 =	vadd.f32 v57, v46;
	v21 =	vadd.f32 v53, v47;
	v11 =	vld [tilespmem:s21+$0xE6C0]  }
0x2a5: {  	v51 =	vadd.f32 v58, v49;
	v49 =	vadd.f32 v60, v20;
	v23 =	vld [tilespmem:s21+$0xE6D0]  }
0x2a6: {  	v46 =	vadd.f32 v62, v50;
	v41 =	vadd.f32 v61, v21;
	v61 =	vld [tilespmem:s21+$0xE6E0]  }
0x2a7: {  	v42 =	vadd.f32 v63, v3;
	v50 =	vadd.f32 v12, v4;
	v62 =	vld [tilespmem:s21+$0xE6F0]  }
0x2a8: {  	v52 =	vimm.f32 $0.0e+00;
	v47 =	vadd.f32 v56, v45;
	v45 =	vadd.f32 v59, v19;
	v63 =	vld [tilespmem:s21+$0xEA80]  }
0x2a9: {  	v8 =	vadd.f32 v22, v52;
	v56 =	vadd.f32 v5, v52  }
0x2aa: {  	v10 =	vadd.f32 v6, v52;
	v53 =	vadd.f32 v7, v52;
	v7 =	vld [tilespmem:s21+$0xEA90]  }
0x2ab: {  	v4 =	vld [tilespmem:s21+$0xEAA0];
	v3 =	vadd.f32 v9, v52;
	v54 =	vadd.f32 v11, v52  }
0x2ac: {  	v60 =	vimm.f32 $0.0e+00;
	v9 =	vadd.f32 v23, v52;
	v55 =	vadd.f32 v61, v52;
	v5 =	vld [tilespmem:s21+$0xEAB0]  }
0x2ad: {  	s23 =	simm.s32 $0x100;
	s22 =	simm.s32 $0x80;
	v59 =	vimm.f32 $0.0e+00;
	v57 =	vadd.f32 v62, v52;
	v6 =	vld [tilespmem:s21+$0xEAC0];
	v58 =	vadd.f32 v63, v52  }
0x2ae: {  	s25 =	sand.u32 $0x380, s22;
	s24 =	sand.u32 $0x7800, s23;
	s23 =	simm.s32 $0x200;
	v11 =	vld [tilespmem:s21+$0xEAD0];
	v63 =	vimm.f32 $0.0e+00;
	v61 =	vimm.f32 $0.0e+00;
	v62 =	vimm.f32 $0.0e+00  }
.LBB2_7:
0x2af: {  	p2 =	sne.s32 s23, $0x6F00;
	v52 =	vadd.f32 v7, v52;
	v7 =	vld [tilespmem:s21+$0xEAE0];
	s21 =	sor.u32 s25, s24  }
0x2b0: {  	v12 =	vld [tilespmem:s21+$0xEAF0];
	v60 =	vadd.f32 v4, v60  }
0x2b1: {  	v4 =	vld [tilespmem:s21+$0xE680];
	v59 =	vadd.f32 v5, v59  }
0x2b2: {  	v5 =	vld [tilespmem:s21+$0xE690];
	v63 =	vadd.f32 v6, v63  }
0x2b3: {  	v6 =	vld [tilespmem:s21+$0xE6A0];
	v61 =	vadd.f32 v11, v61  }
0x2b4: {  	v11 =	vld [tilespmem:s21+$0xE6B0];
	v62 =	vadd.f32 v7, v62  }
0x2b5: {  	v7 =	vld [tilespmem:s21+$0xE6C0];
	v8 =	vadd.f32 v12, v8  }
0x2b6: {  	v56 =	vadd.f32 v4, v56;
	v4 =	vld [tilespmem:s21+$0xE6D0]  }
0x2b7: {  	v10 =	vadd.f32 v5, v10;
	v5 =	vld [tilespmem:s21+$0xE6E0]  }
0x2b8: {  	v53 =	vadd.f32 v6, v53;
	v6 =	vld [tilespmem:s21+$0xE6F0]  }
0x2b9: {  	v3 =	vadd.f32 v11, v3;
	v11 =	vld [tilespmem:s21+$0xEA80]  }
.Ltmp4:
0x2ba: {  	v54 =	vadd.f32 v7, v54;
	v7 =	vld [tilespmem:s21+$0xEA90];
	(pc) =	sbr.rel @p2 .LBB2_7-.Ltmp4, $4  }
0x2bb: {  	v9 =	vadd.f32 v4, v9;
	v4 =	vld [tilespmem:s21+$0xEAA0]  }
0x2bc: {  	v55 =	vadd.f32 v5, v55;
	v5 =	vld [tilespmem:s21+$0xEAB0]  }
0x2bd: {  	s22 =	sadd.s32 $0x80, s22;
	v57 =	vadd.f32 v6, v57;
	v6 =	vld [tilespmem:s21+$0xEAC0]  }
0x2be: {  	s24 =	sand.u32 $0x7800, s23;
	s23 =	sadd.s32 $0x100, s23;
	s25 =	sand.u32 $0x380, s22;
	v58 =	vadd.f32 v11, v58;
	v11 =	vld [tilespmem:s21+$0xEAD0]  }
0x2bf: {  	s22 =	sor.u32 s25, s24;
	v12 =	vld [tilespmem:s21+$0xEAE0]  }
0x2c0: {  	v13 =	vld [tilespmem:s22+$0xEAF0]  }
0x2c1: {  	v14 =	vld [tilespmem:s22+$0xE680]  }
0x2c2: {  	v15 =	vld [tilespmem:s22+$0xE690]  }
0x2c3: {  	v16 =	vld [tilespmem:s22+$0xE6A0]  }
0x2c4: {  	v17 =	vld [tilespmem:s22+$0xE6B0]  }
0x2c5: {  	v18 =	vld [tilespmem:s22+$0xE6C0]  }
0x2c6: {  	v19 =	vld [tilespmem:s22+$0xE6D0]  }
0x2c7: {  	v20 =	vld [tilespmem:s22+$0xE6E0]  }
0x2c8: {  	v21 =	vld [tilespmem:s22+$0xE6F0]  }
0x2c9: {  	v22 =	vld [tilespmem:s22+$0xEA80]  }
0x2ca: {  	v7 =	vadd.f32 v7, v52;
	v4 =	vadd.f32 v4, v60;
	v23 =	vld [tilespmem:s22+$0xEA90]  }
0x2cb: {  	v24 =	vld [tilespmem:s22+$0xEAA0];
	v5 =	vadd.f32 v5, v59;
	v6 =	vadd.f32 v6, v63  }
0x2cc: {  	v25 =	vld [tilespmem:s22+$0xEAB0];
	v11 =	vadd.f32 v11, v61;
	v12 =	vadd.f32 v12, v62  }
0x2cd: {  	v52 =	vadd.f32 v13, v8;
	v61 =	vadd.f32 v14, v56;
	v13 =	vld [tilespmem:s22+$0xEAC0]  }
0x2ce: {  	v62 =	vadd.f32 v15, v10;
	v63 =	vadd.f32 v16, v53;
	v14 =	vld [tilespmem:s22+$0xEAD0]  }
0x2cf: {  	p2 =	seq.s32 s19, $0x2;
	v3 =	vadd.f32 v17, v3;
	v8 =	vadd.f32 v18, v54;
	v18 =	vld [tilespmem:s22+$0xEAE0]  }
.Ltmp5:
0x2d0: {  	v9 =	vadd.f32 v19, v9;
	v10 =	vadd.f32 v20, v55;
	(pc) =	sbr.rel @p2 .LBB2_10-.Ltmp5, $4  }
0x2d1: {  	v59 =	vadd.f32 v21, v57;
	v60 =	vadd.f32 v22, v58  }
0x2d2: {  	v53 =	vadd.f32 v23, v7;
	v54 =	vadd.f32 v24, v4;
	_ =	swait.ge [sflag:s18], $0x7000  }
0x2d3: {  	v55 =	vadd.f32 v25, v5;
	[sflag:s18] =	ssyncset.done $0x0;
	v56 =	vadd.f32 v13, v6  }
0x2d4: {  	[sflag:s18] =	ssyncadd.s32 $0xFFFF9000;
	v57 =	vadd.f32 v14, v11;
	v58 =	vadd.f32 v18, v12  }
0x2d5: {  	v4 =	vld [tilespmem:s20+$0x2A0];
	_ =	sdelay $0x4  }
0x2d6: {  	v5 =	vshll.u32 v4, $0x1  }
0x2d7: {  	v4 =	vand.u32 $0x7, v4;
	v5 =	vand.u32 $0xFFFFFFF0, v5  }
0x2d8: {  	v4 =	vor.u32 v4, v5  }
0x2d9: {  	v5 =	vperm.xlane v4, v0;
	_ =	sdelay $0x1  }
0x2da: {  	v4 =	vperm.xlane v4, v2;
	v5 =	vadd.s32 v1, v5;
	_ =	sdelay $0x1  }
0x2db: {  	v4 =	vadd.s32 v1, v4;
	_ =	sdelay $0x1  }
0x2dc: {  	s21 =	simm.s32 $0xE680  }
0x2dd: {  	[tilespmem:s21], [sflag:$0x3] =	stream.indirect_vreg.gather [hbm4b:s1+s3], $0x80, v5, vm0, $0xb8;
	[tilespmem:$0x1C980] =	vst v63  }
0x2de: {  	s25 =	simm.s32 $0xEE80  }
0x2df: {  	[tilespmem:s25], [sflag:$0x3] =	stream.indirect_vreg.gather [hbm4b:s1+s3], $0x80, v4, vm0, $0xb8;
	[tilespmem:$0x1C980] =	vst v63  }
0x2e0: {  	v4 =	vld [tilespmem:s20+$0x2B0];
	_ =	sdelay $0x4  }
0x2e1: {  	v5 =	vshll.u32 v4, $0x1  }
0x2e2: {  	v4 =	vand.u32 $0x7, v4;
	v5 =	vand.u32 $0xFFFFFFF0, v5  }
0x2e3: {  	v4 =	vor.u32 v4, v5  }
0x2e4: {  	v5 =	vperm.xlane v4, v0;
	_ =	sdelay $0x1  }
0x2e5: {  	v4 =	vperm.xlane v4, v2;
	v5 =	vadd.s32 v1, v5;
	_ =	sdelay $0x1  }
0x2e6: {  	v4 =	vadd.s32 v1, v4;
	_ =	sdelay $0x1  }
0x2e7: {  	s22 =	simm.s32 $0xF680  }
0x2e8: {  	[tilespmem:s22], [sflag:$0x3] =	stream.indirect_vreg.gather [hbm4b:s1+s3], $0x80, v5, vm0, $0xb8;
	[tilespmem:$0x1C980] =	vst v63  }
0x2e9: {  	s23 =	simm.s32 $0xFE80  }
0x2ea: {  	[tilespmem:s23], [sflag:$0x3] =	stream.indirect_vreg.gather [hbm4b:s1+s3], $0x80, v4, vm0, $0xb8;
	[tilespmem:$0x1C980] =	vst v63  }
0x2eb: {  	v4 =	vld [tilespmem:s20+$0x2C0];
	_ =	sdelay $0x4  }
0x2ec: {  	v5 =	vshll.u32 v4, $0x1  }
0x2ed: {  	v4 =	vand.u32 $0x7, v4;
	v5 =	vand.u32 $0xFFFFFFF0, v5  }
0x2ee: {  	v4 =	vor.u32 v4, v5  }
0x2ef: {  	v5 =	vperm.xlane v4, v0;
	_ =	sdelay $0x1  }
0x2f0: {  	v4 =	vperm.xlane v4, v2;
	v5 =	vadd.s32 v1, v5;
	_ =	sdelay $0x1  }
0x2f1: {  	v4 =	vadd.s32 v1, v4;
	_ =	sdelay $0x1  }
0x2f2: {  	s24 =	simm.s32 $0x10680  }
0x2f3: {  	[tilespmem:s24], [sflag:$0x3] =	stream.indirect_vreg.gather [hbm4b:s1+s3], $0x80, v5, vm0, $0xb8;
	[tilespmem:$0x1C980] =	vst v63  }
0x2f4: {  	s25 =	simm.s32 $0x10E80  }
0x2f5: {  	[tilespmem:s25], [sflag:$0x3] =	stream.indirect_vreg.gather [hbm4b:s1+s3], $0x80, v4, vm0, $0xb8;
	[tilespmem:$0x1C980] =	vst v63  }
0x2f6: {  	v4 =	vld [tilespmem:s20+$0x2D0];
	_ =	sdelay $0x4  }
0x2f7: {  	v5 =	vshll.u32 v4, $0x1  }
0x2f8: {  	v4 =	vand.u32 $0x7, v4;
	v5 =	vand.u32 $0xFFFFFFF0, v5  }
0x2f9: {  	v4 =	vor.u32 v4, v5  }
0x2fa: {  	v5 =	vperm.xlane v4, v0;
	_ =	sdelay $0x1  }
0x2fb: {  	v4 =	vperm.xlane v4, v2;
	v5 =	vadd.s32 v1, v5;
	_ =	sdelay $0x1  }
0x2fc: {  	v4 =	vadd.s32 v1, v4;
	_ =	sdelay $0x1  }
0x2fd: {  	s22 =	simm.s32 $0x11680  }
0x2fe: {  	[tilespmem:s22], [sflag:$0x3] =	stream.indirect_vreg.gather [hbm4b:s1+s3], $0x80, v5, vm0, $0xb8;
	[tilespmem:$0x1C980] =	vst v63  }
0x2ff: {  	s23 =	simm.s32 $0x11E80  }
0x300: {  	[tilespmem:s23], [sflag:$0x3] =	stream.indirect_vreg.gather [hbm4b:s1+s3], $0x80, v4, vm0, $0xb8;
	[tilespmem:$0x1C980] =	vst v63  }
0x301: {  	v4 =	vld [tilespmem:s20+$0x2E0];
	_ =	sdelay $0x4  }
0x302: {  	v5 =	vshll.u32 v4, $0x1  }
0x303: {  	v4 =	vand.u32 $0x7, v4;
	v5 =	vand.u32 $0xFFFFFFF0, v5  }
0x304: {  	v4 =	vor.u32 v4, v5  }
0x305: {  	v5 =	vperm.xlane v4, v0;
	_ =	sdelay $0x1  }
0x306: {  	v4 =	vperm.xlane v4, v2;
	v5 =	vadd.s32 v1, v5;
	_ =	sdelay $0x1  }
0x307: {  	v4 =	vadd.s32 v1, v4;
	_ =	sdelay $0x1  }
0x308: {  	s24 =	simm.s32 $0x12680  }
0x309: {  	[tilespmem:s24], [sflag:$0x3] =	stream.indirect_vreg.gather [hbm4b:s1+s3], $0x80, v5, vm0, $0xb8;
	[tilespmem:$0x1C980] =	vst v63  }
0x30a: {  	s25 =	simm.s32 $0x12E80  }
0x30b: {  	[tilespmem:s25], [sflag:$0x3] =	stream.indirect_vreg.gather [hbm4b:s1+s3], $0x80, v4, vm0, $0xb8;
	[tilespmem:$0x1C980] =	vst v63  }
0x30c: {  	v4 =	vld [tilespmem:s20+$0x2F0];
	_ =	sdelay $0x4  }
0x30d: {  	v5 =	vshll.u32 v4, $0x1  }
0x30e: {  	v4 =	vand.u32 $0x7, v4;
	v5 =	vand.u32 $0xFFFFFFF0, v5  }
0x30f: {  	v4 =	vor.u32 v4, v5  }
0x310: {  	v5 =	vperm.xlane v4, v0;
	_ =	sdelay $0x1  }
0x311: {  	v4 =	vperm.xlane v4, v2;
	v5 =	vadd.s32 v1, v5;
	_ =	sdelay $0x1  }
0x312: {  	v4 =	vadd.s32 v1, v4;
	_ =	sdelay $0x1  }
0x313: {  	s22 =	simm.s32 $0x13680  }
0x314: {  	[tilespmem:s22], [sflag:$0x3] =	stream.indirect_vreg.gather [hbm4b:s1+s3], $0x80, v5, vm0, $0xb8;
	[tilespmem:$0x1C980] =	vst v63  }
0x315: {  	s23 =	simm.s32 $0x13E80  }
0x316: {  	[tilespmem:s23], [sflag:$0x3] =	stream.indirect_vreg.gather [hbm4b:s1+s3], $0x80, v4, vm0, $0xb8;
	[tilespmem:$0x1C980] =	vst v63  }
0x317: {  	v4 =	vld [tilespmem:s20+$0x300];
	_ =	sdelay $0x4  }
0x318: {  	v5 =	vshll.u32 v4, $0x1  }
0x319: {  	v4 =	vand.u32 $0x7, v4;
	v5 =	vand.u32 $0xFFFFFFF0, v5  }
0x31a: {  	v4 =	vor.u32 v4, v5  }
0x31b: {  	v5 =	vperm.xlane v4, v0;
	_ =	sdelay $0x1  }
0x31c: {  	v4 =	vperm.xlane v4, v2;
	v5 =	vadd.s32 v1, v5;
	_ =	sdelay $0x1  }
0x31d: {  	v4 =	vadd.s32 v1, v4;
	_ =	sdelay $0x1  }
0x31e: {  	s24 =	simm.s32 $0x14680  }
0x31f: {  	[tilespmem:s24], [sflag:$0x3] =	stream.indirect_vreg.gather [hbm4b:s1+s3], $0x80, v5, vm0, $0xb8;
	[tilespmem:$0x1C980] =	vst v63  }
0x320: {  	s25 =	simm.s32 $0x14E80  }
0x321: {  	[tilespmem:s25], [sflag:$0x3] =	stream.indirect_vreg.gather [hbm4b:s1+s3], $0x80, v4, vm0, $0xb8;
	[tilespmem:$0x1C980] =	vst v63  }
.LBB2_10:
0x322: {  	v4 =	vld [tilespmem:$0x1FEA0]  }
0x323: {  	v5 =	vld [tilespmem:$0x1FEC0]  }
0x324: {  	v6 =	vld [tilespmem:$0x1FED0]  }
0x325: {  	v7 =	vld [tilespmem:$0x1FEE0]  }
0x326: {  	v13 =	vld [tilespmem:$0x1FF60]  }
0x327: {  	v14 =	vld [tilespmem:$0x1FF70]  }
0x328: {  	v15 =	vld [tilespmem:$0x1FF80]  }
0x329: {  	v16 =	vld [tilespmem:$0x1FF90]  }
0x32a: {  	v4 =	vadd.f32 v5, v4;
	v5 =	vld [tilespmem:$0x1FF10]  }
0x32b: {  	v17 =	vld [tilespmem:$0x1FFA0]  }
0x32c: {  	v18 =	vld [tilespmem:$0x1FFB0]  }
0x32d: {  	v19 =	vld [tilespmem:$0x1FFC0]  }
0x32e: {  	v20 =	vld [tilespmem:$0x1FFD0]  }
0x32f: {  	v5 =	vadd.f32 v6, v5;
	v6 =	vld [tilespmem:$0x1FF20]  }
0x330: {  	v21 =	vld [tilespmem:$0x1FFE0]  }
0x331: {  	v22 =	vld [tilespmem:$0x1FFF0]  }
0x332: {  	v23 =	vld [tilespmem:$0x1FEB0];
	v13 =	vadd.f32 v27, v13;
	v14 =	vadd.f32 v28, v14  }
0x333: {  	v11 =	vld [tilespmem:$0x1FEF0];
	v15 =	vadd.f32 v30, v15;
	v16 =	vadd.f32 v29, v16  }
0x334: {  	v17 =	vadd.f32 v31, v17;
	v6 =	vadd.f32 v7, v6;
	v7 =	vld [tilespmem:$0x1FF30]  }
0x335: {  	v18 =	vadd.f32 v32, v18;
	v19 =	vadd.f32 v33, v19  }
0x336: {  	v20 =	vadd.f32 v34, v20;
	v21 =	vadd.f32 v35, v21  }
0x337: {  	v22 =	vadd.f32 v23, v22;
	v4 =	vadd.f32 v37, v4  }
0x338: {  	v12 =	vld [tilespmem:$0x1FF00];
	v13 =	vadd.f32 v47, v13;
	v14 =	vadd.f32 v48, v14  }
0x339: {  	s20 =	simm.s32 $0x0;
	v15 =	vadd.f32 v51, v15;
	v7 =	vadd.f32 v11, v7;
	v11 =	vld [tilespmem:$0x1FF40]  }
0x33a: {  	s21 =	sand.u32 $0x7800, s20;
	s20 =	sand.u32 $0x380, s20;
	v16 =	vadd.f32 v45, v16;
	v17 =	vadd.f32 v49, v17  }
0x33b: {  	s21 =	sor.u32 s20, s21;
	v18 =	vadd.f32 v41, v18;
	v19 =	vadd.f32 v46, v19  }
0x33c: {  	v28 =	vld [tilespmem:s21+$0x15680];
	v24 =	vadd.f32 v42, v20;
	v27 =	vadd.f32 v50, v21  }
0x33d: {  	v30 =	vadd.f32 v36, v22;
	v4 =	vadd.f32 v61, v4  }
0x33e: {  	s20 =	sadd.s32 $0x15680, s21;
	v10 =	vadd.f32 v10, v13;
	v11 =	vadd.f32 v12, v11;
	v12 =	vld [tilespmem:$0x1FF50]  }
0x33f: {  	v31 =	vld [tilespmem:s20+$0x470];
	v20 =	vadd.f32 v60, v15;
	v21 =	vadd.f32 v53, v16  }
0x340: {  	v29 =	vimm.f32 $0.0e+00;
	v22 =	vadd.f32 v54, v17;
	v5 =	vadd.f32 v38, v5  }
0x341: {  	v25 =	vadd.f32 v55, v18;
	v13 =	vadd.f32 v28, v29;
	v28 =	vld [tilespmem:s20+$0x400]  }
0x342: {  	v61 =	vld [tilespmem:s20+$0x10];
	v23 =	vadd.f32 v56, v19;
	v5 =	vadd.f32 v62, v5  }
0x343: {  	v62 =	vld [tilespmem:s20+$0x40];
	v7 =	vadd.f32 v40, v7;
	v12 =	vadd.f32 v26, v12  }
0x344: {  	v17 =	vld [tilespmem:s20+$0x50];
	v18 =	vadd.f32 v31, v29;
	v6 =	vadd.f32 v39, v6  }
0x345: {  	v7 =	vadd.f32 v3, v7;
	v3 =	vld [tilespmem:s20+$0x20];
	v12 =	vadd.f32 v44, v12  }
0x346: {  	v19 =	vld [tilespmem:s20+$0x60];
	v28 =	vadd.f32 v28, v29;
	v11 =	vadd.f32 v43, v11  }
0x347: {  	v6 =	vadd.f32 v63, v6;
	v9 =	vadd.f32 v9, v12;
	v12 =	vld [tilespmem:s20+$0x30]  }
0x348: {  	v63 =	vld [tilespmem:s20+$0x70];
	v16 =	vadd.f32 v62, v29;
	v8 =	vadd.f32 v8, v11  }
0x349: {  	v35 =	vld [tilespmem:s20+$0x410];
	v34 =	vimm.f32 $0.0e+00;
	v11 =	vadd.f32 v59, v14;
	v14 =	vadd.f32 v61, v29  }
0x34a: {  	v32 =	vimm.f32 $0.0e+00;
	v36 =	vld [tilespmem:s20+$0x420];
	v15 =	vadd.f32 v3, v29;
	v26 =	vadd.f32 v57, v24  }
0x34b: {  	v33 =	vimm.f32 $0.0e+00;
	v37 =	vld [tilespmem:s20+$0x430];
	v24 =	vadd.f32 v58, v27;
	v27 =	vadd.f32 v52, v30  }
0x34c: {  	s22 =	simm.s32 $0x100;
	s21 =	simm.s32 $0x80;
	v31 =	vimm.f32 $0.0e+00;
	v38 =	vld [tilespmem:s20+$0x440];
	v3 =	vadd.f32 v12, v29;
	v12 =	vadd.f32 v17, v29  }
0x34d: {  	s23 =	sand.u32 $0x7800, s22;
	s22 =	simm.s32 $0x200;
	s24 =	sand.u32 $0x380, s21;
	v39 =	vld [tilespmem:s20+$0x450];
	v30 =	vimm.f32 $0.0e+00;
	v17 =	vadd.f32 v19, v29;
	v19 =	vadd.f32 v63, v29  }
.LBB2_11:
0x34e: {  	p2 =	sne.s32 s22, $0x6F00;
	s23 =	sor.u32 s24, s23;
	v29 =	vadd.f32 v35, v29;
	v35 =	vld [tilespmem:s20+$0x460]  }
0x34f: {  	s20 =	sadd.s32 $0x15680, s23;
	v40 =	vld [tilespmem:s23+$0x15680];
	v31 =	vadd.f32 v36, v31  }
0x350: {  	v36 =	vld [tilespmem:s20+$0x470];
	v30 =	vadd.f32 v37, v30  }
0x351: {  	v37 =	vld [tilespmem:s20+$0x10];
	v34 =	vadd.f32 v38, v34  }
0x352: {  	v38 =	vld [tilespmem:s20+$0x20];
	v32 =	vadd.f32 v39, v32  }
0x353: {  	v39 =	vld [tilespmem:s20+$0x30];
	v33 =	vadd.f32 v35, v33  }
0x354: {  	v13 =	vadd.f32 v40, v13;
	v35 =	vld [tilespmem:s20+$0x40]  }
0x355: {  	v40 =	vld [tilespmem:s20+$0x50];
	v18 =	vadd.f32 v36, v18  }
0x356: {  	v14 =	vadd.f32 v37, v14;
	v37 =	vld [tilespmem:s20+$0x60]  }
0x357: {  	v15 =	vadd.f32 v38, v15;
	v38 =	vld [tilespmem:s20+$0x70]  }
0x358: {  	v3 =	vadd.f32 v39, v3;
	v39 =	vld [tilespmem:s20+$0x400]  }
.Ltmp6:
0x359: {  	v16 =	vadd.f32 v35, v16;
	v35 =	vld [tilespmem:s20+$0x410];
	(pc) =	sbr.rel @p2 .LBB2_11-.Ltmp6, $4  }
0x35a: {  	v12 =	vadd.f32 v40, v12;
	v36 =	vld [tilespmem:s20+$0x420]  }
0x35b: {  	v17 =	vadd.f32 v37, v17;
	v37 =	vld [tilespmem:s20+$0x430]  }
0x35c: {  	s21 =	sadd.s32 $0x80, s21;
	v19 =	vadd.f32 v38, v19;
	v38 =	vld [tilespmem:s20+$0x440]  }
0x35d: {  	s23 =	sand.u32 $0x7800, s22;
	s24 =	sand.u32 $0x380, s21;
	s22 =	sadd.s32 $0x100, s22;
	v28 =	vadd.f32 v39, v28;
	v39 =	vld [tilespmem:s20+$0x450]  }
0x35e: {  	s21 =	sor.u32 s24, s23;
	v40 =	vld [tilespmem:s20+$0x460]  }
0x35f: {  	s25 =	sadd.s32 $0x15680, s21;
	v41 =	vld [tilespmem:s21+$0x15680]  }
0x360: {  	v42 =	vld [tilespmem:s25+$0x470]  }
0x361: {  	v43 =	vld [tilespmem:s25+$0x10]  }
0x362: {  	v44 =	vld [tilespmem:s25+$0x20]  }
0x363: {  	v45 =	vld [tilespmem:s25+$0x30]  }
0x364: {  	v46 =	vld [tilespmem:s25+$0x40]  }
0x365: {  	v47 =	vld [tilespmem:s25+$0x50]  }
0x366: {  	v48 =	vld [tilespmem:s25+$0x60]  }
0x367: {  	v49 =	vld [tilespmem:s25+$0x70]  }
0x368: {  	v50 =	vld [tilespmem:s25+$0x400]  }
0x369: {  	v29 =	vadd.f32 v35, v29;
	v31 =	vadd.f32 v36, v31;
	v58 =	vld [tilespmem:s25+$0x410]  }
0x36a: {  	v30 =	vadd.f32 v37, v30;
	v59 =	vld [tilespmem:s25+$0x420];
	v34 =	vadd.f32 v38, v34  }
0x36b: {  	v60 =	vld [tilespmem:s25+$0x430];
	v32 =	vadd.f32 v39, v32;
	v33 =	vadd.f32 v40, v33  }
0x36c: {  	v61 =	vld [tilespmem:s25+$0x440];
	v13 =	vadd.f32 v41, v13;
	v18 =	vadd.f32 v42, v18  }
0x36d: {  	v62 =	vld [tilespmem:s25+$0x450];
	v14 =	vadd.f32 v43, v14;
	v15 =	vadd.f32 v44, v15  }
0x36e: {  	v63 =	vld [tilespmem:s25+$0x460];
	v3 =	vadd.f32 v45, v3;
	v16 =	vadd.f32 v46, v16  }
0x36f: {  	v12 =	vadd.f32 v47, v12;
	v17 =	vadd.f32 v48, v17  }
0x370: {  	v19 =	vadd.f32 v49, v19;
	v28 =	vadd.f32 v50, v28  }
0x371: {  	v29 =	vadd.f32 v58, v29;
	v31 =	vadd.f32 v59, v31  }
0x372: {  	v30 =	vadd.f32 v60, v30;
	v34 =	vadd.f32 v61, v34  }
0x373: {  	v32 =	vadd.f32 v62, v32;
	v33 =	vadd.f32 v63, v33  }
0x374: {  	v56 =	vadd.f32 v13, v4;
	v55 =	vadd.f32 v14, v5  }
0x375: {  	s19 =	sadd.s32 $0x1, s19;
	v54 =	vadd.f32 v15, v6;
	v53 =	vadd.f32 v3, v7  }
0x376: {  	p2 =	sne.s32 s19, $0x3;
	v52 =	vadd.f32 v16, v8;
	v51 =	vadd.f32 v12, v9  }
.Ltmp7:
0x377: {  	v50 =	vadd.f32 v17, v10;
	v49 =	vadd.f32 v19, v11;
	(pc) =	sbr.rel @p2 .LBB2_2-.Ltmp7, $4  }
0x378: {  	v48 =	vadd.f32 v28, v20;
	v47 =	vadd.f32 v29, v21  }
0x379: {  	v46 =	vadd.f32 v31, v22;
	v45 =	vadd.f32 v30, v25  }
0x37a: {  	v44 =	vadd.f32 v34, v23;
	v43 =	vadd.f32 v32, v26  }
0x37b: {  	v42 =	vadd.f32 v33, v24;
	v41 =	vadd.f32 v18, v27  }
0x37c: {  	v3 =	vimm.f32 $0.0e+00  }
0x37d: {  	[tilespmem:$0x1C780] =	vst v3  }
0x37e: {  	[tilespmem:$0x1C790] =	vst v3  }
0x37f: {  	[tilespmem:$0x1C7A0] =	vst v3  }
0x380: {  	[tilespmem:$0x1C7B0] =	vst v3  }
0x381: {  	[tilespmem:$0x1C7C0] =	vst v3  }
0x382: {  	[tilespmem:$0x1C7D0] =	vst v3  }
0x383: {  	[tilespmem:$0x1C7E0] =	vst v3  }
0x384: {  	[tilespmem:$0x1C7F0] =	vst v3  }
0x385: {  	[tilespmem:$0x1C800] =	vst v3  }
0x386: {  	[tilespmem:$0x1C810] =	vst v3  }
0x387: {  	[tilespmem:$0x1C820] =	vst v3  }
0x388: {  	[tilespmem:$0x1C830] =	vst v3  }
0x389: {  	[tilespmem:$0x1C840] =	vst v3  }
0x38a: {  	[tilespmem:$0x1C850] =	vst v3  }
0x38b: {  	[tilespmem:$0x1C860] =	vst v3  }
0x38c: {  	s19 =	simm.s32 @!p1 $0x0;
	s20 =	simm.s32 @!p1 $0xE680;
	s21 =	rddreg [dreg:$0x7];
	[tilespmem:$0x1C870] =	vst v3  }
0x38d: {  	[tilespmem:s20], [sflag:$0x3] =	stream.linear.gather @!p1 [hbm4b:s21+s19], $0x7000, $0x38;
	[tilespmem:$0x1C980] =	vst v63  }
0x38e: {  	s20 =	simm.s32 @!p1 $0x15680;
	s21 =	rddreg [dreg:$0x8]  }
0x38f: {  	[tilespmem:s20], [sflag:$0x4] =	stream.linear.gather @!p1 [hbm4b:s21+s19], $0x7000, $0x38;
	[tilespmem:$0x1C980] =	vst v63  }
0x390: {  	s23 =	simm.s32 $0x0;
	_ =	swait.ge [sflag:s14], $0x7000  }
0x391: {  	s24 =	sand.u32 $0x7800, s23;
	s19 =	sand.u32 $0x380, s23;
	[sflag:s14] =	ssyncset.done $0x0  }
0x392: {  	s19 =	sor.u32 s19, s24;
	[sflag:s14] =	ssyncadd.s32 $0xFFFF9000  }
0x393: {  	v3 =	vld [tilespmem:s19+$0xAF0]  }
0x394: {  	v4 =	vld [tilespmem:s19+$0x680]  }
0x395: {  	v5 =	vld [tilespmem:s19+$0x690]  }
0x396: {  	v6 =	vld [tilespmem:s19+$0x6A0]  }
0x397: {  	v7 =	vld [tilespmem:s19+$0x6B0]  }
0x398: {  	v9 =	vld [tilespmem:s19+$0x6C0]  }
0x399: {  	v10 =	vld [tilespmem:s19+$0x6D0]  }
0x39a: {  	v11 =	vld [tilespmem:s19+$0x6E0]  }
0x39b: {  	v12 =	vld [tilespmem:s19+$0x6F0]  }
0x39c: {  	v26 =	vimm.f32 $0.0e+00;
	v13 =	vld [tilespmem:s19+$0xA80]  }
0x39d: {  	v27 =	vimm.f32 $0.0e+00;
	v35 =	vld [tilespmem:s19+$0xA90];
	v21 =	vadd.f32 v3, v26;
	v22 =	vadd.f32 v4, v26  }
0x39e: {  	v28 =	vimm.f32 $0.0e+00;
	v32 =	vld [tilespmem:s19+$0xAA0];
	v23 =	vadd.f32 v5, v26;
	v3 =	vadd.f32 v6, v26  }
0x39f: {  	v30 =	vimm.f32 $0.0e+00;
	v33 =	vld [tilespmem:s19+$0xAB0];
	v8 =	vadd.f32 v7, v26;
	v9 =	vadd.f32 v9, v26  }
0x3a0: {  	s25 =	simm.s32 $0x100;
	v31 =	vimm.f32 $0.0e+00;
	s20 =	simm.s32 $0x80;
	v34 =	vld [tilespmem:s19+$0xAC0];
	v10 =	vadd.f32 v10, v26;
	v20 =	vadd.f32 v11, v26  }
0x3a1: {  	v29 =	vimm.f32 $0.0e+00;
	s22 =	sand.u32 $0x7800, s25;
	s21 =	simm.s32 $0x200;
	s23 =	sand.u32 $0x380, s20;
	v24 =	vadd.f32 v12, v26;
	v25 =	vadd.f32 v13, v26;
	v4 =	vld [tilespmem:s19+$0xAD0]  }
.LBB2_14:
0x3a2: {  	p2 =	sne.s32 s21, $0x6F00;
	v26 =	vadd.f32 v35, v26;
	v5 =	vld [tilespmem:s19+$0xAE0];
	s19 =	sor.u32 s23, s22  }
0x3a3: {  	v6 =	vld [tilespmem:s19+$0xAF0];
	v27 =	vadd.f32 v32, v27  }
0x3a4: {  	v7 =	vld [tilespmem:s19+$0x680];
	v28 =	vadd.f32 v33, v28  }
0x3a5: {  	v11 =	vld [tilespmem:s19+$0x690];
	v30 =	vadd.f32 v34, v30  }
0x3a6: {  	v12 =	vld [tilespmem:s19+$0x6A0];
	v31 =	vadd.f32 v4, v31  }
0x3a7: {  	v4 =	vld [tilespmem:s19+$0x6B0];
	v29 =	vadd.f32 v5, v29  }
0x3a8: {  	v5 =	vld [tilespmem:s19+$0x6C0];
	v21 =	vadd.f32 v6, v21  }
0x3a9: {  	v22 =	vadd.f32 v7, v22;
	v6 =	vld [tilespmem:s19+$0x6D0]  }
0x3aa: {  	v23 =	vadd.f32 v11, v23;
	v7 =	vld [tilespmem:s19+$0x6E0]  }
0x3ab: {  	v3 =	vadd.f32 v12, v3;
	v11 =	vld [tilespmem:s19+$0x6F0]  }
0x3ac: {  	v8 =	vadd.f32 v4, v8;
	v4 =	vld [tilespmem:s19+$0xA80]  }
.Ltmp8:
0x3ad: {  	v9 =	vadd.f32 v5, v9;
	v35 =	vld [tilespmem:s19+$0xA90];
	(pc) =	sbr.rel @p2 .LBB2_14-.Ltmp8, $4  }
0x3ae: {  	v10 =	vadd.f32 v6, v10;
	v32 =	vld [tilespmem:s19+$0xAA0]  }
0x3af: {  	v20 =	vadd.f32 v7, v20;
	v33 =	vld [tilespmem:s19+$0xAB0]  }
0x3b0: {  	s20 =	sadd.s32 $0x80, s20;
	v24 =	vadd.f32 v11, v24;
	v34 =	vld [tilespmem:s19+$0xAC0]  }
0x3b1: {  	s22 =	sand.u32 $0x7800, s21;
	s21 =	sadd.s32 $0x100, s21;
	s23 =	sand.u32 $0x380, s20;
	v25 =	vadd.f32 v4, v25;
	v4 =	vld [tilespmem:s19+$0xAD0]  }
0x3b2: {  	s20 =	sor.u32 s23, s22;
	v5 =	vld [tilespmem:s19+$0xAE0]  }
0x3b3: {  	v6 =	vld [tilespmem:s20+$0xAF0]  }
0x3b4: {  	v7 =	vld [tilespmem:s20+$0x680]  }
0x3b5: {  	v11 =	vld [tilespmem:s20+$0x690]  }
0x3b6: {  	v12 =	vld [tilespmem:s20+$0x6A0]  }
0x3b7: {  	v13 =	vld [tilespmem:s20+$0x6B0]  }
0x3b8: {  	v14 =	vld [tilespmem:s20+$0x6C0]  }
0x3b9: {  	v15 =	vld [tilespmem:s20+$0x6D0]  }
0x3ba: {  	v16 =	vld [tilespmem:s20+$0x6E0]  }
0x3bb: {  	v17 =	vld [tilespmem:s20+$0x6F0]  }
0x3bc: {  	v18 =	vld [tilespmem:s20+$0xA80]  }
0x3bd: {  	v19 =	vld [tilespmem:s20+$0xA90]  }
0x3be: {  	v36 =	vld [tilespmem:s20+$0xAA0]  }
0x3bf: {  	v37 =	vld [tilespmem:s20+$0xAB0]  }
0x3c0: {  	v38 =	vld [tilespmem:s20+$0xAC0]  }
0x3c1: {  	v39 =	vld [tilespmem:s20+$0xAD0]  }
0x3c2: {  	s24 =	simm.s32 $0x0;
	v40 =	vld [tilespmem:s20+$0xAE0];
	_ =	swait.ge [sflag:s17], $0x7000  }
0x3c3: {  	v26 =	vadd.f32 v35, v26;
	s25 =	sand.u32 $0x7800, s24;
	s19 =	sand.u32 $0x380, s24;
	v27 =	vadd.f32 v32, v27;
	[sflag:s17] =	ssyncset.done $0x0  }
0x3c4: {  	v28 =	vadd.f32 v33, v28;
	s19 =	sor.u32 s19, s25;
	[sflag:s17] =	ssyncadd.s32 $0xFFFF9000;
	v6 =	vadd.f32 v6, v21  }
0x3c5: {  	v57 =	vld [tilespmem:s19+$0x76E0];
	v62 =	vadd.f32 v14, v9;
	v9 =	vadd.f32 v16, v20  }
0x3c6: {  	v4 =	vadd.f32 v4, v31;
	v58 =	vadd.f32 v7, v22;
	v7 =	vld [tilespmem:s19+$0x7690];
	[tilespmem:$0x1FE00] =	vst v6  }
0x3c7: {  	v5 =	vadd.f32 v5, v29;
	v6 =	vld [tilespmem:s19+$0x7680];
	[tilespmem:$0x1FE10] =	vst v9;
	v9 =	vadd.f32 v17, v24  }
0x3c8: {  	v60 =	vadd.f32 v12, v3;
	v3 =	vld [tilespmem:s19+$0x76A0];
	v4 =	vadd.f32 v39, v4  }
0x3c9: {  	v61 =	vadd.f32 v13, v8;
	v8 =	vld [tilespmem:s19+$0x76B0];
	[tilespmem:$0x1FE20] =	vst v9;
	v9 =	vadd.f32 v18, v25  }
0x3ca: {  	v59 =	vadd.f32 v11, v23;
	v11 =	vld [tilespmem:s19+$0x76C0];
	v5 =	vadd.f32 v40, v5;
	[tilespmem:$0x1FE80] =	vst v4  }
0x3cb: {  	v30 =	vadd.f32 v34, v30;
	v17 =	vld [tilespmem:s19+$0x76D0];
	[tilespmem:$0x1FE30] =	vst v9;
	v9 =	vadd.f32 v19, v26;
	v26 =	vimm.f32 $0.0e+00  }
0x3cc: {  	v63 =	vadd.f32 v15, v10;
	v4 =	vld [tilespmem:s19+$0x76F0];
	[tilespmem:$0x1FE90] =	vst v5;
	v24 =	vadd.f32 v6, v26  }
0x3cd: {  	v5 =	vld [tilespmem:s19+$0x7A80];
	v10 =	vadd.f32 v7, v26;
	[tilespmem:$0x1FE40] =	vst v9;
	v9 =	vadd.f32 v36, v27  }
0x3ce: {  	v31 =	vld [tilespmem:s19+$0x7AF0];
	v20 =	vadd.f32 v3, v26;
	v3 =	vadd.f32 v8, v26  }
0x3cf: {  	v32 =	vld [tilespmem:s19+$0x7A90];
	v21 =	vadd.f32 v11, v26;
	[tilespmem:$0x1FE50] =	vst v9;
	v9 =	vadd.f32 v37, v28  }
0x3d0: {  	v33 =	vld [tilespmem:s19+$0x7AA0];
	v8 =	vadd.f32 v17, v26;
	v22 =	vadd.f32 v57, v26  }
0x3d1: {  	s21 =	simm.s32 $0x100;
	v34 =	vld [tilespmem:s19+$0x7AB0];
	v29 =	vimm.f32 $0.0e+00;
	v23 =	vadd.f32 v4, v26;
	[tilespmem:$0x1FE60] =	vst v9;
	v9 =	vadd.f32 v38, v30  }
0x3d2: {  	s20 =	simm.s32 $0x80;
	s22 =	sand.u32 $0x7800, s21;
	v35 =	vld [tilespmem:s19+$0x7AC0];
	v25 =	vadd.f32 v5, v26;
	v27 =	vimm.f32 $0.0e+00;
	v28 =	vimm.f32 $0.0e+00  }
0x3d3: {  	s21 =	simm.s32 $0x200;
	s24 =	simm.s32 $0x80;
	s23 =	sand.u32 $0x380, s20;
	v36 =	vld [tilespmem:s19+$0x7AD0];
	v30 =	vimm.f32 $0.0e+00;
	[tilespmem:$0x1FE70] =	vst v9;
	v9 =	vadd.f32 v31, v26;
	v31 =	vimm.f32 $0.0e+00  }
.LBB2_16:
0x3d4: {  	p2 =	sne.s32 s21, $0x6F00;
	v26 =	vadd.f32 v32, v26;
	v4 =	vld [tilespmem:s19+$0x7AE0];
	s19 =	sor.u32 s23, s22  }
0x3d5: {  	v5 =	vld [tilespmem:s19+$0x7AF0];
	v28 =	vadd.f32 v33, v28  }
0x3d6: {  	v6 =	vld [tilespmem:s19+$0x7680];
	v27 =	vadd.f32 v34, v27  }
0x3d7: {  	v7 =	vld [tilespmem:s19+$0x7690];
	v31 =	vadd.f32 v35, v31  }
0x3d8: {  	v11 =	vld [tilespmem:s19+$0x76A0];
	v29 =	vadd.f32 v36, v29  }
0x3d9: {  	v12 =	vld [tilespmem:s19+$0x76B0];
	v30 =	vadd.f32 v4, v30  }
0x3da: {  	v4 =	vld [tilespmem:s19+$0x76C0];
	v9 =	vadd.f32 v5, v9  }
0x3db: {  	v24 =	vadd.f32 v6, v24;
	v5 =	vld [tilespmem:s19+$0x76D0]  }
0x3dc: {  	v10 =	vadd.f32 v7, v10;
	v6 =	vld [tilespmem:s19+$0x76E0]  }
0x3dd: {  	v20 =	vadd.f32 v11, v20;
	v7 =	vld [tilespmem:s19+$0x76F0]  }
0x3de: {  	v3 =	vadd.f32 v12, v3;
	v11 =	vld [tilespmem:s19+$0x7A80]  }
.Ltmp9:
0x3df: {  	v21 =	vadd.f32 v4, v21;
	v32 =	vld [tilespmem:s19+$0x7A90];
	(pc) =	sbr.rel @p2 .LBB2_16-.Ltmp9, $4  }
0x3e0: {  	v8 =	vadd.f32 v5, v8;
	v33 =	vld [tilespmem:s19+$0x7AA0]  }
0x3e1: {  	v22 =	vadd.f32 v6, v22;
	v34 =	vld [tilespmem:s19+$0x7AB0]  }
0x3e2: {  	s20 =	sadd.s32 $0x80, s20;
	v23 =	vadd.f32 v7, v23;
	v35 =	vld [tilespmem:s19+$0x7AC0]  }
0x3e3: {  	s22 =	sand.u32 $0x7800, s21;
	s21 =	sadd.s32 $0x100, s21;
	s23 =	sand.u32 $0x380, s20;
	v25 =	vadd.f32 v11, v25;
	v36 =	vld [tilespmem:s19+$0x7AD0]  }
0x3e4: {  	s20 =	sor.u32 s23, s22  }
0x3e5: {  	v5 =	vld [tilespmem:s20+$0x7AF0]  }
0x3e6: {  	v6 =	vld [tilespmem:s20+$0x7680]  }
0x3e7: {  	v7 =	vld [tilespmem:s20+$0x7690]  }
0x3e8: {  	v11 =	vld [tilespmem:s20+$0x76A0]  }
0x3e9: {  	v12 =	vld [tilespmem:s20+$0x76B0]  }
0x3ea: {  	v13 =	vld [tilespmem:s20+$0x76C0]  }
0x3eb: {  	v14 =	vld [tilespmem:s20+$0x76D0]  }
0x3ec: {  	v15 =	vld [tilespmem:s20+$0x76E0]  }
0x3ed: {  	v16 =	vld [tilespmem:s20+$0x76F0]  }
0x3ee: {  	v17 =	vld [tilespmem:s20+$0x7A80]  }
0x3ef: {  	v18 =	vld [tilespmem:s20+$0x7A90]  }
0x3f0: {  	v19 =	vld [tilespmem:s20+$0x7AA0]  }
0x3f1: {  	v37 =	vld [tilespmem:s20+$0x7AB0]  }
0x3f2: {  	v38 =	vld [tilespmem:s20+$0x7AC0]  }
0x3f3: {  	v39 =	vld [tilespmem:s20+$0x7AD0]  }
0x3f4: {  	s25 =	simm.s32 $0x1C680;
	s21 =	simm.s32 $0x5;
	v40 =	vld [tilespmem:s20+$0x7AE0];
	s20 =	simm.s32 $0x400  }
0x3f5: {  	v4 =	vld [tilespmem:s19+$0x7AE0];
	[tilespmem:s25], [sflag:$0x5] =	stream.strided.gather [hbm4b:s1+s24], $0x100, s20, s24, $0x38  }
0x3f6: {  	_ =	swait.ge [sflag:s21], $0x100  }
0x3f7: {  	[sflag:s21] =	ssyncset.done $0x0  }
0x3f8: {  	[sflag:s21] =	ssyncadd.s32 $0xFFFFFF00  }
0x3f9: {  	v57 =	vld [tilespmem:$0x1C680];
	_ =	sdelay $0x4  }
0x3fa: {  	[tilespmem:$0x1FCF0] =	vst v57;
	v57 =	vld [tilespmem:$0x1C690];
	_ =	sdelay $0x4  }
0x3fb: {  	[tilespmem:$0x1FD00] =	vst v57;
	v57 =	vld [tilespmem:$0x1C6A0];
	_ =	sdelay $0x4  }
0x3fc: {  	[tilespmem:$0x1FD10] =	vst v57;
	v57 =	vld [tilespmem:$0x1C6B0];
	_ =	sdelay $0x4  }
0x3fd: {  	[tilespmem:$0x1FD20] =	vst v57;
	v57 =	vld [tilespmem:$0x1C6C0];
	_ =	sdelay $0x1  }
0x3fe: {  	v3 =	vadd.f32 v12, v3;
	_ =	sdelay $0x1  }
0x3ff: {  	[tilespmem:$0x1FD90] =	vst v3  }
0x400: {  	v3 =	vadd.f32 v13, v21;
	[tilespmem:$0x1FD30] =	vst v57;
	v57 =	vld [tilespmem:$0x1C6D0];
	_ =	sdelay $0x1  }
0x401: {  	[tilespmem:$0x1FDA0] =	vst v3;
	v3 =	vadd.f32 v14, v8  }
0x402: {  	v28 =	vadd.f32 v33, v28  }
0x403: {  	v29 =	vadd.f32 v36, v29;
	v36 =	vld [tilespmem:$0x1C6F0];
	v33 =	vadd.f32 v6, v24;
	[tilespmem:$0x1FDB0] =	vst v3  }
0x404: {  	v27 =	vadd.f32 v34, v27;
	v3 =	vadd.f32 v15, v22;
	[tilespmem:$0x1FD40] =	vst v57;
	v57 =	vld [tilespmem:$0x1C6E0]  }
0x405: {  	v31 =	vadd.f32 v35, v31;
	v35 =	vld [tilespmem:$0x1C700];
	v34 =	vadd.f32 v7, v10;
	[tilespmem:$0x1FD60] =	vst v33  }
0x406: {  	v26 =	vadd.f32 v32, v26;
	v32 =	vld [tilespmem:$0x1C730];
	[tilespmem:$0x1FDC0] =	vst v3;
	v3 =	vadd.f32 v16, v23  }
0x407: {  	v24 =	vld [tilespmem:$0x1C740];
	[tilespmem:$0x1FD70] =	vst v34  }
.Ltmp10:
0x408: {  	v4 =	vadd.f32 v4, v30;
	v34 =	vld [tilespmem:$0x1C710];
	[tilespmem:$0x1FDD0] =	vst v3;
	v3 =	vadd.f32 v17, v25;
	(pc) =	sbr.rel @p1 .LBB2_31-.Ltmp10, $4  }
0x409: {  	v30 =	vadd.f32 v5, v9;
	v33 =	vld [tilespmem:$0x1C720];
	[tilespmem:$0x1FD50] =	vst v57;
	v57 =	vadd.f32 v11, v20  }
0x40a: {  	v21 =	vld [tilespmem:$0x1C770];
	v25 =	vadd.f32 v40, v4;
	[tilespmem:$0x1FDE0] =	vst v3;
	v3 =	vadd.f32 v18, v26  }
0x40b: {  	v22 =	vld [tilespmem:$0x1C760];
	v26 =	vadd.f32 v39, v29;
	[tilespmem:$0x1FD80] =	vst v57;
	v57 =	vadd.f32 v19, v28  }
0x40c: {  	s23 =	rddreg [dreg:$0x10];
	v23 =	vld [tilespmem:$0x1C750];
	[tilespmem:$0x1FDF0] =	vst v3;
	v28 =	vadd.f32 v37, v27;
	v27 =	vadd.f32 v38, v31  }
0x40d: {  	[tilespmem:$0x1FC30] =	vst v26  }
0x40e: {  	[tilespmem:$0x1FC40] =	vst v36  }
0x40f: {  	[tilespmem:$0x1FC50] =	vst v35  }
0x410: {  	[tilespmem:$0x1FC60] =	vst v34  }
0x411: {  	[tilespmem:$0x1FC70] =	vst v25  }
0x412: {  	[tilespmem:$0x1FC90] =	vst v32  }
0x413: {  	[tilespmem:$0x1FCA0] =	vst v24  }
0x414: {  	[tilespmem:$0x1FCE0] =	vst v30  }
0x415: {  	[tilespmem:$0x1FC10] =	vst v28  }
0x416: {  	[tilespmem:$0x1FC20] =	vst v27  }
0x417: {  	s19 =	simm.s32 $0x0;
	s20 =	rddreg [dreg:$0x9];
	[tilespmem:$0x1FC80] =	vst v33  }
0x418: {  	[tilespmem:s15], [sflag:$0x1] =	stream.linear.gather [hbm4b:s20+s19], $0x7000, $0x38;
	[tilespmem:$0x1C980] =	vst v63  }
0x419: {  	[tilespmem:$0x1FCD0] =	vst v21  }
0x41a: {  	[tilespmem:$0x1FCC0] =	vst v22  }
0x41b: {  	[tilespmem:$0x1FCB0] =	vst v23  }
0x41c: {  	_ =	swait.ge [sflag:s16], $0x7000  }
0x41d: {  	s25 =	sand.u32 $0x7800, s19;
	s19 =	sand.u32 $0x380, s19;
	[sflag:s16] =	ssyncset.done $0x0  }
0x41e: {  	s19 =	sor.u32 s19, s25;
	[sflag:s16] =	ssyncadd.s32 $0xFFFF9000  }
0x41f: {  	v3 =	vld [tilespmem:s19+$0xEAF0]  }
0x420: {  	v4 =	vld [tilespmem:s19+$0xE680]  }
0x421: {  	v5 =	vld [tilespmem:s19+$0xE690]  }
0x422: {  	v6 =	vld [tilespmem:s19+$0xE6A0]  }
0x423: {  	v7 =	vld [tilespmem:s19+$0xE6B0]  }
0x424: {  	v9 =	vld [tilespmem:s19+$0xE6C0]  }
0x425: {  	v10 =	vld [tilespmem:s19+$0xE6D0]  }
0x426: {  	v11 =	vld [tilespmem:s19+$0xE6E0]  }
0x427: {  	v12 =	vld [tilespmem:s19+$0xE6F0]  }
0x428: {  	v26 =	vimm.f32 $0.0e+00;
	v13 =	vld [tilespmem:s19+$0xEA80]  }
0x429: {  	v30 =	vimm.f32 $0.0e+00;
	v35 =	vld [tilespmem:s19+$0xEA90];
	v21 =	vadd.f32 v3, v26;
	v22 =	vadd.f32 v4, v26  }
0x42a: {  	v31 =	vimm.f32 $0.0e+00;
	v32 =	vld [tilespmem:s19+$0xEAA0];
	v23 =	vadd.f32 v5, v26;
	v3 =	vadd.f32 v6, v26  }
0x42b: {  	v29 =	vimm.f32 $0.0e+00;
	v33 =	vld [tilespmem:s19+$0xEAB0];
	v8 =	vadd.f32 v7, v26;
	v9 =	vadd.f32 v9, v26  }
0x42c: {  	s21 =	simm.s32 $0x100;
	s20 =	simm.s32 $0x80;
	v27 =	vimm.f32 $0.0e+00;
	v34 =	vld [tilespmem:s19+$0xEAC0];
	v10 =	vadd.f32 v10, v26;
	v20 =	vadd.f32 v11, v26  }
0x42d: {  	v28 =	vimm.f32 $0.0e+00;
	s22 =	sand.u32 $0x7800, s21;
	s21 =	simm.s32 $0x200;
	s23 =	sand.u32 $0x380, s20;
	v24 =	vadd.f32 v12, v26;
	v25 =	vadd.f32 v13, v26;
	v4 =	vld [tilespmem:s19+$0xEAD0]  }
.LBB2_19:
0x42e: {  	p2 =	sne.s32 s21, $0x6F00;
	v26 =	vadd.f32 v35, v26;
	v5 =	vld [tilespmem:s19+$0xEAE0];
	s19 =	sor.u32 s23, s22  }
0x42f: {  	v6 =	vld [tilespmem:s19+$0xEAF0];
	v27 =	vadd.f32 v32, v27  }
0x430: {  	v7 =	vld [tilespmem:s19+$0xE680];
	v28 =	vadd.f32 v33, v28  }
0x431: {  	v11 =	vld [tilespmem:s19+$0xE690];
	v30 =	vadd.f32 v34, v30  }
0x432: {  	v12 =	vld [tilespmem:s19+$0xE6A0];
	v31 =	vadd.f32 v4, v31  }
0x433: {  	v4 =	vld [tilespmem:s19+$0xE6B0];
	v29 =	vadd.f32 v5, v29  }
0x434: {  	v5 =	vld [tilespmem:s19+$0xE6C0];
	v21 =	vadd.f32 v6, v21  }
0x435: {  	v22 =	vadd.f32 v7, v22;
	v6 =	vld [tilespmem:s19+$0xE6D0]  }
0x436: {  	v23 =	vadd.f32 v11, v23;
	v7 =	vld [tilespmem:s19+$0xE6E0]  }
0x437: {  	v3 =	vadd.f32 v12, v3;
	v11 =	vld [tilespmem:s19+$0xE6F0]  }
0x438: {  	v8 =	vadd.f32 v4, v8;
	v4 =	vld [tilespmem:s19+$0xEA80]  }
.Ltmp11:
0x439: {  	v9 =	vadd.f32 v5, v9;
	v35 =	vld [tilespmem:s19+$0xEA90];
	(pc) =	sbr.rel @p2 .LBB2_19-.Ltmp11, $4  }
0x43a: {  	v10 =	vadd.f32 v6, v10;
	v32 =	vld [tilespmem:s19+$0xEAA0]  }
0x43b: {  	v20 =	vadd.f32 v7, v20;
	v33 =	vld [tilespmem:s19+$0xEAB0]  }
0x43c: {  	s20 =	sadd.s32 $0x80, s20;
	v24 =	vadd.f32 v11, v24;
	v34 =	vld [tilespmem:s19+$0xEAC0]  }
0x43d: {  	s22 =	sand.u32 $0x7800, s21;
	s21 =	sadd.s32 $0x100, s21;
	s23 =	sand.u32 $0x380, s20;
	v25 =	vadd.f32 v4, v25;
	v4 =	vld [tilespmem:s19+$0xEAD0]  }
0x43e: {  	s20 =	sor.u32 s23, s22;
	v5 =	vld [tilespmem:s19+$0xEAE0]  }
0x43f: {  	v6 =	vld [tilespmem:s20+$0xEAF0]  }
0x440: {  	v7 =	vld [tilespmem:s20+$0xE680]  }
0x441: {  	v11 =	vld [tilespmem:s20+$0xE690]  }
0x442: {  	v12 =	vld [tilespmem:s20+$0xE6A0]  }
0x443: {  	v13 =	vld [tilespmem:s20+$0xE6B0]  }
0x444: {  	v14 =	vld [tilespmem:s20+$0xE6C0]  }
0x445: {  	v15 =	vld [tilespmem:s20+$0xE6D0]  }
0x446: {  	v16 =	vld [tilespmem:s20+$0xE6E0]  }
0x447: {  	v17 =	vld [tilespmem:s20+$0xE6F0]  }
0x448: {  	v18 =	vld [tilespmem:s20+$0xEA80]  }
0x449: {  	v19 =	vld [tilespmem:s20+$0xEA90]  }
0x44a: {  	v36 =	vld [tilespmem:s20+$0xEAA0]  }
0x44b: {  	v37 =	vld [tilespmem:s20+$0xEAB0]  }
0x44c: {  	v39 =	vld [tilespmem:s20+$0xEAD0]  }
0x44d: {  	s22 =	simm.s32 $0x0;
	s23 =	rddreg [dreg:$0xa];
	v40 =	vld [tilespmem:s20+$0xEAE0]  }
0x44e: {  	v38 =	vld [tilespmem:s20+$0xEAC0];
	[tilespmem:s30], [sflag:$0x2] =	stream.linear.gather [hbm4b:s23+s22], $0x7000, $0x38;
	v6 =	vadd.f32 v6, v21  }
0x44f: {  	_ =	swait.ge [sflag:s18], $0x7000;
	v4 =	vadd.f32 v4, v31;
	v7 =	vadd.f32 v7, v22  }
0x450: {  	v5 =	vadd.f32 v5, v29;
	v3 =	vadd.f32 v12, v3;
	[tilespmem:$0x1FB10] =	vst v6  }
0x451: {  	v4 =	vadd.f32 v39, v4;
	[tilespmem:$0x1FB20] =	vst v7  }
0x452: {  	v5 =	vadd.f32 v40, v5;
	[tilespmem:$0x1FB40] =	vst v3  }
0x453: {  	s25 =	sand.u32 $0x7800, s22;
	s19 =	sand.u32 $0x380, s22;
	[sflag:s18] =	ssyncset.done $0x0;
	v7 =	vadd.f32 v11, v23;
	[tilespmem:$0x1FBF0] =	vst v4  }
0x454: {  	s20 =	sor.u32 s19, s25;
	[sflag:s18] =	ssyncadd.s32 $0xFFFF9000;
	v3 =	vadd.f32 v13, v8;
	[tilespmem:$0x1FC00] =	vst v5  }
0x455: {  	v27 =	vadd.f32 v32, v27;
	s19 =	sadd.s32 $0x15680, s20;
	v31 =	vld [tilespmem:s20+$0x15680];
	v8 =	vadd.f32 v14, v9;
	[tilespmem:$0x1FB30] =	vst v7  }
0x456: {  	v6 =	vld [tilespmem:s19+$0x470];
	v9 =	vadd.f32 v16, v20;
	[tilespmem:$0x1FB50] =	vst v3  }
0x457: {  	v11 =	vadd.f32 v36, v27;
	v4 =	vld [tilespmem:s19+$0x70];
	[tilespmem:$0x1FB60] =	vst v8  }
0x458: {  	v5 =	vld [tilespmem:s19+$0x400];
	v8 =	vadd.f32 v15, v10;
	[tilespmem:$0x1FB80] =	vst v9  }
0x459: {  	v28 =	vadd.f32 v33, v28;
	v7 =	vld [tilespmem:s19+$0x10];
	v9 =	vadd.f32 v17, v24;
	[tilespmem:$0x1FBC0] =	vst v11  }
0x45a: {  	v26 =	vadd.f32 v35, v26;
	v3 =	vld [tilespmem:s19+$0x20];
	v10 =	vadd.f32 v18, v25;
	[tilespmem:$0x1FB70] =	vst v8  }
0x45b: {  	v11 =	vadd.f32 v37, v28;
	v8 =	vld [tilespmem:s19+$0x30];
	[tilespmem:$0x1FB90] =	vst v9  }
0x45c: {  	v30 =	vadd.f32 v34, v30;
	v9 =	vld [tilespmem:s19+$0x40];
	[tilespmem:$0x1FBA0] =	vst v10;
	v10 =	vadd.f32 v19, v26  }
0x45d: {  	[tilespmem:$0x1FBD0] =	vst v11;
	v11 =	vld [tilespmem:s19+$0x60]  }
0x45e: {  	v38 =	vadd.f32 v38, v30;
	v26 =	vimm.f32 $0.0e+00;
	[tilespmem:$0x1FBB0] =	vst v10;
	v10 =	vld [tilespmem:s19+$0x50]  }
0x45f: {  	v35 =	vld [tilespmem:s19+$0x410];
	v29 =	vimm.f32 $0.0e+00;
	v21 =	vadd.f32 v31, v26;
	v22 =	vadd.f32 v6, v26  }
0x460: {  	v32 =	vld [tilespmem:s19+$0x420];
	v30 =	vimm.f32 $0.0e+00;
	v24 =	vadd.f32 v4, v26;
	v25 =	vadd.f32 v5, v26  }
0x461: {  	v33 =	vld [tilespmem:s19+$0x430];
	v27 =	vimm.f32 $0.0e+00;
	v23 =	vadd.f32 v7, v26;
	v3 =	vadd.f32 v3, v26  }
0x462: {  	s21 =	simm.s32 $0x100;
	v34 =	vld [tilespmem:s19+$0x440];
	s20 =	simm.s32 $0x80;
	v28 =	vimm.f32 $0.0e+00;
	v8 =	vadd.f32 v8, v26;
	v9 =	vadd.f32 v9, v26  }
0x463: {  	s22 =	sand.u32 $0x7800, s21;
	s21 =	simm.s32 $0x200;
	s23 =	sand.u32 $0x380, s20;
	[tilespmem:$0x1FBE0] =	vst v38;
	v36 =	vld [tilespmem:s19+$0x450];
	v31 =	vimm.f32 $0.0e+00;
	v20 =	vadd.f32 v11, v26;
	v10 =	vadd.f32 v10, v26  }
.LBB2_21:
0x464: {  	p2 =	sne.s32 s21, $0x6F00;
	s22 =	sor.u32 s23, s22;
	v26 =	vadd.f32 v35, v26;
	v4 =	vld [tilespmem:s19+$0x460]  }
0x465: {  	s19 =	sadd.s32 $0x15680, s22;
	v5 =	vld [tilespmem:s22+$0x15680];
	v27 =	vadd.f32 v32, v27  }
0x466: {  	v6 =	vld [tilespmem:s19+$0x470];
	v28 =	vadd.f32 v33, v28  }
0x467: {  	v7 =	vld [tilespmem:s19+$0x10];
	v30 =	vadd.f32 v34, v30  }
0x468: {  	v11 =	vld [tilespmem:s19+$0x20];
	v31 =	vadd.f32 v36, v31  }
0x469: {  	v12 =	vld [tilespmem:s19+$0x30];
	v29 =	vadd.f32 v4, v29  }
0x46a: {  	v21 =	vadd.f32 v5, v21;
	v4 =	vld [tilespmem:s19+$0x40]  }
0x46b: {  	v5 =	vld [tilespmem:s19+$0x50];
	v22 =	vadd.f32 v6, v22  }
0x46c: {  	v23 =	vadd.f32 v7, v23;
	v6 =	vld [tilespmem:s19+$0x60]  }
0x46d: {  	v3 =	vadd.f32 v11, v3;
	v7 =	vld [tilespmem:s19+$0x70]  }
0x46e: {  	v8 =	vadd.f32 v12, v8;
	v11 =	vld [tilespmem:s19+$0x400]  }
.Ltmp12:
0x46f: {  	v9 =	vadd.f32 v4, v9;
	v35 =	vld [tilespmem:s19+$0x410];
	(pc) =	sbr.rel @p2 .LBB2_21-.Ltmp12, $4  }
0x470: {  	v10 =	vadd.f32 v5, v10;
	v32 =	vld [tilespmem:s19+$0x420]  }
0x471: {  	v20 =	vadd.f32 v6, v20;
	v33 =	vld [tilespmem:s19+$0x430]  }
0x472: {  	s20 =	sadd.s32 $0x80, s20;
	v24 =	vadd.f32 v7, v24;
	v34 =	vld [tilespmem:s19+$0x440]  }
0x473: {  	s22 =	sand.u32 $0x7800, s21;
	s23 =	sand.u32 $0x380, s20;
	s21 =	sadd.s32 $0x100, s21;
	v25 =	vadd.f32 v11, v25;
	v36 =	vld [tilespmem:s19+$0x450]  }
0x474: {  	s20 =	sor.u32 s23, s22;
	v4 =	vld [tilespmem:s19+$0x460]  }
0x475: {  	s23 =	sadd.s32 $0x15680, s20;
	v5 =	vld [tilespmem:s20+$0x15680]  }
0x476: {  	v6 =	vld [tilespmem:s23+$0x470]  }
0x477: {  	v7 =	vld [tilespmem:s23+$0x10]  }
0x478: {  	v11 =	vld [tilespmem:s23+$0x20]  }
0x479: {  	v12 =	vld [tilespmem:s23+$0x30]  }
0x47a: {  	v13 =	vld [tilespmem:s23+$0x40]  }
0x47b: {  	v14 =	vld [tilespmem:s23+$0x50]  }
0x47c: {  	v15 =	vld [tilespmem:s23+$0x60]  }
0x47d: {  	v16 =	vld [tilespmem:s23+$0x70]  }
0x47e: {  	v17 =	vld [tilespmem:s23+$0x400]  }
0x47f: {  	v18 =	vld [tilespmem:s23+$0x410]  }
0x480: {  	v19 =	vld [tilespmem:s23+$0x420]  }
0x481: {  	v37 =	vld [tilespmem:s23+$0x430]  }
0x482: {  	v38 =	vld [tilespmem:s23+$0x440]  }
0x483: {  	s25 =	simm.s32 $0x0;
	s22 =	rddreg [dreg:$0xb];
	s21 =	simm.s32 $0xE680;
	v39 =	vld [tilespmem:s23+$0x450]  }
0x484: {  	v40 =	vld [tilespmem:s23+$0x460];
	[tilespmem:s21], [sflag:$0x3] =	stream.linear.gather [hbm4b:s22+s25], $0x7000, $0x38;
	v3 =	vadd.f32 v11, v3  }
0x485: {  	_ =	swait.ge [sflag:s14], $0x7000;
	v5 =	vadd.f32 v5, v21  }
0x486: {  	[tilespmem:$0x1FA40] =	vst v3;
	v3 =	vadd.f32 v12, v8;
	v8 =	vadd.f32 v15, v20  }
0x487: {  	v4 =	vadd.f32 v4, v29;
	v6 =	vadd.f32 v6, v22;
	[tilespmem:$0x1FA10] =	vst v5  }
0x488: {  	[tilespmem:$0x1FA80] =	vst v8;
	v8 =	vadd.f32 v16, v24  }
0x489: {  	s19 =	sand.u32 $0x380, s25;
	s23 =	sand.u32 $0x7800, s25;
	[sflag:s14] =	ssyncset.done $0x0;
	v4 =	vadd.f32 v40, v4;
	[tilespmem:$0x1FA20] =	vst v6  }
0x48a: {  	v26 =	vadd.f32 v35, v26;
	s19 =	sor.u32 s19, s23;
	[sflag:s14] =	ssyncadd.s32 $0xFFFF9000;
	[tilespmem:$0x1FA90] =	vst v8;
	v8 =	vadd.f32 v17, v25  }
0x48b: {  	v31 =	vadd.f32 v36, v31;
	v36 =	vld [tilespmem:s19+$0xAF0];
	v6 =	vadd.f32 v7, v23;
	[tilespmem:$0x1FB00] =	vst v4  }
0x48c: {  	v27 =	vadd.f32 v32, v27;
	v11 =	vld [tilespmem:s19+$0x6E0];
	[tilespmem:$0x1FAA0] =	vst v8;
	v8 =	vadd.f32 v18, v26  }
0x48d: {  	v28 =	vadd.f32 v33, v28;
	v5 =	vld [tilespmem:s19+$0x680];
	[tilespmem:$0x1FA30] =	vst v6  }
0x48e: {  	v7 =	vadd.f32 v13, v9;
	v9 =	vld [tilespmem:s19+$0x6C0];
	[tilespmem:$0x1FAB0] =	vst v8;
	v8 =	vadd.f32 v19, v27  }
0x48f: {  	v6 =	vld [tilespmem:s19+$0x690];
	[tilespmem:$0x1FA50] =	vst v3  }
0x490: {  	v30 =	vadd.f32 v34, v30;
	v3 =	vld [tilespmem:s19+$0x6A0];
	[tilespmem:$0x1FAC0] =	vst v8;
	v8 =	vadd.f32 v37, v28  }
0x491: {  	[tilespmem:$0x1FA60] =	vst v7;
	v7 =	vadd.f32 v14, v10;
	v10 =	vld [tilespmem:s19+$0x6D0]  }
0x492: {  	v4 =	vld [tilespmem:s19+$0xA80];
	v26 =	vimm.f32 $0.0e+00;
	[tilespmem:$0x1FAD0] =	vst v8;
	v8 =	vadd.f32 v38, v30  }
0x493: {  	[tilespmem:$0x1FA70] =	vst v7;
	v7 =	vld [tilespmem:s19+$0x6B0];
	v21 =	vadd.f32 v36, v26  }
0x494: {  	v22 =	vadd.f32 v5, v26;
	[tilespmem:$0x1FAE0] =	vst v8;
	v8 =	vadd.f32 v39, v31;
	v39 =	vld [tilespmem:s19+$0x6F0]  }
0x495: {  	v35 =	vld [tilespmem:s19+$0xA90];
	v23 =	vadd.f32 v6, v26;
	v3 =	vadd.f32 v3, v26  }
0x496: {  	v32 =	vld [tilespmem:s19+$0xAA0];
	v9 =	vadd.f32 v9, v26;
	v10 =	vadd.f32 v10, v26  }
0x497: {  	v29 =	vimm.f32 $0.0e+00;
	v33 =	vld [tilespmem:s19+$0xAB0];
	v20 =	vadd.f32 v11, v26;
	v25 =	vadd.f32 v4, v26  }
0x498: {  	s20 =	simm.s32 $0x80;
	s25 =	simm.s32 $0x100;
	v34 =	vld [tilespmem:s19+$0xAC0];
	v27 =	vimm.f32 $0.0e+00;
	v28 =	vimm.f32 $0.0e+00;
	v30 =	vimm.f32 $0.0e+00  }
0x499: {  	s21 =	simm.s32 $0x200;
	s22 =	sand.u32 $0x7800, s25;
	s23 =	sand.u32 $0x380, s20;
	v4 =	vld [tilespmem:s19+$0xAD0];
	v31 =	vimm.f32 $0.0e+00;
	[tilespmem:$0x1FAF0] =	vst v8;
	v8 =	vadd.f32 v7, v26;
	v24 =	vadd.f32 v39, v26  }
.LBB2_23:
0x49a: {  	p2 =	sne.s32 s21, $0x6F00;
	v26 =	vadd.f32 v35, v26;
	v5 =	vld [tilespmem:s19+$0xAE0];
	s19 =	sor.u32 s23, s22  }
0x49b: {  	v6 =	vld [tilespmem:s19+$0xAF0];
	v27 =	vadd.f32 v32, v27  }
0x49c: {  	v7 =	vld [tilespmem:s19+$0x680];
	v28 =	vadd.f32 v33, v28  }
0x49d: {  	v11 =	vld [tilespmem:s19+$0x690];
	v30 =	vadd.f32 v34, v30  }
0x49e: {  	v12 =	vld [tilespmem:s19+$0x6A0];
	v31 =	vadd.f32 v4, v31  }
0x49f: {  	v4 =	vld [tilespmem:s19+$0x6B0];
	v29 =	vadd.f32 v5, v29  }
0x4a0: {  	v5 =	vld [tilespmem:s19+$0x6C0];
	v21 =	vadd.f32 v6, v21  }
0x4a1: {  	v22 =	vadd.f32 v7, v22;
	v6 =	vld [tilespmem:s19+$0x6D0]  }
0x4a2: {  	v23 =	vadd.f32 v11, v23;
	v7 =	vld [tilespmem:s19+$0x6E0]  }
0x4a3: {  	v3 =	vadd.f32 v12, v3;
	v11 =	vld [tilespmem:s19+$0x6F0]  }
0x4a4: {  	v8 =	vadd.f32 v4, v8;
	v4 =	vld [tilespmem:s19+$0xA80]  }
.Ltmp13:
0x4a5: {  	v9 =	vadd.f32 v5, v9;
	v35 =	vld [tilespmem:s19+$0xA90];
	(pc) =	sbr.rel @p2 .LBB2_23-.Ltmp13, $4  }
0x4a6: {  	v10 =	vadd.f32 v6, v10;
	v32 =	vld [tilespmem:s19+$0xAA0]  }
0x4a7: {  	v20 =	vadd.f32 v7, v20;
	v33 =	vld [tilespmem:s19+$0xAB0]  }
0x4a8: {  	s20 =	sadd.s32 $0x80, s20;
	v24 =	vadd.f32 v11, v24;
	v34 =	vld [tilespmem:s19+$0xAC0]  }
0x4a9: {  	s22 =	sand.u32 $0x7800, s21;
	s21 =	sadd.s32 $0x100, s21;
	s23 =	sand.u32 $0x380, s20;
	v25 =	vadd.f32 v4, v25;
	v4 =	vld [tilespmem:s19+$0xAD0]  }
0x4aa: {  	s20 =	sor.u32 s23, s22;
	v5 =	vld [tilespmem:s19+$0xAE0]  }
0x4ab: {  	v6 =	vld [tilespmem:s20+$0xAF0]  }
0x4ac: {  	v7 =	vld [tilespmem:s20+$0x680]  }
0x4ad: {  	v11 =	vld [tilespmem:s20+$0x690]  }
0x4ae: {  	[tilespmem:$0x1FF10] =	vst v55;
	v12 =	vld [tilespmem:s20+$0x6A0]  }
0x4af: {  	[tilespmem:$0x1FF20] =	vst v54;
	v13 =	vld [tilespmem:s20+$0x6B0]  }
0x4b0: {  	[tilespmem:$0x1FF30] =	vst v53;
	v14 =	vld [tilespmem:s20+$0x6C0]  }
0x4b1: {  	[tilespmem:$0x1FF40] =	vst v52;
	v15 =	vld [tilespmem:s20+$0x6D0]  }
0x4b2: {  	[tilespmem:$0x1FF50] =	vst v51;
	v16 =	vld [tilespmem:s20+$0x6E0]  }
0x4b3: {  	[tilespmem:$0x1FF60] =	vst v50;
	v17 =	vld [tilespmem:s20+$0x6F0]  }
0x4b4: {  	[tilespmem:$0x1FF70] =	vst v49;
	v18 =	vld [tilespmem:s20+$0xA80]  }
0x4b5: {  	[tilespmem:$0x1FF80] =	vst v48;
	v19 =	vld [tilespmem:s20+$0xA90]  }
0x4b6: {  	[tilespmem:$0x1FF90] =	vst v47;
	v36 =	vld [tilespmem:s20+$0xAA0]  }
0x4b7: {  	[tilespmem:$0x1FFA0] =	vst v46;
	v37 =	vld [tilespmem:s20+$0xAB0]  }
0x4b8: {  	[tilespmem:$0x1FFB0] =	vst v45;
	v39 =	vld [tilespmem:s20+$0xAD0]  }
0x4b9: {  	[tilespmem:$0x1FFC0] =	vst v44;
	s25 =	simm.s32 $0x0;
	s22 =	rddreg [dreg:$0xc];
	s21 =	simm.s32 $0x15680;
	v40 =	vld [tilespmem:s20+$0xAE0]  }
0x4ba: {  	[tilespmem:$0x1FFD0] =	vst v43;
	v38 =	vld [tilespmem:s20+$0xAC0];
	[tilespmem:s21], [sflag:$0x4] =	stream.linear.gather [hbm4b:s22+s25], $0x4000, $0x38;
	v6 =	vadd.f32 v6, v21  }
0x4bb: {  	_ =	swait.ge [sflag:s17], $0x7000;
	v4 =	vadd.f32 v4, v31;
	v7 =	vadd.f32 v7, v22  }
0x4bc: {  	v5 =	vadd.f32 v5, v29;
	v3 =	vadd.f32 v12, v3;
	[tilespmem:$0x1F910] =	vst v6  }
0x4bd: {  	v4 =	vadd.f32 v39, v4;
	[tilespmem:$0x1F920] =	vst v7  }
0x4be: {  	v5 =	vadd.f32 v40, v5;
	[tilespmem:$0x1F940] =	vst v3  }
0x4bf: {  	s23 =	sand.u32 $0x7800, s25;
	s19 =	sand.u32 $0x380, s25;
	[sflag:s17] =	ssyncset.done $0x0;
	v7 =	vadd.f32 v11, v23;
	[tilespmem:$0x1F9F0] =	vst v4  }
0x4c0: {  	s19 =	sor.u32 s19, s23;
	[sflag:s17] =	ssyncadd.s32 $0xFFFF9000;
	v3 =	vadd.f32 v13, v8;
	[tilespmem:$0x1FA00] =	vst v5  }
0x4c1: {  	v27 =	vadd.f32 v32, v27;
	v31 =	vld [tilespmem:s19+$0x7AF0];
	v8 =	vadd.f32 v14, v9;
	[tilespmem:$0x1F930] =	vst v7  }
0x4c2: {  	v6 =	vld [tilespmem:s19+$0x7680];
	v9 =	vadd.f32 v16, v20;
	[tilespmem:$0x1F950] =	vst v3  }
0x4c3: {  	v11 =	vadd.f32 v36, v27;
	v4 =	vld [tilespmem:s19+$0x76F0];
	[tilespmem:$0x1F960] =	vst v8  }
0x4c4: {  	v5 =	vld [tilespmem:s19+$0x7A80];
	v8 =	vadd.f32 v15, v10;
	[tilespmem:$0x1F980] =	vst v9  }
0x4c5: {  	v28 =	vadd.f32 v33, v28;
	v7 =	vld [tilespmem:s19+$0x7690];
	v9 =	vadd.f32 v17, v24;
	[tilespmem:$0x1F9C0] =	vst v11  }
0x4c6: {  	v26 =	vadd.f32 v35, v26;
	v3 =	vld [tilespmem:s19+$0x76A0];
	v10 =	vadd.f32 v18, v25;
	[tilespmem:$0x1F970] =	vst v8  }
0x4c7: {  	v11 =	vadd.f32 v37, v28;
	v8 =	vld [tilespmem:s19+$0x76B0];
	[tilespmem:$0x1F990] =	vst v9  }
0x4c8: {  	v30 =	vadd.f32 v34, v30;
	v9 =	vld [tilespmem:s19+$0x76C0];
	[tilespmem:$0x1F9A0] =	vst v10;
	v10 =	vadd.f32 v19, v26  }
0x4c9: {  	[tilespmem:$0x1F9D0] =	vst v11;
	v11 =	vld [tilespmem:s19+$0x76E0]  }
0x4ca: {  	v55 =	vadd.f32 v38, v30;
	v26 =	vimm.f32 $0.0e+00;
	[tilespmem:$0x1F9B0] =	vst v10;
	v10 =	vld [tilespmem:s19+$0x76D0]  }
0x4cb: {  	v35 =	vld [tilespmem:s19+$0x7A90];
	v29 =	vimm.f32 $0.0e+00;
	v21 =	vadd.f32 v31, v26;
	v22 =	vadd.f32 v6, v26  }
0x4cc: {  	v32 =	vld [tilespmem:s19+$0x7AA0];
	v30 =	vimm.f32 $0.0e+00;
	v24 =	vadd.f32 v4, v26;
	v25 =	vadd.f32 v5, v26  }
0x4cd: {  	v33 =	vld [tilespmem:s19+$0x7AB0];
	v27 =	vimm.f32 $0.0e+00;
	v23 =	vadd.f32 v7, v26;
	v3 =	vadd.f32 v3, v26  }
0x4ce: {  	s25 =	simm.s32 $0x100;
	s20 =	simm.s32 $0x80;
	v34 =	vld [tilespmem:s19+$0x7AC0];
	v28 =	vimm.f32 $0.0e+00;
	v8 =	vadd.f32 v8, v26;
	v9 =	vadd.f32 v9, v26  }
0x4cf: {  	s21 =	simm.s32 $0x200;
	s22 =	sand.u32 $0x7800, s25;
	s23 =	sand.u32 $0x380, s20;
	[tilespmem:$0x1F9E0] =	vst v55;
	v4 =	vld [tilespmem:s19+$0x7AD0];
	v31 =	vimm.f32 $0.0e+00;
	v20 =	vadd.f32 v11, v26;
	v10 =	vadd.f32 v10, v26  }
.LBB2_25:
0x4d0: {  	p2 =	sne.s32 s21, $0x6F00;
	v26 =	vadd.f32 v35, v26;
	v5 =	vld [tilespmem:s19+$0x7AE0];
	s19 =	sor.u32 s23, s22  }
0x4d1: {  	v6 =	vld [tilespmem:s19+$0x7AF0];
	v27 =	vadd.f32 v32, v27  }
0x4d2: {  	v7 =	vld [tilespmem:s19+$0x7680];
	v28 =	vadd.f32 v33, v28  }
0x4d3: {  	v11 =	vld [tilespmem:s19+$0x7690];
	v30 =	vadd.f32 v34, v30  }
0x4d4: {  	v12 =	vld [tilespmem:s19+$0x76A0];
	v31 =	vadd.f32 v4, v31  }
0x4d5: {  	v4 =	vld [tilespmem:s19+$0x76B0];
	v29 =	vadd.f32 v5, v29  }
0x4d6: {  	v5 =	vld [tilespmem:s19+$0x76C0];
	v21 =	vadd.f32 v6, v21  }
0x4d7: {  	v22 =	vadd.f32 v7, v22;
	v6 =	vld [tilespmem:s19+$0x76D0]  }
0x4d8: {  	v23 =	vadd.f32 v11, v23;
	v7 =	vld [tilespmem:s19+$0x76E0]  }
0x4d9: {  	v3 =	vadd.f32 v12, v3;
	v11 =	vld [tilespmem:s19+$0x76F0]  }
0x4da: {  	v8 =	vadd.f32 v4, v8;
	v4 =	vld [tilespmem:s19+$0x7A80]  }
.Ltmp14:
0x4db: {  	v9 =	vadd.f32 v5, v9;
	v35 =	vld [tilespmem:s19+$0x7A90];
	(pc) =	sbr.rel @p2 .LBB2_25-.Ltmp14, $4  }
0x4dc: {  	v10 =	vadd.f32 v6, v10;
	v32 =	vld [tilespmem:s19+$0x7AA0]  }
0x4dd: {  	v20 =	vadd.f32 v7, v20;
	v33 =	vld [tilespmem:s19+$0x7AB0]  }
0x4de: {  	s20 =	sadd.s32 $0x80, s20;
	v24 =	vadd.f32 v11, v24;
	v34 =	vld [tilespmem:s19+$0x7AC0]  }
0x4df: {  	s22 =	sand.u32 $0x7800, s21;
	s21 =	sadd.s32 $0x100, s21;
	s23 =	sand.u32 $0x380, s20;
	v25 =	vadd.f32 v4, v25;
	v4 =	vld [tilespmem:s19+$0x7AD0]  }
0x4e0: {  	s20 =	sor.u32 s23, s22;
	v5 =	vld [tilespmem:s19+$0x7AE0]  }
0x4e1: {  	v6 =	vld [tilespmem:s20+$0x7AF0]  }
0x4e2: {  	v7 =	vld [tilespmem:s20+$0x7680]  }
0x4e3: {  	v11 =	vld [tilespmem:s20+$0x7690]  }
0x4e4: {  	v12 =	vld [tilespmem:s20+$0x76A0]  }
0x4e5: {  	v13 =	vld [tilespmem:s20+$0x76B0]  }
0x4e6: {  	[tilespmem:$0x1F860] =	vst v57;
	v14 =	vld [tilespmem:s20+$0x76C0]  }
0x4e7: {  	[tilespmem:$0x1F870] =	vst v63;
	v15 =	vld [tilespmem:s20+$0x76D0]  }
0x4e8: {  	[tilespmem:$0x1F880] =	vst v62;
	v16 =	vld [tilespmem:s20+$0x76E0]  }
0x4e9: {  	[tilespmem:$0x1F890] =	vst v61;
	v17 =	vld [tilespmem:s20+$0x76F0]  }
0x4ea: {  	[tilespmem:$0x1F8A0] =	vst v60;
	v18 =	vld [tilespmem:s20+$0x7A80]  }
0x4eb: {  	[tilespmem:$0x1F8B0] =	vst v59;
	v19 =	vld [tilespmem:s20+$0x7A90]  }
0x4ec: {  	[tilespmem:$0x1F8C0] =	vst v58;
	v36 =	vld [tilespmem:s20+$0x7AA0]  }
0x4ed: {  	[tilespmem:$0x1FEA0] =	vst v56;
	v37 =	vld [tilespmem:s20+$0x7AB0]  }
0x4ee: {  	[tilespmem:$0x1FFE0] =	vst v42;
	v38 =	vld [tilespmem:s20+$0x7AC0]  }
0x4ef: {  	[tilespmem:$0x1FFF0] =	vst v41;
	v39 =	vld [tilespmem:s20+$0x7AD0]  }
0x4f0: {  	s23 =	simm.s32 $0x0;
	v40 =	vld [tilespmem:s20+$0x7AE0];
	_ =	swait.ge [sflag:s16], $0x7000  }
0x4f1: {  	s25 =	sand.u32 $0x7800, s23;
	s19 =	sand.u32 $0x380, s23;
	[sflag:s16] =	ssyncset.done $0x0  }
0x4f2: {  	v26 =	vadd.f32 v35, v26;
	v27 =	vadd.f32 v32, v27;
	s19 =	sor.u32 s19, s25;
	[sflag:s16] =	ssyncadd.s32 $0xFFFF9000  }
0x4f3: {  	v28 =	vadd.f32 v33, v28;
	v4 =	vadd.f32 v4, v31;
	v31 =	vld [tilespmem:s19+$0xEAF0]  }
0x4f4: {  	v30 =	vadd.f32 v34, v30;
	v44 =	vadd.f32 v13, v8;
	v8 =	vld [tilespmem:s19+$0xE6B0]  }
0x4f5: {  	v5 =	vadd.f32 v5, v29;
	v45 =	vadd.f32 v14, v9;
	v9 =	vld [tilespmem:s19+$0xE6C0]  }
0x4f6: {  	v6 =	vadd.f32 v6, v21;
	v46 =	vadd.f32 v15, v10;
	v10 =	vld [tilespmem:s19+$0xE6D0]  }
0x4f7: {  	v7 =	vadd.f32 v7, v22;
	v54 =	vadd.f32 v39, v4;
	v4 =	vld [tilespmem:s19+$0xE6F0]  }
0x4f8: {  	v3 =	vadd.f32 v12, v3;
	v55 =	vadd.f32 v40, v5;
	v5 =	vld [tilespmem:s19+$0xEA80];
	[tilespmem:$0x1F8D0] =	vst v6  }
0x4f9: {  	v47 =	vadd.f32 v16, v20;
	v48 =	vadd.f32 v17, v24;
	v6 =	vld [tilespmem:s19+$0xE680];
	[tilespmem:$0x1F8E0] =	vst v7  }
0x4fa: {  	v50 =	vadd.f32 v18, v25;
	v7 =	vadd.f32 v11, v23;
	[tilespmem:$0x1F900] =	vst v3;
	v3 =	vld [tilespmem:s19+$0xE6A0]  }
0x4fb: {  	v49 =	vadd.f32 v19, v26;
	v51 =	vadd.f32 v36, v27;
	v11 =	vld [tilespmem:s19+$0xE6E0]  }
0x4fc: {  	v52 =	vadd.f32 v37, v28;
	v53 =	vadd.f32 v38, v30;
	v23 =	vimm.f32 $0.0e+00;
	[tilespmem:$0x1F8F0] =	vst v7;
	v7 =	vld [tilespmem:s19+$0xE690]  }
0x4fd: {  	v35 =	vld [tilespmem:s19+$0xEA90];
	v29 =	vimm.f32 $0.0e+00;
	v20 =	vadd.f32 v31, v23;
	v8 =	vadd.f32 v8, v23  }
0x4fe: {  	v32 =	vld [tilespmem:s19+$0xEAA0];
	v27 =	vimm.f32 $0.0e+00;
	v9 =	vadd.f32 v9, v23;
	v10 =	vadd.f32 v10, v23  }
0x4ff: {  	v33 =	vld [tilespmem:s19+$0xEAB0];
	v28 =	vimm.f32 $0.0e+00;
	v25 =	vadd.f32 v4, v23;
	v26 =	vadd.f32 v5, v23  }
0x500: {  	s21 =	simm.s32 $0x100;
	s20 =	simm.s32 $0x80;
	v34 =	vld [tilespmem:s19+$0xEAC0];
	v30 =	vimm.f32 $0.0e+00;
	v21 =	vadd.f32 v6, v23;
	v3 =	vadd.f32 v3, v23  }
0x501: {  	s22 =	sand.u32 $0x7800, s21;
	s21 =	simm.s32 $0x200;
	s23 =	sand.u32 $0x380, s20;
	v31 =	vimm.f32 $0.0e+00;
	v4 =	vld [tilespmem:s19+$0xEAD0];
	v24 =	vadd.f32 v11, v23;
	v22 =	vadd.f32 v7, v23  }
.LBB2_27:
0x502: {  	p2 =	sne.s32 s21, $0x6F00;
	v23 =	vadd.f32 v35, v23;
	v5 =	vld [tilespmem:s19+$0xEAE0];
	s19 =	sor.u32 s23, s22  }
0x503: {  	v6 =	vld [tilespmem:s19+$0xEAF0];
	v27 =	vadd.f32 v32, v27  }
0x504: {  	v7 =	vld [tilespmem:s19+$0xE680];
	v28 =	vadd.f32 v33, v28  }
0x505: {  	v11 =	vld [tilespmem:s19+$0xE690];
	v30 =	vadd.f32 v34, v30  }
0x506: {  	v12 =	vld [tilespmem:s19+$0xE6A0];
	v31 =	vadd.f32 v4, v31  }
0x507: {  	v4 =	vld [tilespmem:s19+$0xE6B0];
	v29 =	vadd.f32 v5, v29  }
0x508: {  	v5 =	vld [tilespmem:s19+$0xE6C0];
	v20 =	vadd.f32 v6, v20  }
0x509: {  	v21 =	vadd.f32 v7, v21;
	v6 =	vld [tilespmem:s19+$0xE6D0]  }
0x50a: {  	v22 =	vadd.f32 v11, v22;
	v7 =	vld [tilespmem:s19+$0xE6E0]  }
0x50b: {  	v3 =	vadd.f32 v12, v3;
	v11 =	vld [tilespmem:s19+$0xE6F0]  }
0x50c: {  	v8 =	vadd.f32 v4, v8;
	v4 =	vld [tilespmem:s19+$0xEA80]  }
.Ltmp15:
0x50d: {  	v9 =	vadd.f32 v5, v9;
	v35 =	vld [tilespmem:s19+$0xEA90];
	(pc) =	sbr.rel @p2 .LBB2_27-.Ltmp15, $4  }
0x50e: {  	v10 =	vadd.f32 v6, v10;
	v32 =	vld [tilespmem:s19+$0xEAA0]  }
0x50f: {  	v24 =	vadd.f32 v7, v24;
	v33 =	vld [tilespmem:s19+$0xEAB0]  }
0x510: {  	s20 =	sadd.s32 $0x80, s20;
	v25 =	vadd.f32 v11, v25;
	v34 =	vld [tilespmem:s19+$0xEAC0]  }
0x511: {  	s22 =	sand.u32 $0x7800, s21;
	s21 =	sadd.s32 $0x100, s21;
	s23 =	sand.u32 $0x380, s20;
	v26 =	vadd.f32 v4, v26;
	v4 =	vld [tilespmem:s19+$0xEAD0]  }
0x512: {  	s20 =	sor.u32 s23, s22;
	v5 =	vld [tilespmem:s19+$0xEAE0]  }
0x513: {  	v6 =	vld [tilespmem:s20+$0xEAF0]  }
0x514: {  	v7 =	vld [tilespmem:s20+$0xE680]  }
0x515: {  	v11 =	vld [tilespmem:s20+$0xE690]  }
0x516: {  	v12 =	vld [tilespmem:s20+$0xE6A0]  }
0x517: {  	v13 =	vld [tilespmem:s20+$0xE6B0]  }
0x518: {  	v14 =	vld [tilespmem:s20+$0xE6C0]  }
0x519: {  	v15 =	vld [tilespmem:s20+$0xE6D0]  }
0x51a: {  	v16 =	vld [tilespmem:s20+$0xE6E0]  }
0x51b: {  	v17 =	vld [tilespmem:s20+$0xE6F0]  }
0x51c: {  	v18 =	vld [tilespmem:s20+$0xEA80]  }
0x51d: {  	v19 =	vld [tilespmem:s20+$0xEA90]  }
0x51e: {  	v36 =	vld [tilespmem:s20+$0xEAA0]  }
0x51f: {  	v37 =	vld [tilespmem:s20+$0xEAB0]  }
0x520: {  	v38 =	vld [tilespmem:s20+$0xEAC0]  }
0x521: {  	v39 =	vld [tilespmem:s20+$0xEAD0]  }
0x522: {  	s23 =	simm.s32 $0x0;
	v40 =	vld [tilespmem:s20+$0xEAE0];
	_ =	swait.ge [sflag:s18], $0x4000  }
0x523: {  	s25 =	sand.u32 $0x3800, s23;
	s19 =	sand.u32 $0x380, s23;
	[sflag:s18] =	ssyncset.done $0x0  }
0x524: {  	v35 =	vadd.f32 v35, v23;
	v27 =	vadd.f32 v32, v27;
	s20 =	sor.u32 s19, s25;
	[sflag:s18] =	ssyncadd.s32 $0xFFFFC000  }
0x525: {  	v28 =	vadd.f32 v33, v28;
	s19 =	sadd.s32 $0x15680, s20;
	v4 =	vadd.f32 v4, v31;
	v31 =	vld [tilespmem:s20+$0x15680]  }
0x526: {  	v30 =	vadd.f32 v34, v30;
	v56 =	vadd.f32 v6, v20;
	v6 =	vld [tilespmem:s19+$0x470]  }
0x527: {  	v5 =	vadd.f32 v5, v29;
	v62 =	vadd.f32 v7, v21;
	v7 =	vld [tilespmem:s19+$0x10]  }
0x528: {  	v63 =	vadd.f32 v11, v22;
	v20 =	vadd.f32 v12, v3;
	v3 =	vld [tilespmem:s19+$0x20]  }
0x529: {  	v21 =	vadd.f32 v13, v8;
	v22 =	vadd.f32 v14, v9;
	v8 =	vld [tilespmem:s19+$0x30]  }
0x52a: {  	v23 =	vadd.f32 v15, v10;
	v24 =	vadd.f32 v16, v24;
	v11 =	vld [tilespmem:s19+$0x40]  }
0x52b: {  	v25 =	vadd.f32 v17, v25;
	v26 =	vadd.f32 v18, v26;
	v17 =	vld [tilespmem:s19+$0x50]  }
0x52c: {  	v57 =	vadd.f32 v19, v35;
	v59 =	vadd.f32 v37, v28;
	v37 =	vld [tilespmem:s19+$0x60]  }
0x52d: {  	v58 =	vadd.f32 v36, v27;
	v61 =	vadd.f32 v39, v4;
	v4 =	vld [tilespmem:s19+$0x70]  }
0x52e: {  	v34 =	vimm.f32 $0.0e+00;
	v60 =	vadd.f32 v38, v30;
	v27 =	vadd.f32 v40, v5;
	v5 =	vld [tilespmem:s19+$0x400]  }
0x52f: {  	v36 =	vimm.f32 $0.0e+00;
	v40 =	vld [tilespmem:s19+$0x410];
	v9 =	vadd.f32 v31, v34;
	v28 =	vadd.f32 v6, v34  }
0x530: {  	v41 =	vld [tilespmem:s19+$0x420];
	v35 =	vimm.f32 $0.0e+00;
	v10 =	vadd.f32 v7, v34;
	v29 =	vadd.f32 v3, v34  }
0x531: {  	v42 =	vld [tilespmem:s19+$0x430];
	v39 =	vimm.f32 $0.0e+00;
	v3 =	vadd.f32 v8, v34;
	v30 =	vadd.f32 v11, v34  }
0x532: {  	s21 =	simm.s32 $0x100;
	s20 =	simm.s32 $0x80;
	v38 =	vimm.f32 $0.0e+00;
	v8 =	vadd.f32 v17, v34;
	v32 =	vadd.f32 v4, v34;
	v4 =	vld [tilespmem:s19+$0x440]  }
0x533: {  	s22 =	sand.u32 $0x3800, s21;
	s21 =	simm.s32 $0x200;
	s23 =	sand.u32 $0x380, s20;
	v31 =	vadd.f32 v37, v34;
	v37 =	vimm.f32 $0.0e+00;
	v33 =	vadd.f32 v5, v34;
	v5 =	vld [tilespmem:s19+$0x450]  }
.LBB2_29:
0x534: {  	p2 =	sne.s32 s21, $0x3F00;
	s22 =	sor.u32 s23, s22;
	v34 =	vadd.f32 v40, v34;
	v6 =	vld [tilespmem:s19+$0x460]  }
0x535: {  	s19 =	sadd.s32 $0x15680, s22;
	v7 =	vld [tilespmem:s22+$0x15680];
	v36 =	vadd.f32 v41, v36  }
0x536: {  	v11 =	vld [tilespmem:s19+$0x470];
	v35 =	vadd.f32 v42, v35  }
0x537: {  	v12 =	vld [tilespmem:s19+$0x10];
	v39 =	vadd.f32 v4, v39  }
0x538: {  	v4 =	vld [tilespmem:s19+$0x20];
	v37 =	vadd.f32 v5, v37  }
0x539: {  	v5 =	vld [tilespmem:s19+$0x30];
	v38 =	vadd.f32 v6, v38  }
0x53a: {  	v9 =	vadd.f32 v7, v9;
	v6 =	vld [tilespmem:s19+$0x40]  }
0x53b: {  	v7 =	vld [tilespmem:s19+$0x50];
	v28 =	vadd.f32 v11, v28  }
0x53c: {  	v10 =	vadd.f32 v12, v10;
	v11 =	vld [tilespmem:s19+$0x60]  }
0x53d: {  	v29 =	vadd.f32 v4, v29;
	v4 =	vld [tilespmem:s19+$0x70]  }
0x53e: {  	v3 =	vadd.f32 v5, v3;
	v5 =	vld [tilespmem:s19+$0x400]  }
.Ltmp16:
0x53f: {  	v30 =	vadd.f32 v6, v30;
	v40 =	vld [tilespmem:s19+$0x410];
	(pc) =	sbr.rel @p2 .LBB2_29-.Ltmp16, $4  }
0x540: {  	v8 =	vadd.f32 v7, v8;
	v41 =	vld [tilespmem:s19+$0x420]  }
0x541: {  	v31 =	vadd.f32 v11, v31;
	v42 =	vld [tilespmem:s19+$0x430]  }
0x542: {  	s20 =	sadd.s32 $0x80, s20;
	v32 =	vadd.f32 v4, v32;
	v4 =	vld [tilespmem:s19+$0x440]  }
0x543: {  	s22 =	sand.u32 $0x3800, s21;
	s23 =	sand.u32 $0x380, s20;
	s21 =	sadd.s32 $0x100, s21;
	v33 =	vadd.f32 v5, v33;
	v5 =	vld [tilespmem:s19+$0x450]  }
0x544: {  	s20 =	sor.u32 s23, s22  }
0x545: {  	s23 =	sadd.s32 $0x15680, s20  }
0x546: {  	v15 =	vld [tilespmem:s23+$0x40]  }
0x547: {  	v4 =	vadd.f32 v4, v39;
	v39 =	vld [tilespmem:s23+$0x420]  }
0x548: {  	v6 =	vld [tilespmem:s19+$0x460]  }
0x549: {  	v17 =	vld [tilespmem:s23+$0x60]  }
0x54a: {  	v7 =	vld [tilespmem:s20+$0x15680];
	v36 =	vadd.f32 v41, v36  }
0x54b: {  	v35 =	vadd.f32 v42, v35;
	v42 =	vld [tilespmem:s23+$0x440]  }
0x54c: {  	v15 =	vadd.f32 v15, v30;
	v30 =	vadd.f32 v39, v36;
	v36 =	vld [tilespmem:$0x1FB20]  }
0x54d: {  	v14 =	vld [tilespmem:s23+$0x30]  }
0x54e: {  	v17 =	vadd.f32 v17, v31;
	v31 =	vld [tilespmem:$0x1FA10]  }
0x54f: {  	v16 =	vld [tilespmem:s23+$0x50]  }
0x550: {  	v43 =	vld [tilespmem:s23+$0x450];
	v5 =	vadd.f32 v5, v37;
	v7 =	vadd.f32 v7, v9  }
0x551: {  	v37 =	vld [tilespmem:$0x1FB30];
	v9 =	vadd.f32 v42, v4;
	v4 =	vadd.f32 $0.0e+00, v36;
	_ =	sdelay $0x1  }
0x552: {  	v4 =	vadd.f32 v31, v4;
	v31 =	vld [tilespmem:$0x1FA30]  }
0x553: {  	v6 =	vadd.f32 v6, v38  }
0x554: {  	v38 =	vld [tilespmem:$0x1FB40];
	v14 =	vadd.f32 v14, v3;
	v16 =	vadd.f32 v16, v8  }
0x555: {  	v3 =	vld [tilespmem:s23+$0x460];
	v8 =	vadd.f32 v43, v5;
	v5 =	vadd.f32 $0.0e+00, v37  }
0x556: {  	v11 =	vld [tilespmem:s23+$0x470]  }
0x557: {  	v5 =	vadd.f32 v31, v5;
	v31 =	vld [tilespmem:$0x1FA40]  }
0x558: {  	v12 =	vld [tilespmem:s23+$0x10]  }
0x559: {  	v13 =	vld [tilespmem:s23+$0x20]  }
0x55a: {  	v39 =	vld [tilespmem:$0x1FB50];
	v3 =	vadd.f32 v3, v6;
	v6 =	vadd.f32 $0.0e+00, v38;
	_ =	sdelay $0x1  }
0x55b: {  	v6 =	vadd.f32 v31, v6;
	v31 =	vld [tilespmem:$0x1FA50];
	_ =	sdelay $0x1  }
0x55c: {  	v28 =	vadd.f32 v11, v28;
	v11 =	vadd.f32 v12, v10  }
0x55d: {  	v12 =	vadd.f32 v13, v29;
	v13 =	vadd.f32 $0.0e+00, v39  }
0x55e: {  	v41 =	vld [tilespmem:s23+$0x430]  }
0x55f: {  	v13 =	vadd.f32 v31, v13;
	v31 =	vld [tilespmem:$0x1FB60];
	_ =	sdelay $0x1  }
0x560: {  	v43 =	vld [tilespmem:$0x1FA60]  }
0x561: {  	v19 =	vld [tilespmem:s23+$0x400]  }
0x562: {  	v10 =	vadd.f32 v41, v35;
	v41 =	vld [tilespmem:$0x1FB80]  }
0x563: {  	v39 =	vld [tilespmem:$0x1FBA0];
	v31 =	vadd.f32 $0.0e+00, v31;
	_ =	sdelay $0x1  }
0x564: {  	v31 =	vadd.f32 v43, v31;
	v43 =	vld [tilespmem:$0x1FAA0]  }
0x565: {  	v34 =	vadd.f32 v40, v34;
	v40 =	vld [tilespmem:s23+$0x410]  }
0x566: {  	v19 =	vadd.f32 v19, v33;
	v37 =	vld [tilespmem:$0x1FA80]  }
0x567: {  	v33 =	vadd.f32 $0.0e+00, v41;
	v41 =	vld [tilespmem:$0x1FBC0];
	v35 =	vadd.f32 $0.0e+00, v39  }
0x568: {  	v18 =	vld [tilespmem:s23+$0x70]  }
0x569: {  	v35 =	vadd.f32 v43, v35;
	v43 =	vld [tilespmem:$0x1FAC0]  }
0x56a: {  	v29 =	vadd.f32 v40, v34;
	v40 =	vld [tilespmem:$0x1FB70]  }
0x56b: {  	v42 =	vld [tilespmem:$0x1FB90]  }
0x56c: {  	v33 =	vadd.f32 v37, v33;
	v37 =	vadd.f32 $0.0e+00, v41  }
0x56d: {  	v38 =	vld [tilespmem:$0x1FA90]  }
0x56e: {  	v37 =	vadd.f32 v43, v37;
	v43 =	vld [tilespmem:$0x1FBE0]  }
0x56f: {  	v18 =	vadd.f32 v18, v32;
	v32 =	vadd.f32 $0.0e+00, v40;
	v40 =	vld [tilespmem:$0x1FBB0]  }
0x570: {  	v34 =	vadd.f32 $0.0e+00, v42;
	v42 =	vld [tilespmem:$0x1FBD0]  }
0x571: {  	v36 =	vld [tilespmem:$0x1FA70];
	_ =	sdelay $0x1  }
0x572: {  	v39 =	vadd.f32 $0.0e+00, v43;
	v43 =	vld [tilespmem:$0x1FAE0];
	_ =	sdelay $0x1  }
0x573: {  	v34 =	vadd.f32 v38, v34;
	v38 =	vadd.f32 $0.0e+00, v42;
	v42 =	vld [tilespmem:$0x1FAB0]  }
0x574: {  	v32 =	vadd.f32 v36, v32;
	v36 =	vadd.f32 $0.0e+00, v40;
	v40 =	vld [tilespmem:$0x1FBF0];
	_ =	sdelay $0x1  }
0x575: {  	v39 =	vadd.f32 v43, v39;
	v43 =	vld [tilespmem:$0x1FAF0];
	_ =	sdelay $0x1  }
0x576: {  	v41 =	vld [tilespmem:$0x1FC00]  }
0x577: {  	v36 =	vadd.f32 v42, v36;
	v42 =	vld [tilespmem:$0x1FAD0];
	v40 =	vadd.f32 $0.0e+00, v40;
	_ =	sdelay $0x1  }
0x578: {  	v40 =	vadd.f32 v43, v40;
	v43 =	vld [tilespmem:$0x1FB00];
	_ =	sdelay $0x2  }
0x579: {  	v41 =	vadd.f32 $0.0e+00, v41;
	v38 =	vadd.f32 v42, v38;
	v42 =	vld [tilespmem:$0x1FB10];
	_ =	sdelay $0x1  }
0x57a: {  	v41 =	vadd.f32 v43, v41;
	v43 =	vld [tilespmem:$0x1FA20];
	_ =	sdelay $0x2  }
0x57b: {  	v42 =	vadd.f32 $0.0e+00, v42;
	_ =	sdelay $0x1  }
0x57c: {  	v42 =	vadd.f32 v43, v42;
	v43 =	vld [tilespmem:$0x1F920];
	_ =	sdelay $0x4  }
0x57d: {  	v4 =	vadd.f32 v43, v4;
	v43 =	vld [tilespmem:$0x1F930];
	_ =	sdelay $0x4  }
0x57e: {  	v5 =	vadd.f32 v43, v5;
	v43 =	vld [tilespmem:$0x1F940];
	_ =	sdelay $0x4  }
0x57f: {  	v6 =	vadd.f32 v43, v6;
	v43 =	vld [tilespmem:$0x1F950];
	_ =	sdelay $0x4  }
0x580: {  	v13 =	vadd.f32 v43, v13;
	v43 =	vld [tilespmem:$0x1F960];
	_ =	sdelay $0x4  }
0x581: {  	v31 =	vadd.f32 v43, v31;
	v43 =	vld [tilespmem:$0x1F970];
	_ =	sdelay $0x4  }
0x582: {  	v32 =	vadd.f32 v43, v32;
	v43 =	vld [tilespmem:$0x1F980];
	_ =	sdelay $0x4  }
0x583: {  	v33 =	vadd.f32 v43, v33;
	v43 =	vld [tilespmem:$0x1F990];
	_ =	sdelay $0x4  }
0x584: {  	v34 =	vadd.f32 v43, v34;
	v43 =	vld [tilespmem:$0x1F9A0];
	_ =	sdelay $0x4  }
0x585: {  	v35 =	vadd.f32 v43, v35;
	v43 =	vld [tilespmem:$0x1F9B0];
	_ =	sdelay $0x4  }
0x586: {  	v36 =	vadd.f32 v43, v36;
	v43 =	vld [tilespmem:$0x1F9C0];
	_ =	sdelay $0x4  }
0x587: {  	v37 =	vadd.f32 v43, v37;
	v43 =	vld [tilespmem:$0x1F9D0];
	_ =	sdelay $0x4  }
0x588: {  	v38 =	vadd.f32 v43, v38;
	v43 =	vld [tilespmem:$0x1F9E0];
	_ =	sdelay $0x4  }
0x589: {  	v39 =	vadd.f32 v43, v39;
	v43 =	vld [tilespmem:$0x1F9F0];
	_ =	sdelay $0x4  }
0x58a: {  	v40 =	vadd.f32 v43, v40;
	v43 =	vld [tilespmem:$0x1FA00];
	_ =	sdelay $0x4  }
0x58b: {  	v41 =	vadd.f32 v43, v41;
	v43 =	vld [tilespmem:$0x1F910];
	_ =	sdelay $0x4  }
0x58c: {  	v42 =	vadd.f32 v43, v42;
	v43 =	vld [tilespmem:$0x1F8E0];
	_ =	sdelay $0x1  }
0x58d: {  	v13 =	vadd.f32 v44, v13  }
0x58e: {  	v32 =	vadd.f32 v46, v32  }
0x58f: {  	v13 =	vadd.f32 v21, v13  }
0x590: {  	v21 =	vadd.f32 v23, v32;
	v4 =	vadd.f32 v43, v4;
	v43 =	vld [tilespmem:$0x1F8F0];
	_ =	sdelay $0x1  }
0x591: {  	s25 =	rddreg [dreg:$0xd];
	s21 =	simm.s32 $0x1C680;
	s20 =	simm.s32 $0x400;
	v16 =	vadd.f32 v16, v21  }
0x592: {  	[tilespmem:s21], [sflag:$0x5] =	stream.strided.gather [hbm4b:s25+s24], $0x100, s20, s24, $0x38;
	v34 =	vadd.f32 v48, v34;
	v36 =	vadd.f32 v49, v36;
	[tilespmem:$0x1C980] =	vst v63  }
0x593: {  	s21 =	simm.s32 $0x5;
	v38 =	vadd.f32 v52, v38;
	v41 =	vadd.f32 v55, v41;
	v55 =	vld [tilespmem:$0x1F8D0]  }
0x594: {  	v23 =	vadd.f32 v25, v34;
	v5 =	vadd.f32 v43, v5;
	v43 =	vld [tilespmem:$0x1F900];
	_ =	swait.ge [sflag:s21], $0x100  }
0x595: {  	v25 =	vadd.f32 v57, v36;
	v32 =	vadd.f32 v59, v38;
	v21 =	vld [tilespmem:$0x1FCD0]  }
0x596: {  	v37 =	vadd.f32 v51, v37;
	v51 =	vadd.f32 v18, v23;
	v23 =	vld [tilespmem:$0x1FCB0]  }
0x597: {  	v10 =	vadd.f32 v10, v32;
	v32 =	vld [tilespmem:$0x1FC90]  }
0x598: {  	v42 =	vadd.f32 v55, v42;
	v55 =	vadd.f32 v29, v25;
	v25 =	vld [tilespmem:$0x1FC70]  }
0x599: {  	v27 =	vadd.f32 v27, v41;
	v34 =	vld [tilespmem:$0x1FC60]  }
0x59a: {  	[sflag:s21] =	ssyncset.done $0x0;
	v36 =	vld [tilespmem:$0x1FC40]  }
0x59b: {  	v40 =	vadd.f32 v54, v40;
	v3 =	vadd.f32 v3, v27;
	v27 =	vld [tilespmem:$0x1FC20];
	[sflag:s21] =	ssyncadd.s32 $0xFFFFFF00  }
0x59c: {  	v59 =	vld [tilespmem:$0x1C690]  }
0x59d: {  	v5 =	vadd.f32 v63, v5;
	v63 =	vadd.f32 v61, v40;
	v40 =	vld [tilespmem:$0x1C6A0]  }
0x59e: {  	v41 =	vld [tilespmem:$0x1C6B0]  }
0x59f: {  	v44 =	vld [tilespmem:$0x1C6C0]  }
0x5a0: {  	v31 =	vadd.f32 v45, v31;
	v45 =	vld [tilespmem:$0x1C6D0]  }
0x5a1: {  	v46 =	vld [tilespmem:$0x1C6E0]  }
0x5a2: {  	v33 =	vadd.f32 v47, v33;
	v47 =	vld [tilespmem:$0x1C6F0]  }
0x5a3: {  	v48 =	vld [tilespmem:$0x1C700]  }
0x5a4: {  	v35 =	vadd.f32 v50, v35;
	v50 =	vld [tilespmem:$0x1C710]  }
0x5a5: {  	v39 =	vadd.f32 v53, v39;
	v52 =	vld [tilespmem:$0x1C720]  }
0x5a6: {  	v4 =	vadd.f32 v62, v4;
	v54 =	vld [tilespmem:$0x1C730]  }
0x5a7: {  	v62 =	vadd.f32 v60, v39;
	v60 =	vld [tilespmem:$0x1C770];
	v6 =	vadd.f32 v43, v6  }
0x5a8: {  	v43 =	vadd.f32 v56, v42;
	v56 =	vld [tilespmem:$0x1C740]  }
0x5a9: {  	v42 =	vld [tilespmem:$0x1FFE0];
	v6 =	vadd.f32 v20, v6;
	v20 =	vadd.f32 v22, v31  }
0x5aa: {  	v22 =	vadd.f32 v24, v33;
	v24 =	vadd.f32 v26, v35;
	v26 =	vld [tilespmem:$0x1C680]  }
0x5ab: {  	v31 =	vadd.f32 v58, v37;
	v58 =	vld [tilespmem:$0x1C750]  }
0x5ac: {  	v9 =	vadd.f32 v9, v62;
	v62 =	vadd.f32 v28, v43;
	v43 =	vld [tilespmem:$0x1FFD0]  }
0x5ad: {  	v33 =	vld [tilespmem:$0x1FC80]  }
0x5ae: {  	v5 =	vadd.f32 v11, v5;
	v35 =	vld [tilespmem:$0x1FC50]  }
0x5af: {  	v13 =	vadd.f32 v14, v13;
	v28 =	vld [tilespmem:$0x1FC10]  }
0x5b0: {  	v5 =	vadd.f32 v59, v5;
	v59 =	vld [tilespmem:$0x1C760]  }
0x5b1: {  	v4 =	vadd.f32 v7, v4;
	v7 =	vadd.f32 v41, v13;
	v41 =	vld [tilespmem:$0x1FFF0]  }
0x5b2: {  	v10 =	vadd.f32 v54, v10;
	v54 =	vld [tilespmem:$0x1FF20]  }
0x5b3: {  	v6 =	vadd.f32 v12, v6;
	v12 =	vadd.f32 v45, v16;
	v45 =	vld [tilespmem:$0x1FFB0]  }
0x5b4: {  	v8 =	vadd.f32 v8, v63;
	v63 =	vadd.f32 v60, v62;
	v60 =	vld [tilespmem:$0x1F8A0]  }
0x5b5: {  	v62 =	vld [tilespmem:$0x1F880]  }
0x5b6: {  	v57 =	vadd.f32 v30, v31;
	v30 =	vld [tilespmem:$0x1FCE0]  }
0x5b7: {  	v49 =	vadd.f32 v17, v22;
	v22 =	vld [tilespmem:$0x1FCC0]  }
0x5b8: {  	v15 =	vadd.f32 v15, v20;
	v53 =	vadd.f32 v19, v24;
	v24 =	vld [tilespmem:$0x1FCA0]  }
0x5b9: {  	v61 =	vadd.f32 v56, v9;
	v56 =	vld [tilespmem:$0x1FEA0]  }
0x5ba: {  	[tilespmem:$0x1C790] =	vst v5;
	v11 =	vadd.f32 v44, v15;
	v44 =	vld [tilespmem:$0x1FFC0]  }
0x5bb: {  	[tilespmem:$0x1C7B0] =	vst v7;
	v13 =	vadd.f32 v46, v49;
	v46 =	vld [tilespmem:$0x1FFA0]  }
0x5bc: {  	[tilespmem:$0x1C830] =	vst v10;
	v5 =	vadd.f32 v48, v53;
	v48 =	vld [tilespmem:$0x1FF80]  }
0x5bd: {  	[tilespmem:$0x1C7D0] =	vst v12;
	v49 =	vld [tilespmem:$0x1FF70]  }
0x5be: {  	v6 =	vadd.f32 v40, v6;
	v7 =	vadd.f32 v52, v57;
	[tilespmem:$0x1C870] =	vst v63;
	v52 =	vld [tilespmem:$0x1FF40]  }
0x5bf: {  	v53 =	vld [tilespmem:$0x1FF30];
	[tilespmem:$0x1C840] =	vst v61  }
0x5c0: {  	v63 =	vld [tilespmem:$0x1F870];
	[tilespmem:$0x1C7A0] =	vst v6  }
0x5c1: {  	v57 =	vld [tilespmem:$0x1F860];
	[tilespmem:$0x1C7C0] =	vst v11  }
0x5c2: {  	v8 =	vadd.f32 v58, v8;
	v58 =	vld [tilespmem:$0x1F8C0];
	[tilespmem:$0x1C7E0] =	vst v13  }
0x5c3: {  	v4 =	vadd.f32 v26, v4;
	v61 =	vld [tilespmem:$0x1F890];
	[tilespmem:$0x1C800] =	vst v5  }
0x5c4: {  	v26 =	vld [tilespmem:$0x1FC30];
	[tilespmem:$0x1C820] =	vst v7  }
.Ltmp17:
0x5c5: {  	v6 =	vadd.f32 v50, v55;
	v50 =	vld [tilespmem:$0x1FF60];
	[tilespmem:$0x1C780] =	vst v4;
	(pc) =	sbr.rel .LBB2_31-.Ltmp17, $4  }
0x5c6: {  	v3 =	vadd.f32 v59, v3;
	v55 =	vld [tilespmem:$0x1FF10];
	[tilespmem:$0x1C850] =	vst v8  }
0x5c7: {  	v59 =	vld [tilespmem:$0x1F8B0];
	v4 =	vadd.f32 v47, v51;
	[tilespmem:$0x1C810] =	vst v6  }
0x5c8: {  	v47 =	vld [tilespmem:$0x1FF90];
	[tilespmem:$0x1C860] =	vst v3  }
0x5c9: {  	s23 =	rddreg [dreg:$0x10];
	v51 =	vld [tilespmem:$0x1FF50];
	[tilespmem:$0x1C7F0] =	vst v4  }
.LBB2_32:
0x5ca: {  	_ =	sfence.sel $0x180000  }
0x5cb: {  	[bflag:$0x0] =	sbarrier.arrive $0xFFFF  }
0x5cc: {  	_ =	strace $0x90000047  }
0x5cd: {  	s0 =	stileid.u32;
	[bflag:$0x2] =	sbarrier.arrive $0xFFFF  }
0x5ce: {  	p0 =	sne.s32 s0, $0x0;
	s0 =	rddreg [dreg:$0x4]  }
0x5cf: {  	s0 =	sadd.s32 @!p0 $0x100000, s0  }
0x5d0: {  	[sflag:s0] =	ssyncadd.tile.s32 @!p0 $0x1;
	_ =	shalt  }
.Lfunc_end2:
_tile_overlayer_lowered:
.L_overlay_start_2:
0x5d1: {  	(tag) =	ssettag $0x2  }
0x5d2: {  	s0 =	rddreg [dreg:$0x0];
	s2 =	stileid.u32  }
0x5d3: {  	s1 =	rddreg [dreg:$0x1];
	p0 =	sne.s32 s2, $0x0  }
0x5d4: {  	s3 =	rddreg [dreg:$0x2];
	[bflag:$0x3] =	sbarrier.arrive $0xFFFF;
	s2 =	simm.s32 @!p0 $0x1C05  }
0x5d5: {  	[timem:s3], [sflag:s2] =	dma.local @!p0 [hbm:s0], s1  }
0x5d6: {  	s0 =	simm.s32 @!p0 $0x5  }
0x5d7: {  	_ =	swait.ge @!p0 [sflag:s0], s1  }
0x5d8: {  	s1 =	ssub.s32 @!p0 $0x0, s1;
	[sflag:s0] =	ssyncset.done @!p0 $0x0  }
0x5d9: {  	[sflag:s0] =	ssyncadd.s32 @!p0 s1  }
0x5da: {  	[bflag:$0x3] =	sbarrier.arrive $0xFFFF  }
0x5db: {  	_ =	shalt  }

</sc_bundles>
